<compile_context>
chip_gen: v7x
topology: tpu7x:2x2x1
jax: 0.10.2.dev20260603
libtpu: 0.0.44.dev20260713+nightly
codegen_flags: <defaults>
</compile_context>

<pallas_src>
import functools

import jax
import jax.numpy as jnp
from jax import lax
from jax.experimental import pallas as pl
from jax.experimental.pallas import tpu as pltpu
from jax.experimental.pallas import tpu_sc as plsc

_N = 10000
_E = 320000
_D = 128
_HD = _D // 2
_NC = 2
_NS = 16
_NW = _NC * _NS
_EPW = _E // _NW
_CHUNK = 125
_STEPS = _EPW // _CHUNK
_SROWS = _N // 10
_WSTG = 40

_mesh = plsc.VectorSubcoreMesh(core_axis_name="c", subcore_axis_name="s")
_sc_params = pltpu.CompilerParams(use_tc_tiling_on_sc=False)


@functools.partial(
    pl.kernel,
    out_type=jax.ShapeDtypeStruct((_NC * _N,), jnp.float32),
    mesh=_mesh,
    scratch_types=[
        pltpu.VMEM((_STEPS, _CHUNK), jnp.int32),
        pltpu.VMEM((128,), jnp.float32),
        pltpu.VMEM((_SROWS,), jnp.float32),
        pltpu.VMEM_SHARED((_N,), jnp.float32),
        pltpu.SemaphoreType.DMA,
    ],
)
def _sc_count(ones_hbm, dst_hbm, out_hbm, dst_v, ones_v, stage_v, acc, sem):
    c = lax.axis_index("c")
    s = lax.axis_index("s")
    wid = c * _NS + s

    pltpu.sync_copy(ones_hbm.at[pl.ds(0, 128)], ones_v)

    @pl.when(s < 10)
    def _init():
        pltpu.sync_copy(ones_hbm.at[pl.ds(0, _SROWS)], stage_v)
        pltpu.sync_copy(stage_v, acc.at[pl.ds(s * _SROWS, _SROWS)])

    pltpu.sync_copy(dst_hbm.at[wid], dst_v)
    plsc.subcore_barrier()

    def group(g, carry):
        base = g * 8
        for t in range(8):
            pltpu.async_copy(ones_v.at[pl.ds(0, _CHUNK)],
                             acc.at[dst_v.at[base + t]], sem, add=True)
        for t in range(8):
            pltpu.make_async_copy(ones_v.at[pl.ds(0, _CHUNK)],
                                  acc.at[dst_v.at[base + t]], sem).wait()
        return carry

    lax.fori_loop(0, _STEPS // 8, group, 0)
    plsc.subcore_barrier()

    @pl.when(s < 10)
    def _drain():
        pltpu.sync_copy(acc.at[pl.ds(s * _SROWS, _SROWS)], stage_v)
        pltpu.sync_copy(stage_v,
                        out_hbm.at[pl.ds(c * _N + s * _SROWS, _SROWS)])


_WSTEPS = _E // _NS // _CHUNK


@functools.partial(
    pl.kernel,
    out_type=jax.ShapeDtypeStruct((_NC, _N, _HD), jnp.float32),
    mesh=_mesh,
    scratch_types=[
        pltpu.VMEM((_WSTEPS, _CHUNK), jnp.int32),
        pltpu.VMEM((_WSTEPS, _CHUNK), jnp.int32),
        pltpu.VMEM((_CHUNK, _HD), jnp.float32),
        pltpu.VMEM((_CHUNK, _HD), jnp.float32),
        pltpu.VMEM((_CHUNK, _HD), jnp.float32),
        pltpu.VMEM((_CHUNK, _HD), jnp.float32),
        pltpu.VMEM((_WSTG, _HD), jnp.float32),
        pltpu.VMEM((_WSTG, _HD), jnp.float32),
        pltpu.VMEM_SHARED((_N, _HD), jnp.float32),
        pltpu.SemaphoreType.DMA,
        pltpu.SemaphoreType.DMA,
        pltpu.SemaphoreType.DMA,
        pltpu.SemaphoreType.DMA,
        pltpu.SemaphoreType.DMA,
    ],
    compiler_params=_sc_params,
)
def _sc_agg(y2n_hbm, zeros_hbm, idx_hbm, dst_hbm, out_hbm, idx_v, dst_v,
            rows0_v, rows1_v, rows2_v, rows3_v, stage_v, stage2_v, acc,
            sem0, sem1, sem2, sem3, ssem):
    c = lax.axis_index("c")
    s = lax.axis_index("s")

    @pl.when(s < 10)
    def _init():
        pltpu.sync_copy(zeros_hbm.at[pl.ds(0, _WSTG)], stage_v)
        hs = []
        for r in range(_SROWS // _WSTG):
            h = pltpu.make_async_copy(
                stage_v, acc.at[pl.ds(s * _SROWS + r * _WSTG, _WSTG)], sem0)
            h.start()
            hs.append(h)
        for h in hs:
            h.wait()

    pltpu.sync_copy(idx_hbm.at[c, s], idx_v)
    pltpu.sync_copy(dst_hbm.at[s], dst_v)

    rbufs = (rows0_v, rows1_v, rows2_v, rows3_v)
    gsems = (sem0, sem1, sem2, sem3)

    def gather(j, t):
        return pltpu.make_async_copy(y2n_hbm.at[idx_v.at[j]],
                                     rbufs[t % 4], gsems[t % 4])

    def scat_wait(j, t):
        pltpu.make_async_copy(rbufs[t % 4], acc.at[dst_v.at[j]], ssem).wait()

    gather(0, 0).start()
    gather(1, 1).start()
    gather(2, 2).start()
    plsc.subcore_barrier()

    def quad(q, carry):
        j0 = 4 * q
        for t in range(4):
            j = j0 + t
            gather(j, t).wait()

            @pl.when(j > 0)
            def _():
                scat_wait(j - 1, t + 3)

            pltpu.async_copy(rbufs[t], acc.at[dst_v.at[j]], ssem, add=True)

            @pl.when(j + 3 < _WSTEPS)
            def _():
                gather(j + 3, t + 3).start()

        return carry

    lax.fori_loop(0, _WSTEPS // 4, quad, 0)
    scat_wait(_WSTEPS - 1, 3)
    plsc.subcore_barrier()

    @pl.when(s < 10)
    def _drain():
        nst = _SROWS // _WSTG
        for r in range(nst):
            st, sm = (stage_v, sem0) if r % 2 == 0 else (stage2_v, sem1)
            if r >= 2:
                offp = pl.ds(s * _SROWS + (r - 2) * _WSTG, _WSTG)
                pltpu.make_async_copy(st, out_hbm.at[c, offp], sm).wait()
            off = pl.ds(s * _SROWS + r * _WSTG, _WSTG)
            pltpu.sync_copy(acc.at[off], st)
            pltpu.async_copy(st, out_hbm.at[c, off], sm)
        for r in (nst - 2, nst - 1):
            st, sm = (stage_v, sem0) if r % 2 == 0 else (stage2_v, sem1)
            off = pl.ds(s * _SROWS + r * _WSTG, _WSTG)
            pltpu.make_async_copy(st, out_hbm.at[c, off], sm).wait()


@functools.partial(
    pl.kernel,
    out_type=jax.ShapeDtypeStruct((_NC * _N,), jnp.float32),
    mesh=_mesh,
    scratch_types=[
        pltpu.VMEM((_STEPS, _CHUNK), jnp.int32),
        pltpu.VMEM((_STEPS, _CHUNK), jnp.int32),
        pltpu.VMEM((_CHUNK,), jnp.float32),
        pltpu.VMEM((_CHUNK,), jnp.float32),
        pltpu.VMEM((_CHUNK,), jnp.float32),
        pltpu.VMEM((_CHUNK,), jnp.float32),
        pltpu.VMEM((_SROWS,), jnp.float32),
        pltpu.VMEM_SHARED((_N,), jnp.float32),
        pltpu.SemaphoreType.DMA,
        pltpu.SemaphoreType.DMA,
    ],
)
def _sc_sagg(v_hbm, src_hbm, dst_hbm, out_hbm, src_v, dst_v, vals0_v, vals1_v,
             vals2_v, vals3_v, stage_v, acc, sem0, sem1):
    c = lax.axis_index("c")
    s = lax.axis_index("s")
    wid = c * _NS + s

    @pl.when(s < 10)
    def _init():
        pltpu.sync_copy(v_hbm.at[pl.ds(s * _SROWS, _SROWS)], stage_v)
        pltpu.sync_copy(stage_v, acc.at[pl.ds(s * _SROWS, _SROWS)])

    pltpu.sync_copy(src_hbm.at[wid], src_v)
    pltpu.sync_copy(dst_hbm.at[wid], dst_v)
    plsc.subcore_barrier()

    vbufs = (vals0_v, vals1_v, vals2_v, vals3_v)

    def gather(j, t):
        return pltpu.make_async_copy(v_hbm.at[src_v.at[j]],
                                     vbufs[t % 4], (sem0, sem1)[t % 2])

    gather(0, 0).start()
    gather(1, 1).start()

    def quad(q, carry):
        j0 = 4 * q
        for t in range(4):
            j = j0 + t
            gather(j, t).wait()
            pltpu.sync_copy(vbufs[t], acc.at[dst_v.at[j]], add=True)

            @pl.when(j + 2 < _STEPS)
            def _():
                gather(j + 2, t + 2).start()

        return carry

    lax.fori_loop(0, _STEPS // 4, quad, 0)
    plsc.subcore_barrier()

    @pl.when(s < 10)
    def _drain():
        pltpu.sync_copy(acc.at[pl.ds(s * _SROWS, _SROWS)], stage_v)
        pltpu.sync_copy(stage_v,
                        out_hbm.at[pl.ds(c * _N + s * _SROWS, _SROWS)])


_TCB = 2000
_TCG = _N // _TCB

_spec_half3 = pl.BlockSpec((_NC, _TCB, _HD), lambda i: (0, i, 0))
_spec_col = pl.BlockSpec((_TCB, 1), lambda i: (i, 0))
_spec_rows = pl.BlockSpec((_TCB, _D), lambda i: (i, 0))


def _tc_pre_body(cnt, x, w, dinv_ref, y_ref):
    deg = (cnt[:, 0] + cnt[:, 1] - 1.0)[:, None]
    dinv = lax.rsqrt(deg)
    dinv_ref[...] = dinv
    y_ref[...] = jnp.dot(x[...], w[...],
                         preferred_element_type=jnp.float32) * dinv


_tc_pre = pl.pallas_call(
    _tc_pre_body,
    grid=(_TCG,),
    in_specs=[
        pl.BlockSpec((_TCB, _NC), lambda i: (i, 0)),
        _spec_rows,
        pl.BlockSpec((_D, _D), lambda i: (0, 0)),
    ],
    out_specs=[_spec_col, _spec_rows],
    out_shape=[
        jax.ShapeDtypeStruct((_N, 1), jnp.float32),
        jax.ShapeDtypeStruct((_N, _D), jnp.float32),
    ],
)


def _tc_mid_body(p, y, dinv, b, w, out_ref):
    dv = dinv[...]
    agg = dv * (jnp.concatenate([p[0], p[1]], axis=1) + y[...]) + b[...]
    h = jnp.maximum(agg, 0.0)
    out_ref[...] = jnp.dot(h, w[...], preferred_element_type=jnp.float32) * dv


_tc_mid = pl.pallas_call(
    _tc_mid_body,
    grid=(_TCG,),
    in_specs=[
        _spec_half3,
        _spec_rows,
        _spec_col,
        pl.BlockSpec((1, _D), lambda i: (0, 0)),
        pl.BlockSpec((_D, _D), lambda i: (0, 0)),
    ],
    out_specs=_spec_rows,
    out_shape=jax.ShapeDtypeStruct((_N, _D), jnp.float32),
)


def _tc_fin_body(r, zs, dinv, b3, out_ref):
    out_ref[...] = dinv[...] * ((r[0] + r[1])[:, None] - zs[...]) + b3[...]


_tc_fin = pl.pallas_call(
    _tc_fin_body,
    out_shape=jax.ShapeDtypeStruct((_N, 1), jnp.float32),
)


def kernel(x, edge_index, W1, b1, W2, b2, W3, b3):
    src = edge_index[0].reshape(_NW, _STEPS, _CHUNK)
    dst = edge_index[1].reshape(_NW, _STEPS, _CHUNK)
    srcw = edge_index[0].reshape(_NS, _WSTEPS, _CHUNK)
    dstw = edge_index[1].reshape(_NS, _WSTEPS, _CHUNK)
    src2 = jnp.stack([srcw * 2, srcw * 2 + 1])
    ones = jnp.ones((_N,), jnp.float32)
    zeros = jnp.zeros((_N, _HD), jnp.float32)

    cnt = _sc_count(ones, dst).reshape(_NC, _N).T
    dinv, y1 = _tc_pre(cnt, x, W1)

    w3p = jnp.pad(W3, ((0, 0), (0, _D - 1)))

    def body(state):
        i, y, w_cur, w_nxt, b_cur, b_nxt = state
        p = _sc_agg(y.reshape(2 * _N, _HD), zeros, src2, dstw)
        y_nxt = _tc_mid(p, y, dinv, b_cur, w_cur)
        return i + 1, y_nxt, w_nxt, w_cur, b_nxt, b_cur

    i0 = (x[0, 0] - x[0, 0]).astype(jnp.int32)
    st = (i0, y1, W2, w3p, b1.reshape(1, _D), b2.reshape(1, _D))
    y3 = lax.while_loop(lambda s: s[0] < 2, body, st)[1]

    zs = y3[:, :1]
    r = _sc_sagg(y3[:, 0], src, dst).reshape(_NC, _N)
    out = _tc_fin(r, zs, dinv, b3.reshape(1, 1))
    return out

# --- scband reference (transcript-rebuilt; emitter-appended) ---
"""Pipeline reference for scband-pressure-gnn-75058848465452 (READ-ONLY COPY).

The authoritative reference and input builder live on the scoring server;
editing this copy changes nothing except your own understanding.
"""

import jax, jax.numpy as jnp
import numpy as np

N = 10000
E = 320000
D_IN = 128
D_H = 128
D_OUT = 1


def setup_inputs(seed: int = 0) -> dict:
    key = jax.random.key(seed)
    ks = jax.random.split(key, 8)
    x = jax.random.normal(ks[0], (N, D_IN), dtype=jnp.float32)
    edge_index = jax.random.randint(ks[1], (2, E), 0, N, dtype=jnp.int32)
    W1 = jax.random.normal(ks[2], (D_IN, D_H), dtype=jnp.float32) * (1.0 / np.sqrt(D_IN))
    b1 = jnp.zeros((D_H,), dtype=jnp.float32)
    W2 = jax.random.normal(ks[3], (D_H, D_H), dtype=jnp.float32) * (1.0 / np.sqrt(D_H))
    b2 = jnp.zeros((D_H,), dtype=jnp.float32)
    W3 = jax.random.normal(ks[4], (D_H, D_OUT), dtype=jnp.float32) * (1.0 / np.sqrt(D_H))
    b3 = jnp.zeros((D_OUT,), dtype=jnp.float32)
    return {"x": x, "edge_index": edge_index, "W1": W1, "b1": b1, "W2": W2, "b2": b2, "W3": W3, "b3": b3}


def gcn_conv(x, edge_index, W, b):
    # GCNConv: x' = D^{-1/2} (A + I) D^{-1/2} (x W) + b  (symmetric normalization with self-loops)
    src = edge_index[0]
    dst = edge_index[1]
    loop = jnp.arange(N, dtype=src.dtype)
    src = jnp.concatenate([src, loop])
    dst = jnp.concatenate([dst, loop])
    deg = jnp.zeros((N,), dtype=jnp.float32).at[dst].add(1.0)
    dinv = jnp.where(deg > 0, jax.lax.rsqrt(jnp.maximum(deg, 1e-12)), 0.0)
    norm = dinv[src] * dinv[dst]
    xw = x @ W
    msgs = xw[src] * norm[:, None]
    out = jnp.zeros((N, W.shape[1]), dtype=jnp.float32).at[dst].add(msgs)
    return out + b


def reference(x, edge_index, W1, b1, W2, b2, W3, b3):
    h = jax.nn.relu(gcn_conv(x, edge_index, W1, b1))
    h = jax.nn.relu(gcn_conv(h, edge_index, W2, b2))
    out = gcn_conv(h, edge_index, W3, b3)
    return out

if __name__ == "__main__":
    import jax
    _d = setup_inputs()
    print(jax.jit(kernel)(*tuple(_d.values())))

</pallas_src>

<mosaic_0001>
#map = affine_map<(d0, d1) -> (0)>
#map1 = affine_map<(d0, d1) -> (0, 0, 0)>
module attributes {stable_mosaic.version = 14 : i64} {
  func.func @_sc_sagg(%arg0: i32, %arg1: i32, %arg2: memref<10000xf32, #tpu.memory_space<hbm>>, %arg3: memref<32x80x125xi32, #tpu.memory_space<hbm>>, %arg4: memref<32x80x125xi32, #tpu.memory_space<hbm>>, %arg5: memref<20000xf32, #tpu.memory_space<hbm>>, %arg6: memref<80x125xi32, #tpu.memory_space<vmem>>, %arg7: memref<80x125xi32, #tpu.memory_space<vmem>>, %arg8: memref<125xf32, #tpu.memory_space<vmem>>, %arg9: memref<125xf32, #tpu.memory_space<vmem>>, %arg10: memref<125xf32, #tpu.memory_space<vmem>>, %arg11: memref<125xf32, #tpu.memory_space<vmem>>, %arg12: memref<1000xf32, #tpu.memory_space<vmem>>, %arg13: memref<10000xf32, #tpu.memory_space<vmem_shared>>, %arg14: memref<!tpu.dma_semaphore, #tpu.memory_space<semaphore_mem>>, %arg15: memref<!tpu.dma_semaphore, #tpu.memory_space<semaphore_mem>>) attributes {dimension_semantics = [#tpu.dimension_semantics<core_parallel>, #tpu.dimension_semantics<subcore_parallel>], iteration_bounds = array<i64: 2, 16>, scalar_prefetch = 0 : i64, scratch_operands = 10 : i64, tpu.core_type = #tpu.core_type<sc_vector_subcore>, window_params = [{transform_indices = #map}, {transform_indices = #map1}, {transform_indices = #map1}, {transform_indices = #map}]} {
    %mul3A = arith.constant 16 : i32
    %mul3A_0 = arith.muli %arg0, %mul3A : i32
    %add3A = arith.addi %mul3A_0, %arg1 : i32
    %lt3A = arith.constant 10 : i32
    %lt3A_1 = arith.cmpi slt, %arg1, %lt3A : i32
    %convert_element_type3A = arith.extui %lt3A_1 : i1 to i32
    %cond3A = arith.constant 0 : i32
    %cond3A_2 = arith.cmpi ne, %convert_element_type3A, %cond3A : i32
    scf.if %cond3A_2 {
      %mul3A_25 = arith.constant 1000 : i32
      %mul3A_26 = arith.muli %arg1, %mul3A_25 : i32
      "tpu.region"() ({
        %run_scoped3A = tpu.sem_alloc : memref<!tpu.dma_semaphore, #tpu.memory_space<semaphore_mem>>
        %dma_start3A_29 = tpu.memref_slice %arg2[%mul3A_26] : memref<10000xf32, #tpu.memory_space<hbm>> -> memref<1000xf32, #tpu.memory_space<hbm>>
        %dma_start3A_30 = tpu.memref_slice %arg2[%mul3A_26] : memref<10000xf32, #tpu.memory_space<hbm>> -> memref<1000xf32, #tpu.memory_space<hbm>>
        tpu.enqueue_dma source(%dma_start3A_30 : memref<1000xf32, #tpu.memory_space<hbm>>) target(%arg12 : memref<1000xf32, #tpu.memory_space<vmem>>) target_semaphore(%run_scoped3A : memref<!tpu.dma_semaphore, #tpu.memory_space<semaphore_mem>>)
        %dma_wait3A = tpu.memref_slice %arg2[%mul3A_26] : memref<10000xf32, #tpu.memory_space<hbm>> -> memref<1000xf32, #tpu.memory_space<hbm>>
        %dma_wait3A_31 = tpu.memref_slice %arg2[%mul3A_26] : memref<10000xf32, #tpu.memory_space<hbm>> -> memref<1000xf32, #tpu.memory_space<hbm>>
        tpu.wait_dma2 semaphore(%run_scoped3A : memref<!tpu.dma_semaphore, #tpu.memory_space<semaphore_mem>>) src(%dma_wait3A_31 : memref<1000xf32, #tpu.memory_space<hbm>>) dst(%arg12 : memref<1000xf32, #tpu.memory_space<vmem>>)
        tpu.yield
      }) : () -> ()
      %mul3A_27 = arith.constant 1000 : i32
      %mul3A_28 = arith.muli %arg1, %mul3A_27 : i32
      "tpu.region"() ({
        %run_scoped3A = tpu.sem_alloc : memref<!tpu.dma_semaphore, #tpu.memory_space<semaphore_mem>>
        %dma_start3A_29 = tpu.memref_slice %arg13[%mul3A_28] : memref<10000xf32, #tpu.memory_space<vmem_shared>> -> memref<1000xf32, #tpu.memory_space<vmem_shared>>
        %dma_start3A_30 = tpu.memref_slice %arg13[%mul3A_28] : memref<10000xf32, #tpu.memory_space<vmem_shared>> -> memref<1000xf32, #tpu.memory_space<vmem_shared>>
        tpu.enqueue_dma source(%arg12 : memref<1000xf32, #tpu.memory_space<vmem>>) target(%dma_start3A_30 : memref<1000xf32, #tpu.memory_space<vmem_shared>>) target_semaphore(%run_scoped3A : memref<!tpu.dma_semaphore, #tpu.memory_space<semaphore_mem>>)
        %dma_wait3A = tpu.memref_slice %arg13[%mul3A_28] : memref<10000xf32, #tpu.memory_space<vmem_shared>> -> memref<1000xf32, #tpu.memory_space<vmem_shared>>
        %dma_wait3A_31 = tpu.memref_slice %arg13[%mul3A_28] : memref<10000xf32, #tpu.memory_space<vmem_shared>> -> memref<1000xf32, #tpu.memory_space<vmem_shared>>
        tpu.wait_dma2 semaphore(%run_scoped3A : memref<!tpu.dma_semaphore, #tpu.memory_space<semaphore_mem>>) src(%arg12 : memref<1000xf32, #tpu.memory_space<vmem>>) dst(%dma_wait3A_31 : memref<1000xf32, #tpu.memory_space<vmem_shared>>)
        tpu.yield
      }) : () -> ()
    } else {
    }
    "tpu.region"() ({
      %run_scoped3A = tpu.sem_alloc : memref<!tpu.dma_semaphore, #tpu.memory_space<semaphore_mem>>
      %dma_start3A_25 = arith.constant 0 : i32
      %dma_start3A_26 = arith.constant 0 : i32
      %dma_start3A_27 = tpu.memref_slice %arg3[%add3A, %dma_start3A_25, %dma_start3A_26] : memref<32x80x125xi32, #tpu.memory_space<hbm>> -> memref<1x80x125xi32, #tpu.memory_space<hbm>>
      %dma_start3A_28 = tpu.memref_squeeze %dma_start3A_27 : memref<1x80x125xi32, #tpu.memory_space<hbm>> -> memref<80x125xi32, #tpu.memory_space<hbm>>
      %dma_start3A_29 = arith.constant 0 : i32
      %dma_start3A_30 = arith.constant 0 : i32
      %dma_start3A_31 = tpu.memref_slice %arg3[%add3A, %dma_start3A_29, %dma_start3A_30] : memref<32x80x125xi32, #tpu.memory_space<hbm>> -> memref<1x80x125xi32, #tpu.memory_space<hbm>>
      %dma_start3A_32 = tpu.memref_squeeze %dma_start3A_31 : memref<1x80x125xi32, #tpu.memory_space<hbm>> -> memref<80x125xi32, #tpu.memory_space<hbm>>
      tpu.enqueue_dma source(%dma_start3A_32 : memref<80x125xi32, #tpu.memory_space<hbm>>) target(%arg6 : memref<80x125xi32, #tpu.memory_space<vmem>>) target_semaphore(%run_scoped3A : memref<!tpu.dma_semaphore, #tpu.memory_space<semaphore_mem>>)
      %dma_wait3A = arith.constant 0 : i32
      %dma_wait3A_33 = arith.constant 0 : i32
      %dma_wait3A_34 = tpu.memref_slice %arg3[%add3A, %dma_wait3A, %dma_wait3A_33] : memref<32x80x125xi32, #tpu.memory_space<hbm>> -> memref<1x80x125xi32, #tpu.memory_space<hbm>>
      %dma_wait3A_35 = tpu.memref_squeeze %dma_wait3A_34 : memref<1x80x125xi32, #tpu.memory_space<hbm>> -> memref<80x125xi32, #tpu.memory_space<hbm>>
      %dma_wait3A_36 = arith.constant 0 : i32
      %dma_wait3A_37 = arith.constant 0 : i32
      %dma_wait3A_38 = tpu.memref_slice %arg3[%add3A, %dma_wait3A_36, %dma_wait3A_37] : memref<32x80x125xi32, #tpu.memory_space<hbm>> -> memref<1x80x125xi32, #tpu.memory_space<hbm>>
      %dma_wait3A_39 = tpu.memref_squeeze %dma_wait3A_38 : memref<1x80x125xi32, #tpu.memory_space<hbm>> -> memref<80x125xi32, #tpu.memory_space<hbm>>
      tpu.wait_dma2 semaphore(%run_scoped3A : memref<!tpu.dma_semaphore, #tpu.memory_space<semaphore_mem>>) src(%dma_wait3A_39 : memref<80x125xi32, #tpu.memory_space<hbm>>) dst(%arg6 : memref<80x125xi32, #tpu.memory_space<vmem>>)
      tpu.yield
    }) : () -> ()
    "tpu.region"() ({
      %run_scoped3A = tpu.sem_alloc : memref<!tpu.dma_semaphore, #tpu.memory_space<semaphore_mem>>
      %dma_start3A_25 = arith.constant 0 : i32
      %dma_start3A_26 = arith.constant 0 : i32
      %dma_start3A_27 = tpu.memref_slice %arg4[%add3A, %dma_start3A_25, %dma_start3A_26] : memref<32x80x125xi32, #tpu.memory_space<hbm>> -> memref<1x80x125xi32, #tpu.memory_space<hbm>>
      %dma_start3A_28 = tpu.memref_squeeze %dma_start3A_27 : memref<1x80x125xi32, #tpu.memory_space<hbm>> -> memref<80x125xi32, #tpu.memory_space<hbm>>
      %dma_start3A_29 = arith.constant 0 : i32
      %dma_start3A_30 = arith.constant 0 : i32
      %dma_start3A_31 = tpu.memref_slice %arg4[%add3A, %dma_start3A_29, %dma_start3A_30] : memref<32x80x125xi32, #tpu.memory_space<hbm>> -> memref<1x80x125xi32, #tpu.memory_space<hbm>>
      %dma_start3A_32 = tpu.memref_squeeze %dma_start3A_31 : memref<1x80x125xi32, #tpu.memory_space<hbm>> -> memref<80x125xi32, #tpu.memory_space<hbm>>
      tpu.enqueue_dma source(%dma_start3A_32 : memref<80x125xi32, #tpu.memory_space<hbm>>) target(%arg7 : memref<80x125xi32, #tpu.memory_space<vmem>>) target_semaphore(%run_scoped3A : memref<!tpu.dma_semaphore, #tpu.memory_space<semaphore_mem>>)
      %dma_wait3A = arith.constant 0 : i32
      %dma_wait3A_33 = arith.constant 0 : i32
      %dma_wait3A_34 = tpu.memref_slice %arg4[%add3A, %dma_wait3A, %dma_wait3A_33] : memref<32x80x125xi32, #tpu.memory_space<hbm>> -> memref<1x80x125xi32, #tpu.memory_space<hbm>>
      %dma_wait3A_35 = tpu.memref_squeeze %dma_wait3A_34 : memref<1x80x125xi32, #tpu.memory_space<hbm>> -> memref<80x125xi32, #tpu.memory_space<hbm>>
      %dma_wait3A_36 = arith.constant 0 : i32
      %dma_wait3A_37 = arith.constant 0 : i32
      %dma_wait3A_38 = tpu.memref_slice %arg4[%add3A, %dma_wait3A_36, %dma_wait3A_37] : memref<32x80x125xi32, #tpu.memory_space<hbm>> -> memref<1x80x125xi32, #tpu.memory_space<hbm>>
      %dma_wait3A_39 = tpu.memref_squeeze %dma_wait3A_38 : memref<1x80x125xi32, #tpu.memory_space<hbm>> -> memref<80x125xi32, #tpu.memory_space<hbm>>
      tpu.wait_dma2 semaphore(%run_scoped3A : memref<!tpu.dma_semaphore, #tpu.memory_space<semaphore_mem>>) src(%dma_wait3A_39 : memref<80x125xi32, #tpu.memory_space<hbm>>) dst(%arg7 : memref<80x125xi32, #tpu.memory_space<vmem>>)
      tpu.yield
    }) : () -> ()
    %barrier3A = arith.constant 0 : index
    tpu.barrier barrier_id(%barrier3A)
    %dma_start3A = arith.constant 0 : i32
    %dma_start3A_3 = arith.constant 0 : i32
    %dma_start3A_4 = tpu.memref_slice %arg6[%dma_start3A, %dma_start3A_3] : memref<80x125xi32, #tpu.memory_space<vmem>> -> memref<1x125xi32, #tpu.memory_space<vmem>>
    %dma_start3A_5 = tpu.memref_squeeze %dma_start3A_4 : memref<1x125xi32, #tpu.memory_space<vmem>> -> memref<125xi32, #tpu.memory_space<vmem>>
    %dma_start3A_6 = arith.constant 0 : i32
    %dma_start3A_7 = tpu.memref_slice %arg2[%dma_start3A_6] : memref<10000xf32, #tpu.memory_space<hbm>> -> memref<10000xf32, #tpu.memory_space<hbm>>
    tpu.enqueue_indirect_dma source(%dma_start3A_7 : memref<10000xf32, #tpu.memory_space<hbm>>) target(%arg8 : memref<125xf32, #tpu.memory_space<vmem>>) offsets(%dma_start3A_5 : memref<125xi32, #tpu.memory_space<vmem>>) semaphore(%arg14 : memref<!tpu.dma_semaphore, #tpu.memory_space<semaphore_mem>>)
    %dma_start3A_8 = arith.constant 1 : i32
    %dma_start3A_9 = arith.constant 0 : i32
    %dma_start3A_10 = tpu.memref_slice %arg6[%dma_start3A_8, %dma_start3A_9] : memref<80x125xi32, #tpu.memory_space<vmem>> -> memref<1x125xi32, #tpu.memory_space<vmem>>
    %dma_start3A_11 = tpu.memref_squeeze %dma_start3A_10 : memref<1x125xi32, #tpu.memory_space<vmem>> -> memref<125xi32, #tpu.memory_space<vmem>>
    %dma_start3A_12 = arith.constant 0 : i32
    %dma_start3A_13 = tpu.memref_slice %arg2[%dma_start3A_12] : memref<10000xf32, #tpu.memory_space<hbm>> -> memref<10000xf32, #tpu.memory_space<hbm>>
    tpu.enqueue_indirect_dma source(%dma_start3A_13 : memref<10000xf32, #tpu.memory_space<hbm>>) target(%arg9 : memref<125xf32, #tpu.memory_space<vmem>>) offsets(%dma_start3A_11 : memref<125xi32, #tpu.memory_space<vmem>>) semaphore(%arg15 : memref<!tpu.dma_semaphore, #tpu.memory_space<semaphore_mem>>)
    %scan3A = arith.constant 0 : i32
    %scan3A_14 = arith.constant 0 : i32
    %scan3A_15 = arith.constant 20 : i32
    %scan3A_16 = arith.addi %scan3A_14, %scan3A_15 : i32
    %scan3A_17 = arith.constant 1 : i32
    scf.for %scan3A_25 = %scan3A_14 to %scan3A_16 step %scan3A_17  : i32 {
      %mul3A_26 = arith.constant 4 : i32
      %mul3A_27 = arith.muli %mul3A_26, %scan3A_25 : i32
      %add3A_28 = arith.constant 0 : i32
      %add3A_29 = arith.addi %mul3A_27, %add3A_28 : i32
      %dma_wait3A = arith.constant 0 : i32
      %dma_wait3A_30 = tpu.memref_slice %arg6[%add3A_29, %dma_wait3A] : memref<80x125xi32, #tpu.memory_space<vmem>> -> memref<1x125xi32, #tpu.memory_space<vmem>>
      %dma_wait3A_31 = tpu.memref_squeeze %dma_wait3A_30 : memref<1x125xi32, #tpu.memory_space<vmem>> -> memref<125xi32, #tpu.memory_space<vmem>>
      %dma_wait3A_32 = arith.constant 0 : i32
      %dma_wait3A_33 = tpu.memref_slice %arg2[%dma_wait3A_32] : memref<10000xf32, #tpu.memory_space<hbm>> -> memref<10000xf32, #tpu.memory_space<hbm>>
      tpu.wait_indirect_dma semaphore(%arg14 : memref<!tpu.dma_semaphore, #tpu.memory_space<semaphore_mem>>) src(%dma_wait3A_33 : memref<10000xf32, #tpu.memory_space<hbm>>) dst(%arg8 : memref<125xf32, #tpu.memory_space<vmem>>)
      "tpu.region"() ({
        %run_scoped3A = tpu.sem_alloc : memref<!tpu.dma_semaphore, #tpu.memory_space<semaphore_mem>>
        %dma_start3A_83 = arith.constant 0 : i32
        %dma_start3A_84 = tpu.memref_slice %arg7[%add3A_29, %dma_start3A_83] : memref<80x125xi32, #tpu.memory_space<vmem>> -> memref<1x125xi32, #tpu.memory_space<vmem>>
        %dma_start3A_85 = tpu.memref_squeeze %dma_start3A_84 : memref<1x125xi32, #tpu.memory_space<vmem>> -> memref<125xi32, #tpu.memory_space<vmem>>
        %dma_start3A_86 = arith.constant 0 : i32
        %dma_start3A_87 = tpu.memref_slice %arg13[%dma_start3A_86] : memref<10000xf32, #tpu.memory_space<vmem_shared>> -> memref<10000xf32, #tpu.memory_space<vmem_shared>>
        tpu.enqueue_indirect_dma source(%arg8 : memref<125xf32, #tpu.memory_space<vmem>>) target(%dma_start3A_87 : memref<10000xf32, #tpu.memory_space<vmem_shared>>) offsets(%dma_start3A_85 : memref<125xi32, #tpu.memory_space<vmem>>) semaphore(%run_scoped3A : memref<!tpu.dma_semaphore, #tpu.memory_space<semaphore_mem>>) {add = true}
        %dma_wait3A_88 = arith.constant 0 : i32
        %dma_wait3A_89 = tpu.memref_slice %arg7[%add3A_29, %dma_wait3A_88] : memref<80x125xi32, #tpu.memory_space<vmem>> -> memref<1x125xi32, #tpu.memory_space<vmem>>
        %dma_wait3A_90 = tpu.memref_squeeze %dma_wait3A_89 : memref<1x125xi32, #tpu.memory_space<vmem>> -> memref<125xi32, #tpu.memory_space<vmem>>
        %dma_wait3A_91 = arith.constant 0 : i32
        %dma_wait3A_92 = tpu.memref_slice %arg13[%dma_wait3A_91] : memref<10000xf32, #tpu.memory_space<vmem_shared>> -> memref<10000xf32, #tpu.memory_space<vmem_shared>>
        tpu.wait_indirect_dma semaphore(%run_scoped3A : memref<!tpu.dma_semaphore, #tpu.memory_space<semaphore_mem>>) src(%arg8 : memref<125xf32, #tpu.memory_space<vmem>>) dst(%dma_wait3A_92 : memref<10000xf32, #tpu.memory_space<vmem_shared>>)
        tpu.yield
      }) : () -> ()
      %add3A_34 = arith.constant 2 : i32
      %add3A_35 = arith.addi %add3A_29, %add3A_34 : i32
      %lt3A_36 = arith.constant 80 : i32
      %lt3A_37 = arith.cmpi slt, %add3A_35, %lt3A_36 : i32
      %convert_element_type3A_38 = arith.extui %lt3A_37 : i1 to i32
      %cond3A_39 = arith.constant 0 : i32
      %cond3A_40 = arith.cmpi ne, %convert_element_type3A_38, %cond3A_39 : i32
      scf.if %cond3A_40 {
        %add3A_83 = arith.constant 2 : i32
        %add3A_84 = arith.addi %add3A_29, %add3A_83 : i32
        %dma_start3A_85 = arith.constant 0 : i32
        %dma_start3A_86 = tpu.memref_slice %arg6[%add3A_84, %dma_start3A_85] : memref<80x125xi32, #tpu.memory_space<vmem>> -> memref<1x125xi32, #tpu.memory_space<vmem>>
        %dma_start3A_87 = tpu.memref_squeeze %dma_start3A_86 : memref<1x125xi32, #tpu.memory_space<vmem>> -> memref<125xi32, #tpu.memory_space<vmem>>
        %dma_start3A_88 = arith.constant 0 : i32
        %dma_start3A_89 = tpu.memref_slice %arg2[%dma_start3A_88] : memref<10000xf32, #tpu.memory_space<hbm>> -> memref<10000xf32, #tpu.memory_space<hbm>>
        tpu.enqueue_indirect_dma source(%dma_start3A_89 : memref<10000xf32, #tpu.memory_space<hbm>>) target(%arg10 : memref<125xf32, #tpu.memory_space<vmem>>) offsets(%dma_start3A_87 : memref<125xi32, #tpu.memory_space<vmem>>) semaphore(%arg14 : memref<!tpu.dma_semaphore, #tpu.memory_space<semaphore_mem>>)
      } else {
      }
      %add3A_41 = arith.constant 1 : i32
      %add3A_42 = arith.addi %mul3A_27, %add3A_41 : i32
      %dma_wait3A_43 = arith.constant 0 : i32
      %dma_wait3A_44 = tpu.memref_slice %arg6[%add3A_42, %dma_wait3A_43] : memref<80x125xi32, #tpu.memory_space<vmem>> -> memref<1x125xi32, #tpu.memory_space<vmem>>
      %dma_wait3A_45 = tpu.memref_squeeze %dma_wait3A_44 : memref<1x125xi32, #tpu.memory_space<vmem>> -> memref<125xi32, #tpu.memory_space<vmem>>
      %dma_wait3A_46 = arith.constant 0 : i32
      %dma_wait3A_47 = tpu.memref_slice %arg2[%dma_wait3A_46] : memref<10000xf32, #tpu.memory_space<hbm>> -> memref<10000xf32, #tpu.memory_space<hbm>>
      tpu.wait_indirect_dma semaphore(%arg15 : memref<!tpu.dma_semaphore, #tpu.memory_space<semaphore_mem>>) src(%dma_wait3A_47 : memref<10000xf32, #tpu.memory_space<hbm>>) dst(%arg9 : memref<125xf32, #tpu.memory_space<vmem>>)
      "tpu.region"() ({
        %run_scoped3A = tpu.sem_alloc : memref<!tpu.dma_semaphore, #tpu.memory_space<semaphore_mem>>
        %dma_start3A_83 = arith.constant 0 : i32
        %dma_start3A_84 = tpu.memref_slice %arg7[%add3A_42, %dma_start3A_83] : memref<80x125xi32, #tpu.memory_space<vmem>> -> memref<1x125xi32, #tpu.memory_space<vmem>>
        %dma_start3A_85 = tpu.memref_squeeze %dma_start3A_84 : memref<1x125xi32, #tpu.memory_space<vmem>> -> memref<125xi32, #tpu.memory_space<vmem>>
        %dma_start3A_86 = arith.constant 0 : i32
        %dma_start3A_87 = tpu.memref_slice %arg13[%dma_start3A_86] : memref<10000xf32, #tpu.memory_space<vmem_shared>> -> memref<10000xf32, #tpu.memory_space<vmem_shared>>
        tpu.enqueue_indirect_dma source(%arg9 : memref<125xf32, #tpu.memory_space<vmem>>) target(%dma_start3A_87 : memref<10000xf32, #tpu.memory_space<vmem_shared>>) offsets(%dma_start3A_85 : memref<125xi32, #tpu.memory_space<vmem>>) semaphore(%run_scoped3A : memref<!tpu.dma_semaphore, #tpu.memory_space<semaphore_mem>>) {add = true}
        %dma_wait3A_88 = arith.constant 0 : i32
        %dma_wait3A_89 = tpu.memref_slice %arg7[%add3A_42, %dma_wait3A_88] : memref<80x125xi32, #tpu.memory_space<vmem>> -> memref<1x125xi32, #tpu.memory_space<vmem>>
        %dma_wait3A_90 = tpu.memref_squeeze %dma_wait3A_89 : memref<1x125xi32, #tpu.memory_space<vmem>> -> memref<125xi32, #tpu.memory_space<vmem>>
        %dma_wait3A_91 = arith.constant 0 : i32
        %dma_wait3A_92 = tpu.memref_slice %arg13[%dma_wait3A_91] : memref<10000xf32, #tpu.memory_space<vmem_shared>> -> memref<10000xf32, #tpu.memory_space<vmem_shared>>
        tpu.wait_indirect_dma semaphore(%run_scoped3A : memref<!tpu.dma_semaphore, #tpu.memory_space<semaphore_mem>>) src(%arg9 : memref<125xf32, #tpu.memory_space<vmem>>) dst(%dma_wait3A_92 : memref<10000xf32, #tpu.memory_space<vmem_shared>>)
        tpu.yield
      }) : () -> ()
      %add3A_48 = arith.constant 2 : i32
      %add3A_49 = arith.addi %add3A_42, %add3A_48 : i32
      %lt3A_50 = arith.constant 80 : i32
      %lt3A_51 = arith.cmpi slt, %add3A_49, %lt3A_50 : i32
      %convert_element_type3A_52 = arith.extui %lt3A_51 : i1 to i32
      %cond3A_53 = arith.constant 0 : i32
      %cond3A_54 = arith.cmpi ne, %convert_element_type3A_52, %cond3A_53 : i32
      scf.if %cond3A_54 {
        %add3A_83 = arith.constant 2 : i32
        %add3A_84 = arith.addi %add3A_42, %add3A_83 : i32
        %dma_start3A_85 = arith.constant 0 : i32
        %dma_start3A_86 = tpu.memref_slice %arg6[%add3A_84, %dma_start3A_85] : memref<80x125xi32, #tpu.memory_space<vmem>> -> memref<1x125xi32, #tpu.memory_space<vmem>>
        %dma_start3A_87 = tpu.memref_squeeze %dma_start3A_86 : memref<1x125xi32, #tpu.memory_space<vmem>> -> memref<125xi32, #tpu.memory_space<vmem>>
        %dma_start3A_88 = arith.constant 0 : i32
        %dma_start3A_89 = tpu.memref_slice %arg2[%dma_start3A_88] : memref<10000xf32, #tpu.memory_space<hbm>> -> memref<10000xf32, #tpu.memory_space<hbm>>
        tpu.enqueue_indirect_dma source(%dma_start3A_89 : memref<10000xf32, #tpu.memory_space<hbm>>) target(%arg11 : memref<125xf32, #tpu.memory_space<vmem>>) offsets(%dma_start3A_87 : memref<125xi32, #tpu.memory_space<vmem>>) semaphore(%arg15 : memref<!tpu.dma_semaphore, #tpu.memory_space<semaphore_mem>>)
      } else {
      }
      %add3A_55 = arith.constant 2 : i32
      %add3A_56 = arith.addi %mul3A_27, %add3A_55 : i32
      %dma_wait3A_57 = arith.constant 0 : i32
      %dma_wait3A_58 = tpu.memref_slice %arg6[%add3A_56, %dma_wait3A_57] : memref<80x125xi32, #tpu.memory_space<vmem>> -> memref<1x125xi32, #tpu.memory_space<vmem>>
      %dma_wait3A_59 = tpu.memref_squeeze %dma_wait3A_58 : memref<1x125xi32, #tpu.memory_space<vmem>> -> memref<125xi32, #tpu.memory_space<vmem>>
      %dma_wait3A_60 = arith.constant 0 : i32
      %dma_wait3A_61 = tpu.memref_slice %arg2[%dma_wait3A_60] : memref<10000xf32, #tpu.memory_space<hbm>> -> memref<10000xf32, #tpu.memory_space<hbm>>
      tpu.wait_indirect_dma semaphore(%arg14 : memref<!tpu.dma_semaphore, #tpu.memory_space<semaphore_mem>>) src(%dma_wait3A_61 : memref<10000xf32, #tpu.memory_space<hbm>>) dst(%arg10 : memref<125xf32, #tpu.memory_space<vmem>>)
      "tpu.region"() ({
        %run_scoped3A = tpu.sem_alloc : memref<!tpu.dma_semaphore, #tpu.memory_space<semaphore_mem>>
        %dma_start3A_83 = arith.constant 0 : i32
        %dma_start3A_84 = tpu.memref_slice %arg7[%add3A_56, %dma_start3A_83] : memref<80x125xi32, #tpu.memory_space<vmem>> -> memref<1x125xi32, #tpu.memory_space<vmem>>
        %dma_start3A_85 = tpu.memref_squeeze %dma_start3A_84 : memref<1x125xi32, #tpu.memory_space<vmem>> -> memref<125xi32, #tpu.memory_space<vmem>>
        %dma_start3A_86 = arith.constant 0 : i32
        %dma_start3A_87 = tpu.memref_slice %arg13[%dma_start3A_86] : memref<10000xf32, #tpu.memory_space<vmem_shared>> -> memref<10000xf32, #tpu.memory_space<vmem_shared>>
        tpu.enqueue_indirect_dma source(%arg10 : memref<125xf32, #tpu.memory_space<vmem>>) target(%dma_start3A_87 : memref<10000xf32, #tpu.memory_space<vmem_shared>>) offsets(%dma_start3A_85 : memref<125xi32, #tpu.memory_space<vmem>>) semaphore(%run_scoped3A : memref<!tpu.dma_semaphore, #tpu.memory_space<semaphore_mem>>) {add = true}
        %dma_wait3A_88 = arith.constant 0 : i32
        %dma_wait3A_89 = tpu.memref_slice %arg7[%add3A_56, %dma_wait3A_88] : memref<80x125xi32, #tpu.memory_space<vmem>> -> memref<1x125xi32, #tpu.memory_space<vmem>>
        %dma_wait3A_90 = tpu.memref_squeeze %dma_wait3A_89 : memref<1x125xi32, #tpu.memory_space<vmem>> -> memref<125xi32, #tpu.memory_space<vmem>>
        %dma_wait3A_91 = arith.constant 0 : i32
        %dma_wait3A_92 = tpu.memref_slice %arg13[%dma_wait3A_91] : memref<10000xf32, #tpu.memory_space<vmem_shared>> -> memref<10000xf32, #tpu.memory_space<vmem_shared>>
        tpu.wait_indirect_dma semaphore(%run_scoped3A : memref<!tpu.dma_semaphore, #tpu.memory_space<semaphore_mem>>) src(%arg10 : memref<125xf32, #tpu.memory_space<vmem>>) dst(%dma_wait3A_92 : memref<10000xf32, #tpu.memory_space<vmem_shared>>)
        tpu.yield
      }) : () -> ()
      %add3A_62 = arith.constant 2 : i32
      %add3A_63 = arith.addi %add3A_56, %add3A_62 : i32
      %lt3A_64 = arith.constant 80 : i32
      %lt3A_65 = arith.cmpi slt, %add3A_63, %lt3A_64 : i32
      %convert_element_type3A_66 = arith.extui %lt3A_65 : i1 to i32
      %cond3A_67 = arith.constant 0 : i32
      %cond3A_68 = arith.cmpi ne, %convert_element_type3A_66, %cond3A_67 : i32
      scf.if %cond3A_68 {
        %add3A_83 = arith.constant 2 : i32
        %add3A_84 = arith.addi %add3A_56, %add3A_83 : i32
        %dma_start3A_85 = arith.constant 0 : i32
        %dma_start3A_86 = tpu.memref_slice %arg6[%add3A_84, %dma_start3A_85] : memref<80x125xi32, #tpu.memory_space<vmem>> -> memref<1x125xi32, #tpu.memory_space<vmem>>
        %dma_start3A_87 = tpu.memref_squeeze %dma_start3A_86 : memref<1x125xi32, #tpu.memory_space<vmem>> -> memref<125xi32, #tpu.memory_space<vmem>>
        %dma_start3A_88 = arith.constant 0 : i32
        %dma_start3A_89 = tpu.memref_slice %arg2[%dma_start3A_88] : memref<10000xf32, #tpu.memory_space<hbm>> -> memref<10000xf32, #tpu.memory_space<hbm>>
        tpu.enqueue_indirect_dma source(%dma_start3A_89 : memref<10000xf32, #tpu.memory_space<hbm>>) target(%arg8 : memref<125xf32, #tpu.memory_space<vmem>>) offsets(%dma_start3A_87 : memref<125xi32, #tpu.memory_space<vmem>>) semaphore(%arg14 : memref<!tpu.dma_semaphore, #tpu.memory_space<semaphore_mem>>)
      } else {
      }
      %add3A_69 = arith.constant 3 : i32
      %add3A_70 = arith.addi %mul3A_27, %add3A_69 : i32
      %dma_wait3A_71 = arith.constant 0 : i32
      %dma_wait3A_72 = tpu.memref_slice %arg6[%add3A_70, %dma_wait3A_71] : memref<80x125xi32, #tpu.memory_space<vmem>> -> memref<1x125xi32, #tpu.memory_space<vmem>>
      %dma_wait3A_73 = tpu.memref_squeeze %dma_wait3A_72 : memref<1x125xi32, #tpu.memory_space<vmem>> -> memref<125xi32, #tpu.memory_space<vmem>>
      %dma_wait3A_74 = arith.constant 0 : i32
      %dma_wait3A_75 = tpu.memref_slice %arg2[%dma_wait3A_74] : memref<10000xf32, #tpu.memory_space<hbm>> -> memref<10000xf32, #tpu.memory_space<hbm>>
      tpu.wait_indirect_dma semaphore(%arg15 : memref<!tpu.dma_semaphore, #tpu.memory_space<semaphore_mem>>) src(%dma_wait3A_75 : memref<10000xf32, #tpu.memory_space<hbm>>) dst(%arg11 : memref<125xf32, #tpu.memory_space<vmem>>)
      "tpu.region"() ({
        %run_scoped3A = tpu.sem_alloc : memref<!tpu.dma_semaphore, #tpu.memory_space<semaphore_mem>>
        %dma_start3A_83 = arith.constant 0 : i32
        %dma_start3A_84 = tpu.memref_slice %arg7[%add3A_70, %dma_start3A_83] : memref<80x125xi32, #tpu.memory_space<vmem>> -> memref<1x125xi32, #tpu.memory_space<vmem>>
        %dma_start3A_85 = tpu.memref_squeeze %dma_start3A_84 : memref<1x125xi32, #tpu.memory_space<vmem>> -> memref<125xi32, #tpu.memory_space<vmem>>
        %dma_start3A_86 = arith.constant 0 : i32
        %dma_start3A_87 = tpu.memref_slice %arg13[%dma_start3A_86] : memref<10000xf32, #tpu.memory_space<vmem_shared>> -> memref<10000xf32, #tpu.memory_space<vmem_shared>>
        tpu.enqueue_indirect_dma source(%arg11 : memref<125xf32, #tpu.memory_space<vmem>>) target(%dma_start3A_87 : memref<10000xf32, #tpu.memory_space<vmem_shared>>) offsets(%dma_start3A_85 : memref<125xi32, #tpu.memory_space<vmem>>) semaphore(%run_scoped3A : memref<!tpu.dma_semaphore, #tpu.memory_space<semaphore_mem>>) {add = true}
        %dma_wait3A_88 = arith.constant 0 : i32
        %dma_wait3A_89 = tpu.memref_slice %arg7[%add3A_70, %dma_wait3A_88] : memref<80x125xi32, #tpu.memory_space<vmem>> -> memref<1x125xi32, #tpu.memory_space<vmem>>
        %dma_wait3A_90 = tpu.memref_squeeze %dma_wait3A_89 : memref<1x125xi32, #tpu.memory_space<vmem>> -> memref<125xi32, #tpu.memory_space<vmem>>
        %dma_wait3A_91 = arith.constant 0 : i32
        %dma_wait3A_92 = tpu.memref_slice %arg13[%dma_wait3A_91] : memref<10000xf32, #tpu.memory_space<vmem_shared>> -> memref<10000xf32, #tpu.memory_space<vmem_shared>>
        tpu.wait_indirect_dma semaphore(%run_scoped3A : memref<!tpu.dma_semaphore, #tpu.memory_space<semaphore_mem>>) src(%arg11 : memref<125xf32, #tpu.memory_space<vmem>>) dst(%dma_wait3A_92 : memref<10000xf32, #tpu.memory_space<vmem_shared>>)
        tpu.yield
      }) : () -> ()
      %add3A_76 = arith.constant 2 : i32
      %add3A_77 = arith.addi %add3A_70, %add3A_76 : i32
      %lt3A_78 = arith.constant 80 : i32
      %lt3A_79 = arith.cmpi slt, %add3A_77, %lt3A_78 : i32
      %convert_element_type3A_80 = arith.extui %lt3A_79 : i1 to i32
      %cond3A_81 = arith.constant 0 : i32
      %cond3A_82 = arith.cmpi ne, %convert_element_type3A_80, %cond3A_81 : i32
      scf.if %cond3A_82 {
        %add3A_83 = arith.constant 2 : i32
        %add3A_84 = arith.addi %add3A_70, %add3A_83 : i32
        %dma_start3A_85 = arith.constant 0 : i32
        %dma_start3A_86 = tpu.memref_slice %arg6[%add3A_84, %dma_start3A_85] : memref<80x125xi32, #tpu.memory_space<vmem>> -> memref<1x125xi32, #tpu.memory_space<vmem>>
        %dma_start3A_87 = tpu.memref_squeeze %dma_start3A_86 : memref<1x125xi32, #tpu.memory_space<vmem>> -> memref<125xi32, #tpu.memory_space<vmem>>
        %dma_start3A_88 = arith.constant 0 : i32
        %dma_start3A_89 = tpu.memref_slice %arg2[%dma_start3A_88] : memref<10000xf32, #tpu.memory_space<hbm>> -> memref<10000xf32, #tpu.memory_space<hbm>>
        tpu.enqueue_indirect_dma source(%dma_start3A_89 : memref<10000xf32, #tpu.memory_space<hbm>>) target(%arg9 : memref<125xf32, #tpu.memory_space<vmem>>) offsets(%dma_start3A_87 : memref<125xi32, #tpu.memory_space<vmem>>) semaphore(%arg15 : memref<!tpu.dma_semaphore, #tpu.memory_space<semaphore_mem>>)
      } else {
      }
    }
    %scan3A_18 = arith.constant 20 : i32
    %barrier3A_19 = arith.constant 0 : index
    tpu.barrier barrier_id(%barrier3A_19)
    %lt3A_20 = arith.constant 10 : i32
    %lt3A_21 = arith.cmpi slt, %arg1, %lt3A_20 : i32
    %convert_element_type3A_22 = arith.extui %lt3A_21 : i1 to i32
    %cond3A_23 = arith.constant 0 : i32
    %cond3A_24 = arith.cmpi ne, %convert_element_type3A_22, %cond3A_23 : i32
    scf.if %cond3A_24 {
      %mul3A_25 = arith.constant 1000 : i32
      %mul3A_26 = arith.muli %arg1, %mul3A_25 : i32
      "tpu.region"() ({
        %run_scoped3A = tpu.sem_alloc : memref<!tpu.dma_semaphore, #tpu.memory_space<semaphore_mem>>
        %dma_start3A_32 = tpu.memref_slice %arg13[%mul3A_26] : memref<10000xf32, #tpu.memory_space<vmem_shared>> -> memref<1000xf32, #tpu.memory_space<vmem_shared>>
        %dma_start3A_33 = tpu.memref_slice %arg13[%mul3A_26] : memref<10000xf32, #tpu.memory_space<vmem_shared>> -> memref<1000xf32, #tpu.memory_space<vmem_shared>>
        tpu.enqueue_dma source(%dma_start3A_33 : memref<1000xf32, #tpu.memory_space<vmem_shared>>) target(%arg12 : memref<1000xf32, #tpu.memory_space<vmem>>) target_semaphore(%run_scoped3A : memref<!tpu.dma_semaphore, #tpu.memory_space<semaphore_mem>>)
        %dma_wait3A = tpu.memref_slice %arg13[%mul3A_26] : memref<10000xf32, #tpu.memory_space<vmem_shared>> -> memref<1000xf32, #tpu.memory_space<vmem_shared>>
        %dma_wait3A_34 = tpu.memref_slice %arg13[%mul3A_26] : memref<10000xf32, #tpu.memory_space<vmem_shared>> -> memref<1000xf32, #tpu.memory_space<vmem_shared>>
        tpu.wait_dma2 semaphore(%run_scoped3A : memref<!tpu.dma_semaphore, #tpu.memory_space<semaphore_mem>>) src(%dma_wait3A_34 : memref<1000xf32, #tpu.memory_space<vmem_shared>>) dst(%arg12 : memref<1000xf32, #tpu.memory_space<vmem>>)
        tpu.yield
      }) : () -> ()
      %mul3A_27 = arith.constant 10000 : i32
      %mul3A_28 = arith.muli %arg0, %mul3A_27 : i32
      %mul3A_29 = arith.constant 1000 : i32
      %mul3A_30 = arith.muli %arg1, %mul3A_29 : i32
      %add3A_31 = arith.addi %mul3A_28, %mul3A_30 : i32
      "tpu.region"() ({
        %run_scoped3A = tpu.sem_alloc : memref<!tpu.dma_semaphore, #tpu.memory_space<semaphore_mem>>
        %dma_start3A_32 = tpu.memref_slice %arg5[%add3A_31] : memref<20000xf32, #tpu.memory_space<hbm>> -> memref<1000xf32, #tpu.memory_space<hbm>>
        %dma_start3A_33 = tpu.memref_slice %arg5[%add3A_31] : memref<20000xf32, #tpu.memory_space<hbm>> -> memref<1000xf32, #tpu.memory_space<hbm>>
        tpu.enqueue_dma source(%arg12 : memref<1000xf32, #tpu.memory_space<vmem>>) target(%dma_start3A_33 : memref<1000xf32, #tpu.memory_space<hbm>>) target_semaphore(%run_scoped3A : memref<!tpu.dma_semaphore, #tpu.memory_space<semaphore_mem>>)
        %dma_wait3A = tpu.memref_slice %arg5[%add3A_31] : memref<20000xf32, #tpu.memory_space<hbm>> -> memref<1000xf32, #tpu.memory_space<hbm>>
        %dma_wait3A_34 = tpu.memref_slice %arg5[%add3A_31] : memref<20000xf32, #tpu.memory_space<hbm>> -> memref<1000xf32, #tpu.memory_space<hbm>>
        tpu.wait_dma2 semaphore(%run_scoped3A : memref<!tpu.dma_semaphore, #tpu.memory_space<semaphore_mem>>) src(%arg12 : memref<1000xf32, #tpu.memory_space<vmem>>) dst(%dma_wait3A_34 : memref<1000xf32, #tpu.memory_space<hbm>>)
        tpu.yield
      }) : () -> ()
    } else {
    }
    return
  }
}

#map = affine_map<(d0, d1) -> (0)>
#map1 = affine_map<(d0, d1) -> (0, 0, 0)>
module attributes {stable_mosaic.version = 14 : i64} {
  func.func @_sc_count(%arg0: i32, %arg1: i32, %arg2: memref<10000xf32, #tpu.memory_space<hbm>>, %arg3: memref<32x80x125xi32, #tpu.memory_space<hbm>>, %arg4: memref<20000xf32, #tpu.memory_space<hbm>>, %arg5: memref<80x125xi32, #tpu.memory_space<vmem>>, %arg6: memref<128xf32, #tpu.memory_space<vmem>>, %arg7: memref<1000xf32, #tpu.memory_space<vmem>>, %arg8: memref<10000xf32, #tpu.memory_space<vmem_shared>>, %arg9: memref<!tpu.dma_semaphore, #tpu.memory_space<semaphore_mem>>) attributes {dimension_semantics = [#tpu.dimension_semantics<core_parallel>, #tpu.dimension_semantics<subcore_parallel>], iteration_bounds = array<i64: 2, 16>, scalar_prefetch = 0 : i64, scratch_operands = 5 : i64, tpu.core_type = #tpu.core_type<sc_vector_subcore>, window_params = [{transform_indices = #map}, {transform_indices = #map1}, {transform_indices = #map}]} {
    %mul3A = arith.constant 16 : i32
    %mul3A_0 = arith.muli %arg0, %mul3A : i32
    %add3A = arith.addi %mul3A_0, %arg1 : i32
    "tpu.region"() ({
      %run_scoped3A = tpu.sem_alloc : memref<!tpu.dma_semaphore, #tpu.memory_space<semaphore_mem>>
      %dma_start3A = arith.constant 0 : i32
      %dma_start3A_14 = tpu.memref_slice %arg2[%dma_start3A] : memref<10000xf32, #tpu.memory_space<hbm>> -> memref<128xf32, #tpu.memory_space<hbm>>
      %dma_start3A_15 = arith.constant 0 : i32
      %dma_start3A_16 = tpu.memref_slice %arg2[%dma_start3A_15] : memref<10000xf32, #tpu.memory_space<hbm>> -> memref<128xf32, #tpu.memory_space<hbm>>
      tpu.enqueue_dma source(%dma_start3A_16 : memref<128xf32, #tpu.memory_space<hbm>>) target(%arg6 : memref<128xf32, #tpu.memory_space<vmem>>) target_semaphore(%run_scoped3A : memref<!tpu.dma_semaphore, #tpu.memory_space<semaphore_mem>>)
      %dma_wait3A = arith.constant 0 : i32
      %dma_wait3A_17 = tpu.memref_slice %arg2[%dma_wait3A] : memref<10000xf32, #tpu.memory_space<hbm>> -> memref<128xf32, #tpu.memory_space<hbm>>
      %dma_wait3A_18 = arith.constant 0 : i32
      %dma_wait3A_19 = tpu.memref_slice %arg2[%dma_wait3A_18] : memref<10000xf32, #tpu.memory_space<hbm>> -> memref<128xf32, #tpu.memory_space<hbm>>
      tpu.wait_dma2 semaphore(%run_scoped3A : memref<!tpu.dma_semaphore, #tpu.memory_space<semaphore_mem>>) src(%dma_wait3A_19 : memref<128xf32, #tpu.memory_space<hbm>>) dst(%arg6 : memref<128xf32, #tpu.memory_space<vmem>>)
      tpu.yield
    }) : () -> ()
    %lt3A = arith.constant 10 : i32
    %lt3A_1 = arith.cmpi slt, %arg1, %lt3A : i32
    %convert_element_type3A = arith.extui %lt3A_1 : i1 to i32
    %cond3A = arith.constant 0 : i32
    %cond3A_2 = arith.cmpi ne, %convert_element_type3A, %cond3A : i32
    scf.if %cond3A_2 {
      "tpu.region"() ({
        %run_scoped3A = tpu.sem_alloc : memref<!tpu.dma_semaphore, #tpu.memory_space<semaphore_mem>>
        %dma_start3A = arith.constant 0 : i32
        %dma_start3A_16 = tpu.memref_slice %arg2[%dma_start3A] : memref<10000xf32, #tpu.memory_space<hbm>> -> memref<1000xf32, #tpu.memory_space<hbm>>
        %dma_start3A_17 = arith.constant 0 : i32
        %dma_start3A_18 = tpu.memref_slice %arg2[%dma_start3A_17] : memref<10000xf32, #tpu.memory_space<hbm>> -> memref<1000xf32, #tpu.memory_space<hbm>>
        tpu.enqueue_dma source(%dma_start3A_18 : memref<1000xf32, #tpu.memory_space<hbm>>) target(%arg7 : memref<1000xf32, #tpu.memory_space<vmem>>) target_semaphore(%run_scoped3A : memref<!tpu.dma_semaphore, #tpu.memory_space<semaphore_mem>>)
        %dma_wait3A = arith.constant 0 : i32
        %dma_wait3A_19 = tpu.memref_slice %arg2[%dma_wait3A] : memref<10000xf32, #tpu.memory_space<hbm>> -> memref<1000xf32, #tpu.memory_space<hbm>>
        %dma_wait3A_20 = arith.constant 0 : i32
        %dma_wait3A_21 = tpu.memref_slice %arg2[%dma_wait3A_20] : memref<10000xf32, #tpu.memory_space<hbm>> -> memref<1000xf32, #tpu.memory_space<hbm>>
        tpu.wait_dma2 semaphore(%run_scoped3A : memref<!tpu.dma_semaphore, #tpu.memory_space<semaphore_mem>>) src(%dma_wait3A_21 : memref<1000xf32, #tpu.memory_space<hbm>>) dst(%arg7 : memref<1000xf32, #tpu.memory_space<vmem>>)
        tpu.yield
      }) : () -> ()
      %mul3A_14 = arith.constant 1000 : i32
      %mul3A_15 = arith.muli %arg1, %mul3A_14 : i32
      "tpu.region"() ({
        %run_scoped3A = tpu.sem_alloc : memref<!tpu.dma_semaphore, #tpu.memory_space<semaphore_mem>>
        %dma_start3A = tpu.memref_slice %arg8[%mul3A_15] : memref<10000xf32, #tpu.memory_space<vmem_shared>> -> memref<1000xf32, #tpu.memory_space<vmem_shared>>
        %dma_start3A_16 = tpu.memref_slice %arg8[%mul3A_15] : memref<10000xf32, #tpu.memory_space<vmem_shared>> -> memref<1000xf32, #tpu.memory_space<vmem_shared>>
        tpu.enqueue_dma source(%arg7 : memref<1000xf32, #tpu.memory_space<vmem>>) target(%dma_start3A_16 : memref<1000xf32, #tpu.memory_space<vmem_shared>>) target_semaphore(%run_scoped3A : memref<!tpu.dma_semaphore, #tpu.memory_space<semaphore_mem>>)
        %dma_wait3A = tpu.memref_slice %arg8[%mul3A_15] : memref<10000xf32, #tpu.memory_space<vmem_shared>> -> memref<1000xf32, #tpu.memory_space<vmem_shared>>
        %dma_wait3A_17 = tpu.memref_slice %arg8[%mul3A_15] : memref<10000xf32, #tpu.memory_space<vmem_shared>> -> memref<1000xf32, #tpu.memory_space<vmem_shared>>
        tpu.wait_dma2 semaphore(%run_scoped3A : memref<!tpu.dma_semaphore, #tpu.memory_space<semaphore_mem>>) src(%arg7 : memref<1000xf32, #tpu.memory_space<vmem>>) dst(%dma_wait3A_17 : memref<1000xf32, #tpu.memory_space<vmem_shared>>)
        tpu.yield
      }) : () -> ()
    } else {
    }
    "tpu.region"() ({
      %run_scoped3A = tpu.sem_alloc : memref<!tpu.dma_semaphore, #tpu.memory_space<semaphore_mem>>
      %dma_start3A = arith.constant 0 : i32
      %dma_start3A_14 = arith.constant 0 : i32
      %dma_start3A_15 = tpu.memref_slice %arg3[%add3A, %dma_start3A, %dma_start3A_14] : memref<32x80x125xi32, #tpu.memory_space<hbm>> -> memref<1x80x125xi32, #tpu.memory_space<hbm>>
      %dma_start3A_16 = tpu.memref_squeeze %dma_start3A_15 : memref<1x80x125xi32, #tpu.memory_space<hbm>> -> memref<80x125xi32, #tpu.memory_space<hbm>>
      %dma_start3A_17 = arith.constant 0 : i32
      %dma_start3A_18 = arith.constant 0 : i32
      %dma_start3A_19 = tpu.memref_slice %arg3[%add3A, %dma_start3A_17, %dma_start3A_18] : memref<32x80x125xi32, #tpu.memory_space<hbm>> -> memref<1x80x125xi32, #tpu.memory_space<hbm>>
      %dma_start3A_20 = tpu.memref_squeeze %dma_start3A_19 : memref<1x80x125xi32, #tpu.memory_space<hbm>> -> memref<80x125xi32, #tpu.memory_space<hbm>>
      tpu.enqueue_dma source(%dma_start3A_20 : memref<80x125xi32, #tpu.memory_space<hbm>>) target(%arg5 : memref<80x125xi32, #tpu.memory_space<vmem>>) target_semaphore(%run_scoped3A : memref<!tpu.dma_semaphore, #tpu.memory_space<semaphore_mem>>)
      %dma_wait3A = arith.constant 0 : i32
      %dma_wait3A_21 = arith.constant 0 : i32
      %dma_wait3A_22 = tpu.memref_slice %arg3[%add3A, %dma_wait3A, %dma_wait3A_21] : memref<32x80x125xi32, #tpu.memory_space<hbm>> -> memref<1x80x125xi32, #tpu.memory_space<hbm>>
      %dma_wait3A_23 = tpu.memref_squeeze %dma_wait3A_22 : memref<1x80x125xi32, #tpu.memory_space<hbm>> -> memref<80x125xi32, #tpu.memory_space<hbm>>
      %dma_wait3A_24 = arith.constant 0 : i32
      %dma_wait3A_25 = arith.constant 0 : i32
      %dma_wait3A_26 = tpu.memref_slice %arg3[%add3A, %dma_wait3A_24, %dma_wait3A_25] : memref<32x80x125xi32, #tpu.memory_space<hbm>> -> memref<1x80x125xi32, #tpu.memory_space<hbm>>
      %dma_wait3A_27 = tpu.memref_squeeze %dma_wait3A_26 : memref<1x80x125xi32, #tpu.memory_space<hbm>> -> memref<80x125xi32, #tpu.memory_space<hbm>>
      tpu.wait_dma2 semaphore(%run_scoped3A : memref<!tpu.dma_semaphore, #tpu.memory_space<semaphore_mem>>) src(%dma_wait3A_27 : memref<80x125xi32, #tpu.memory_space<hbm>>) dst(%arg5 : memref<80x125xi32, #tpu.memory_space<vmem>>)
      tpu.yield
    }) : () -> ()
    %barrier3A = arith.constant 0 : index
    tpu.barrier barrier_id(%barrier3A)
    %scan3A = arith.constant 0 : i32
    %scan3A_3 = arith.constant 0 : i32
    %scan3A_4 = arith.constant 10 : i32
    %scan3A_5 = arith.addi %scan3A_3, %scan3A_4 : i32
    %scan3A_6 = arith.constant 1 : i32
    scf.for %scan3A_14 = %scan3A_3 to %scan3A_5 step %scan3A_6  : i32 {
      %mul3A_15 = arith.constant 8 : i32
      %mul3A_16 = arith.muli %scan3A_14, %mul3A_15 : i32
      %add3A_17 = arith.constant 0 : i32
      %add3A_18 = arith.addi %mul3A_16, %add3A_17 : i32
      %dma_start3A = arith.constant 0 : i32
      %dma_start3A_19 = tpu.memref_slice %arg6[%dma_start3A] : memref<128xf32, #tpu.memory_space<vmem>> -> memref<125xf32, #tpu.memory_space<vmem>>
      %dma_start3A_20 = arith.constant 0 : i32
      %dma_start3A_21 = tpu.memref_slice %arg5[%add3A_18, %dma_start3A_20] : memref<80x125xi32, #tpu.memory_space<vmem>> -> memref<1x125xi32, #tpu.memory_space<vmem>>
      %dma_start3A_22 = tpu.memref_squeeze %dma_start3A_21 : memref<1x125xi32, #tpu.memory_space<vmem>> -> memref<125xi32, #tpu.memory_space<vmem>>
      %dma_start3A_23 = arith.constant 0 : i32
      %dma_start3A_24 = tpu.memref_slice %arg8[%dma_start3A_23] : memref<10000xf32, #tpu.memory_space<vmem_shared>> -> memref<10000xf32, #tpu.memory_space<vmem_shared>>
      tpu.enqueue_indirect_dma source(%dma_start3A_19 : memref<125xf32, #tpu.memory_space<vmem>>) target(%dma_start3A_24 : memref<10000xf32, #tpu.memory_space<vmem_shared>>) offsets(%dma_start3A_22 : memref<125xi32, #tpu.memory_space<vmem>>) semaphore(%arg9 : memref<!tpu.dma_semaphore, #tpu.memory_space<semaphore_mem>>) {add = true}
      %add3A_25 = arith.constant 1 : i32
      %add3A_26 = arith.addi %mul3A_16, %add3A_25 : i32
      %dma_start3A_27 = arith.constant 0 : i32
      %dma_start3A_28 = tpu.memref_slice %arg6[%dma_start3A_27] : memref<128xf32, #tpu.memory_space<vmem>> -> memref<125xf32, #tpu.memory_space<vmem>>
      %dma_start3A_29 = arith.constant 0 : i32
      %dma_start3A_30 = tpu.memref_slice %arg5[%add3A_26, %dma_start3A_29] : memref<80x125xi32, #tpu.memory_space<vmem>> -> memref<1x125xi32, #tpu.memory_space<vmem>>
      %dma_start3A_31 = tpu.memref_squeeze %dma_start3A_30 : memref<1x125xi32, #tpu.memory_space<vmem>> -> memref<125xi32, #tpu.memory_space<vmem>>
      %dma_start3A_32 = arith.constant 0 : i32
      %dma_start3A_33 = tpu.memref_slice %arg8[%dma_start3A_32] : memref<10000xf32, #tpu.memory_space<vmem_shared>> -> memref<10000xf32, #tpu.memory_space<vmem_shared>>
      tpu.enqueue_indirect_dma source(%dma_start3A_28 : memref<125xf32, #tpu.memory_space<vmem>>) target(%dma_start3A_33 : memref<10000xf32, #tpu.memory_space<vmem_shared>>) offsets(%dma_start3A_31 : memref<125xi32, #tpu.memory_space<vmem>>) semaphore(%arg9 : memref<!tpu.dma_semaphore, #tpu.memory_space<semaphore_mem>>) {add = true}
      %add3A_34 = arith.constant 2 : i32
      %add3A_35 = arith.addi %mul3A_16, %add3A_34 : i32
      %dma_start3A_36 = arith.constant 0 : i32
      %dma_start3A_37 = tpu.memref_slice %arg6[%dma_start3A_36] : memref<128xf32, #tpu.memory_space<vmem>> -> memref<125xf32, #tpu.memory_space<vmem>>
      %dma_start3A_38 = arith.constant 0 : i32
      %dma_start3A_39 = tpu.memref_slice %arg5[%add3A_35, %dma_start3A_38] : memref<80x125xi32, #tpu.memory_space<vmem>> -> memref<1x125xi32, #tpu.memory_space<vmem>>
      %dma_start3A_40 = tpu.memref_squeeze %dma_start3A_39 : memref<1x125xi32, #tpu.memory_space<vmem>> -> memref<125xi32, #tpu.memory_space<vmem>>
      %dma_start3A_41 = arith.constant 0 : i32
      %dma_start3A_42 = tpu.memref_slice %arg8[%dma_start3A_41] : memref<10000xf32, #tpu.memory_space<vmem_shared>> -> memref<10000xf32, #tpu.memory_space<vmem_shared>>
      tpu.enqueue_indirect_dma source(%dma_start3A_37 : memref<125xf32, #tpu.memory_space<vmem>>) target(%dma_start3A_42 : memref<10000xf32, #tpu.memory_space<vmem_shared>>) offsets(%dma_start3A_40 : memref<125xi32, #tpu.memory_space<vmem>>) semaphore(%arg9 : memref<!tpu.dma_semaphore, #tpu.memory_space<semaphore_mem>>) {add = true}
      %add3A_43 = arith.constant 3 : i32
      %add3A_44 = arith.addi %mul3A_16, %add3A_43 : i32
      %dma_start3A_45 = arith.constant 0 : i32
      %dma_start3A_46 = tpu.memref_slice %arg6[%dma_start3A_45] : memref<128xf32, #tpu.memory_space<vmem>> -> memref<125xf32, #tpu.memory_space<vmem>>
      %dma_start3A_47 = arith.constant 0 : i32
      %dma_start3A_48 = tpu.memref_slice %arg5[%add3A_44, %dma_start3A_47] : memref<80x125xi32, #tpu.memory_space<vmem>> -> memref<1x125xi32, #tpu.memory_space<vmem>>
      %dma_start3A_49 = tpu.memref_squeeze %dma_start3A_48 : memref<1x125xi32, #tpu.memory_space<vmem>> -> memref<125xi32, #tpu.memory_space<vmem>>
      %dma_start3A_50 = arith.constant 0 : i32
      %dma_start3A_51 = tpu.memref_slice %arg8[%dma_start3A_50] : memref<10000xf32, #tpu.memory_space<vmem_shared>> -> memref<10000xf32, #tpu.memory_space<vmem_shared>>
      tpu.enqueue_indirect_dma source(%dma_start3A_46 : memref<125xf32, #tpu.memory_space<vmem>>) target(%dma_start3A_51 : memref<10000xf32, #tpu.memory_space<vmem_shared>>) offsets(%dma_start3A_49 : memref<125xi32, #tpu.memory_space<vmem>>) semaphore(%arg9 : memref<!tpu.dma_semaphore, #tpu.memory_space<semaphore_mem>>) {add = true}
      %add3A_52 = arith.constant 4 : i32
      %add3A_53 = arith.addi %mul3A_16, %add3A_52 : i32
      %dma_start3A_54 = arith.constant 0 : i32
      %dma_start3A_55 = tpu.memref_slice %arg6[%dma_start3A_54] : memref<128xf32, #tpu.memory_space<vmem>> -> memref<125xf32, #tpu.memory_space<vmem>>
      %dma_start3A_56 = arith.constant 0 : i32
      %dma_start3A_57 = tpu.memref_slice %arg5[%add3A_53, %dma_start3A_56] : memref<80x125xi32, #tpu.memory_space<vmem>> -> memref<1x125xi32, #tpu.memory_space<vmem>>
      %dma_start3A_58 = tpu.memref_squeeze %dma_start3A_57 : memref<1x125xi32, #tpu.memory_space<vmem>> -> memref<125xi32, #tpu.memory_space<vmem>>
      %dma_start3A_59 = arith.constant 0 : i32
      %dma_start3A_60 = tpu.memref_slice %arg8[%dma_start3A_59] : memref<10000xf32, #tpu.memory_space<vmem_shared>> -> memref<10000xf32, #tpu.memory_space<vmem_shared>>
      tpu.enqueue_indirect_dma source(%dma_start3A_55 : memref<125xf32, #tpu.memory_space<vmem>>) target(%dma_start3A_60 : memref<10000xf32, #tpu.memory_space<vmem_shared>>) offsets(%dma_start3A_58 : memref<125xi32, #tpu.memory_space<vmem>>) semaphore(%arg9 : memref<!tpu.dma_semaphore, #tpu.memory_space<semaphore_mem>>) {add = true}
      %add3A_61 = arith.constant 5 : i32
      %add3A_62 = arith.addi %mul3A_16, %add3A_61 : i32
      %dma_start3A_63 = arith.constant 0 : i32
      %dma_start3A_64 = tpu.memref_slice %arg6[%dma_start3A_63] : memref<128xf32, #tpu.memory_space<vmem>> -> memref<125xf32, #tpu.memory_space<vmem>>
      %dma_start3A_65 = arith.constant 0 : i32
      %dma_start3A_66 = tpu.memref_slice %arg5[%add3A_62, %dma_start3A_65] : memref<80x125xi32, #tpu.memory_space<vmem>> -> memref<1x125xi32, #tpu.memory_space<vmem>>
      %dma_start3A_67 = tpu.memref_squeeze %dma_start3A_66 : memref<1x125xi32, #tpu.memory_space<vmem>> -> memref<125xi32, #tpu.memory_space<vmem>>
      %dma_start3A_68 = arith.constant 0 : i32
      %dma_start3A_69 = tpu.memref_slice %arg8[%dma_start3A_68] : memref<10000xf32, #tpu.memory_space<vmem_shared>> -> memref<10000xf32, #tpu.memory_space<vmem_shared>>
      tpu.enqueue_indirect_dma source(%dma_start3A_64 : memref<125xf32, #tpu.memory_space<vmem>>) target(%dma_start3A_69 : memref<10000xf32, #tpu.memory_space<vmem_shared>>) offsets(%dma_start3A_67 : memref<125xi32, #tpu.memory_space<vmem>>) semaphore(%arg9 : memref<!tpu.dma_semaphore, #tpu.memory_space<semaphore_mem>>) {add = true}
      %add3A_70 = arith.constant 6 : i32
      %add3A_71 = arith.addi %mul3A_16, %add3A_70 : i32
      %dma_start3A_72 = arith.constant 0 : i32
      %dma_start3A_73 = tpu.memref_slice %arg6[%dma_start3A_72] : memref<128xf32, #tpu.memory_space<vmem>> -> memref<125xf32, #tpu.memory_space<vmem>>
      %dma_start3A_74 = arith.constant 0 : i32
      %dma_start3A_75 = tpu.memref_slice %arg5[%add3A_71, %dma_start3A_74] : memref<80x125xi32, #tpu.memory_space<vmem>> -> memref<1x125xi32, #tpu.memory_space<vmem>>
      %dma_start3A_76 = tpu.memref_squeeze %dma_start3A_75 : memref<1x125xi32, #tpu.memory_space<vmem>> -> memref<125xi32, #tpu.memory_space<vmem>>
      %dma_start3A_77 = arith.constant 0 : i32
      %dma_start3A_78 = tpu.memref_slice %arg8[%dma_start3A_77] : memref<10000xf32, #tpu.memory_space<vmem_shared>> -> memref<10000xf32, #tpu.memory_space<vmem_shared>>
      tpu.enqueue_indirect_dma source(%dma_start3A_73 : memref<125xf32, #tpu.memory_space<vmem>>) target(%dma_start3A_78 : memref<10000xf32, #tpu.memory_space<vmem_shared>>) offsets(%dma_start3A_76 : memref<125xi32, #tpu.memory_space<vmem>>) semaphore(%arg9 : memref<!tpu.dma_semaphore, #tpu.memory_space<semaphore_mem>>) {add = true}
      %add3A_79 = arith.constant 7 : i32
      %add3A_80 = arith.addi %mul3A_16, %add3A_79 : i32
      %dma_start3A_81 = arith.constant 0 : i32
      %dma_start3A_82 = tpu.memref_slice %arg6[%dma_start3A_81] : memref<128xf32, #tpu.memory_space<vmem>> -> memref<125xf32, #tpu.memory_space<vmem>>
      %dma_start3A_83 = arith.constant 0 : i32
      %dma_start3A_84 = tpu.memref_slice %arg5[%add3A_80, %dma_start3A_83] : memref<80x125xi32, #tpu.memory_space<vmem>> -> memref<1x125xi32, #tpu.memory_space<vmem>>
      %dma_start3A_85 = tpu.memref_squeeze %dma_start3A_84 : memref<1x125xi32, #tpu.memory_space<vmem>> -> memref<125xi32, #tpu.memory_space<vmem>>
      %dma_start3A_86 = arith.constant 0 : i32
      %dma_start3A_87 = tpu.memref_slice %arg8[%dma_start3A_86] : memref<10000xf32, #tpu.memory_space<vmem_shared>> -> memref<10000xf32, #tpu.memory_space<vmem_shared>>
      tpu.enqueue_indirect_dma source(%dma_start3A_82 : memref<125xf32, #tpu.memory_space<vmem>>) target(%dma_start3A_87 : memref<10000xf32, #tpu.memory_space<vmem_shared>>) offsets(%dma_start3A_85 : memref<125xi32, #tpu.memory_space<vmem>>) semaphore(%arg9 : memref<!tpu.dma_semaphore, #tpu.memory_space<semaphore_mem>>) {add = true}
      %add3A_88 = arith.constant 0 : i32
      %add3A_89 = arith.addi %mul3A_16, %add3A_88 : i32
      %dma_wait3A = arith.constant 0 : i32
      %dma_wait3A_90 = tpu.memref_slice %arg6[%dma_wait3A] : memref<128xf32, #tpu.memory_space<vmem>> -> memref<125xf32, #tpu.memory_space<vmem>>
      %dma_wait3A_91 = arith.constant 0 : i32
      %dma_wait3A_92 = tpu.memref_slice %arg5[%add3A_89, %dma_wait3A_91] : memref<80x125xi32, #tpu.memory_space<vmem>> -> memref<1x125xi32, #tpu.memory_space<vmem>>
      %dma_wait3A_93 = tpu.memref_squeeze %dma_wait3A_92 : memref<1x125xi32, #tpu.memory_space<vmem>> -> memref<125xi32, #tpu.memory_space<vmem>>
      %dma_wait3A_94 = arith.constant 0 : i32
      %dma_wait3A_95 = tpu.memref_slice %arg8[%dma_wait3A_94] : memref<10000xf32, #tpu.memory_space<vmem_shared>> -> memref<10000xf32, #tpu.memory_space<vmem_shared>>
      tpu.wait_indirect_dma semaphore(%arg9 : memref<!tpu.dma_semaphore, #tpu.memory_space<semaphore_mem>>) src(%dma_wait3A_90 : memref<125xf32, #tpu.memory_space<vmem>>) dst(%dma_wait3A_95 : memref<10000xf32, #tpu.memory_space<vmem_shared>>)
      %add3A_96 = arith.constant 1 : i32
      %add3A_97 = arith.addi %mul3A_16, %add3A_96 : i32
      %dma_wait3A_98 = arith.constant 0 : i32
      %dma_wait3A_99 = tpu.memref_slice %arg6[%dma_wait3A_98] : memref<128xf32, #tpu.memory_space<vmem>> -> memref<125xf32, #tpu.memory_space<vmem>>
      %dma_wait3A_100 = arith.constant 0 : i32
      %dma_wait3A_101 = tpu.memref_slice %arg5[%add3A_97, %dma_wait3A_100] : memref<80x125xi32, #tpu.memory_space<vmem>> -> memref<1x125xi32, #tpu.memory_space<vmem>>
      %dma_wait3A_102 = tpu.memref_squeeze %dma_wait3A_101 : memref<1x125xi32, #tpu.memory_space<vmem>> -> memref<125xi32, #tpu.memory_space<vmem>>
      %dma_wait3A_103 = arith.constant 0 : i32
      %dma_wait3A_104 = tpu.memref_slice %arg8[%dma_wait3A_103] : memref<10000xf32, #tpu.memory_space<vmem_shared>> -> memref<10000xf32, #tpu.memory_space<vmem_shared>>
      tpu.wait_indirect_dma semaphore(%arg9 : memref<!tpu.dma_semaphore, #tpu.memory_space<semaphore_mem>>) src(%dma_wait3A_99 : memref<125xf32, #tpu.memory_space<vmem>>) dst(%dma_wait3A_104 : memref<10000xf32, #tpu.memory_space<vmem_shared>>)
      %add3A_105 = arith.constant 2 : i32
      %add3A_106 = arith.addi %mul3A_16, %add3A_105 : i32
      %dma_wait3A_107 = arith.constant 0 : i32
      %dma_wait3A_108 = tpu.memref_slice %arg6[%dma_wait3A_107] : memref<128xf32, #tpu.memory_space<vmem>> -> memref<125xf32, #tpu.memory_space<vmem>>
      %dma_wait3A_109 = arith.constant 0 : i32
      %dma_wait3A_110 = tpu.memref_slice %arg5[%add3A_106, %dma_wait3A_109] : memref<80x125xi32, #tpu.memory_space<vmem>> -> memref<1x125xi32, #tpu.memory_space<vmem>>
      %dma_wait3A_111 = tpu.memref_squeeze %dma_wait3A_110 : memref<1x125xi32, #tpu.memory_space<vmem>> -> memref<125xi32, #tpu.memory_space<vmem>>
      %dma_wait3A_112 = arith.constant 0 : i32
      %dma_wait3A_113 = tpu.memref_slice %arg8[%dma_wait3A_112] : memref<10000xf32, #tpu.memory_space<vmem_shared>> -> memref<10000xf32, #tpu.memory_space<vmem_shared>>
      tpu.wait_indirect_dma semaphore(%arg9 : memref<!tpu.dma_semaphore, #tpu.memory_space<semaphore_mem>>) src(%dma_wait3A_108 : memref<125xf32, #tpu.memory_space<vmem>>) dst(%dma_wait3A_113 : memref<10000xf32, #tpu.memory_space<vmem_shared>>)
      %add3A_114 = arith.constant 3 : i32
      %add3A_115 = arith.addi %mul3A_16, %add3A_114 : i32
      %dma_wait3A_116 = arith.constant 0 : i32
      %dma_wait3A_117 = tpu.memref_slice %arg6[%dma_wait3A_116] : memref<128xf32, #tpu.memory_space<vmem>> -> memref<125xf32, #tpu.memory_space<vmem>>
      %dma_wait3A_118 = arith.constant 0 : i32
      %dma_wait3A_119 = tpu.memref_slice %arg5[%add3A_115, %dma_wait3A_118] : memref<80x125xi32, #tpu.memory_space<vmem>> -> memref<1x125xi32, #tpu.memory_space<vmem>>
      %dma_wait3A_120 = tpu.memref_squeeze %dma_wait3A_119 : memref<1x125xi32, #tpu.memory_space<vmem>> -> memref<125xi32, #tpu.memory_space<vmem>>
      %dma_wait3A_121 = arith.constant 0 : i32
      %dma_wait3A_122 = tpu.memref_slice %arg8[%dma_wait3A_121] : memref<10000xf32, #tpu.memory_space<vmem_shared>> -> memref<10000xf32, #tpu.memory_space<vmem_shared>>
      tpu.wait_indirect_dma semaphore(%arg9 : memref<!tpu.dma_semaphore, #tpu.memory_space<semaphore_mem>>) src(%dma_wait3A_117 : memref<125xf32, #tpu.memory_space<vmem>>) dst(%dma_wait3A_122 : memref<10000xf32, #tpu.memory_space<vmem_shared>>)
      %add3A_123 = arith.constant 4 : i32
      %add3A_124 = arith.addi %mul3A_16, %add3A_123 : i32
      %dma_wait3A_125 = arith.constant 0 : i32
      %dma_wait3A_126 = tpu.memref_slice %arg6[%dma_wait3A_125] : memref<128xf32, #tpu.memory_space<vmem>> -> memref<125xf32, #tpu.memory_space<vmem>>
      %dma_wait3A_127 = arith.constant 0 : i32
      %dma_wait3A_128 = tpu.memref_slice %arg5[%add3A_124, %dma_wait3A_127] : memref<80x125xi32, #tpu.memory_space<vmem>> -> memref<1x125xi32, #tpu.memory_space<vmem>>
      %dma_wait3A_129 = tpu.memref_squeeze %dma_wait3A_128 : memref<1x125xi32, #tpu.memory_space<vmem>> -> memref<125xi32, #tpu.memory_space<vmem>>
      %dma_wait3A_130 = arith.constant 0 : i32
      %dma_wait3A_131 = tpu.memref_slice %arg8[%dma_wait3A_130] : memref<10000xf32, #tpu.memory_space<vmem_shared>> -> memref<10000xf32, #tpu.memory_space<vmem_shared>>
      tpu.wait_indirect_dma semaphore(%arg9 : memref<!tpu.dma_semaphore, #tpu.memory_space<semaphore_mem>>) src(%dma_wait3A_126 : memref<125xf32, #tpu.memory_space<vmem>>) dst(%dma_wait3A_131 : memref<10000xf32, #tpu.memory_space<vmem_shared>>)
      %add3A_132 = arith.constant 5 : i32
      %add3A_133 = arith.addi %mul3A_16, %add3A_132 : i32
      %dma_wait3A_134 = arith.constant 0 : i32
      %dma_wait3A_135 = tpu.memref_slice %arg6[%dma_wait3A_134] : memref<128xf32, #tpu.memory_space<vmem>> -> memref<125xf32, #tpu.memory_space<vmem>>
      %dma_wait3A_136 = arith.constant 0 : i32
      %dma_wait3A_137 = tpu.memref_slice %arg5[%add3A_133, %dma_wait3A_136] : memref<80x125xi32, #tpu.memory_space<vmem>> -> memref<1x125xi32, #tpu.memory_space<vmem>>
      %dma_wait3A_138 = tpu.memref_squeeze %dma_wait3A_137 : memref<1x125xi32, #tpu.memory_space<vmem>> -> memref<125xi32, #tpu.memory_space<vmem>>
      %dma_wait3A_139 = arith.constant 0 : i32
      %dma_wait3A_140 = tpu.memref_slice %arg8[%dma_wait3A_139] : memref<10000xf32, #tpu.memory_space<vmem_shared>> -> memref<10000xf32, #tpu.memory_space<vmem_shared>>
      tpu.wait_indirect_dma semaphore(%arg9 : memref<!tpu.dma_semaphore, #tpu.memory_space<semaphore_mem>>) src(%dma_wait3A_135 : memref<125xf32, #tpu.memory_space<vmem>>) dst(%dma_wait3A_140 : memref<10000xf32, #tpu.memory_space<vmem_shared>>)
      %add3A_141 = arith.constant 6 : i32
      %add3A_142 = arith.addi %mul3A_16, %add3A_141 : i32
      %dma_wait3A_143 = arith.constant 0 : i32
      %dma_wait3A_144 = tpu.memref_slice %arg6[%dma_wait3A_143] : memref<128xf32, #tpu.memory_space<vmem>> -> memref<125xf32, #tpu.memory_space<vmem>>
      %dma_wait3A_145 = arith.constant 0 : i32
      %dma_wait3A_146 = tpu.memref_slice %arg5[%add3A_142, %dma_wait3A_145] : memref<80x125xi32, #tpu.memory_space<vmem>> -> memref<1x125xi32, #tpu.memory_space<vmem>>
      %dma_wait3A_147 = tpu.memref_squeeze %dma_wait3A_146 : memref<1x125xi32, #tpu.memory_space<vmem>> -> memref<125xi32, #tpu.memory_space<vmem>>
      %dma_wait3A_148 = arith.constant 0 : i32
      %dma_wait3A_149 = tpu.memref_slice %arg8[%dma_wait3A_148] : memref<10000xf32, #tpu.memory_space<vmem_shared>> -> memref<10000xf32, #tpu.memory_space<vmem_shared>>
      tpu.wait_indirect_dma semaphore(%arg9 : memref<!tpu.dma_semaphore, #tpu.memory_space<semaphore_mem>>) src(%dma_wait3A_144 : memref<125xf32, #tpu.memory_space<vmem>>) dst(%dma_wait3A_149 : memref<10000xf32, #tpu.memory_space<vmem_shared>>)
      %add3A_150 = arith.constant 7 : i32
      %add3A_151 = arith.addi %mul3A_16, %add3A_150 : i32
      %dma_wait3A_152 = arith.constant 0 : i32
      %dma_wait3A_153 = tpu.memref_slice %arg6[%dma_wait3A_152] : memref<128xf32, #tpu.memory_space<vmem>> -> memref<125xf32, #tpu.memory_space<vmem>>
      %dma_wait3A_154 = arith.constant 0 : i32
      %dma_wait3A_155 = tpu.memref_slice %arg5[%add3A_151, %dma_wait3A_154] : memref<80x125xi32, #tpu.memory_space<vmem>> -> memref<1x125xi32, #tpu.memory_space<vmem>>
      %dma_wait3A_156 = tpu.memref_squeeze %dma_wait3A_155 : memref<1x125xi32, #tpu.memory_space<vmem>> -> memref<125xi32, #tpu.memory_space<vmem>>
      %dma_wait3A_157 = arith.constant 0 : i32
      %dma_wait3A_158 = tpu.memref_slice %arg8[%dma_wait3A_157] : memref<10000xf32, #tpu.memory_space<vmem_shared>> -> memref<10000xf32, #tpu.memory_space<vmem_shared>>
      tpu.wait_indirect_dma semaphore(%arg9 : memref<!tpu.dma_semaphore, #tpu.memory_space<semaphore_mem>>) src(%dma_wait3A_153 : memref<125xf32, #tpu.memory_space<vmem>>) dst(%dma_wait3A_158 : memref<10000xf32, #tpu.memory_space<vmem_shared>>)
    }
    %scan3A_7 = arith.constant 10 : i32
    %barrier3A_8 = arith.constant 0 : index
    tpu.barrier barrier_id(%barrier3A_8)
    %lt3A_9 = arith.constant 10 : i32
    %lt3A_10 = arith.cmpi slt, %arg1, %lt3A_9 : i32
    %convert_element_type3A_11 = arith.extui %lt3A_10 : i1 to i32
    %cond3A_12 = arith.constant 0 : i32
    %cond3A_13 = arith.cmpi ne, %convert_element_type3A_11, %cond3A_12 : i32
    scf.if %cond3A_13 {
      %mul3A_14 = arith.constant 1000 : i32
      %mul3A_15 = arith.muli %arg1, %mul3A_14 : i32
      "tpu.region"() ({
        %run_scoped3A = tpu.sem_alloc : memref<!tpu.dma_semaphore, #tpu.memory_space<semaphore_mem>>
        %dma_start3A = tpu.memref_slice %arg8[%mul3A_15] : memref<10000xf32, #tpu.memory_space<vmem_shared>> -> memref<1000xf32, #tpu.memory_space<vmem_shared>>
        %dma_start3A_21 = tpu.memref_slice %arg8[%mul3A_15] : memref<10000xf32, #tpu.memory_space<vmem_shared>> -> memref<1000xf32, #tpu.memory_space<vmem_shared>>
        tpu.enqueue_dma source(%dma_start3A_21 : memref<1000xf32, #tpu.memory_space<vmem_shared>>) target(%arg7 : memref<1000xf32, #tpu.memory_space<vmem>>) target_semaphore(%run_scoped3A : memref<!tpu.dma_semaphore, #tpu.memory_space<semaphore_mem>>)
        %dma_wait3A = tpu.memref_slice %arg8[%mul3A_15] : memref<10000xf32, #tpu.memory_space<vmem_shared>> -> memref<1000xf32, #tpu.memory_space<vmem_shared>>
        %dma_wait3A_22 = tpu.memref_slice %arg8[%mul3A_15] : memref<10000xf32, #tpu.memory_space<vmem_shared>> -> memref<1000xf32, #tpu.memory_space<vmem_shared>>
        tpu.wait_dma2 semaphore(%run_scoped3A : memref<!tpu.dma_semaphore, #tpu.memory_space<semaphore_mem>>) src(%dma_wait3A_22 : memref<1000xf32, #tpu.memory_space<vmem_shared>>) dst(%arg7 : memref<1000xf32, #tpu.memory_space<vmem>>)
        tpu.yield
      }) : () -> ()
      %mul3A_16 = arith.constant 10000 : i32
      %mul3A_17 = arith.muli %arg0, %mul3A_16 : i32
      %mul3A_18 = arith.constant 1000 : i32
      %mul3A_19 = arith.muli %arg1, %mul3A_18 : i32
      %add3A_20 = arith.addi %mul3A_17, %mul3A_19 : i32
      "tpu.region"() ({
        %run_scoped3A = tpu.sem_alloc : memref<!tpu.dma_semaphore, #tpu.memory_space<semaphore_mem>>
        %dma_start3A = tpu.memref_slice %arg4[%add3A_20] : memref<20000xf32, #tpu.memory_space<hbm>> -> memref<1000xf32, #tpu.memory_space<hbm>>
        %dma_start3A_21 = tpu.memref_slice %arg4[%add3A_20] : memref<20000xf32, #tpu.memory_space<hbm>> -> memref<1000xf32, #tpu.memory_space<hbm>>
        tpu.enqueue_dma source(%arg7 : memref<1000xf32, #tpu.memory_space<vmem>>) target(%dma_start3A_21 : memref<1000xf32, #tpu.memory_space<hbm>>) target_semaphore(%run_scoped3A : memref<!tpu.dma_semaphore, #tpu.memory_space<semaphore_mem>>)
        %dma_wait3A = tpu.memref_slice %arg4[%add3A_20] : memref<20000xf32, #tpu.memory_space<hbm>> -> memref<1000xf32, #tpu.memory_space<hbm>>
        %dma_wait3A_22 = tpu.memref_slice %arg4[%add3A_20] : memref<20000xf32, #tpu.memory_space<hbm>> -> memref<1000xf32, #tpu.memory_space<hbm>>
        tpu.wait_dma2 semaphore(%run_scoped3A : memref<!tpu.dma_semaphore, #tpu.memory_space<semaphore_mem>>) src(%arg7 : memref<1000xf32, #tpu.memory_space<vmem>>) dst(%dma_wait3A_22 : memref<1000xf32, #tpu.memory_space<hbm>>)
        tpu.yield
      }) : () -> ()
    } else {
    }
    return
  }
}

#map = affine_map<(d0, d1) -> (0, 0)>
#map1 = affine_map<(d0, d1) -> (0, 0, 0, 0)>
#map2 = affine_map<(d0, d1) -> (0, 0, 0)>
module attributes {stable_mosaic.version = 14 : i64} {
  func.func @_sc_agg(%arg0: i32, %arg1: i32, %arg2: memref<20000x64xf32, #tpu.memory_space<hbm>>, %arg3: memref<10000x64xf32, #tpu.memory_space<hbm>>, %arg4: memref<2x16x160x125xi32, #tpu.memory_space<hbm>>, %arg5: memref<16x160x125xi32, #tpu.memory_space<hbm>>, %arg6: memref<2x10000x64xf32, #tpu.memory_space<hbm>>, %arg7: memref<160x125xi32, #tpu.memory_space<vmem>>, %arg8: memref<160x125xi32, #tpu.memory_space<vmem>>, %arg9: memref<125x64xf32, #tpu.memory_space<vmem>>, %arg10: memref<125x64xf32, #tpu.memory_space<vmem>>, %arg11: memref<125x64xf32, #tpu.memory_space<vmem>>, %arg12: memref<125x64xf32, #tpu.memory_space<vmem>>, %arg13: memref<40x64xf32, #tpu.memory_space<vmem>>, %arg14: memref<40x64xf32, #tpu.memory_space<vmem>>, %arg15: memref<10000x64xf32, #tpu.memory_space<vmem_shared>>, %arg16: memref<!tpu.dma_semaphore, #tpu.memory_space<semaphore_mem>>, %arg17: memref<!tpu.dma_semaphore, #tpu.memory_space<semaphore_mem>>, %arg18: memref<!tpu.dma_semaphore, #tpu.memory_space<semaphore_mem>>, %arg19: memref<!tpu.dma_semaphore, #tpu.memory_space<semaphore_mem>>, %arg20: memref<!tpu.dma_semaphore, #tpu.memory_space<semaphore_mem>>) attributes {dimension_semantics = [#tpu.dimension_semantics<core_parallel>, #tpu.dimension_semantics<subcore_parallel>], iteration_bounds = array<i64: 2, 16>, scalar_prefetch = 0 : i64, scratch_operands = 14 : i64, tpu.core_type = #tpu.core_type<sc_vector_subcore>, window_params = [{transform_indices = #map}, {transform_indices = #map}, {transform_indices = #map1}, {transform_indices = #map2}, {transform_indices = #map2}]} {
    %lt3A = arith.constant 10 : i32
    %lt3A_0 = arith.cmpi slt, %arg1, %lt3A : i32
    %convert_element_type3A = arith.extui %lt3A_0 : i1 to i32
    %cond3A = arith.constant 0 : i32
    %cond3A_1 = arith.cmpi ne, %convert_element_type3A, %cond3A : i32
    scf.if %cond3A_1 {
      "tpu.region"() ({
        %run_scoped3A = tpu.sem_alloc : memref<!tpu.dma_semaphore, #tpu.memory_space<semaphore_mem>>
        %dma_start3A_337 = arith.constant 0 : i32
        %dma_start3A_338 = arith.constant 0 : i32
        %dma_start3A_339 = tpu.memref_slice %arg3[%dma_start3A_337, %dma_start3A_338] : memref<10000x64xf32, #tpu.memory_space<hbm>> -> memref<40x64xf32, #tpu.memory_space<hbm>>
        %dma_start3A_340 = arith.constant 0 : i32
        %dma_start3A_341 = arith.constant 0 : i32
        %dma_start3A_342 = tpu.memref_slice %arg3[%dma_start3A_340, %dma_start3A_341] : memref<10000x64xf32, #tpu.memory_space<hbm>> -> memref<40x64xf32, #tpu.memory_space<hbm>>
        tpu.enqueue_dma source(%dma_start3A_342 : memref<40x64xf32, #tpu.memory_space<hbm>>) target(%arg13 : memref<40x64xf32, #tpu.memory_space<vmem>>) target_semaphore(%run_scoped3A : memref<!tpu.dma_semaphore, #tpu.memory_space<semaphore_mem>>)
        %dma_wait3A_343 = arith.constant 0 : i32
        %dma_wait3A_344 = arith.constant 0 : i32
        %dma_wait3A_345 = tpu.memref_slice %arg3[%dma_wait3A_343, %dma_wait3A_344] : memref<10000x64xf32, #tpu.memory_space<hbm>> -> memref<40x64xf32, #tpu.memory_space<hbm>>
        %dma_wait3A_346 = arith.constant 0 : i32
        %dma_wait3A_347 = arith.constant 0 : i32
        %dma_wait3A_348 = tpu.memref_slice %arg3[%dma_wait3A_346, %dma_wait3A_347] : memref<10000x64xf32, #tpu.memory_space<hbm>> -> memref<40x64xf32, #tpu.memory_space<hbm>>
        tpu.wait_dma2 semaphore(%run_scoped3A : memref<!tpu.dma_semaphore, #tpu.memory_space<semaphore_mem>>) src(%dma_wait3A_348 : memref<40x64xf32, #tpu.memory_space<hbm>>) dst(%arg13 : memref<40x64xf32, #tpu.memory_space<vmem>>)
        tpu.yield
      }) : () -> ()
      %mul3A = arith.constant 1000 : i32
      %mul3A_39 = arith.muli %arg1, %mul3A : i32
      %add3A = arith.constant 0 : i32
      %add3A_40 = arith.addi %mul3A_39, %add3A : i32
      %dma_start3A_41 = arith.constant 0 : i32
      %dma_start3A_42 = tpu.memref_slice %arg15[%add3A_40, %dma_start3A_41] : memref<10000x64xf32, #tpu.memory_space<vmem_shared>> -> memref<40x64xf32, #tpu.memory_space<vmem_shared>>
      %dma_start3A_43 = arith.constant 0 : i32
      %dma_start3A_44 = tpu.memref_slice %arg15[%add3A_40, %dma_start3A_43] : memref<10000x64xf32, #tpu.memory_space<vmem_shared>> -> memref<40x64xf32, #tpu.memory_space<vmem_shared>>
      tpu.enqueue_dma source(%arg13 : memref<40x64xf32, #tpu.memory_space<vmem>>) target(%dma_start3A_44 : memref<40x64xf32, #tpu.memory_space<vmem_shared>>) target_semaphore(%arg16 : memref<!tpu.dma_semaphore, #tpu.memory_space<semaphore_mem>>)
      %mul3A_45 = arith.constant 1000 : i32
      %mul3A_46 = arith.muli %arg1, %mul3A_45 : i32
      %add3A_47 = arith.constant 40 : i32
      %add3A_48 = arith.addi %mul3A_46, %add3A_47 : i32
      %dma_start3A_49 = arith.constant 0 : i32
      %dma_start3A_50 = tpu.memref_slice %arg15[%add3A_48, %dma_start3A_49] : memref<10000x64xf32, #tpu.memory_space<vmem_shared>> -> memref<40x64xf32, #tpu.memory_space<vmem_shared>>
      %dma_start3A_51 = arith.constant 0 : i32
      %dma_start3A_52 = tpu.memref_slice %arg15[%add3A_48, %dma_start3A_51] : memref<10000x64xf32, #tpu.memory_space<vmem_shared>> -> memref<40x64xf32, #tpu.memory_space<vmem_shared>>
      tpu.enqueue_dma source(%arg13 : memref<40x64xf32, #tpu.memory_space<vmem>>) target(%dma_start3A_52 : memref<40x64xf32, #tpu.memory_space<vmem_shared>>) target_semaphore(%arg16 : memref<!tpu.dma_semaphore, #tpu.memory_space<semaphore_mem>>)
      %mul3A_53 = arith.constant 1000 : i32
      %mul3A_54 = arith.muli %arg1, %mul3A_53 : i32
      %add3A_55 = arith.constant 80 : i32
      %add3A_56 = arith.addi %mul3A_54, %add3A_55 : i32
      %dma_start3A_57 = arith.constant 0 : i32
      %dma_start3A_58 = tpu.memref_slice %arg15[%add3A_56, %dma_start3A_57] : memref<10000x64xf32, #tpu.memory_space<vmem_shared>> -> memref<40x64xf32, #tpu.memory_space<vmem_shared>>
      %dma_start3A_59 = arith.constant 0 : i32
      %dma_start3A_60 = tpu.memref_slice %arg15[%add3A_56, %dma_start3A_59] : memref<10000x64xf32, #tpu.memory_space<vmem_shared>> -> memref<40x64xf32, #tpu.memory_space<vmem_shared>>
      tpu.enqueue_dma source(%arg13 : memref<40x64xf32, #tpu.memory_space<vmem>>) target(%dma_start3A_60 : memref<40x64xf32, #tpu.memory_space<vmem_shared>>) target_semaphore(%arg16 : memref<!tpu.dma_semaphore, #tpu.memory_space<semaphore_mem>>)
      %mul3A_61 = arith.constant 1000 : i32
      %mul3A_62 = arith.muli %arg1, %mul3A_61 : i32
      %add3A_63 = arith.constant 120 : i32
      %add3A_64 = arith.addi %mul3A_62, %add3A_63 : i32
      %dma_start3A_65 = arith.constant 0 : i32
      %dma_start3A_66 = tpu.memref_slice %arg15[%add3A_64, %dma_start3A_65] : memref<10000x64xf32, #tpu.memory_space<vmem_shared>> -> memref<40x64xf32, #tpu.memory_space<vmem_shared>>
      %dma_start3A_67 = arith.constant 0 : i32
      %dma_start3A_68 = tpu.memref_slice %arg15[%add3A_64, %dma_start3A_67] : memref<10000x64xf32, #tpu.memory_space<vmem_shared>> -> memref<40x64xf32, #tpu.memory_space<vmem_shared>>
      tpu.enqueue_dma source(%arg13 : memref<40x64xf32, #tpu.memory_space<vmem>>) target(%dma_start3A_68 : memref<40x64xf32, #tpu.memory_space<vmem_shared>>) target_semaphore(%arg16 : memref<!tpu.dma_semaphore, #tpu.memory_space<semaphore_mem>>)
      %mul3A_69 = arith.constant 1000 : i32
      %mul3A_70 = arith.muli %arg1, %mul3A_69 : i32
      %add3A_71 = arith.constant 160 : i32
      %add3A_72 = arith.addi %mul3A_70, %add3A_71 : i32
      %dma_start3A_73 = arith.constant 0 : i32
      %dma_start3A_74 = tpu.memref_slice %arg15[%add3A_72, %dma_start3A_73] : memref<10000x64xf32, #tpu.memory_space<vmem_shared>> -> memref<40x64xf32, #tpu.memory_space<vmem_shared>>
      %dma_start3A_75 = arith.constant 0 : i32
      %dma_start3A_76 = tpu.memref_slice %arg15[%add3A_72, %dma_start3A_75] : memref<10000x64xf32, #tpu.memory_space<vmem_shared>> -> memref<40x64xf32, #tpu.memory_space<vmem_shared>>
      tpu.enqueue_dma source(%arg13 : memref<40x64xf32, #tpu.memory_space<vmem>>) target(%dma_start3A_76 : memref<40x64xf32, #tpu.memory_space<vmem_shared>>) target_semaphore(%arg16 : memref<!tpu.dma_semaphore, #tpu.memory_space<semaphore_mem>>)
      %mul3A_77 = arith.constant 1000 : i32
      %mul3A_78 = arith.muli %arg1, %mul3A_77 : i32
      %add3A_79 = arith.constant 200 : i32
      %add3A_80 = arith.addi %mul3A_78, %add3A_79 : i32
      %dma_start3A_81 = arith.constant 0 : i32
      %dma_start3A_82 = tpu.memref_slice %arg15[%add3A_80, %dma_start3A_81] : memref<10000x64xf32, #tpu.memory_space<vmem_shared>> -> memref<40x64xf32, #tpu.memory_space<vmem_shared>>
      %dma_start3A_83 = arith.constant 0 : i32
      %dma_start3A_84 = tpu.memref_slice %arg15[%add3A_80, %dma_start3A_83] : memref<10000x64xf32, #tpu.memory_space<vmem_shared>> -> memref<40x64xf32, #tpu.memory_space<vmem_shared>>
      tpu.enqueue_dma source(%arg13 : memref<40x64xf32, #tpu.memory_space<vmem>>) target(%dma_start3A_84 : memref<40x64xf32, #tpu.memory_space<vmem_shared>>) target_semaphore(%arg16 : memref<!tpu.dma_semaphore, #tpu.memory_space<semaphore_mem>>)
      %mul3A_85 = arith.constant 1000 : i32
      %mul3A_86 = arith.muli %arg1, %mul3A_85 : i32
      %add3A_87 = arith.constant 240 : i32
      %add3A_88 = arith.addi %mul3A_86, %add3A_87 : i32
      %dma_start3A_89 = arith.constant 0 : i32
      %dma_start3A_90 = tpu.memref_slice %arg15[%add3A_88, %dma_start3A_89] : memref<10000x64xf32, #tpu.memory_space<vmem_shared>> -> memref<40x64xf32, #tpu.memory_space<vmem_shared>>
      %dma_start3A_91 = arith.constant 0 : i32
      %dma_start3A_92 = tpu.memref_slice %arg15[%add3A_88, %dma_start3A_91] : memref<10000x64xf32, #tpu.memory_space<vmem_shared>> -> memref<40x64xf32, #tpu.memory_space<vmem_shared>>
      tpu.enqueue_dma source(%arg13 : memref<40x64xf32, #tpu.memory_space<vmem>>) target(%dma_start3A_92 : memref<40x64xf32, #tpu.memory_space<vmem_shared>>) target_semaphore(%arg16 : memref<!tpu.dma_semaphore, #tpu.memory_space<semaphore_mem>>)
      %mul3A_93 = arith.constant 1000 : i32
      %mul3A_94 = arith.muli %arg1, %mul3A_93 : i32
      %add3A_95 = arith.constant 280 : i32
      %add3A_96 = arith.addi %mul3A_94, %add3A_95 : i32
      %dma_start3A_97 = arith.constant 0 : i32
      %dma_start3A_98 = tpu.memref_slice %arg15[%add3A_96, %dma_start3A_97] : memref<10000x64xf32, #tpu.memory_space<vmem_shared>> -> memref<40x64xf32, #tpu.memory_space<vmem_shared>>
      %dma_start3A_99 = arith.constant 0 : i32
      %dma_start3A_100 = tpu.memref_slice %arg15[%add3A_96, %dma_start3A_99] : memref<10000x64xf32, #tpu.memory_space<vmem_shared>> -> memref<40x64xf32, #tpu.memory_space<vmem_shared>>
      tpu.enqueue_dma source(%arg13 : memref<40x64xf32, #tpu.memory_space<vmem>>) target(%dma_start3A_100 : memref<40x64xf32, #tpu.memory_space<vmem_shared>>) target_semaphore(%arg16 : memref<!tpu.dma_semaphore, #tpu.memory_space<semaphore_mem>>)
      %mul3A_101 = arith.constant 1000 : i32
      %mul3A_102 = arith.muli %arg1, %mul3A_101 : i32
      %add3A_103 = arith.constant 320 : i32
      %add3A_104 = arith.addi %mul3A_102, %add3A_103 : i32
      %dma_start3A_105 = arith.constant 0 : i32
      %dma_start3A_106 = tpu.memref_slice %arg15[%add3A_104, %dma_start3A_105] : memref<10000x64xf32, #tpu.memory_space<vmem_shared>> -> memref<40x64xf32, #tpu.memory_space<vmem_shared>>
      %dma_start3A_107 = arith.constant 0 : i32
      %dma_start3A_108 = tpu.memref_slice %arg15[%add3A_104, %dma_start3A_107] : memref<10000x64xf32, #tpu.memory_space<vmem_shared>> -> memref<40x64xf32, #tpu.memory_space<vmem_shared>>
      tpu.enqueue_dma source(%arg13 : memref<40x64xf32, #tpu.memory_space<vmem>>) target(%dma_start3A_108 : memref<40x64xf32, #tpu.memory_space<vmem_shared>>) target_semaphore(%arg16 : memref<!tpu.dma_semaphore, #tpu.memory_space<semaphore_mem>>)
      %mul3A_109 = arith.constant 1000 : i32
      %mul3A_110 = arith.muli %arg1, %mul3A_109 : i32
      %add3A_111 = arith.constant 360 : i32
      %add3A_112 = arith.addi %mul3A_110, %add3A_111 : i32
      %dma_start3A_113 = arith.constant 0 : i32
      %dma_start3A_114 = tpu.memref_slice %arg15[%add3A_112, %dma_start3A_113] : memref<10000x64xf32, #tpu.memory_space<vmem_shared>> -> memref<40x64xf32, #tpu.memory_space<vmem_shared>>
      %dma_start3A_115 = arith.constant 0 : i32
      %dma_start3A_116 = tpu.memref_slice %arg15[%add3A_112, %dma_start3A_115] : memref<10000x64xf32, #tpu.memory_space<vmem_shared>> -> memref<40x64xf32, #tpu.memory_space<vmem_shared>>
      tpu.enqueue_dma source(%arg13 : memref<40x64xf32, #tpu.memory_space<vmem>>) target(%dma_start3A_116 : memref<40x64xf32, #tpu.memory_space<vmem_shared>>) target_semaphore(%arg16 : memref<!tpu.dma_semaphore, #tpu.memory_space<semaphore_mem>>)
      %mul3A_117 = arith.constant 1000 : i32
      %mul3A_118 = arith.muli %arg1, %mul3A_117 : i32
      %add3A_119 = arith.constant 400 : i32
      %add3A_120 = arith.addi %mul3A_118, %add3A_119 : i32
      %dma_start3A_121 = arith.constant 0 : i32
      %dma_start3A_122 = tpu.memref_slice %arg15[%add3A_120, %dma_start3A_121] : memref<10000x64xf32, #tpu.memory_space<vmem_shared>> -> memref<40x64xf32, #tpu.memory_space<vmem_shared>>
      %dma_start3A_123 = arith.constant 0 : i32
      %dma_start3A_124 = tpu.memref_slice %arg15[%add3A_120, %dma_start3A_123] : memref<10000x64xf32, #tpu.memory_space<vmem_shared>> -> memref<40x64xf32, #tpu.memory_space<vmem_shared>>
      tpu.enqueue_dma source(%arg13 : memref<40x64xf32, #tpu.memory_space<vmem>>) target(%dma_start3A_124 : memref<40x64xf32, #tpu.memory_space<vmem_shared>>) target_semaphore(%arg16 : memref<!tpu.dma_semaphore, #tpu.memory_space<semaphore_mem>>)
      %mul3A_125 = arith.constant 1000 : i32
      %mul3A_126 = arith.muli %arg1, %mul3A_125 : i32
      %add3A_127 = arith.constant 440 : i32
      %add3A_128 = arith.addi %mul3A_126, %add3A_127 : i32
      %dma_start3A_129 = arith.constant 0 : i32
      %dma_start3A_130 = tpu.memref_slice %arg15[%add3A_128, %dma_start3A_129] : memref<10000x64xf32, #tpu.memory_space<vmem_shared>> -> memref<40x64xf32, #tpu.memory_space<vmem_shared>>
      %dma_start3A_131 = arith.constant 0 : i32
      %dma_start3A_132 = tpu.memref_slice %arg15[%add3A_128, %dma_start3A_131] : memref<10000x64xf32, #tpu.memory_space<vmem_shared>> -> memref<40x64xf32, #tpu.memory_space<vmem_shared>>
      tpu.enqueue_dma source(%arg13 : memref<40x64xf32, #tpu.memory_space<vmem>>) target(%dma_start3A_132 : memref<40x64xf32, #tpu.memory_space<vmem_shared>>) target_semaphore(%arg16 : memref<!tpu.dma_semaphore, #tpu.memory_space<semaphore_mem>>)
      %mul3A_133 = arith.constant 1000 : i32
      %mul3A_134 = arith.muli %arg1, %mul3A_133 : i32
      %add3A_135 = arith.constant 480 : i32
      %add3A_136 = arith.addi %mul3A_134, %add3A_135 : i32
      %dma_start3A_137 = arith.constant 0 : i32
      %dma_start3A_138 = tpu.memref_slice %arg15[%add3A_136, %dma_start3A_137] : memref<10000x64xf32, #tpu.memory_space<vmem_shared>> -> memref<40x64xf32, #tpu.memory_space<vmem_shared>>
      %dma_start3A_139 = arith.constant 0 : i32
      %dma_start3A_140 = tpu.memref_slice %arg15[%add3A_136, %dma_start3A_139] : memref<10000x64xf32, #tpu.memory_space<vmem_shared>> -> memref<40x64xf32, #tpu.memory_space<vmem_shared>>
      tpu.enqueue_dma source(%arg13 : memref<40x64xf32, #tpu.memory_space<vmem>>) target(%dma_start3A_140 : memref<40x64xf32, #tpu.memory_space<vmem_shared>>) target_semaphore(%arg16 : memref<!tpu.dma_semaphore, #tpu.memory_space<semaphore_mem>>)
      %mul3A_141 = arith.constant 1000 : i32
      %mul3A_142 = arith.muli %arg1, %mul3A_141 : i32
      %add3A_143 = arith.constant 520 : i32
      %add3A_144 = arith.addi %mul3A_142, %add3A_143 : i32
      %dma_start3A_145 = arith.constant 0 : i32
      %dma_start3A_146 = tpu.memref_slice %arg15[%add3A_144, %dma_start3A_145] : memref<10000x64xf32, #tpu.memory_space<vmem_shared>> -> memref<40x64xf32, #tpu.memory_space<vmem_shared>>
      %dma_start3A_147 = arith.constant 0 : i32
      %dma_start3A_148 = tpu.memref_slice %arg15[%add3A_144, %dma_start3A_147] : memref<10000x64xf32, #tpu.memory_space<vmem_shared>> -> memref<40x64xf32, #tpu.memory_space<vmem_shared>>
      tpu.enqueue_dma source(%arg13 : memref<40x64xf32, #tpu.memory_space<vmem>>) target(%dma_start3A_148 : memref<40x64xf32, #tpu.memory_space<vmem_shared>>) target_semaphore(%arg16 : memref<!tpu.dma_semaphore, #tpu.memory_space<semaphore_mem>>)
      %mul3A_149 = arith.constant 1000 : i32
      %mul3A_150 = arith.muli %arg1, %mul3A_149 : i32
      %add3A_151 = arith.constant 560 : i32
      %add3A_152 = arith.addi %mul3A_150, %add3A_151 : i32
      %dma_start3A_153 = arith.constant 0 : i32
      %dma_start3A_154 = tpu.memref_slice %arg15[%add3A_152, %dma_start3A_153] : memref<10000x64xf32, #tpu.memory_space<vmem_shared>> -> memref<40x64xf32, #tpu.memory_space<vmem_shared>>
      %dma_start3A_155 = arith.constant 0 : i32
      %dma_start3A_156 = tpu.memref_slice %arg15[%add3A_152, %dma_start3A_155] : memref<10000x64xf32, #tpu.memory_space<vmem_shared>> -> memref<40x64xf32, #tpu.memory_space<vmem_shared>>
      tpu.enqueue_dma source(%arg13 : memref<40x64xf32, #tpu.memory_space<vmem>>) target(%dma_start3A_156 : memref<40x64xf32, #tpu.memory_space<vmem_shared>>) target_semaphore(%arg16 : memref<!tpu.dma_semaphore, #tpu.memory_space<semaphore_mem>>)
      %mul3A_157 = arith.constant 1000 : i32
      %mul3A_158 = arith.muli %arg1, %mul3A_157 : i32
      %add3A_159 = arith.constant 600 : i32
      %add3A_160 = arith.addi %mul3A_158, %add3A_159 : i32
      %dma_start3A_161 = arith.constant 0 : i32
      %dma_start3A_162 = tpu.memref_slice %arg15[%add3A_160, %dma_start3A_161] : memref<10000x64xf32, #tpu.memory_space<vmem_shared>> -> memref<40x64xf32, #tpu.memory_space<vmem_shared>>
      %dma_start3A_163 = arith.constant 0 : i32
      %dma_start3A_164 = tpu.memref_slice %arg15[%add3A_160, %dma_start3A_163] : memref<10000x64xf32, #tpu.memory_space<vmem_shared>> -> memref<40x64xf32, #tpu.memory_space<vmem_shared>>
      tpu.enqueue_dma source(%arg13 : memref<40x64xf32, #tpu.memory_space<vmem>>) target(%dma_start3A_164 : memref<40x64xf32, #tpu.memory_space<vmem_shared>>) target_semaphore(%arg16 : memref<!tpu.dma_semaphore, #tpu.memory_space<semaphore_mem>>)
      %mul3A_165 = arith.constant 1000 : i32
      %mul3A_166 = arith.muli %arg1, %mul3A_165 : i32
      %add3A_167 = arith.constant 640 : i32
      %add3A_168 = arith.addi %mul3A_166, %add3A_167 : i32
      %dma_start3A_169 = arith.constant 0 : i32
      %dma_start3A_170 = tpu.memref_slice %arg15[%add3A_168, %dma_start3A_169] : memref<10000x64xf32, #tpu.memory_space<vmem_shared>> -> memref<40x64xf32, #tpu.memory_space<vmem_shared>>
      %dma_start3A_171 = arith.constant 0 : i32
      %dma_start3A_172 = tpu.memref_slice %arg15[%add3A_168, %dma_start3A_171] : memref<10000x64xf32, #tpu.memory_space<vmem_shared>> -> memref<40x64xf32, #tpu.memory_space<vmem_shared>>
      tpu.enqueue_dma source(%arg13 : memref<40x64xf32, #tpu.memory_space<vmem>>) target(%dma_start3A_172 : memref<40x64xf32, #tpu.memory_space<vmem_shared>>) target_semaphore(%arg16 : memref<!tpu.dma_semaphore, #tpu.memory_space<semaphore_mem>>)
      %mul3A_173 = arith.constant 1000 : i32
      %mul3A_174 = arith.muli %arg1, %mul3A_173 : i32
      %add3A_175 = arith.constant 680 : i32
      %add3A_176 = arith.addi %mul3A_174, %add3A_175 : i32
      %dma_start3A_177 = arith.constant 0 : i32
      %dma_start3A_178 = tpu.memref_slice %arg15[%add3A_176, %dma_start3A_177] : memref<10000x64xf32, #tpu.memory_space<vmem_shared>> -> memref<40x64xf32, #tpu.memory_space<vmem_shared>>
      %dma_start3A_179 = arith.constant 0 : i32
      %dma_start3A_180 = tpu.memref_slice %arg15[%add3A_176, %dma_start3A_179] : memref<10000x64xf32, #tpu.memory_space<vmem_shared>> -> memref<40x64xf32, #tpu.memory_space<vmem_shared>>
      tpu.enqueue_dma source(%arg13 : memref<40x64xf32, #tpu.memory_space<vmem>>) target(%dma_start3A_180 : memref<40x64xf32, #tpu.memory_space<vmem_shared>>) target_semaphore(%arg16 : memref<!tpu.dma_semaphore, #tpu.memory_space<semaphore_mem>>)
      %mul3A_181 = arith.constant 1000 : i32
      %mul3A_182 = arith.muli %arg1, %mul3A_181 : i32
      %add3A_183 = arith.constant 720 : i32
      %add3A_184 = arith.addi %mul3A_182, %add3A_183 : i32
      %dma_start3A_185 = arith.constant 0 : i32
      %dma_start3A_186 = tpu.memref_slice %arg15[%add3A_184, %dma_start3A_185] : memref<10000x64xf32, #tpu.memory_space<vmem_shared>> -> memref<40x64xf32, #tpu.memory_space<vmem_shared>>
      %dma_start3A_187 = arith.constant 0 : i32
      %dma_start3A_188 = tpu.memref_slice %arg15[%add3A_184, %dma_start3A_187] : memref<10000x64xf32, #tpu.memory_space<vmem_shared>> -> memref<40x64xf32, #tpu.memory_space<vmem_shared>>
      tpu.enqueue_dma source(%arg13 : memref<40x64xf32, #tpu.memory_space<vmem>>) target(%dma_start3A_188 : memref<40x64xf32, #tpu.memory_space<vmem_shared>>) target_semaphore(%arg16 : memref<!tpu.dma_semaphore, #tpu.memory_space<semaphore_mem>>)
      %mul3A_189 = arith.constant 1000 : i32
      %mul3A_190 = arith.muli %arg1, %mul3A_189 : i32
      %add3A_191 = arith.constant 760 : i32
      %add3A_192 = arith.addi %mul3A_190, %add3A_191 : i32
      %dma_start3A_193 = arith.constant 0 : i32
      %dma_start3A_194 = tpu.memref_slice %arg15[%add3A_192, %dma_start3A_193] : memref<10000x64xf32, #tpu.memory_space<vmem_shared>> -> memref<40x64xf32, #tpu.memory_space<vmem_shared>>
      %dma_start3A_195 = arith.constant 0 : i32
      %dma_start3A_196 = tpu.memref_slice %arg15[%add3A_192, %dma_start3A_195] : memref<10000x64xf32, #tpu.memory_space<vmem_shared>> -> memref<40x64xf32, #tpu.memory_space<vmem_shared>>
      tpu.enqueue_dma source(%arg13 : memref<40x64xf32, #tpu.memory_space<vmem>>) target(%dma_start3A_196 : memref<40x64xf32, #tpu.memory_space<vmem_shared>>) target_semaphore(%arg16 : memref<!tpu.dma_semaphore, #tpu.memory_space<semaphore_mem>>)
      %mul3A_197 = arith.constant 1000 : i32
      %mul3A_198 = arith.muli %arg1, %mul3A_197 : i32
      %add3A_199 = arith.constant 800 : i32
      %add3A_200 = arith.addi %mul3A_198, %add3A_199 : i32
      %dma_start3A_201 = arith.constant 0 : i32
      %dma_start3A_202 = tpu.memref_slice %arg15[%add3A_200, %dma_start3A_201] : memref<10000x64xf32, #tpu.memory_space<vmem_shared>> -> memref<40x64xf32, #tpu.memory_space<vmem_shared>>
      %dma_start3A_203 = arith.constant 0 : i32
      %dma_start3A_204 = tpu.memref_slice %arg15[%add3A_200, %dma_start3A_203] : memref<10000x64xf32, #tpu.memory_space<vmem_shared>> -> memref<40x64xf32, #tpu.memory_space<vmem_shared>>
      tpu.enqueue_dma source(%arg13 : memref<40x64xf32, #tpu.memory_space<vmem>>) target(%dma_start3A_204 : memref<40x64xf32, #tpu.memory_space<vmem_shared>>) target_semaphore(%arg16 : memref<!tpu.dma_semaphore, #tpu.memory_space<semaphore_mem>>)
      %mul3A_205 = arith.constant 1000 : i32
      %mul3A_206 = arith.muli %arg1, %mul3A_205 : i32
      %add3A_207 = arith.constant 840 : i32
      %add3A_208 = arith.addi %mul3A_206, %add3A_207 : i32
      %dma_start3A_209 = arith.constant 0 : i32
      %dma_start3A_210 = tpu.memref_slice %arg15[%add3A_208, %dma_start3A_209] : memref<10000x64xf32, #tpu.memory_space<vmem_shared>> -> memref<40x64xf32, #tpu.memory_space<vmem_shared>>
      %dma_start3A_211 = arith.constant 0 : i32
      %dma_start3A_212 = tpu.memref_slice %arg15[%add3A_208, %dma_start3A_211] : memref<10000x64xf32, #tpu.memory_space<vmem_shared>> -> memref<40x64xf32, #tpu.memory_space<vmem_shared>>
      tpu.enqueue_dma source(%arg13 : memref<40x64xf32, #tpu.memory_space<vmem>>) target(%dma_start3A_212 : memref<40x64xf32, #tpu.memory_space<vmem_shared>>) target_semaphore(%arg16 : memref<!tpu.dma_semaphore, #tpu.memory_space<semaphore_mem>>)
      %mul3A_213 = arith.constant 1000 : i32
      %mul3A_214 = arith.muli %arg1, %mul3A_213 : i32
      %add3A_215 = arith.constant 880 : i32
      %add3A_216 = arith.addi %mul3A_214, %add3A_215 : i32
      %dma_start3A_217 = arith.constant 0 : i32
      %dma_start3A_218 = tpu.memref_slice %arg15[%add3A_216, %dma_start3A_217] : memref<10000x64xf32, #tpu.memory_space<vmem_shared>> -> memref<40x64xf32, #tpu.memory_space<vmem_shared>>
      %dma_start3A_219 = arith.constant 0 : i32
      %dma_start3A_220 = tpu.memref_slice %arg15[%add3A_216, %dma_start3A_219] : memref<10000x64xf32, #tpu.memory_space<vmem_shared>> -> memref<40x64xf32, #tpu.memory_space<vmem_shared>>
      tpu.enqueue_dma source(%arg13 : memref<40x64xf32, #tpu.memory_space<vmem>>) target(%dma_start3A_220 : memref<40x64xf32, #tpu.memory_space<vmem_shared>>) target_semaphore(%arg16 : memref<!tpu.dma_semaphore, #tpu.memory_space<semaphore_mem>>)
      %mul3A_221 = arith.constant 1000 : i32
      %mul3A_222 = arith.muli %arg1, %mul3A_221 : i32
      %add3A_223 = arith.constant 920 : i32
      %add3A_224 = arith.addi %mul3A_222, %add3A_223 : i32
      %dma_start3A_225 = arith.constant 0 : i32
      %dma_start3A_226 = tpu.memref_slice %arg15[%add3A_224, %dma_start3A_225] : memref<10000x64xf32, #tpu.memory_space<vmem_shared>> -> memref<40x64xf32, #tpu.memory_space<vmem_shared>>
      %dma_start3A_227 = arith.constant 0 : i32
      %dma_start3A_228 = tpu.memref_slice %arg15[%add3A_224, %dma_start3A_227] : memref<10000x64xf32, #tpu.memory_space<vmem_shared>> -> memref<40x64xf32, #tpu.memory_space<vmem_shared>>
      tpu.enqueue_dma source(%arg13 : memref<40x64xf32, #tpu.memory_space<vmem>>) target(%dma_start3A_228 : memref<40x64xf32, #tpu.memory_space<vmem_shared>>) target_semaphore(%arg16 : memref<!tpu.dma_semaphore, #tpu.memory_space<semaphore_mem>>)
      %mul3A_229 = arith.constant 1000 : i32
      %mul3A_230 = arith.muli %arg1, %mul3A_229 : i32
      %add3A_231 = arith.constant 960 : i32
      %add3A_232 = arith.addi %mul3A_230, %add3A_231 : i32
      %dma_start3A_233 = arith.constant 0 : i32
      %dma_start3A_234 = tpu.memref_slice %arg15[%add3A_232, %dma_start3A_233] : memref<10000x64xf32, #tpu.memory_space<vmem_shared>> -> memref<40x64xf32, #tpu.memory_space<vmem_shared>>
      %dma_start3A_235 = arith.constant 0 : i32
      %dma_start3A_236 = tpu.memref_slice %arg15[%add3A_232, %dma_start3A_235] : memref<10000x64xf32, #tpu.memory_space<vmem_shared>> -> memref<40x64xf32, #tpu.memory_space<vmem_shared>>
      tpu.enqueue_dma source(%arg13 : memref<40x64xf32, #tpu.memory_space<vmem>>) target(%dma_start3A_236 : memref<40x64xf32, #tpu.memory_space<vmem_shared>>) target_semaphore(%arg16 : memref<!tpu.dma_semaphore, #tpu.memory_space<semaphore_mem>>)
      %dma_wait3A_237 = arith.constant 0 : i32
      %dma_wait3A_238 = tpu.memref_slice %arg15[%add3A_40, %dma_wait3A_237] : memref<10000x64xf32, #tpu.memory_space<vmem_shared>> -> memref<40x64xf32, #tpu.memory_space<vmem_shared>>
      %dma_wait3A_239 = arith.constant 0 : i32
      %dma_wait3A_240 = tpu.memref_slice %arg15[%add3A_40, %dma_wait3A_239] : memref<10000x64xf32, #tpu.memory_space<vmem_shared>> -> memref<40x64xf32, #tpu.memory_space<vmem_shared>>
      tpu.wait_dma2 semaphore(%arg16 : memref<!tpu.dma_semaphore, #tpu.memory_space<semaphore_mem>>) src(%arg13 : memref<40x64xf32, #tpu.memory_space<vmem>>) dst(%dma_wait3A_240 : memref<40x64xf32, #tpu.memory_space<vmem_shared>>)
      %dma_wait3A_241 = arith.constant 0 : i32
      %dma_wait3A_242 = tpu.memref_slice %arg15[%add3A_48, %dma_wait3A_241] : memref<10000x64xf32, #tpu.memory_space<vmem_shared>> -> memref<40x64xf32, #tpu.memory_space<vmem_shared>>
      %dma_wait3A_243 = arith.constant 0 : i32
      %dma_wait3A_244 = tpu.memref_slice %arg15[%add3A_48, %dma_wait3A_243] : memref<10000x64xf32, #tpu.memory_space<vmem_shared>> -> memref<40x64xf32, #tpu.memory_space<vmem_shared>>
      tpu.wait_dma2 semaphore(%arg16 : memref<!tpu.dma_semaphore, #tpu.memory_space<semaphore_mem>>) src(%arg13 : memref<40x64xf32, #tpu.memory_space<vmem>>) dst(%dma_wait3A_244 : memref<40x64xf32, #tpu.memory_space<vmem_shared>>)
      %dma_wait3A_245 = arith.constant 0 : i32
      %dma_wait3A_246 = tpu.memref_slice %arg15[%add3A_56, %dma_wait3A_245] : memref<10000x64xf32, #tpu.memory_space<vmem_shared>> -> memref<40x64xf32, #tpu.memory_space<vmem_shared>>
      %dma_wait3A_247 = arith.constant 0 : i32
      %dma_wait3A_248 = tpu.memref_slice %arg15[%add3A_56, %dma_wait3A_247] : memref<10000x64xf32, #tpu.memory_space<vmem_shared>> -> memref<40x64xf32, #tpu.memory_space<vmem_shared>>
      tpu.wait_dma2 semaphore(%arg16 : memref<!tpu.dma_semaphore, #tpu.memory_space<semaphore_mem>>) src(%arg13 : memref<40x64xf32, #tpu.memory_space<vmem>>) dst(%dma_wait3A_248 : memref<40x64xf32, #tpu.memory_space<vmem_shared>>)
      %dma_wait3A_249 = arith.constant 0 : i32
      %dma_wait3A_250 = tpu.memref_slice %arg15[%add3A_64, %dma_wait3A_249] : memref<10000x64xf32, #tpu.memory_space<vmem_shared>> -> memref<40x64xf32, #tpu.memory_space<vmem_shared>>
      %dma_wait3A_251 = arith.constant 0 : i32
      %dma_wait3A_252 = tpu.memref_slice %arg15[%add3A_64, %dma_wait3A_251] : memref<10000x64xf32, #tpu.memory_space<vmem_shared>> -> memref<40x64xf32, #tpu.memory_space<vmem_shared>>
      tpu.wait_dma2 semaphore(%arg16 : memref<!tpu.dma_semaphore, #tpu.memory_space<semaphore_mem>>) src(%arg13 : memref<40x64xf32, #tpu.memory_space<vmem>>) dst(%dma_wait3A_252 : memref<40x64xf32, #tpu.memory_space<vmem_shared>>)
      %dma_wait3A_253 = arith.constant 0 : i32
      %dma_wait3A_254 = tpu.memref_slice %arg15[%add3A_72, %dma_wait3A_253] : memref<10000x64xf32, #tpu.memory_space<vmem_shared>> -> memref<40x64xf32, #tpu.memory_space<vmem_shared>>
      %dma_wait3A_255 = arith.constant 0 : i32
      %dma_wait3A_256 = tpu.memref_slice %arg15[%add3A_72, %dma_wait3A_255] : memref<10000x64xf32, #tpu.memory_space<vmem_shared>> -> memref<40x64xf32, #tpu.memory_space<vmem_shared>>
      tpu.wait_dma2 semaphore(%arg16 : memref<!tpu.dma_semaphore, #tpu.memory_space<semaphore_mem>>) src(%arg13 : memref<40x64xf32, #tpu.memory_space<vmem>>) dst(%dma_wait3A_256 : memref<40x64xf32, #tpu.memory_space<vmem_shared>>)
      %dma_wait3A_257 = arith.constant 0 : i32
      %dma_wait3A_258 = tpu.memref_slice %arg15[%add3A_80, %dma_wait3A_257] : memref<10000x64xf32, #tpu.memory_space<vmem_shared>> -> memref<40x64xf32, #tpu.memory_space<vmem_shared>>
      %dma_wait3A_259 = arith.constant 0 : i32
      %dma_wait3A_260 = tpu.memref_slice %arg15[%add3A_80, %dma_wait3A_259] : memref<10000x64xf32, #tpu.memory_space<vmem_shared>> -> memref<40x64xf32, #tpu.memory_space<vmem_shared>>
      tpu.wait_dma2 semaphore(%arg16 : memref<!tpu.dma_semaphore, #tpu.memory_space<semaphore_mem>>) src(%arg13 : memref<40x64xf32, #tpu.memory_space<vmem>>) dst(%dma_wait3A_260 : memref<40x64xf32, #tpu.memory_space<vmem_shared>>)
      %dma_wait3A_261 = arith.constant 0 : i32
      %dma_wait3A_262 = tpu.memref_slice %arg15[%add3A_88, %dma_wait3A_261] : memref<10000x64xf32, #tpu.memory_space<vmem_shared>> -> memref<40x64xf32, #tpu.memory_space<vmem_shared>>
      %dma_wait3A_263 = arith.constant 0 : i32
      %dma_wait3A_264 = tpu.memref_slice %arg15[%add3A_88, %dma_wait3A_263] : memref<10000x64xf32, #tpu.memory_space<vmem_shared>> -> memref<40x64xf32, #tpu.memory_space<vmem_shared>>
      tpu.wait_dma2 semaphore(%arg16 : memref<!tpu.dma_semaphore, #tpu.memory_space<semaphore_mem>>) src(%arg13 : memref<40x64xf32, #tpu.memory_space<vmem>>) dst(%dma_wait3A_264 : memref<40x64xf32, #tpu.memory_space<vmem_shared>>)
      %dma_wait3A_265 = arith.constant 0 : i32
      %dma_wait3A_266 = tpu.memref_slice %arg15[%add3A_96, %dma_wait3A_265] : memref<10000x64xf32, #tpu.memory_space<vmem_shared>> -> memref<40x64xf32, #tpu.memory_space<vmem_shared>>
      %dma_wait3A_267 = arith.constant 0 : i32
      %dma_wait3A_268 = tpu.memref_slice %arg15[%add3A_96, %dma_wait3A_267] : memref<10000x64xf32, #tpu.memory_space<vmem_shared>> -> memref<40x64xf32, #tpu.memory_space<vmem_shared>>
      tpu.wait_dma2 semaphore(%arg16 : memref<!tpu.dma_semaphore, #tpu.memory_space<semaphore_mem>>) src(%arg13 : memref<40x64xf32, #tpu.memory_space<vmem>>) dst(%dma_wait3A_268 : memref<40x64xf32, #tpu.memory_space<vmem_shared>>)
      %dma_wait3A_269 = arith.constant 0 : i32
      %dma_wait3A_270 = tpu.memref_slice %arg15[%add3A_104, %dma_wait3A_269] : memref<10000x64xf32, #tpu.memory_space<vmem_shared>> -> memref<40x64xf32, #tpu.memory_space<vmem_shared>>
      %dma_wait3A_271 = arith.constant 0 : i32
      %dma_wait3A_272 = tpu.memref_slice %arg15[%add3A_104, %dma_wait3A_271] : memref<10000x64xf32, #tpu.memory_space<vmem_shared>> -> memref<40x64xf32, #tpu.memory_space<vmem_shared>>
      tpu.wait_dma2 semaphore(%arg16 : memref<!tpu.dma_semaphore, #tpu.memory_space<semaphore_mem>>) src(%arg13 : memref<40x64xf32, #tpu.memory_space<vmem>>) dst(%dma_wait3A_272 : memref<40x64xf32, #tpu.memory_space<vmem_shared>>)
      %dma_wait3A_273 = arith.constant 0 : i32
      %dma_wait3A_274 = tpu.memref_slice %arg15[%add3A_112, %dma_wait3A_273] : memref<10000x64xf32, #tpu.memory_space<vmem_shared>> -> memref<40x64xf32, #tpu.memory_space<vmem_shared>>
      %dma_wait3A_275 = arith.constant 0 : i32
      %dma_wait3A_276 = tpu.memref_slice %arg15[%add3A_112, %dma_wait3A_275] : memref<10000x64xf32, #tpu.memory_space<vmem_shared>> -> memref<40x64xf32, #tpu.memory_space<vmem_shared>>
      tpu.wait_dma2 semaphore(%arg16 : memref<!tpu.dma_semaphore, #tpu.memory_space<semaphore_mem>>) src(%arg13 : memref<40x64xf32, #tpu.memory_space<vmem>>) dst(%dma_wait3A_276 : memref<40x64xf32, #tpu.memory_space<vmem_shared>>)
      %dma_wait3A_277 = arith.constant 0 : i32
      %dma_wait3A_278 = tpu.memref_slice %arg15[%add3A_120, %dma_wait3A_277] : memref<10000x64xf32, #tpu.memory_space<vmem_shared>> -> memref<40x64xf32, #tpu.memory_space<vmem_shared>>
      %dma_wait3A_279 = arith.constant 0 : i32
      %dma_wait3A_280 = tpu.memref_slice %arg15[%add3A_120, %dma_wait3A_279] : memref<10000x64xf32, #tpu.memory_space<vmem_shared>> -> memref<40x64xf32, #tpu.memory_space<vmem_shared>>
      tpu.wait_dma2 semaphore(%arg16 : memref<!tpu.dma_semaphore, #tpu.memory_space<semaphore_mem>>) src(%arg13 : memref<40x64xf32, #tpu.memory_space<vmem>>) dst(%dma_wait3A_280 : memref<40x64xf32, #tpu.memory_space<vmem_shared>>)
      %dma_wait3A_281 = arith.constant 0 : i32
      %dma_wait3A_282 = tpu.memref_slice %arg15[%add3A_128, %dma_wait3A_281] : memref<10000x64xf32, #tpu.memory_space<vmem_shared>> -> memref<40x64xf32, #tpu.memory_space<vmem_shared>>
      %dma_wait3A_283 = arith.constant 0 : i32
      %dma_wait3A_284 = tpu.memref_slice %arg15[%add3A_128, %dma_wait3A_283] : memref<10000x64xf32, #tpu.memory_space<vmem_shared>> -> memref<40x64xf32, #tpu.memory_space<vmem_shared>>
      tpu.wait_dma2 semaphore(%arg16 : memref<!tpu.dma_semaphore, #tpu.memory_space<semaphore_mem>>) src(%arg13 : memref<40x64xf32, #tpu.memory_space<vmem>>) dst(%dma_wait3A_284 : memref<40x64xf32, #tpu.memory_space<vmem_shared>>)
      %dma_wait3A_285 = arith.constant 0 : i32
      %dma_wait3A_286 = tpu.memref_slice %arg15[%add3A_136, %dma_wait3A_285] : memref<10000x64xf32, #tpu.memory_space<vmem_shared>> -> memref<40x64xf32, #tpu.memory_space<vmem_shared>>
      %dma_wait3A_287 = arith.constant 0 : i32
      %dma_wait3A_288 = tpu.memref_slice %arg15[%add3A_136, %dma_wait3A_287] : memref<10000x64xf32, #tpu.memory_space<vmem_shared>> -> memref<40x64xf32, #tpu.memory_space<vmem_shared>>
      tpu.wait_dma2 semaphore(%arg16 : memref<!tpu.dma_semaphore, #tpu.memory_space<semaphore_mem>>) src(%arg13 : memref<40x64xf32, #tpu.memory_space<vmem>>) dst(%dma_wait3A_288 : memref<40x64xf32, #tpu.memory_space<vmem_shared>>)
      %dma_wait3A_289 = arith.constant 0 : i32
      %dma_wait3A_290 = tpu.memref_slice %arg15[%add3A_144, %dma_wait3A_289] : memref<10000x64xf32, #tpu.memory_space<vmem_shared>> -> memref<40x64xf32, #tpu.memory_space<vmem_shared>>
      %dma_wait3A_291 = arith.constant 0 : i32
      %dma_wait3A_292 = tpu.memref_slice %arg15[%add3A_144, %dma_wait3A_291] : memref<10000x64xf32, #tpu.memory_space<vmem_shared>> -> memref<40x64xf32, #tpu.memory_space<vmem_shared>>
      tpu.wait_dma2 semaphore(%arg16 : memref<!tpu.dma_semaphore, #tpu.memory_space<semaphore_mem>>) src(%arg13 : memref<40x64xf32, #tpu.memory_space<vmem>>) dst(%dma_wait3A_292 : memref<40x64xf32, #tpu.memory_space<vmem_shared>>)
      %dma_wait3A_293 = arith.constant 0 : i32
      %dma_wait3A_294 = tpu.memref_slice %arg15[%add3A_152, %dma_wait3A_293] : memref<10000x64xf32, #tpu.memory_space<vmem_shared>> -> memref<40x64xf32, #tpu.memory_space<vmem_shared>>
      %dma_wait3A_295 = arith.constant 0 : i32
      %dma_wait3A_296 = tpu.memref_slice %arg15[%add3A_152, %dma_wait3A_295] : memref<10000x64xf32, #tpu.memory_space<vmem_shared>> -> memref<40x64xf32, #tpu.memory_space<vmem_shared>>
      tpu.wait_dma2 semaphore(%arg16 : memref<!tpu.dma_semaphore, #tpu.memory_space<semaphore_mem>>) src(%arg13 : memref<40x64xf32, #tpu.memory_space<vmem>>) dst(%dma_wait3A_296 : memref<40x64xf32, #tpu.memory_space<vmem_shared>>)
      %dma_wait3A_297 = arith.constant 0 : i32
      %dma_wait3A_298 = tpu.memref_slice %arg15[%add3A_160, %dma_wait3A_297] : memref<10000x64xf32, #tpu.memory_space<vmem_shared>> -> memref<40x64xf32, #tpu.memory_space<vmem_shared>>
      %dma_wait3A_299 = arith.constant 0 : i32
      %dma_wait3A_300 = tpu.memref_slice %arg15[%add3A_160, %dma_wait3A_299] : memref<10000x64xf32, #tpu.memory_space<vmem_shared>> -> memref<40x64xf32, #tpu.memory_space<vmem_shared>>
      tpu.wait_dma2 semaphore(%arg16 : memref<!tpu.dma_semaphore, #tpu.memory_space<semaphore_mem>>) src(%arg13 : memref<40x64xf32, #tpu.memory_space<vmem>>) dst(%dma_wait3A_300 : memref<40x64xf32, #tpu.memory_space<vmem_shared>>)
      %dma_wait3A_301 = arith.constant 0 : i32
      %dma_wait3A_302 = tpu.memref_slice %arg15[%add3A_168, %dma_wait3A_301] : memref<10000x64xf32, #tpu.memory_space<vmem_shared>> -> memref<40x64xf32, #tpu.memory_space<vmem_shared>>
      %dma_wait3A_303 = arith.constant 0 : i32
      %dma_wait3A_304 = tpu.memref_slice %arg15[%add3A_168, %dma_wait3A_303] : memref<10000x64xf32, #tpu.memory_space<vmem_shared>> -> memref<40x64xf32, #tpu.memory_space<vmem_shared>>
      tpu.wait_dma2 semaphore(%arg16 : memref<!tpu.dma_semaphore, #tpu.memory_space<semaphore_mem>>) src(%arg13 : memref<40x64xf32, #tpu.memory_space<vmem>>) dst(%dma_wait3A_304 : memref<40x64xf32, #tpu.memory_space<vmem_shared>>)
      %dma_wait3A_305 = arith.constant 0 : i32
      %dma_wait3A_306 = tpu.memref_slice %arg15[%add3A_176, %dma_wait3A_305] : memref<10000x64xf32, #tpu.memory_space<vmem_shared>> -> memref<40x64xf32, #tpu.memory_space<vmem_shared>>
      %dma_wait3A_307 = arith.constant 0 : i32
      %dma_wait3A_308 = tpu.memref_slice %arg15[%add3A_176, %dma_wait3A_307] : memref<10000x64xf32, #tpu.memory_space<vmem_shared>> -> memref<40x64xf32, #tpu.memory_space<vmem_shared>>
      tpu.wait_dma2 semaphore(%arg16 : memref<!tpu.dma_semaphore, #tpu.memory_space<semaphore_mem>>) src(%arg13 : memref<40x64xf32, #tpu.memory_space<vmem>>) dst(%dma_wait3A_308 : memref<40x64xf32, #tpu.memory_space<vmem_shared>>)
      %dma_wait3A_309 = arith.constant 0 : i32
      %dma_wait3A_310 = tpu.memref_slice %arg15[%add3A_184, %dma_wait3A_309] : memref<10000x64xf32, #tpu.memory_space<vmem_shared>> -> memref<40x64xf32, #tpu.memory_space<vmem_shared>>
      %dma_wait3A_311 = arith.constant 0 : i32
      %dma_wait3A_312 = tpu.memref_slice %arg15[%add3A_184, %dma_wait3A_311] : memref<10000x64xf32, #tpu.memory_space<vmem_shared>> -> memref<40x64xf32, #tpu.memory_space<vmem_shared>>
      tpu.wait_dma2 semaphore(%arg16 : memref<!tpu.dma_semaphore, #tpu.memory_space<semaphore_mem>>) src(%arg13 : memref<40x64xf32, #tpu.memory_space<vmem>>) dst(%dma_wait3A_312 : memref<40x64xf32, #tpu.memory_space<vmem_shared>>)
      %dma_wait3A_313 = arith.constant 0 : i32
      %dma_wait3A_314 = tpu.memref_slice %arg15[%add3A_192, %dma_wait3A_313] : memref<10000x64xf32, #tpu.memory_space<vmem_shared>> -> memref<40x64xf32, #tpu.memory_space<vmem_shared>>
      %dma_wait3A_315 = arith.constant 0 : i32
      %dma_wait3A_316 = tpu.memref_slice %arg15[%add3A_192, %dma_wait3A_315] : memref<10000x64xf32, #tpu.memory_space<vmem_shared>> -> memref<40x64xf32, #tpu.memory_space<vmem_shared>>
      tpu.wait_dma2 semaphore(%arg16 : memref<!tpu.dma_semaphore, #tpu.memory_space<semaphore_mem>>) src(%arg13 : memref<40x64xf32, #tpu.memory_space<vmem>>) dst(%dma_wait3A_316 : memref<40x64xf32, #tpu.memory_space<vmem_shared>>)
      %dma_wait3A_317 = arith.constant 0 : i32
      %dma_wait3A_318 = tpu.memref_slice %arg15[%add3A_200, %dma_wait3A_317] : memref<10000x64xf32, #tpu.memory_space<vmem_shared>> -> memref<40x64xf32, #tpu.memory_space<vmem_shared>>
      %dma_wait3A_319 = arith.constant 0 : i32
      %dma_wait3A_320 = tpu.memref_slice %arg15[%add3A_200, %dma_wait3A_319] : memref<10000x64xf32, #tpu.memory_space<vmem_shared>> -> memref<40x64xf32, #tpu.memory_space<vmem_shared>>
      tpu.wait_dma2 semaphore(%arg16 : memref<!tpu.dma_semaphore, #tpu.memory_space<semaphore_mem>>) src(%arg13 : memref<40x64xf32, #tpu.memory_space<vmem>>) dst(%dma_wait3A_320 : memref<40x64xf32, #tpu.memory_space<vmem_shared>>)
      %dma_wait3A_321 = arith.constant 0 : i32
      %dma_wait3A_322 = tpu.memref_slice %arg15[%add3A_208, %dma_wait3A_321] : memref<10000x64xf32, #tpu.memory_space<vmem_shared>> -> memref<40x64xf32, #tpu.memory_space<vmem_shared>>
      %dma_wait3A_323 = arith.constant 0 : i32
      %dma_wait3A_324 = tpu.memref_slice %arg15[%add3A_208, %dma_wait3A_323] : memref<10000x64xf32, #tpu.memory_space<vmem_shared>> -> memref<40x64xf32, #tpu.memory_space<vmem_shared>>
      tpu.wait_dma2 semaphore(%arg16 : memref<!tpu.dma_semaphore, #tpu.memory_space<semaphore_mem>>) src(%arg13 : memref<40x64xf32, #tpu.memory_space<vmem>>) dst(%dma_wait3A_324 : memref<40x64xf32, #tpu.memory_space<vmem_shared>>)
      %dma_wait3A_325 = arith.constant 0 : i32
      %dma_wait3A_326 = tpu.memref_slice %arg15[%add3A_216, %dma_wait3A_325] : memref<10000x64xf32, #tpu.memory_space<vmem_shared>> -> memref<40x64xf32, #tpu.memory_space<vmem_shared>>
      %dma_wait3A_327 = arith.constant 0 : i32
      %dma_wait3A_328 = tpu.memref_slice %arg15[%add3A_216, %dma_wait3A_327] : memref<10000x64xf32, #tpu.memory_space<vmem_shared>> -> memref<40x64xf32, #tpu.memory_space<vmem_shared>>
      tpu.wait_dma2 semaphore(%arg16 : memref<!tpu.dma_semaphore, #tpu.memory_space<semaphore_mem>>) src(%arg13 : memref<40x64xf32, #tpu.memory_space<vmem>>) dst(%dma_wait3A_328 : memref<40x64xf32, #tpu.memory_space<vmem_shared>>)
      %dma_wait3A_329 = arith.constant 0 : i32
      %dma_wait3A_330 = tpu.memref_slice %arg15[%add3A_224, %dma_wait3A_329] : memref<10000x64xf32, #tpu.memory_space<vmem_shared>> -> memref<40x64xf32, #tpu.memory_space<vmem_shared>>
      %dma_wait3A_331 = arith.constant 0 : i32
      %dma_wait3A_332 = tpu.memref_slice %arg15[%add3A_224, %dma_wait3A_331] : memref<10000x64xf32, #tpu.memory_space<vmem_shared>> -> memref<40x64xf32, #tpu.memory_space<vmem_shared>>
      tpu.wait_dma2 semaphore(%arg16 : memref<!tpu.dma_semaphore, #tpu.memory_space<semaphore_mem>>) src(%arg13 : memref<40x64xf32, #tpu.memory_space<vmem>>) dst(%dma_wait3A_332 : memref<40x64xf32, #tpu.memory_space<vmem_shared>>)
      %dma_wait3A_333 = arith.constant 0 : i32
      %dma_wait3A_334 = tpu.memref_slice %arg15[%add3A_232, %dma_wait3A_333] : memref<10000x64xf32, #tpu.memory_space<vmem_shared>> -> memref<40x64xf32, #tpu.memory_space<vmem_shared>>
      %dma_wait3A_335 = arith.constant 0 : i32
      %dma_wait3A_336 = tpu.memref_slice %arg15[%add3A_232, %dma_wait3A_335] : memref<10000x64xf32, #tpu.memory_space<vmem_shared>> -> memref<40x64xf32, #tpu.memory_space<vmem_shared>>
      tpu.wait_dma2 semaphore(%arg16 : memref<!tpu.dma_semaphore, #tpu.memory_space<semaphore_mem>>) src(%arg13 : memref<40x64xf32, #tpu.memory_space<vmem>>) dst(%dma_wait3A_336 : memref<40x64xf32, #tpu.memory_space<vmem_shared>>)
    } else {
    }
    "tpu.region"() ({
      %run_scoped3A = tpu.sem_alloc : memref<!tpu.dma_semaphore, #tpu.memory_space<semaphore_mem>>
      %dma_start3A_39 = arith.constant 0 : i32
      %dma_start3A_40 = arith.constant 0 : i32
      %dma_start3A_41 = tpu.memref_slice %arg4[%arg0, %arg1, %dma_start3A_39, %dma_start3A_40] : memref<2x16x160x125xi32, #tpu.memory_space<hbm>> -> memref<1x1x160x125xi32, #tpu.memory_space<hbm>>
      %dma_start3A_42 = tpu.memref_squeeze %dma_start3A_41 : memref<1x1x160x125xi32, #tpu.memory_space<hbm>> -> memref<160x125xi32, #tpu.memory_space<hbm>>
      %dma_start3A_43 = arith.constant 0 : i32
      %dma_start3A_44 = arith.constant 0 : i32
      %dma_start3A_45 = tpu.memref_slice %arg4[%arg0, %arg1, %dma_start3A_43, %dma_start3A_44] : memref<2x16x160x125xi32, #tpu.memory_space<hbm>> -> memref<1x1x160x125xi32, #tpu.memory_space<hbm>>
      %dma_start3A_46 = tpu.memref_squeeze %dma_start3A_45 : memref<1x1x160x125xi32, #tpu.memory_space<hbm>> -> memref<160x125xi32, #tpu.memory_space<hbm>>
      tpu.enqueue_dma source(%dma_start3A_46 : memref<160x125xi32, #tpu.memory_space<hbm>>) target(%arg7 : memref<160x125xi32, #tpu.memory_space<vmem>>) target_semaphore(%run_scoped3A : memref<!tpu.dma_semaphore, #tpu.memory_space<semaphore_mem>>)
      %dma_wait3A_47 = arith.constant 0 : i32
      %dma_wait3A_48 = arith.constant 0 : i32
      %dma_wait3A_49 = tpu.memref_slice %arg4[%arg0, %arg1, %dma_wait3A_47, %dma_wait3A_48] : memref<2x16x160x125xi32, #tpu.memory_space<hbm>> -> memref<1x1x160x125xi32, #tpu.memory_space<hbm>>
      %dma_wait3A_50 = tpu.memref_squeeze %dma_wait3A_49 : memref<1x1x160x125xi32, #tpu.memory_space<hbm>> -> memref<160x125xi32, #tpu.memory_space<hbm>>
      %dma_wait3A_51 = arith.constant 0 : i32
      %dma_wait3A_52 = arith.constant 0 : i32
      %dma_wait3A_53 = tpu.memref_slice %arg4[%arg0, %arg1, %dma_wait3A_51, %dma_wait3A_52] : memref<2x16x160x125xi32, #tpu.memory_space<hbm>> -> memref<1x1x160x125xi32, #tpu.memory_space<hbm>>
      %dma_wait3A_54 = tpu.memref_squeeze %dma_wait3A_53 : memref<1x1x160x125xi32, #tpu.memory_space<hbm>> -> memref<160x125xi32, #tpu.memory_space<hbm>>
      tpu.wait_dma2 semaphore(%run_scoped3A : memref<!tpu.dma_semaphore, #tpu.memory_space<semaphore_mem>>) src(%dma_wait3A_54 : memref<160x125xi32, #tpu.memory_space<hbm>>) dst(%arg7 : memref<160x125xi32, #tpu.memory_space<vmem>>)
      tpu.yield
    }) : () -> ()
    "tpu.region"() ({
      %run_scoped3A = tpu.sem_alloc : memref<!tpu.dma_semaphore, #tpu.memory_space<semaphore_mem>>
      %dma_start3A_39 = arith.constant 0 : i32
      %dma_start3A_40 = arith.constant 0 : i32
      %dma_start3A_41 = tpu.memref_slice %arg5[%arg1, %dma_start3A_39, %dma_start3A_40] : memref<16x160x125xi32, #tpu.memory_space<hbm>> -> memref<1x160x125xi32, #tpu.memory_space<hbm>>
      %dma_start3A_42 = tpu.memref_squeeze %dma_start3A_41 : memref<1x160x125xi32, #tpu.memory_space<hbm>> -> memref<160x125xi32, #tpu.memory_space<hbm>>
      %dma_start3A_43 = arith.constant 0 : i32
      %dma_start3A_44 = arith.constant 0 : i32
      %dma_start3A_45 = tpu.memref_slice %arg5[%arg1, %dma_start3A_43, %dma_start3A_44] : memref<16x160x125xi32, #tpu.memory_space<hbm>> -> memref<1x160x125xi32, #tpu.memory_space<hbm>>
      %dma_start3A_46 = tpu.memref_squeeze %dma_start3A_45 : memref<1x160x125xi32, #tpu.memory_space<hbm>> -> memref<160x125xi32, #tpu.memory_space<hbm>>
      tpu.enqueue_dma source(%dma_start3A_46 : memref<160x125xi32, #tpu.memory_space<hbm>>) target(%arg8 : memref<160x125xi32, #tpu.memory_space<vmem>>) target_semaphore(%run_scoped3A : memref<!tpu.dma_semaphore, #tpu.memory_space<semaphore_mem>>)
      %dma_wait3A_47 = arith.constant 0 : i32
      %dma_wait3A_48 = arith.constant 0 : i32
      %dma_wait3A_49 = tpu.memref_slice %arg5[%arg1, %dma_wait3A_47, %dma_wait3A_48] : memref<16x160x125xi32, #tpu.memory_space<hbm>> -> memref<1x160x125xi32, #tpu.memory_space<hbm>>
      %dma_wait3A_50 = tpu.memref_squeeze %dma_wait3A_49 : memref<1x160x125xi32, #tpu.memory_space<hbm>> -> memref<160x125xi32, #tpu.memory_space<hbm>>
      %dma_wait3A_51 = arith.constant 0 : i32
      %dma_wait3A_52 = arith.constant 0 : i32
      %dma_wait3A_53 = tpu.memref_slice %arg5[%arg1, %dma_wait3A_51, %dma_wait3A_52] : memref<16x160x125xi32, #tpu.memory_space<hbm>> -> memref<1x160x125xi32, #tpu.memory_space<hbm>>
      %dma_wait3A_54 = tpu.memref_squeeze %dma_wait3A_53 : memref<1x160x125xi32, #tpu.memory_space<hbm>> -> memref<160x125xi32, #tpu.memory_space<hbm>>
      tpu.wait_dma2 semaphore(%run_scoped3A : memref<!tpu.dma_semaphore, #tpu.memory_space<semaphore_mem>>) src(%dma_wait3A_54 : memref<160x125xi32, #tpu.memory_space<hbm>>) dst(%arg8 : memref<160x125xi32, #tpu.memory_space<vmem>>)
      tpu.yield
    }) : () -> ()
    %dma_start3A = arith.constant 0 : i32
    %dma_start3A_2 = arith.constant 0 : i32
    %dma_start3A_3 = tpu.memref_slice %arg7[%dma_start3A, %dma_start3A_2] : memref<160x125xi32, #tpu.memory_space<vmem>> -> memref<1x125xi32, #tpu.memory_space<vmem>>
    %dma_start3A_4 = tpu.memref_squeeze %dma_start3A_3 : memref<1x125xi32, #tpu.memory_space<vmem>> -> memref<125xi32, #tpu.memory_space<vmem>>
    %dma_start3A_5 = arith.constant 0 : i32
    %dma_start3A_6 = arith.constant 0 : i32
    %dma_start3A_7 = tpu.memref_slice %arg2[%dma_start3A_5, %dma_start3A_6] : memref<20000x64xf32, #tpu.memory_space<hbm>> -> memref<20000x64xf32, #tpu.memory_space<hbm>>
    tpu.enqueue_indirect_dma source(%dma_start3A_7 : memref<20000x64xf32, #tpu.memory_space<hbm>>) target(%arg9 : memref<125x64xf32, #tpu.memory_space<vmem>>) offsets(%dma_start3A_4 : memref<125xi32, #tpu.memory_space<vmem>>) semaphore(%arg16 : memref<!tpu.dma_semaphore, #tpu.memory_space<semaphore_mem>>)
    %dma_start3A_8 = arith.constant 1 : i32
    %dma_start3A_9 = arith.constant 0 : i32
    %dma_start3A_10 = tpu.memref_slice %arg7[%dma_start3A_8, %dma_start3A_9] : memref<160x125xi32, #tpu.memory_space<vmem>> -> memref<1x125xi32, #tpu.memory_space<vmem>>
    %dma_start3A_11 = tpu.memref_squeeze %dma_start3A_10 : memref<1x125xi32, #tpu.memory_space<vmem>> -> memref<125xi32, #tpu.memory_space<vmem>>
    %dma_start3A_12 = arith.constant 0 : i32
    %dma_start3A_13 = arith.constant 0 : i32
    %dma_start3A_14 = tpu.memref_slice %arg2[%dma_start3A_12, %dma_start3A_13] : memref<20000x64xf32, #tpu.memory_space<hbm>> -> memref<20000x64xf32, #tpu.memory_space<hbm>>
    tpu.enqueue_indirect_dma source(%dma_start3A_14 : memref<20000x64xf32, #tpu.memory_space<hbm>>) target(%arg10 : memref<125x64xf32, #tpu.memory_space<vmem>>) offsets(%dma_start3A_11 : memref<125xi32, #tpu.memory_space<vmem>>) semaphore(%arg17 : memref<!tpu.dma_semaphore, #tpu.memory_space<semaphore_mem>>)
    %dma_start3A_15 = arith.constant 2 : i32
    %dma_start3A_16 = arith.constant 0 : i32
    %dma_start3A_17 = tpu.memref_slice %arg7[%dma_start3A_15, %dma_start3A_16] : memref<160x125xi32, #tpu.memory_space<vmem>> -> memref<1x125xi32, #tpu.memory_space<vmem>>
    %dma_start3A_18 = tpu.memref_squeeze %dma_start3A_17 : memref<1x125xi32, #tpu.memory_space<vmem>> -> memref<125xi32, #tpu.memory_space<vmem>>
    %dma_start3A_19 = arith.constant 0 : i32
    %dma_start3A_20 = arith.constant 0 : i32
    %dma_start3A_21 = tpu.memref_slice %arg2[%dma_start3A_19, %dma_start3A_20] : memref<20000x64xf32, #tpu.memory_space<hbm>> -> memref<20000x64xf32, #tpu.memory_space<hbm>>
    tpu.enqueue_indirect_dma source(%dma_start3A_21 : memref<20000x64xf32, #tpu.memory_space<hbm>>) target(%arg11 : memref<125x64xf32, #tpu.memory_space<vmem>>) offsets(%dma_start3A_18 : memref<125xi32, #tpu.memory_space<vmem>>) semaphore(%arg18 : memref<!tpu.dma_semaphore, #tpu.memory_space<semaphore_mem>>)
    %barrier3A = arith.constant 0 : index
    tpu.barrier barrier_id(%barrier3A)
    %scan3A = arith.constant 0 : i32
    %scan3A_22 = arith.constant 0 : i32
    %scan3A_23 = arith.constant 40 : i32
    %scan3A_24 = arith.addi %scan3A_22, %scan3A_23 : i32
    %scan3A_25 = arith.constant 1 : i32
    scf.for %scan3A_39 = %scan3A_22 to %scan3A_24 step %scan3A_25  : i32 {
      %mul3A = arith.constant 4 : i32
      %mul3A_40 = arith.muli %mul3A, %scan3A_39 : i32
      %add3A = arith.constant 0 : i32
      %add3A_41 = arith.addi %mul3A_40, %add3A : i32
      %dma_wait3A_42 = arith.constant 0 : i32
      %dma_wait3A_43 = tpu.memref_slice %arg7[%add3A_41, %dma_wait3A_42] : memref<160x125xi32, #tpu.memory_space<vmem>> -> memref<1x125xi32, #tpu.memory_space<vmem>>
      %dma_wait3A_44 = tpu.memref_squeeze %dma_wait3A_43 : memref<1x125xi32, #tpu.memory_space<vmem>> -> memref<125xi32, #tpu.memory_space<vmem>>
      %dma_wait3A_45 = arith.constant 0 : i32
      %dma_wait3A_46 = arith.constant 0 : i32
      %dma_wait3A_47 = tpu.memref_slice %arg2[%dma_wait3A_45, %dma_wait3A_46] : memref<20000x64xf32, #tpu.memory_space<hbm>> -> memref<20000x64xf32, #tpu.memory_space<hbm>>
      tpu.wait_indirect_dma semaphore(%arg16 : memref<!tpu.dma_semaphore, #tpu.memory_space<semaphore_mem>>) src(%dma_wait3A_47 : memref<20000x64xf32, #tpu.memory_space<hbm>>) dst(%arg9 : memref<125x64xf32, #tpu.memory_space<vmem>>)
      %gt3A = arith.constant 0 : i32
      %gt3A_48 = arith.cmpi sgt, %add3A_41, %gt3A : i32
      %convert_element_type3A_49 = arith.extui %gt3A_48 : i1 to i32
      %cond3A_50 = arith.constant 0 : i32
      %cond3A_51 = arith.cmpi ne, %convert_element_type3A_49, %cond3A_50 : i32
      scf.if %cond3A_51 {
        %sub3A = arith.constant 1 : i32
        %sub3A_143 = arith.subi %add3A_41, %sub3A : i32
        %dma_wait3A_144 = arith.constant 0 : i32
        %dma_wait3A_145 = tpu.memref_slice %arg8[%sub3A_143, %dma_wait3A_144] : memref<160x125xi32, #tpu.memory_space<vmem>> -> memref<1x125xi32, #tpu.memory_space<vmem>>
        %dma_wait3A_146 = tpu.memref_squeeze %dma_wait3A_145 : memref<1x125xi32, #tpu.memory_space<vmem>> -> memref<125xi32, #tpu.memory_space<vmem>>
        %dma_wait3A_147 = arith.constant 0 : i32
        %dma_wait3A_148 = arith.constant 0 : i32
        %dma_wait3A_149 = tpu.memref_slice %arg15[%dma_wait3A_147, %dma_wait3A_148] : memref<10000x64xf32, #tpu.memory_space<vmem_shared>> -> memref<10000x64xf32, #tpu.memory_space<vmem_shared>>
        tpu.wait_indirect_dma semaphore(%arg20 : memref<!tpu.dma_semaphore, #tpu.memory_space<semaphore_mem>>) src(%arg12 : memref<125x64xf32, #tpu.memory_space<vmem>>) dst(%dma_wait3A_149 : memref<10000x64xf32, #tpu.memory_space<vmem_shared>>)
      } else {
      }
      %dma_start3A_52 = arith.constant 0 : i32
      %dma_start3A_53 = tpu.memref_slice %arg8[%add3A_41, %dma_start3A_52] : memref<160x125xi32, #tpu.memory_space<vmem>> -> memref<1x125xi32, #tpu.memory_space<vmem>>
      %dma_start3A_54 = tpu.memref_squeeze %dma_start3A_53 : memref<1x125xi32, #tpu.memory_space<vmem>> -> memref<125xi32, #tpu.memory_space<vmem>>
      %dma_start3A_55 = arith.constant 0 : i32
      %dma_start3A_56 = arith.constant 0 : i32
      %dma_start3A_57 = tpu.memref_slice %arg15[%dma_start3A_55, %dma_start3A_56] : memref<10000x64xf32, #tpu.memory_space<vmem_shared>> -> memref<10000x64xf32, #tpu.memory_space<vmem_shared>>
      tpu.enqueue_indirect_dma source(%arg9 : memref<125x64xf32, #tpu.memory_space<vmem>>) target(%dma_start3A_57 : memref<10000x64xf32, #tpu.memory_space<vmem_shared>>) offsets(%dma_start3A_54 : memref<125xi32, #tpu.memory_space<vmem>>) semaphore(%arg20 : memref<!tpu.dma_semaphore, #tpu.memory_space<semaphore_mem>>) {add = true}
      %add3A_58 = arith.constant 3 : i32
      %add3A_59 = arith.addi %add3A_41, %add3A_58 : i32
      %lt3A_60 = arith.constant 160 : i32
      %lt3A_61 = arith.cmpi slt, %add3A_59, %lt3A_60 : i32
      %convert_element_type3A_62 = arith.extui %lt3A_61 : i1 to i32
      %cond3A_63 = arith.constant 0 : i32
      %cond3A_64 = arith.cmpi ne, %convert_element_type3A_62, %cond3A_63 : i32
      scf.if %cond3A_64 {
        %add3A_143 = arith.constant 3 : i32
        %add3A_144 = arith.addi %add3A_41, %add3A_143 : i32
        %dma_start3A_145 = arith.constant 0 : i32
        %dma_start3A_146 = tpu.memref_slice %arg7[%add3A_144, %dma_start3A_145] : memref<160x125xi32, #tpu.memory_space<vmem>> -> memref<1x125xi32, #tpu.memory_space<vmem>>
        %dma_start3A_147 = tpu.memref_squeeze %dma_start3A_146 : memref<1x125xi32, #tpu.memory_space<vmem>> -> memref<125xi32, #tpu.memory_space<vmem>>
        %dma_start3A_148 = arith.constant 0 : i32
        %dma_start3A_149 = arith.constant 0 : i32
        %dma_start3A_150 = tpu.memref_slice %arg2[%dma_start3A_148, %dma_start3A_149] : memref<20000x64xf32, #tpu.memory_space<hbm>> -> memref<20000x64xf32, #tpu.memory_space<hbm>>
        tpu.enqueue_indirect_dma source(%dma_start3A_150 : memref<20000x64xf32, #tpu.memory_space<hbm>>) target(%arg12 : memref<125x64xf32, #tpu.memory_space<vmem>>) offsets(%dma_start3A_147 : memref<125xi32, #tpu.memory_space<vmem>>) semaphore(%arg19 : memref<!tpu.dma_semaphore, #tpu.memory_space<semaphore_mem>>)
      } else {
      }
      %add3A_65 = arith.constant 1 : i32
      %add3A_66 = arith.addi %mul3A_40, %add3A_65 : i32
      %dma_wait3A_67 = arith.constant 0 : i32
      %dma_wait3A_68 = tpu.memref_slice %arg7[%add3A_66, %dma_wait3A_67] : memref<160x125xi32, #tpu.memory_space<vmem>> -> memref<1x125xi32, #tpu.memory_space<vmem>>
      %dma_wait3A_69 = tpu.memref_squeeze %dma_wait3A_68 : memref<1x125xi32, #tpu.memory_space<vmem>> -> memref<125xi32, #tpu.memory_space<vmem>>
      %dma_wait3A_70 = arith.constant 0 : i32
      %dma_wait3A_71 = arith.constant 0 : i32
      %dma_wait3A_72 = tpu.memref_slice %arg2[%dma_wait3A_70, %dma_wait3A_71] : memref<20000x64xf32, #tpu.memory_space<hbm>> -> memref<20000x64xf32, #tpu.memory_space<hbm>>
      tpu.wait_indirect_dma semaphore(%arg17 : memref<!tpu.dma_semaphore, #tpu.memory_space<semaphore_mem>>) src(%dma_wait3A_72 : memref<20000x64xf32, #tpu.memory_space<hbm>>) dst(%arg10 : memref<125x64xf32, #tpu.memory_space<vmem>>)
      %gt3A_73 = arith.constant 0 : i32
      %gt3A_74 = arith.cmpi sgt, %add3A_66, %gt3A_73 : i32
      %convert_element_type3A_75 = arith.extui %gt3A_74 : i1 to i32
      %cond3A_76 = arith.constant 0 : i32
      %cond3A_77 = arith.cmpi ne, %convert_element_type3A_75, %cond3A_76 : i32
      scf.if %cond3A_77 {
        %sub3A = arith.constant 1 : i32
        %sub3A_143 = arith.subi %add3A_66, %sub3A : i32
        %dma_wait3A_144 = arith.constant 0 : i32
        %dma_wait3A_145 = tpu.memref_slice %arg8[%sub3A_143, %dma_wait3A_144] : memref<160x125xi32, #tpu.memory_space<vmem>> -> memref<1x125xi32, #tpu.memory_space<vmem>>
        %dma_wait3A_146 = tpu.memref_squeeze %dma_wait3A_145 : memref<1x125xi32, #tpu.memory_space<vmem>> -> memref<125xi32, #tpu.memory_space<vmem>>
        %dma_wait3A_147 = arith.constant 0 : i32
        %dma_wait3A_148 = arith.constant 0 : i32
        %dma_wait3A_149 = tpu.memref_slice %arg15[%dma_wait3A_147, %dma_wait3A_148] : memref<10000x64xf32, #tpu.memory_space<vmem_shared>> -> memref<10000x64xf32, #tpu.memory_space<vmem_shared>>
        tpu.wait_indirect_dma semaphore(%arg20 : memref<!tpu.dma_semaphore, #tpu.memory_space<semaphore_mem>>) src(%arg9 : memref<125x64xf32, #tpu.memory_space<vmem>>) dst(%dma_wait3A_149 : memref<10000x64xf32, #tpu.memory_space<vmem_shared>>)
      } else {
      }
      %dma_start3A_78 = arith.constant 0 : i32
      %dma_start3A_79 = tpu.memref_slice %arg8[%add3A_66, %dma_start3A_78] : memref<160x125xi32, #tpu.memory_space<vmem>> -> memref<1x125xi32, #tpu.memory_space<vmem>>
      %dma_start3A_80 = tpu.memref_squeeze %dma_start3A_79 : memref<1x125xi32, #tpu.memory_space<vmem>> -> memref<125xi32, #tpu.memory_space<vmem>>
      %dma_start3A_81 = arith.constant 0 : i32
      %dma_start3A_82 = arith.constant 0 : i32
      %dma_start3A_83 = tpu.memref_slice %arg15[%dma_start3A_81, %dma_start3A_82] : memref<10000x64xf32, #tpu.memory_space<vmem_shared>> -> memref<10000x64xf32, #tpu.memory_space<vmem_shared>>
      tpu.enqueue_indirect_dma source(%arg10 : memref<125x64xf32, #tpu.memory_space<vmem>>) target(%dma_start3A_83 : memref<10000x64xf32, #tpu.memory_space<vmem_shared>>) offsets(%dma_start3A_80 : memref<125xi32, #tpu.memory_space<vmem>>) semaphore(%arg20 : memref<!tpu.dma_semaphore, #tpu.memory_space<semaphore_mem>>) {add = true}
      %add3A_84 = arith.constant 3 : i32
      %add3A_85 = arith.addi %add3A_66, %add3A_84 : i32
      %lt3A_86 = arith.constant 160 : i32
      %lt3A_87 = arith.cmpi slt, %add3A_85, %lt3A_86 : i32
      %convert_element_type3A_88 = arith.extui %lt3A_87 : i1 to i32
      %cond3A_89 = arith.constant 0 : i32
      %cond3A_90 = arith.cmpi ne, %convert_element_type3A_88, %cond3A_89 : i32
      scf.if %cond3A_90 {
        %add3A_143 = arith.constant 3 : i32
        %add3A_144 = arith.addi %add3A_66, %add3A_143 : i32
        %dma_start3A_145 = arith.constant 0 : i32
        %dma_start3A_146 = tpu.memref_slice %arg7[%add3A_144, %dma_start3A_145] : memref<160x125xi32, #tpu.memory_space<vmem>> -> memref<1x125xi32, #tpu.memory_space<vmem>>
        %dma_start3A_147 = tpu.memref_squeeze %dma_start3A_146 : memref<1x125xi32, #tpu.memory_space<vmem>> -> memref<125xi32, #tpu.memory_space<vmem>>
        %dma_start3A_148 = arith.constant 0 : i32
        %dma_start3A_149 = arith.constant 0 : i32
        %dma_start3A_150 = tpu.memref_slice %arg2[%dma_start3A_148, %dma_start3A_149] : memref<20000x64xf32, #tpu.memory_space<hbm>> -> memref<20000x64xf32, #tpu.memory_space<hbm>>
        tpu.enqueue_indirect_dma source(%dma_start3A_150 : memref<20000x64xf32, #tpu.memory_space<hbm>>) target(%arg9 : memref<125x64xf32, #tpu.memory_space<vmem>>) offsets(%dma_start3A_147 : memref<125xi32, #tpu.memory_space<vmem>>) semaphore(%arg16 : memref<!tpu.dma_semaphore, #tpu.memory_space<semaphore_mem>>)
      } else {
      }
      %add3A_91 = arith.constant 2 : i32
      %add3A_92 = arith.addi %mul3A_40, %add3A_91 : i32
      %dma_wait3A_93 = arith.constant 0 : i32
      %dma_wait3A_94 = tpu.memref_slice %arg7[%add3A_92, %dma_wait3A_93] : memref<160x125xi32, #tpu.memory_space<vmem>> -> memref<1x125xi32, #tpu.memory_space<vmem>>
      %dma_wait3A_95 = tpu.memref_squeeze %dma_wait3A_94 : memref<1x125xi32, #tpu.memory_space<vmem>> -> memref<125xi32, #tpu.memory_space<vmem>>
      %dma_wait3A_96 = arith.constant 0 : i32
      %dma_wait3A_97 = arith.constant 0 : i32
      %dma_wait3A_98 = tpu.memref_slice %arg2[%dma_wait3A_96, %dma_wait3A_97] : memref<20000x64xf32, #tpu.memory_space<hbm>> -> memref<20000x64xf32, #tpu.memory_space<hbm>>
      tpu.wait_indirect_dma semaphore(%arg18 : memref<!tpu.dma_semaphore, #tpu.memory_space<semaphore_mem>>) src(%dma_wait3A_98 : memref<20000x64xf32, #tpu.memory_space<hbm>>) dst(%arg11 : memref<125x64xf32, #tpu.memory_space<vmem>>)
      %gt3A_99 = arith.constant 0 : i32
      %gt3A_100 = arith.cmpi sgt, %add3A_92, %gt3A_99 : i32
      %convert_element_type3A_101 = arith.extui %gt3A_100 : i1 to i32
      %cond3A_102 = arith.constant 0 : i32
      %cond3A_103 = arith.cmpi ne, %convert_element_type3A_101, %cond3A_102 : i32
      scf.if %cond3A_103 {
        %sub3A = arith.constant 1 : i32
        %sub3A_143 = arith.subi %add3A_92, %sub3A : i32
        %dma_wait3A_144 = arith.constant 0 : i32
        %dma_wait3A_145 = tpu.memref_slice %arg8[%sub3A_143, %dma_wait3A_144] : memref<160x125xi32, #tpu.memory_space<vmem>> -> memref<1x125xi32, #tpu.memory_space<vmem>>
        %dma_wait3A_146 = tpu.memref_squeeze %dma_wait3A_145 : memref<1x125xi32, #tpu.memory_space<vmem>> -> memref<125xi32, #tpu.memory_space<vmem>>
        %dma_wait3A_147 = arith.constant 0 : i32
        %dma_wait3A_148 = arith.constant 0 : i32
        %dma_wait3A_149 = tpu.memref_slice %arg15[%dma_wait3A_147, %dma_wait3A_148] : memref<10000x64xf32, #tpu.memory_space<vmem_shared>> -> memref<10000x64xf32, #tpu.memory_space<vmem_shared>>
        tpu.wait_indirect_dma semaphore(%arg20 : memref<!tpu.dma_semaphore, #tpu.memory_space<semaphore_mem>>) src(%arg10 : memref<125x64xf32, #tpu.memory_space<vmem>>) dst(%dma_wait3A_149 : memref<10000x64xf32, #tpu.memory_space<vmem_shared>>)
      } else {
      }
      %dma_start3A_104 = arith.constant 0 : i32
      %dma_start3A_105 = tpu.memref_slice %arg8[%add3A_92, %dma_start3A_104] : memref<160x125xi32, #tpu.memory_space<vmem>> -> memref<1x125xi32, #tpu.memory_space<vmem>>
      %dma_start3A_106 = tpu.memref_squeeze %dma_start3A_105 : memref<1x125xi32, #tpu.memory_space<vmem>> -> memref<125xi32, #tpu.memory_space<vmem>>
      %dma_start3A_107 = arith.constant 0 : i32
      %dma_start3A_108 = arith.constant 0 : i32
      %dma_start3A_109 = tpu.memref_slice %arg15[%dma_start3A_107, %dma_start3A_108] : memref<10000x64xf32, #tpu.memory_space<vmem_shared>> -> memref<10000x64xf32, #tpu.memory_space<vmem_shared>>
      tpu.enqueue_indirect_dma source(%arg11 : memref<125x64xf32, #tpu.memory_space<vmem>>) target(%dma_start3A_109 : memref<10000x64xf32, #tpu.memory_space<vmem_shared>>) offsets(%dma_start3A_106 : memref<125xi32, #tpu.memory_space<vmem>>) semaphore(%arg20 : memref<!tpu.dma_semaphore, #tpu.memory_space<semaphore_mem>>) {add = true}
      %add3A_110 = arith.constant 3 : i32
      %add3A_111 = arith.addi %add3A_92, %add3A_110 : i32
      %lt3A_112 = arith.constant 160 : i32
      %lt3A_113 = arith.cmpi slt, %add3A_111, %lt3A_112 : i32
      %convert_element_type3A_114 = arith.extui %lt3A_113 : i1 to i32
      %cond3A_115 = arith.constant 0 : i32
      %cond3A_116 = arith.cmpi ne, %convert_element_type3A_114, %cond3A_115 : i32
      scf.if %cond3A_116 {
        %add3A_143 = arith.constant 3 : i32
        %add3A_144 = arith.addi %add3A_92, %add3A_143 : i32
        %dma_start3A_145 = arith.constant 0 : i32
        %dma_start3A_146 = tpu.memref_slice %arg7[%add3A_144, %dma_start3A_145] : memref<160x125xi32, #tpu.memory_space<vmem>> -> memref<1x125xi32, #tpu.memory_space<vmem>>
        %dma_start3A_147 = tpu.memref_squeeze %dma_start3A_146 : memref<1x125xi32, #tpu.memory_space<vmem>> -> memref<125xi32, #tpu.memory_space<vmem>>
        %dma_start3A_148 = arith.constant 0 : i32
        %dma_start3A_149 = arith.constant 0 : i32
        %dma_start3A_150 = tpu.memref_slice %arg2[%dma_start3A_148, %dma_start3A_149] : memref<20000x64xf32, #tpu.memory_space<hbm>> -> memref<20000x64xf32, #tpu.memory_space<hbm>>
        tpu.enqueue_indirect_dma source(%dma_start3A_150 : memref<20000x64xf32, #tpu.memory_space<hbm>>) target(%arg10 : memref<125x64xf32, #tpu.memory_space<vmem>>) offsets(%dma_start3A_147 : memref<125xi32, #tpu.memory_space<vmem>>) semaphore(%arg17 : memref<!tpu.dma_semaphore, #tpu.memory_space<semaphore_mem>>)
      } else {
      }
      %add3A_117 = arith.constant 3 : i32
      %add3A_118 = arith.addi %mul3A_40, %add3A_117 : i32
      %dma_wait3A_119 = arith.constant 0 : i32
      %dma_wait3A_120 = tpu.memref_slice %arg7[%add3A_118, %dma_wait3A_119] : memref<160x125xi32, #tpu.memory_space<vmem>> -> memref<1x125xi32, #tpu.memory_space<vmem>>
      %dma_wait3A_121 = tpu.memref_squeeze %dma_wait3A_120 : memref<1x125xi32, #tpu.memory_space<vmem>> -> memref<125xi32, #tpu.memory_space<vmem>>
      %dma_wait3A_122 = arith.constant 0 : i32
      %dma_wait3A_123 = arith.constant 0 : i32
      %dma_wait3A_124 = tpu.memref_slice %arg2[%dma_wait3A_122, %dma_wait3A_123] : memref<20000x64xf32, #tpu.memory_space<hbm>> -> memref<20000x64xf32, #tpu.memory_space<hbm>>
      tpu.wait_indirect_dma semaphore(%arg19 : memref<!tpu.dma_semaphore, #tpu.memory_space<semaphore_mem>>) src(%dma_wait3A_124 : memref<20000x64xf32, #tpu.memory_space<hbm>>) dst(%arg12 : memref<125x64xf32, #tpu.memory_space<vmem>>)
      %gt3A_125 = arith.constant 0 : i32
      %gt3A_126 = arith.cmpi sgt, %add3A_118, %gt3A_125 : i32
      %convert_element_type3A_127 = arith.extui %gt3A_126 : i1 to i32
      %cond3A_128 = arith.constant 0 : i32
      %cond3A_129 = arith.cmpi ne, %convert_element_type3A_127, %cond3A_128 : i32
      scf.if %cond3A_129 {
        %sub3A = arith.constant 1 : i32
        %sub3A_143 = arith.subi %add3A_118, %sub3A : i32
        %dma_wait3A_144 = arith.constant 0 : i32
        %dma_wait3A_145 = tpu.memref_slice %arg8[%sub3A_143, %dma_wait3A_144] : memref<160x125xi32, #tpu.memory_space<vmem>> -> memref<1x125xi32, #tpu.memory_space<vmem>>
        %dma_wait3A_146 = tpu.memref_squeeze %dma_wait3A_145 : memref<1x125xi32, #tpu.memory_space<vmem>> -> memref<125xi32, #tpu.memory_space<vmem>>
        %dma_wait3A_147 = arith.constant 0 : i32
        %dma_wait3A_148 = arith.constant 0 : i32
        %dma_wait3A_149 = tpu.memref_slice %arg15[%dma_wait3A_147, %dma_wait3A_148] : memref<10000x64xf32, #tpu.memory_space<vmem_shared>> -> memref<10000x64xf32, #tpu.memory_space<vmem_shared>>
        tpu.wait_indirect_dma semaphore(%arg20 : memref<!tpu.dma_semaphore, #tpu.memory_space<semaphore_mem>>) src(%arg11 : memref<125x64xf32, #tpu.memory_space<vmem>>) dst(%dma_wait3A_149 : memref<10000x64xf32, #tpu.memory_space<vmem_shared>>)
      } else {
      }
      %dma_start3A_130 = arith.constant 0 : i32
      %dma_start3A_131 = tpu.memref_slice %arg8[%add3A_118, %dma_start3A_130] : memref<160x125xi32, #tpu.memory_space<vmem>> -> memref<1x125xi32, #tpu.memory_space<vmem>>
      %dma_start3A_132 = tpu.memref_squeeze %dma_start3A_131 : memref<1x125xi32, #tpu.memory_space<vmem>> -> memref<125xi32, #tpu.memory_space<vmem>>
      %dma_start3A_133 = arith.constant 0 : i32
      %dma_start3A_134 = arith.constant 0 : i32
      %dma_start3A_135 = tpu.memref_slice %arg15[%dma_start3A_133, %dma_start3A_134] : memref<10000x64xf32, #tpu.memory_space<vmem_shared>> -> memref<10000x64xf32, #tpu.memory_space<vmem_shared>>
      tpu.enqueue_indirect_dma source(%arg12 : memref<125x64xf32, #tpu.memory_space<vmem>>) target(%dma_start3A_135 : memref<10000x64xf32, #tpu.memory_space<vmem_shared>>) offsets(%dma_start3A_132 : memref<125xi32, #tpu.memory_space<vmem>>) semaphore(%arg20 : memref<!tpu.dma_semaphore, #tpu.memory_space<semaphore_mem>>) {add = true}
      %add3A_136 = arith.constant 3 : i32
      %add3A_137 = arith.addi %add3A_118, %add3A_136 : i32
      %lt3A_138 = arith.constant 160 : i32
      %lt3A_139 = arith.cmpi slt, %add3A_137, %lt3A_138 : i32
      %convert_element_type3A_140 = arith.extui %lt3A_139 : i1 to i32
      %cond3A_141 = arith.constant 0 : i32
      %cond3A_142 = arith.cmpi ne, %convert_element_type3A_140, %cond3A_141 : i32
      scf.if %cond3A_142 {
        %add3A_143 = arith.constant 3 : i32
        %add3A_144 = arith.addi %add3A_118, %add3A_143 : i32
        %dma_start3A_145 = arith.constant 0 : i32
        %dma_start3A_146 = tpu.memref_slice %arg7[%add3A_144, %dma_start3A_145] : memref<160x125xi32, #tpu.memory_space<vmem>> -> memref<1x125xi32, #tpu.memory_space<vmem>>
        %dma_start3A_147 = tpu.memref_squeeze %dma_start3A_146 : memref<1x125xi32, #tpu.memory_space<vmem>> -> memref<125xi32, #tpu.memory_space<vmem>>
        %dma_start3A_148 = arith.constant 0 : i32
        %dma_start3A_149 = arith.constant 0 : i32
        %dma_start3A_150 = tpu.memref_slice %arg2[%dma_start3A_148, %dma_start3A_149] : memref<20000x64xf32, #tpu.memory_space<hbm>> -> memref<20000x64xf32, #tpu.memory_space<hbm>>
        tpu.enqueue_indirect_dma source(%dma_start3A_150 : memref<20000x64xf32, #tpu.memory_space<hbm>>) target(%arg11 : memref<125x64xf32, #tpu.memory_space<vmem>>) offsets(%dma_start3A_147 : memref<125xi32, #tpu.memory_space<vmem>>) semaphore(%arg18 : memref<!tpu.dma_semaphore, #tpu.memory_space<semaphore_mem>>)
      } else {
      }
    }
    %scan3A_26 = arith.constant 40 : i32
    %dma_wait3A = arith.constant 159 : i32
    %dma_wait3A_27 = arith.constant 0 : i32
    %dma_wait3A_28 = tpu.memref_slice %arg8[%dma_wait3A, %dma_wait3A_27] : memref<160x125xi32, #tpu.memory_space<vmem>> -> memref<1x125xi32, #tpu.memory_space<vmem>>
    %dma_wait3A_29 = tpu.memref_squeeze %dma_wait3A_28 : memref<1x125xi32, #tpu.memory_space<vmem>> -> memref<125xi32, #tpu.memory_space<vmem>>
    %dma_wait3A_30 = arith.constant 0 : i32
    %dma_wait3A_31 = arith.constant 0 : i32
    %dma_wait3A_32 = tpu.memref_slice %arg15[%dma_wait3A_30, %dma_wait3A_31] : memref<10000x64xf32, #tpu.memory_space<vmem_shared>> -> memref<10000x64xf32, #tpu.memory_space<vmem_shared>>
    tpu.wait_indirect_dma semaphore(%arg20 : memref<!tpu.dma_semaphore, #tpu.memory_space<semaphore_mem>>) src(%arg12 : memref<125x64xf32, #tpu.memory_space<vmem>>) dst(%dma_wait3A_32 : memref<10000x64xf32, #tpu.memory_space<vmem_shared>>)
    %barrier3A_33 = arith.constant 0 : index
    tpu.barrier barrier_id(%barrier3A_33)
    %lt3A_34 = arith.constant 10 : i32
    %lt3A_35 = arith.cmpi slt, %arg1, %lt3A_34 : i32
    %convert_element_type3A_36 = arith.extui %lt3A_35 : i1 to i32
    %cond3A_37 = arith.constant 0 : i32
    %cond3A_38 = arith.cmpi ne, %convert_element_type3A_36, %cond3A_37 : i32
    scf.if %cond3A_38 {
      %mul3A = arith.constant 1000 : i32
      %mul3A_39 = arith.muli %arg1, %mul3A : i32
      %add3A = arith.constant 0 : i32
      %add3A_40 = arith.addi %mul3A_39, %add3A : i32
      "tpu.region"() ({
        %run_scoped3A = tpu.sem_alloc : memref<!tpu.dma_semaphore, #tpu.memory_space<semaphore_mem>>
        %dma_start3A_537 = arith.constant 0 : i32
        %dma_start3A_538 = tpu.memref_slice %arg15[%add3A_40, %dma_start3A_537] : memref<10000x64xf32, #tpu.memory_space<vmem_shared>> -> memref<40x64xf32, #tpu.memory_space<vmem_shared>>
        %dma_start3A_539 = arith.constant 0 : i32
        %dma_start3A_540 = tpu.memref_slice %arg15[%add3A_40, %dma_start3A_539] : memref<10000x64xf32, #tpu.memory_space<vmem_shared>> -> memref<40x64xf32, #tpu.memory_space<vmem_shared>>
        tpu.enqueue_dma source(%dma_start3A_540 : memref<40x64xf32, #tpu.memory_space<vmem_shared>>) target(%arg13 : memref<40x64xf32, #tpu.memory_space<vmem>>) target_semaphore(%run_scoped3A : memref<!tpu.dma_semaphore, #tpu.memory_space<semaphore_mem>>)
        %dma_wait3A_541 = arith.constant 0 : i32
        %dma_wait3A_542 = tpu.memref_slice %arg15[%add3A_40, %dma_wait3A_541] : memref<10000x64xf32, #tpu.memory_space<vmem_shared>> -> memref<40x64xf32, #tpu.memory_space<vmem_shared>>
        %dma_wait3A_543 = arith.constant 0 : i32
        %dma_wait3A_544 = tpu.memref_slice %arg15[%add3A_40, %dma_wait3A_543] : memref<10000x64xf32, #tpu.memory_space<vmem_shared>> -> memref<40x64xf32, #tpu.memory_space<vmem_shared>>
        tpu.wait_dma2 semaphore(%run_scoped3A : memref<!tpu.dma_semaphore, #tpu.memory_space<semaphore_mem>>) src(%dma_wait3A_544 : memref<40x64xf32, #tpu.memory_space<vmem_shared>>) dst(%arg13 : memref<40x64xf32, #tpu.memory_space<vmem>>)
        tpu.yield
      }) : () -> ()
      %dma_start3A_41 = arith.constant 0 : i32
      %dma_start3A_42 = tpu.memref_slice %arg6[%arg0, %add3A_40, %dma_start3A_41] : memref<2x10000x64xf32, #tpu.memory_space<hbm>> -> memref<1x40x64xf32, #tpu.memory_space<hbm>>
      %dma_start3A_43 = tpu.memref_squeeze %dma_start3A_42 : memref<1x40x64xf32, #tpu.memory_space<hbm>> -> memref<40x64xf32, #tpu.memory_space<hbm>>
      %dma_start3A_44 = arith.constant 0 : i32
      %dma_start3A_45 = tpu.memref_slice %arg6[%arg0, %add3A_40, %dma_start3A_44] : memref<2x10000x64xf32, #tpu.memory_space<hbm>> -> memref<1x40x64xf32, #tpu.memory_space<hbm>>
      %dma_start3A_46 = tpu.memref_squeeze %dma_start3A_45 : memref<1x40x64xf32, #tpu.memory_space<hbm>> -> memref<40x64xf32, #tpu.memory_space<hbm>>
      tpu.enqueue_dma source(%arg13 : memref<40x64xf32, #tpu.memory_space<vmem>>) target(%dma_start3A_46 : memref<40x64xf32, #tpu.memory_space<hbm>>) target_semaphore(%arg16 : memref<!tpu.dma_semaphore, #tpu.memory_space<semaphore_mem>>)
      %mul3A_47 = arith.constant 1000 : i32
      %mul3A_48 = arith.muli %arg1, %mul3A_47 : i32
      %add3A_49 = arith.constant 40 : i32
      %add3A_50 = arith.addi %mul3A_48, %add3A_49 : i32
      "tpu.region"() ({
        %run_scoped3A = tpu.sem_alloc : memref<!tpu.dma_semaphore, #tpu.memory_space<semaphore_mem>>
        %dma_start3A_537 = arith.constant 0 : i32
        %dma_start3A_538 = tpu.memref_slice %arg15[%add3A_50, %dma_start3A_537] : memref<10000x64xf32, #tpu.memory_space<vmem_shared>> -> memref<40x64xf32, #tpu.memory_space<vmem_shared>>
        %dma_start3A_539 = arith.constant 0 : i32
        %dma_start3A_540 = tpu.memref_slice %arg15[%add3A_50, %dma_start3A_539] : memref<10000x64xf32, #tpu.memory_space<vmem_shared>> -> memref<40x64xf32, #tpu.memory_space<vmem_shared>>
        tpu.enqueue_dma source(%dma_start3A_540 : memref<40x64xf32, #tpu.memory_space<vmem_shared>>) target(%arg14 : memref<40x64xf32, #tpu.memory_space<vmem>>) target_semaphore(%run_scoped3A : memref<!tpu.dma_semaphore, #tpu.memory_space<semaphore_mem>>)
        %dma_wait3A_541 = arith.constant 0 : i32
        %dma_wait3A_542 = tpu.memref_slice %arg15[%add3A_50, %dma_wait3A_541] : memref<10000x64xf32, #tpu.memory_space<vmem_shared>> -> memref<40x64xf32, #tpu.memory_space<vmem_shared>>
        %dma_wait3A_543 = arith.constant 0 : i32
        %dma_wait3A_544 = tpu.memref_slice %arg15[%add3A_50, %dma_wait3A_543] : memref<10000x64xf32, #tpu.memory_space<vmem_shared>> -> memref<40x64xf32, #tpu.memory_space<vmem_shared>>
        tpu.wait_dma2 semaphore(%run_scoped3A : memref<!tpu.dma_semaphore, #tpu.memory_space<semaphore_mem>>) src(%dma_wait3A_544 : memref<40x64xf32, #tpu.memory_space<vmem_shared>>) dst(%arg14 : memref<40x64xf32, #tpu.memory_space<vmem>>)
        tpu.yield
      }) : () -> ()
      %dma_start3A_51 = arith.constant 0 : i32
      %dma_start3A_52 = tpu.memref_slice %arg6[%arg0, %add3A_50, %dma_start3A_51] : memref<2x10000x64xf32, #tpu.memory_space<hbm>> -> memref<1x40x64xf32, #tpu.memory_space<hbm>>
      %dma_start3A_53 = tpu.memref_squeeze %dma_start3A_52 : memref<1x40x64xf32, #tpu.memory_space<hbm>> -> memref<40x64xf32, #tpu.memory_space<hbm>>
      %dma_start3A_54 = arith.constant 0 : i32
      %dma_start3A_55 = tpu.memref_slice %arg6[%arg0, %add3A_50, %dma_start3A_54] : memref<2x10000x64xf32, #tpu.memory_space<hbm>> -> memref<1x40x64xf32, #tpu.memory_space<hbm>>
      %dma_start3A_56 = tpu.memref_squeeze %dma_start3A_55 : memref<1x40x64xf32, #tpu.memory_space<hbm>> -> memref<40x64xf32, #tpu.memory_space<hbm>>
      tpu.enqueue_dma source(%arg14 : memref<40x64xf32, #tpu.memory_space<vmem>>) target(%dma_start3A_56 : memref<40x64xf32, #tpu.memory_space<hbm>>) target_semaphore(%arg17 : memref<!tpu.dma_semaphore, #tpu.memory_space<semaphore_mem>>)
      %mul3A_57 = arith.constant 1000 : i32
      %mul3A_58 = arith.muli %arg1, %mul3A_57 : i32
      %add3A_59 = arith.constant 0 : i32
      %add3A_60 = arith.addi %mul3A_58, %add3A_59 : i32
      %dma_wait3A_61 = arith.constant 0 : i32
      %dma_wait3A_62 = tpu.memref_slice %arg6[%arg0, %add3A_60, %dma_wait3A_61] : memref<2x10000x64xf32, #tpu.memory_space<hbm>> -> memref<1x40x64xf32, #tpu.memory_space<hbm>>
      %dma_wait3A_63 = tpu.memref_squeeze %dma_wait3A_62 : memref<1x40x64xf32, #tpu.memory_space<hbm>> -> memref<40x64xf32, #tpu.memory_space<hbm>>
      %dma_wait3A_64 = arith.constant 0 : i32
      %dma_wait3A_65 = tpu.memref_slice %arg6[%arg0, %add3A_60, %dma_wait3A_64] : memref<2x10000x64xf32, #tpu.memory_space<hbm>> -> memref<1x40x64xf32, #tpu.memory_space<hbm>>
      %dma_wait3A_66 = tpu.memref_squeeze %dma_wait3A_65 : memref<1x40x64xf32, #tpu.memory_space<hbm>> -> memref<40x64xf32, #tpu.memory_space<hbm>>
      tpu.wait_dma2 semaphore(%arg16 : memref<!tpu.dma_semaphore, #tpu.memory_space<semaphore_mem>>) src(%arg13 : memref<40x64xf32, #tpu.memory_space<vmem>>) dst(%dma_wait3A_66 : memref<40x64xf32, #tpu.memory_space<hbm>>)
      %mul3A_67 = arith.constant 1000 : i32
      %mul3A_68 = arith.muli %arg1, %mul3A_67 : i32
      %add3A_69 = arith.constant 80 : i32
      %add3A_70 = arith.addi %mul3A_68, %add3A_69 : i32
      "tpu.region"() ({
        %run_scoped3A = tpu.sem_alloc : memref<!tpu.dma_semaphore, #tpu.memory_space<semaphore_mem>>
        %dma_start3A_537 = arith.constant 0 : i32
        %dma_start3A_538 = tpu.memref_slice %arg15[%add3A_70, %dma_start3A_537] : memref<10000x64xf32, #tpu.memory_space<vmem_shared>> -> memref<40x64xf32, #tpu.memory_space<vmem_shared>>
        %dma_start3A_539 = arith.constant 0 : i32
        %dma_start3A_540 = tpu.memref_slice %arg15[%add3A_70, %dma_start3A_539] : memref<10000x64xf32, #tpu.memory_space<vmem_shared>> -> memref<40x64xf32, #tpu.memory_space<vmem_shared>>
        tpu.enqueue_dma source(%dma_start3A_540 : memref<40x64xf32, #tpu.memory_space<vmem_shared>>) target(%arg13 : memref<40x64xf32, #tpu.memory_space<vmem>>) target_semaphore(%run_scoped3A : memref<!tpu.dma_semaphore, #tpu.memory_space<semaphore_mem>>)
        %dma_wait3A_541 = arith.constant 0 : i32
        %dma_wait3A_542 = tpu.memref_slice %arg15[%add3A_70, %dma_wait3A_541] : memref<10000x64xf32, #tpu.memory_space<vmem_shared>> -> memref<40x64xf32, #tpu.memory_space<vmem_shared>>
        %dma_wait3A_543 = arith.constant 0 : i32
        %dma_wait3A_544 = tpu.memref_slice %arg15[%add3A_70, %dma_wait3A_543] : memref<10000x64xf32, #tpu.memory_space<vmem_shared>> -> memref<40x64xf32, #tpu.memory_space<vmem_shared>>
        tpu.wait_dma2 semaphore(%run_scoped3A : memref<!tpu.dma_semaphore, #tpu.memory_space<semaphore_mem>>) src(%dma_wait3A_544 : memref<40x64xf32, #tpu.memory_space<vmem_shared>>) dst(%arg13 : memref<40x64xf32, #tpu.memory_space<vmem>>)
        tpu.yield
      }) : () -> ()
      %dma_start3A_71 = arith.constant 0 : i32
      %dma_start3A_72 = tpu.memref_slice %arg6[%arg0, %add3A_70, %dma_start3A_71] : memref<2x10000x64xf32, #tpu.memory_space<hbm>> -> memref<1x40x64xf32, #tpu.memory_space<hbm>>
      %dma_start3A_73 = tpu.memref_squeeze %dma_start3A_72 : memref<1x40x64xf32, #tpu.memory_space<hbm>> -> memref<40x64xf32, #tpu.memory_space<hbm>>
      %dma_start3A_74 = arith.constant 0 : i32
      %dma_start3A_75 = tpu.memref_slice %arg6[%arg0, %add3A_70, %dma_start3A_74] : memref<2x10000x64xf32, #tpu.memory_space<hbm>> -> memref<1x40x64xf32, #tpu.memory_space<hbm>>
      %dma_start3A_76 = tpu.memref_squeeze %dma_start3A_75 : memref<1x40x64xf32, #tpu.memory_space<hbm>> -> memref<40x64xf32, #tpu.memory_space<hbm>>
      tpu.enqueue_dma source(%arg13 : memref<40x64xf32, #tpu.memory_space<vmem>>) target(%dma_start3A_76 : memref<40x64xf32, #tpu.memory_space<hbm>>) target_semaphore(%arg16 : memref<!tpu.dma_semaphore, #tpu.memory_space<semaphore_mem>>)
      %mul3A_77 = arith.constant 1000 : i32
      %mul3A_78 = arith.muli %arg1, %mul3A_77 : i32
      %add3A_79 = arith.constant 40 : i32
      %add3A_80 = arith.addi %mul3A_78, %add3A_79 : i32
      %dma_wait3A_81 = arith.constant 0 : i32
      %dma_wait3A_82 = tpu.memref_slice %arg6[%arg0, %add3A_80, %dma_wait3A_81] : memref<2x10000x64xf32, #tpu.memory_space<hbm>> -> memref<1x40x64xf32, #tpu.memory_space<hbm>>
      %dma_wait3A_83 = tpu.memref_squeeze %dma_wait3A_82 : memref<1x40x64xf32, #tpu.memory_space<hbm>> -> memref<40x64xf32, #tpu.memory_space<hbm>>
      %dma_wait3A_84 = arith.constant 0 : i32
      %dma_wait3A_85 = tpu.memref_slice %arg6[%arg0, %add3A_80, %dma_wait3A_84] : memref<2x10000x64xf32, #tpu.memory_space<hbm>> -> memref<1x40x64xf32, #tpu.memory_space<hbm>>
      %dma_wait3A_86 = tpu.memref_squeeze %dma_wait3A_85 : memref<1x40x64xf32, #tpu.memory_space<hbm>> -> memref<40x64xf32, #tpu.memory_space<hbm>>
      tpu.wait_dma2 semaphore(%arg17 : memref<!tpu.dma_semaphore, #tpu.memory_space<semaphore_mem>>) src(%arg14 : memref<40x64xf32, #tpu.memory_space<vmem>>) dst(%dma_wait3A_86 : memref<40x64xf32, #tpu.memory_space<hbm>>)
      %mul3A_87 = arith.constant 1000 : i32
      %mul3A_88 = arith.muli %arg1, %mul3A_87 : i32
      %add3A_89 = arith.constant 120 : i32
      %add3A_90 = arith.addi %mul3A_88, %add3A_89 : i32
      "tpu.region"() ({
        %run_scoped3A = tpu.sem_alloc : memref<!tpu.dma_semaphore, #tpu.memory_space<semaphore_mem>>
        %dma_start3A_537 = arith.constant 0 : i32
        %dma_start3A_538 = tpu.memref_slice %arg15[%add3A_90, %dma_start3A_537] : memref<10000x64xf32, #tpu.memory_space<vmem_shared>> -> memref<40x64xf32, #tpu.memory_space<vmem_shared>>
        %dma_start3A_539 = arith.constant 0 : i32
        %dma_start3A_540 = tpu.memref_slice %arg15[%add3A_90, %dma_start3A_539] : memref<10000x64xf32, #tpu.memory_space<vmem_shared>> -> memref<40x64xf32, #tpu.memory_space<vmem_shared>>
        tpu.enqueue_dma source(%dma_start3A_540 : memref<40x64xf32, #tpu.memory_space<vmem_shared>>) target(%arg14 : memref<40x64xf32, #tpu.memory_space<vmem>>) target_semaphore(%run_scoped3A : memref<!tpu.dma_semaphore, #tpu.memory_space<semaphore_mem>>)
        %dma_wait3A_541 = arith.constant 0 : i32
        %dma_wait3A_542 = tpu.memref_slice %arg15[%add3A_90, %dma_wait3A_541] : memref<10000x64xf32, #tpu.memory_space<vmem_shared>> -> memref<40x64xf32, #tpu.memory_space<vmem_shared>>
        %dma_wait3A_543 = arith.constant 0 : i32
        %dma_wait3A_544 = tpu.memref_slice %arg15[%add3A_90, %dma_wait3A_543] : memref<10000x64xf32, #tpu.memory_space<vmem_shared>> -> memref<40x64xf32, #tpu.memory_space<vmem_shared>>
        tpu.wait_dma2 semaphore(%run_scoped3A : memref<!tpu.dma_semaphore, #tpu.memory_space<semaphore_mem>>) src(%dma_wait3A_544 : memref<40x64xf32, #tpu.memory_space<vmem_shared>>) dst(%arg14 : memref<40x64xf32, #tpu.memory_space<vmem>>)
        tpu.yield
      }) : () -> ()
      %dma_start3A_91 = arith.constant 0 : i32
      %dma_start3A_92 = tpu.memref_slice %arg6[%arg0, %add3A_90, %dma_start3A_91] : memref<2x10000x64xf32, #tpu.memory_space<hbm>> -> memref<1x40x64xf32, #tpu.memory_space<hbm>>
      %dma_start3A_93 = tpu.memref_squeeze %dma_start3A_92 : memref<1x40x64xf32, #tpu.memory_space<hbm>> -> memref<40x64xf32, #tpu.memory_space<hbm>>
      %dma_start3A_94 = arith.constant 0 : i32
      %dma_start3A_95 = tpu.memref_slice %arg6[%arg0, %add3A_90, %dma_start3A_94] : memref<2x10000x64xf32, #tpu.memory_space<hbm>> -> memref<1x40x64xf32, #tpu.memory_space<hbm>>
      %dma_start3A_96 = tpu.memref_squeeze %dma_start3A_95 : memref<1x40x64xf32, #tpu.memory_space<hbm>> -> memref<40x64xf32, #tpu.memory_space<hbm>>
      tpu.enqueue_dma source(%arg14 : memref<40x64xf32, #tpu.memory_space<vmem>>) target(%dma_start3A_96 : memref<40x64xf32, #tpu.memory_space<hbm>>) target_semaphore(%arg17 : memref<!tpu.dma_semaphore, #tpu.memory_space<semaphore_mem>>)
      %mul3A_97 = arith.constant 1000 : i32
      %mul3A_98 = arith.muli %arg1, %mul3A_97 : i32
      %add3A_99 = arith.constant 80 : i32
      %add3A_100 = arith.addi %mul3A_98, %add3A_99 : i32
      %dma_wait3A_101 = arith.constant 0 : i32
      %dma_wait3A_102 = tpu.memref_slice %arg6[%arg0, %add3A_100, %dma_wait3A_101] : memref<2x10000x64xf32, #tpu.memory_space<hbm>> -> memref<1x40x64xf32, #tpu.memory_space<hbm>>
      %dma_wait3A_103 = tpu.memref_squeeze %dma_wait3A_102 : memref<1x40x64xf32, #tpu.memory_space<hbm>> -> memref<40x64xf32, #tpu.memory_space<hbm>>
      %dma_wait3A_104 = arith.constant 0 : i32
      %dma_wait3A_105 = tpu.memref_slice %arg6[%arg0, %add3A_100, %dma_wait3A_104] : memref<2x10000x64xf32, #tpu.memory_space<hbm>> -> memref<1x40x64xf32, #tpu.memory_space<hbm>>
      %dma_wait3A_106 = tpu.memref_squeeze %dma_wait3A_105 : memref<1x40x64xf32, #tpu.memory_space<hbm>> -> memref<40x64xf32, #tpu.memory_space<hbm>>
      tpu.wait_dma2 semaphore(%arg16 : memref<!tpu.dma_semaphore, #tpu.memory_space<semaphore_mem>>) src(%arg13 : memref<40x64xf32, #tpu.memory_space<vmem>>) dst(%dma_wait3A_106 : memref<40x64xf32, #tpu.memory_space<hbm>>)
      %mul3A_107 = arith.constant 1000 : i32
      %mul3A_108 = arith.muli %arg1, %mul3A_107 : i32
      %add3A_109 = arith.constant 160 : i32
      %add3A_110 = arith.addi %mul3A_108, %add3A_109 : i32
      "tpu.region"() ({
        %run_scoped3A = tpu.sem_alloc : memref<!tpu.dma_semaphore, #tpu.memory_space<semaphore_mem>>
        %dma_start3A_537 = arith.constant 0 : i32
        %dma_start3A_538 = tpu.memref_slice %arg15[%add3A_110, %dma_start3A_537] : memref<10000x64xf32, #tpu.memory_space<vmem_shared>> -> memref<40x64xf32, #tpu.memory_space<vmem_shared>>
        %dma_start3A_539 = arith.constant 0 : i32
        %dma_start3A_540 = tpu.memref_slice %arg15[%add3A_110, %dma_start3A_539] : memref<10000x64xf32, #tpu.memory_space<vmem_shared>> -> memref<40x64xf32, #tpu.memory_space<vmem_shared>>
        tpu.enqueue_dma source(%dma_start3A_540 : memref<40x64xf32, #tpu.memory_space<vmem_shared>>) target(%arg13 : memref<40x64xf32, #tpu.memory_space<vmem>>) target_semaphore(%run_scoped3A : memref<!tpu.dma_semaphore, #tpu.memory_space<semaphore_mem>>)
        %dma_wait3A_541 = arith.constant 0 : i32
        %dma_wait3A_542 = tpu.memref_slice %arg15[%add3A_110, %dma_wait3A_541] : memref<10000x64xf32, #tpu.memory_space<vmem_shared>> -> memref<40x64xf32, #tpu.memory_space<vmem_shared>>
        %dma_wait3A_543 = arith.constant 0 : i32
        %dma_wait3A_544 = tpu.memref_slice %arg15[%add3A_110, %dma_wait3A_543] : memref<10000x64xf32, #tpu.memory_space<vmem_shared>> -> memref<40x64xf32, #tpu.memory_space<vmem_shared>>
        tpu.wait_dma2 semaphore(%run_scoped3A : memref<!tpu.dma_semaphore, #tpu.memory_space<semaphore_mem>>) src(%dma_wait3A_544 : memref<40x64xf32, #tpu.memory_space<vmem_shared>>) dst(%arg13 : memref<40x64xf32, #tpu.memory_space<vmem>>)
        tpu.yield
      }) : () -> ()
      %dma_start3A_111 = arith.constant 0 : i32
      %dma_start3A_112 = tpu.memref_slice %arg6[%arg0, %add3A_110, %dma_start3A_111] : memref<2x10000x64xf32, #tpu.memory_space<hbm>> -> memref<1x40x64xf32, #tpu.memory_space<hbm>>
      %dma_start3A_113 = tpu.memref_squeeze %dma_start3A_112 : memref<1x40x64xf32, #tpu.memory_space<hbm>> -> memref<40x64xf32, #tpu.memory_space<hbm>>
      %dma_start3A_114 = arith.constant 0 : i32
      %dma_start3A_115 = tpu.memref_slice %arg6[%arg0, %add3A_110, %dma_start3A_114] : memref<2x10000x64xf32, #tpu.memory_space<hbm>> -> memref<1x40x64xf32, #tpu.memory_space<hbm>>
      %dma_start3A_116 = tpu.memref_squeeze %dma_start3A_115 : memref<1x40x64xf32, #tpu.memory_space<hbm>> -> memref<40x64xf32, #tpu.memory_space<hbm>>
      tpu.enqueue_dma source(%arg13 : memref<40x64xf32, #tpu.memory_space<vmem>>) target(%dma_start3A_116 : memref<40x64xf32, #tpu.memory_space<hbm>>) target_semaphore(%arg16 : memref<!tpu.dma_semaphore, #tpu.memory_space<semaphore_mem>>)
      %mul3A_117 = arith.constant 1000 : i32
      %mul3A_118 = arith.muli %arg1, %mul3A_117 : i32
      %add3A_119 = arith.constant 120 : i32
      %add3A_120 = arith.addi %mul3A_118, %add3A_119 : i32
      %dma_wait3A_121 = arith.constant 0 : i32
      %dma_wait3A_122 = tpu.memref_slice %arg6[%arg0, %add3A_120, %dma_wait3A_121] : memref<2x10000x64xf32, #tpu.memory_space<hbm>> -> memref<1x40x64xf32, #tpu.memory_space<hbm>>
      %dma_wait3A_123 = tpu.memref_squeeze %dma_wait3A_122 : memref<1x40x64xf32, #tpu.memory_space<hbm>> -> memref<40x64xf32, #tpu.memory_space<hbm>>
      %dma_wait3A_124 = arith.constant 0 : i32
      %dma_wait3A_125 = tpu.memref_slice %arg6[%arg0, %add3A_120, %dma_wait3A_124] : memref<2x10000x64xf32, #tpu.memory_space<hbm>> -> memref<1x40x64xf32, #tpu.memory_space<hbm>>
      %dma_wait3A_126 = tpu.memref_squeeze %dma_wait3A_125 : memref<1x40x64xf32, #tpu.memory_space<hbm>> -> memref<40x64xf32, #tpu.memory_space<hbm>>
      tpu.wait_dma2 semaphore(%arg17 : memref<!tpu.dma_semaphore, #tpu.memory_space<semaphore_mem>>) src(%arg14 : memref<40x64xf32, #tpu.memory_space<vmem>>) dst(%dma_wait3A_126 : memref<40x64xf32, #tpu.memory_space<hbm>>)
      %mul3A_127 = arith.constant 1000 : i32
      %mul3A_128 = arith.muli %arg1, %mul3A_127 : i32
      %add3A_129 = arith.constant 200 : i32
      %add3A_130 = arith.addi %mul3A_128, %add3A_129 : i32
      "tpu.region"() ({
        %run_scoped3A = tpu.sem_alloc : memref<!tpu.dma_semaphore, #tpu.memory_space<semaphore_mem>>
        %dma_start3A_537 = arith.constant 0 : i32
        %dma_start3A_538 = tpu.memref_slice %arg15[%add3A_130, %dma_start3A_537] : memref<10000x64xf32, #tpu.memory_space<vmem_shared>> -> memref<40x64xf32, #tpu.memory_space<vmem_shared>>
        %dma_start3A_539 = arith.constant 0 : i32
        %dma_start3A_540 = tpu.memref_slice %arg15[%add3A_130, %dma_start3A_539] : memref<10000x64xf32, #tpu.memory_space<vmem_shared>> -> memref<40x64xf32, #tpu.memory_space<vmem_shared>>
        tpu.enqueue_dma source(%dma_start3A_540 : memref<40x64xf32, #tpu.memory_space<vmem_shared>>) target(%arg14 : memref<40x64xf32, #tpu.memory_space<vmem>>) target_semaphore(%run_scoped3A : memref<!tpu.dma_semaphore, #tpu.memory_space<semaphore_mem>>)
        %dma_wait3A_541 = arith.constant 0 : i32
        %dma_wait3A_542 = tpu.memref_slice %arg15[%add3A_130, %dma_wait3A_541] : memref<10000x64xf32, #tpu.memory_space<vmem_shared>> -> memref<40x64xf32, #tpu.memory_space<vmem_shared>>
        %dma_wait3A_543 = arith.constant 0 : i32
        %dma_wait3A_544 = tpu.memref_slice %arg15[%add3A_130, %dma_wait3A_543] : memref<10000x64xf32, #tpu.memory_space<vmem_shared>> -> memref<40x64xf32, #tpu.memory_space<vmem_shared>>
        tpu.wait_dma2 semaphore(%run_scoped3A : memref<!tpu.dma_semaphore, #tpu.memory_space<semaphore_mem>>) src(%dma_wait3A_544 : memref<40x64xf32, #tpu.memory_space<vmem_shared>>) dst(%arg14 : memref<40x64xf32, #tpu.memory_space<vmem>>)
        tpu.yield
      }) : () -> ()
      %dma_start3A_131 = arith.constant 0 : i32
      %dma_start3A_132 = tpu.memref_slice %arg6[%arg0, %add3A_130, %dma_start3A_131] : memref<2x10000x64xf32, #tpu.memory_space<hbm>> -> memref<1x40x64xf32, #tpu.memory_space<hbm>>
      %dma_start3A_133 = tpu.memref_squeeze %dma_start3A_132 : memref<1x40x64xf32, #tpu.memory_space<hbm>> -> memref<40x64xf32, #tpu.memory_space<hbm>>
      %dma_start3A_134 = arith.constant 0 : i32
      %dma_start3A_135 = tpu.memref_slice %arg6[%arg0, %add3A_130, %dma_start3A_134] : memref<2x10000x64xf32, #tpu.memory_space<hbm>> -> memref<1x40x64xf32, #tpu.memory_space<hbm>>
      %dma_start3A_136 = tpu.memref_squeeze %dma_start3A_135 : memref<1x40x64xf32, #tpu.memory_space<hbm>> -> memref<40x64xf32, #tpu.memory_space<hbm>>
      tpu.enqueue_dma source(%arg14 : memref<40x64xf32, #tpu.memory_space<vmem>>) target(%dma_start3A_136 : memref<40x64xf32, #tpu.memory_space<hbm>>) target_semaphore(%arg17 : memref<!tpu.dma_semaphore, #tpu.memory_space<semaphore_mem>>)
      %mul3A_137 = arith.constant 1000 : i32
      %mul3A_138 = arith.muli %arg1, %mul3A_137 : i32
      %add3A_139 = arith.constant 160 : i32
      %add3A_140 = arith.addi %mul3A_138, %add3A_139 : i32
      %dma_wait3A_141 = arith.constant 0 : i32
      %dma_wait3A_142 = tpu.memref_slice %arg6[%arg0, %add3A_140, %dma_wait3A_141] : memref<2x10000x64xf32, #tpu.memory_space<hbm>> -> memref<1x40x64xf32, #tpu.memory_space<hbm>>
      %dma_wait3A_143 = tpu.memref_squeeze %dma_wait3A_142 : memref<1x40x64xf32, #tpu.memory_space<hbm>> -> memref<40x64xf32, #tpu.memory_space<hbm>>
      %dma_wait3A_144 = arith.constant 0 : i32
      %dma_wait3A_145 = tpu.memref_slice %arg6[%arg0, %add3A_140, %dma_wait3A_144] : memref<2x10000x64xf32, #tpu.memory_space<hbm>> -> memref<1x40x64xf32, #tpu.memory_space<hbm>>
      %dma_wait3A_146 = tpu.memref_squeeze %dma_wait3A_145 : memref<1x40x64xf32, #tpu.memory_space<hbm>> -> memref<40x64xf32, #tpu.memory_space<hbm>>
      tpu.wait_dma2 semaphore(%arg16 : memref<!tpu.dma_semaphore, #tpu.memory_space<semaphore_mem>>) src(%arg13 : memref<40x64xf32, #tpu.memory_space<vmem>>) dst(%dma_wait3A_146 : memref<40x64xf32, #tpu.memory_space<hbm>>)
      %mul3A_147 = arith.constant 1000 : i32
      %mul3A_148 = arith.muli %arg1, %mul3A_147 : i32
      %add3A_149 = arith.constant 240 : i32
      %add3A_150 = arith.addi %mul3A_148, %add3A_149 : i32
      "tpu.region"() ({
        %run_scoped3A = tpu.sem_alloc : memref<!tpu.dma_semaphore, #tpu.memory_space<semaphore_mem>>
        %dma_start3A_537 = arith.constant 0 : i32
        %dma_start3A_538 = tpu.memref_slice %arg15[%add3A_150, %dma_start3A_537] : memref<10000x64xf32, #tpu.memory_space<vmem_shared>> -> memref<40x64xf32, #tpu.memory_space<vmem_shared>>
        %dma_start3A_539 = arith.constant 0 : i32
        %dma_start3A_540 = tpu.memref_slice %arg15[%add3A_150, %dma_start3A_539] : memref<10000x64xf32, #tpu.memory_space<vmem_shared>> -> memref<40x64xf32, #tpu.memory_space<vmem_shared>>
        tpu.enqueue_dma source(%dma_start3A_540 : memref<40x64xf32, #tpu.memory_space<vmem_shared>>) target(%arg13 : memref<40x64xf32, #tpu.memory_space<vmem>>) target_semaphore(%run_scoped3A : memref<!tpu.dma_semaphore, #tpu.memory_space<semaphore_mem>>)
        %dma_wait3A_541 = arith.constant 0 : i32
        %dma_wait3A_542 = tpu.memref_slice %arg15[%add3A_150, %dma_wait3A_541] : memref<10000x64xf32, #tpu.memory_space<vmem_shared>> -> memref<40x64xf32, #tpu.memory_space<vmem_shared>>
        %dma_wait3A_543 = arith.constant 0 : i32
        %dma_wait3A_544 = tpu.memref_slice %arg15[%add3A_150, %dma_wait3A_543] : memref<10000x64xf32, #tpu.memory_space<vmem_shared>> -> memref<40x64xf32, #tpu.memory_space<vmem_shared>>
        tpu.wait_dma2 semaphore(%run_scoped3A : memref<!tpu.dma_semaphore, #tpu.memory_space<semaphore_mem>>) src(%dma_wait3A_544 : memref<40x64xf32, #tpu.memory_space<vmem_shared>>) dst(%arg13 : memref<40x64xf32, #tpu.memory_space<vmem>>)
        tpu.yield
      }) : () -> ()
      %dma_start3A_151 = arith.constant 0 : i32
      %dma_start3A_152 = tpu.memref_slice %arg6[%arg0, %add3A_150, %dma_start3A_151] : memref<2x10000x64xf32, #tpu.memory_space<hbm>> -> memref<1x40x64xf32, #tpu.memory_space<hbm>>
      %dma_start3A_153 = tpu.memref_squeeze %dma_start3A_152 : memref<1x40x64xf32, #tpu.memory_space<hbm>> -> memref<40x64xf32, #tpu.memory_space<hbm>>
      %dma_start3A_154 = arith.constant 0 : i32
      %dma_start3A_155 = tpu.memref_slice %arg6[%arg0, %add3A_150, %dma_start3A_154] : memref<2x10000x64xf32, #tpu.memory_space<hbm>> -> memref<1x40x64xf32, #tpu.memory_space<hbm>>
      %dma_start3A_156 = tpu.memref_squeeze %dma_start3A_155 : memref<1x40x64xf32, #tpu.memory_space<hbm>> -> memref<40x64xf32, #tpu.memory_space<hbm>>
      tpu.enqueue_dma source(%arg13 : memref<40x64xf32, #tpu.memory_space<vmem>>) target(%dma_start3A_156 : memref<40x64xf32, #tpu.memory_space<hbm>>) target_semaphore(%arg16 : memref<!tpu.dma_semaphore, #tpu.memory_space<semaphore_mem>>)
      %mul3A_157 = arith.constant 1000 : i32
      %mul3A_158 = arith.muli %arg1, %mul3A_157 : i32
      %add3A_159 = arith.constant 200 : i32
      %add3A_160 = arith.addi %mul3A_158, %add3A_159 : i32
      %dma_wait3A_161 = arith.constant 0 : i32
      %dma_wait3A_162 = tpu.memref_slice %arg6[%arg0, %add3A_160, %dma_wait3A_161] : memref<2x10000x64xf32, #tpu.memory_space<hbm>> -> memref<1x40x64xf32, #tpu.memory_space<hbm>>
      %dma_wait3A_163 = tpu.memref_squeeze %dma_wait3A_162 : memref<1x40x64xf32, #tpu.memory_space<hbm>> -> memref<40x64xf32, #tpu.memory_space<hbm>>
      %dma_wait3A_164 = arith.constant 0 : i32
      %dma_wait3A_165 = tpu.memref_slice %arg6[%arg0, %add3A_160, %dma_wait3A_164] : memref<2x10000x64xf32, #tpu.memory_space<hbm>> -> memref<1x40x64xf32, #tpu.memory_space<hbm>>
      %dma_wait3A_166 = tpu.memref_squeeze %dma_wait3A_165 : memref<1x40x64xf32, #tpu.memory_space<hbm>> -> memref<40x64xf32, #tpu.memory_space<hbm>>
      tpu.wait_dma2 semaphore(%arg17 : memref<!tpu.dma_semaphore, #tpu.memory_space<semaphore_mem>>) src(%arg14 : memref<40x64xf32, #tpu.memory_space<vmem>>) dst(%dma_wait3A_166 : memref<40x64xf32, #tpu.memory_space<hbm>>)
      %mul3A_167 = arith.constant 1000 : i32
      %mul3A_168 = arith.muli %arg1, %mul3A_167 : i32
      %add3A_169 = arith.constant 280 : i32
      %add3A_170 = arith.addi %mul3A_168, %add3A_169 : i32
      "tpu.region"() ({
        %run_scoped3A = tpu.sem_alloc : memref<!tpu.dma_semaphore, #tpu.memory_space<semaphore_mem>>
        %dma_start3A_537 = arith.constant 0 : i32
        %dma_start3A_538 = tpu.memref_slice %arg15[%add3A_170, %dma_start3A_537] : memref<10000x64xf32, #tpu.memory_space<vmem_shared>> -> memref<40x64xf32, #tpu.memory_space<vmem_shared>>
        %dma_start3A_539 = arith.constant 0 : i32
        %dma_start3A_540 = tpu.memref_slice %arg15[%add3A_170, %dma_start3A_539] : memref<10000x64xf32, #tpu.memory_space<vmem_shared>> -> memref<40x64xf32, #tpu.memory_space<vmem_shared>>
        tpu.enqueue_dma source(%dma_start3A_540 : memref<40x64xf32, #tpu.memory_space<vmem_shared>>) target(%arg14 : memref<40x64xf32, #tpu.memory_space<vmem>>) target_semaphore(%run_scoped3A : memref<!tpu.dma_semaphore, #tpu.memory_space<semaphore_mem>>)
        %dma_wait3A_541 = arith.constant 0 : i32
        %dma_wait3A_542 = tpu.memref_slice %arg15[%add3A_170, %dma_wait3A_541] : memref<10000x64xf32, #tpu.memory_space<vmem_shared>> -> memref<40x64xf32, #tpu.memory_space<vmem_shared>>
        %dma_wait3A_543 = arith.constant 0 : i32
        %dma_wait3A_544 = tpu.memref_slice %arg15[%add3A_170, %dma_wait3A_543] : memref<10000x64xf32, #tpu.memory_space<vmem_shared>> -> memref<40x64xf32, #tpu.memory_space<vmem_shared>>
        tpu.wait_dma2 semaphore(%run_scoped3A : memref<!tpu.dma_semaphore, #tpu.memory_space<semaphore_mem>>) src(%dma_wait3A_544 : memref<40x64xf32, #tpu.memory_space<vmem_shared>>) dst(%arg14 : memref<40x64xf32, #tpu.memory_space<vmem>>)
        tpu.yield
      }) : () -> ()
      %dma_start3A_171 = arith.constant 0 : i32
      %dma_start3A_172 = tpu.memref_slice %arg6[%arg0, %add3A_170, %dma_start3A_171] : memref<2x10000x64xf32, #tpu.memory_space<hbm>> -> memref<1x40x64xf32, #tpu.memory_space<hbm>>
      %dma_start3A_173 = tpu.memref_squeeze %dma_start3A_172 : memref<1x40x64xf32, #tpu.memory_space<hbm>> -> memref<40x64xf32, #tpu.memory_space<hbm>>
      %dma_start3A_174 = arith.constant 0 : i32
      %dma_start3A_175 = tpu.memref_slice %arg6[%arg0, %add3A_170, %dma_start3A_174] : memref<2x10000x64xf32, #tpu.memory_space<hbm>> -> memref<1x40x64xf32, #tpu.memory_space<hbm>>
      %dma_start3A_176 = tpu.memref_squeeze %dma_start3A_175 : memref<1x40x64xf32, #tpu.memory_space<hbm>> -> memref<40x64xf32, #tpu.memory_space<hbm>>
      tpu.enqueue_dma source(%arg14 : memref<40x64xf32, #tpu.memory_space<vmem>>) target(%dma_start3A_176 : memref<40x64xf32, #tpu.memory_space<hbm>>) target_semaphore(%arg17 : memref<!tpu.dma_semaphore, #tpu.memory_space<semaphore_mem>>)
      %mul3A_177 = arith.constant 1000 : i32
      %mul3A_178 = arith.muli %arg1, %mul3A_177 : i32
      %add3A_179 = arith.constant 240 : i32
      %add3A_180 = arith.addi %mul3A_178, %add3A_179 : i32
      %dma_wait3A_181 = arith.constant 0 : i32
      %dma_wait3A_182 = tpu.memref_slice %arg6[%arg0, %add3A_180, %dma_wait3A_181] : memref<2x10000x64xf32, #tpu.memory_space<hbm>> -> memref<1x40x64xf32, #tpu.memory_space<hbm>>
      %dma_wait3A_183 = tpu.memref_squeeze %dma_wait3A_182 : memref<1x40x64xf32, #tpu.memory_space<hbm>> -> memref<40x64xf32, #tpu.memory_space<hbm>>
      %dma_wait3A_184 = arith.constant 0 : i32
      %dma_wait3A_185 = tpu.memref_slice %arg6[%arg0, %add3A_180, %dma_wait3A_184] : memref<2x10000x64xf32, #tpu.memory_space<hbm>> -> memref<1x40x64xf32, #tpu.memory_space<hbm>>
      %dma_wait3A_186 = tpu.memref_squeeze %dma_wait3A_185 : memref<1x40x64xf32, #tpu.memory_space<hbm>> -> memref<40x64xf32, #tpu.memory_space<hbm>>
      tpu.wait_dma2 semaphore(%arg16 : memref<!tpu.dma_semaphore, #tpu.memory_space<semaphore_mem>>) src(%arg13 : memref<40x64xf32, #tpu.memory_space<vmem>>) dst(%dma_wait3A_186 : memref<40x64xf32, #tpu.memory_space<hbm>>)
      %mul3A_187 = arith.constant 1000 : i32
      %mul3A_188 = arith.muli %arg1, %mul3A_187 : i32
      %add3A_189 = arith.constant 320 : i32
      %add3A_190 = arith.addi %mul3A_188, %add3A_189 : i32
      "tpu.region"() ({
        %run_scoped3A = tpu.sem_alloc : memref<!tpu.dma_semaphore, #tpu.memory_space<semaphore_mem>>
        %dma_start3A_537 = arith.constant 0 : i32
        %dma_start3A_538 = tpu.memref_slice %arg15[%add3A_190, %dma_start3A_537] : memref<10000x64xf32, #tpu.memory_space<vmem_shared>> -> memref<40x64xf32, #tpu.memory_space<vmem_shared>>
        %dma_start3A_539 = arith.constant 0 : i32
        %dma_start3A_540 = tpu.memref_slice %arg15[%add3A_190, %dma_start3A_539] : memref<10000x64xf32, #tpu.memory_space<vmem_shared>> -> memref<40x64xf32, #tpu.memory_space<vmem_shared>>
        tpu.enqueue_dma source(%dma_start3A_540 : memref<40x64xf32, #tpu.memory_space<vmem_shared>>) target(%arg13 : memref<40x64xf32, #tpu.memory_space<vmem>>) target_semaphore(%run_scoped3A : memref<!tpu.dma_semaphore, #tpu.memory_space<semaphore_mem>>)
        %dma_wait3A_541 = arith.constant 0 : i32
        %dma_wait3A_542 = tpu.memref_slice %arg15[%add3A_190, %dma_wait3A_541] : memref<10000x64xf32, #tpu.memory_space<vmem_shared>> -> memref<40x64xf32, #tpu.memory_space<vmem_shared>>
        %dma_wait3A_543 = arith.constant 0 : i32
        %dma_wait3A_544 = tpu.memref_slice %arg15[%add3A_190, %dma_wait3A_543] : memref<10000x64xf32, #tpu.memory_space<vmem_shared>> -> memref<40x64xf32, #tpu.memory_space<vmem_shared>>
        tpu.wait_dma2 semaphore(%run_scoped3A : memref<!tpu.dma_semaphore, #tpu.memory_space<semaphore_mem>>) src(%dma_wait3A_544 : memref<40x64xf32, #tpu.memory_space<vmem_shared>>) dst(%arg13 : memref<40x64xf32, #tpu.memory_space<vmem>>)
        tpu.yield
      }) : () -> ()
      %dma_start3A_191 = arith.constant 0 : i32
      %dma_start3A_192 = tpu.memref_slice %arg6[%arg0, %add3A_190, %dma_start3A_191] : memref<2x10000x64xf32, #tpu.memory_space<hbm>> -> memref<1x40x64xf32, #tpu.memory_space<hbm>>
      %dma_start3A_193 = tpu.memref_squeeze %dma_start3A_192 : memref<1x40x64xf32, #tpu.memory_space<hbm>> -> memref<40x64xf32, #tpu.memory_space<hbm>>
      %dma_start3A_194 = arith.constant 0 : i32
      %dma_start3A_195 = tpu.memref_slice %arg6[%arg0, %add3A_190, %dma_start3A_194] : memref<2x10000x64xf32, #tpu.memory_space<hbm>> -> memref<1x40x64xf32, #tpu.memory_space<hbm>>
      %dma_start3A_196 = tpu.memref_squeeze %dma_start3A_195 : memref<1x40x64xf32, #tpu.memory_space<hbm>> -> memref<40x64xf32, #tpu.memory_space<hbm>>
      tpu.enqueue_dma source(%arg13 : memref<40x64xf32, #tpu.memory_space<vmem>>) target(%dma_start3A_196 : memref<40x64xf32, #tpu.memory_space<hbm>>) target_semaphore(%arg16 : memref<!tpu.dma_semaphore, #tpu.memory_space<semaphore_mem>>)
      %mul3A_197 = arith.constant 1000 : i32
      %mul3A_198 = arith.muli %arg1, %mul3A_197 : i32
      %add3A_199 = arith.constant 280 : i32
      %add3A_200 = arith.addi %mul3A_198, %add3A_199 : i32
      %dma_wait3A_201 = arith.constant 0 : i32
      %dma_wait3A_202 = tpu.memref_slice %arg6[%arg0, %add3A_200, %dma_wait3A_201] : memref<2x10000x64xf32, #tpu.memory_space<hbm>> -> memref<1x40x64xf32, #tpu.memory_space<hbm>>
      %dma_wait3A_203 = tpu.memref_squeeze %dma_wait3A_202 : memref<1x40x64xf32, #tpu.memory_space<hbm>> -> memref<40x64xf32, #tpu.memory_space<hbm>>
      %dma_wait3A_204 = arith.constant 0 : i32
      %dma_wait3A_205 = tpu.memref_slice %arg6[%arg0, %add3A_200, %dma_wait3A_204] : memref<2x10000x64xf32, #tpu.memory_space<hbm>> -> memref<1x40x64xf32, #tpu.memory_space<hbm>>
      %dma_wait3A_206 = tpu.memref_squeeze %dma_wait3A_205 : memref<1x40x64xf32, #tpu.memory_space<hbm>> -> memref<40x64xf32, #tpu.memory_space<hbm>>
      tpu.wait_dma2 semaphore(%arg17 : memref<!tpu.dma_semaphore, #tpu.memory_space<semaphore_mem>>) src(%arg14 : memref<40x64xf32, #tpu.memory_space<vmem>>) dst(%dma_wait3A_206 : memref<40x64xf32, #tpu.memory_space<hbm>>)
      %mul3A_207 = arith.constant 1000 : i32
      %mul3A_208 = arith.muli %arg1, %mul3A_207 : i32
      %add3A_209 = arith.constant 360 : i32
      %add3A_210 = arith.addi %mul3A_208, %add3A_209 : i32
      "tpu.region"() ({
        %run_scoped3A = tpu.sem_alloc : memref<!tpu.dma_semaphore, #tpu.memory_space<semaphore_mem>>
        %dma_start3A_537 = arith.constant 0 : i32
        %dma_start3A_538 = tpu.memref_slice %arg15[%add3A_210, %dma_start3A_537] : memref<10000x64xf32, #tpu.memory_space<vmem_shared>> -> memref<40x64xf32, #tpu.memory_space<vmem_shared>>
        %dma_start3A_539 = arith.constant 0 : i32
        %dma_start3A_540 = tpu.memref_slice %arg15[%add3A_210, %dma_start3A_539] : memref<10000x64xf32, #tpu.memory_space<vmem_shared>> -> memref<40x64xf32, #tpu.memory_space<vmem_shared>>
        tpu.enqueue_dma source(%dma_start3A_540 : memref<40x64xf32, #tpu.memory_space<vmem_shared>>) target(%arg14 : memref<40x64xf32, #tpu.memory_space<vmem>>) target_semaphore(%run_scoped3A : memref<!tpu.dma_semaphore, #tpu.memory_space<semaphore_mem>>)
        %dma_wait3A_541 = arith.constant 0 : i32
        %dma_wait3A_542 = tpu.memref_slice %arg15[%add3A_210, %dma_wait3A_541] : memref<10000x64xf32, #tpu.memory_space<vmem_shared>> -> memref<40x64xf32, #tpu.memory_space<vmem_shared>>
        %dma_wait3A_543 = arith.constant 0 : i32
        %dma_wait3A_544 = tpu.memref_slice %arg15[%add3A_210, %dma_wait3A_543] : memref<10000x64xf32, #tpu.memory_space<vmem_shared>> -> memref<40x64xf32, #tpu.memory_space<vmem_shared>>
        tpu.wait_dma2 semaphore(%run_scoped3A : memref<!tpu.dma_semaphore, #tpu.memory_space<semaphore_mem>>) src(%dma_wait3A_544 : memref<40x64xf32, #tpu.memory_space<vmem_shared>>) dst(%arg14 : memref<40x64xf32, #tpu.memory_space<vmem>>)
        tpu.yield
      }) : () -> ()
      %dma_start3A_211 = arith.constant 0 : i32
      %dma_start3A_212 = tpu.memref_slice %arg6[%arg0, %add3A_210, %dma_start3A_211] : memref<2x10000x64xf32, #tpu.memory_space<hbm>> -> memref<1x40x64xf32, #tpu.memory_space<hbm>>
      %dma_start3A_213 = tpu.memref_squeeze %dma_start3A_212 : memref<1x40x64xf32, #tpu.memory_space<hbm>> -> memref<40x64xf32, #tpu.memory_space<hbm>>
      %dma_start3A_214 = arith.constant 0 : i32
      %dma_start3A_215 = tpu.memref_slice %arg6[%arg0, %add3A_210, %dma_start3A_214] : memref<2x10000x64xf32, #tpu.memory_space<hbm>> -> memref<1x40x64xf32, #tpu.memory_space<hbm>>
      %dma_start3A_216 = tpu.memref_squeeze %dma_start3A_215 : memref<1x40x64xf32, #tpu.memory_space<hbm>> -> memref<40x64xf32, #tpu.memory_space<hbm>>
      tpu.enqueue_dma source(%arg14 : memref<40x64xf32, #tpu.memory_space<vmem>>) target(%dma_start3A_216 : memref<40x64xf32, #tpu.memory_space<hbm>>) target_semaphore(%arg17 : memref<!tpu.dma_semaphore, #tpu.memory_space<semaphore_mem>>)
      %mul3A_217 = arith.constant 1000 : i32
      %mul3A_218 = arith.muli %arg1, %mul3A_217 : i32
      %add3A_219 = arith.constant 320 : i32
      %add3A_220 = arith.addi %mul3A_218, %add3A_219 : i32
      %dma_wait3A_221 = arith.constant 0 : i32
      %dma_wait3A_222 = tpu.memref_slice %arg6[%arg0, %add3A_220, %dma_wait3A_221] : memref<2x10000x64xf32, #tpu.memory_space<hbm>> -> memref<1x40x64xf32, #tpu.memory_space<hbm>>
      %dma_wait3A_223 = tpu.memref_squeeze %dma_wait3A_222 : memref<1x40x64xf32, #tpu.memory_space<hbm>> -> memref<40x64xf32, #tpu.memory_space<hbm>>
      %dma_wait3A_224 = arith.constant 0 : i32
      %dma_wait3A_225 = tpu.memref_slice %arg6[%arg0, %add3A_220, %dma_wait3A_224] : memref<2x10000x64xf32, #tpu.memory_space<hbm>> -> memref<1x40x64xf32, #tpu.memory_space<hbm>>
      %dma_wait3A_226 = tpu.memref_squeeze %dma_wait3A_225 : memref<1x40x64xf32, #tpu.memory_space<hbm>> -> memref<40x64xf32, #tpu.memory_space<hbm>>
      tpu.wait_dma2 semaphore(%arg16 : memref<!tpu.dma_semaphore, #tpu.memory_space<semaphore_mem>>) src(%arg13 : memref<40x64xf32, #tpu.memory_space<vmem>>) dst(%dma_wait3A_226 : memref<40x64xf32, #tpu.memory_space<hbm>>)
      %mul3A_227 = arith.constant 1000 : i32
      %mul3A_228 = arith.muli %arg1, %mul3A_227 : i32
      %add3A_229 = arith.constant 400 : i32
      %add3A_230 = arith.addi %mul3A_228, %add3A_229 : i32
      "tpu.region"() ({
        %run_scoped3A = tpu.sem_alloc : memref<!tpu.dma_semaphore, #tpu.memory_space<semaphore_mem>>
        %dma_start3A_537 = arith.constant 0 : i32
        %dma_start3A_538 = tpu.memref_slice %arg15[%add3A_230, %dma_start3A_537] : memref<10000x64xf32, #tpu.memory_space<vmem_shared>> -> memref<40x64xf32, #tpu.memory_space<vmem_shared>>
        %dma_start3A_539 = arith.constant 0 : i32
        %dma_start3A_540 = tpu.memref_slice %arg15[%add3A_230, %dma_start3A_539] : memref<10000x64xf32, #tpu.memory_space<vmem_shared>> -> memref<40x64xf32, #tpu.memory_space<vmem_shared>>
        tpu.enqueue_dma source(%dma_start3A_540 : memref<40x64xf32, #tpu.memory_space<vmem_shared>>) target(%arg13 : memref<40x64xf32, #tpu.memory_space<vmem>>) target_semaphore(%run_scoped3A : memref<!tpu.dma_semaphore, #tpu.memory_space<semaphore_mem>>)
        %dma_wait3A_541 = arith.constant 0 : i32
        %dma_wait3A_542 = tpu.memref_slice %arg15[%add3A_230, %dma_wait3A_541] : memref<10000x64xf32, #tpu.memory_space<vmem_shared>> -> memref<40x64xf32, #tpu.memory_space<vmem_shared>>
        %dma_wait3A_543 = arith.constant 0 : i32
        %dma_wait3A_544 = tpu.memref_slice %arg15[%add3A_230, %dma_wait3A_543] : memref<10000x64xf32, #tpu.memory_space<vmem_shared>> -> memref<40x64xf32, #tpu.memory_space<vmem_shared>>
        tpu.wait_dma2 semaphore(%run_scoped3A : memref<!tpu.dma_semaphore, #tpu.memory_space<semaphore_mem>>) src(%dma_wait3A_544 : memref<40x64xf32, #tpu.memory_space<vmem_shared>>) dst(%arg13 : memref<40x64xf32, #tpu.memory_space<vmem>>)
        tpu.yield
      }) : () -> ()
      %dma_start3A_231 = arith.constant 0 : i32
      %dma_start3A_232 = tpu.memref_slice %arg6[%arg0, %add3A_230, %dma_start3A_231] : memref<2x10000x64xf32, #tpu.memory_space<hbm>> -> memref<1x40x64xf32, #tpu.memory_space<hbm>>
      %dma_start3A_233 = tpu.memref_squeeze %dma_start3A_232 : memref<1x40x64xf32, #tpu.memory_space<hbm>> -> memref<40x64xf32, #tpu.memory_space<hbm>>
      %dma_start3A_234 = arith.constant 0 : i32
      %dma_start3A_235 = tpu.memref_slice %arg6[%arg0, %add3A_230, %dma_start3A_234] : memref<2x10000x64xf32, #tpu.memory_space<hbm>> -> memref<1x40x64xf32, #tpu.memory_space<hbm>>
      %dma_start3A_236 = tpu.memref_squeeze %dma_start3A_235 : memref<1x40x64xf32, #tpu.memory_space<hbm>> -> memref<40x64xf32, #tpu.memory_space<hbm>>
      tpu.enqueue_dma source(%arg13 : memref<40x64xf32, #tpu.memory_space<vmem>>) target(%dma_start3A_236 : memref<40x64xf32, #tpu.memory_space<hbm>>) target_semaphore(%arg16 : memref<!tpu.dma_semaphore, #tpu.memory_space<semaphore_mem>>)
      %mul3A_237 = arith.constant 1000 : i32
      %mul3A_238 = arith.muli %arg1, %mul3A_237 : i32
      %add3A_239 = arith.constant 360 : i32
      %add3A_240 = arith.addi %mul3A_238, %add3A_239 : i32
      %dma_wait3A_241 = arith.constant 0 : i32
      %dma_wait3A_242 = tpu.memref_slice %arg6[%arg0, %add3A_240, %dma_wait3A_241] : memref<2x10000x64xf32, #tpu.memory_space<hbm>> -> memref<1x40x64xf32, #tpu.memory_space<hbm>>
      %dma_wait3A_243 = tpu.memref_squeeze %dma_wait3A_242 : memref<1x40x64xf32, #tpu.memory_space<hbm>> -> memref<40x64xf32, #tpu.memory_space<hbm>>
      %dma_wait3A_244 = arith.constant 0 : i32
      %dma_wait3A_245 = tpu.memref_slice %arg6[%arg0, %add3A_240, %dma_wait3A_244] : memref<2x10000x64xf32, #tpu.memory_space<hbm>> -> memref<1x40x64xf32, #tpu.memory_space<hbm>>
      %dma_wait3A_246 = tpu.memref_squeeze %dma_wait3A_245 : memref<1x40x64xf32, #tpu.memory_space<hbm>> -> memref<40x64xf32, #tpu.memory_space<hbm>>
      tpu.wait_dma2 semaphore(%arg17 : memref<!tpu.dma_semaphore, #tpu.memory_space<semaphore_mem>>) src(%arg14 : memref<40x64xf32, #tpu.memory_space<vmem>>) dst(%dma_wait3A_246 : memref<40x64xf32, #tpu.memory_space<hbm>>)
      %mul3A_247 = arith.constant 1000 : i32
      %mul3A_248 = arith.muli %arg1, %mul3A_247 : i32
      %add3A_249 = arith.constant 440 : i32
      %add3A_250 = arith.addi %mul3A_248, %add3A_249 : i32
      "tpu.region"() ({
        %run_scoped3A = tpu.sem_alloc : memref<!tpu.dma_semaphore, #tpu.memory_space<semaphore_mem>>
        %dma_start3A_537 = arith.constant 0 : i32
        %dma_start3A_538 = tpu.memref_slice %arg15[%add3A_250, %dma_start3A_537] : memref<10000x64xf32, #tpu.memory_space<vmem_shared>> -> memref<40x64xf32, #tpu.memory_space<vmem_shared>>
        %dma_start3A_539 = arith.constant 0 : i32
        %dma_start3A_540 = tpu.memref_slice %arg15[%add3A_250, %dma_start3A_539] : memref<10000x64xf32, #tpu.memory_space<vmem_shared>> -> memref<40x64xf32, #tpu.memory_space<vmem_shared>>
        tpu.enqueue_dma source(%dma_start3A_540 : memref<40x64xf32, #tpu.memory_space<vmem_shared>>) target(%arg14 : memref<40x64xf32, #tpu.memory_space<vmem>>) target_semaphore(%run_scoped3A : memref<!tpu.dma_semaphore, #tpu.memory_space<semaphore_mem>>)
        %dma_wait3A_541 = arith.constant 0 : i32
        %dma_wait3A_542 = tpu.memref_slice %arg15[%add3A_250, %dma_wait3A_541] : memref<10000x64xf32, #tpu.memory_space<vmem_shared>> -> memref<40x64xf32, #tpu.memory_space<vmem_shared>>
        %dma_wait3A_543 = arith.constant 0 : i32
        %dma_wait3A_544 = tpu.memref_slice %arg15[%add3A_250, %dma_wait3A_543] : memref<10000x64xf32, #tpu.memory_space<vmem_shared>> -> memref<40x64xf32, #tpu.memory_space<vmem_shared>>
        tpu.wait_dma2 semaphore(%run_scoped3A : memref<!tpu.dma_semaphore, #tpu.memory_space<semaphore_mem>>) src(%dma_wait3A_544 : memref<40x64xf32, #tpu.memory_space<vmem_shared>>) dst(%arg14 : memref<40x64xf32, #tpu.memory_space<vmem>>)
        tpu.yield
      }) : () -> ()
      %dma_start3A_251 = arith.constant 0 : i32
      %dma_start3A_252 = tpu.memref_slice %arg6[%arg0, %add3A_250, %dma_start3A_251] : memref<2x10000x64xf32, #tpu.memory_space<hbm>> -> memref<1x40x64xf32, #tpu.memory_space<hbm>>
      %dma_start3A_253 = tpu.memref_squeeze %dma_start3A_252 : memref<1x40x64xf32, #tpu.memory_space<hbm>> -> memref<40x64xf32, #tpu.memory_space<hbm>>
      %dma_start3A_254 = arith.constant 0 : i32
      %dma_start3A_255 = tpu.memref_slice %arg6[%arg0, %add3A_250, %dma_start3A_254] : memref<2x10000x64xf32, #tpu.memory_space<hbm>> -> memref<1x40x64xf32, #tpu.memory_space<hbm>>
      %dma_start3A_256 = tpu.memref_squeeze %dma_start3A_255 : memref<1x40x64xf32, #tpu.memory_space<hbm>> -> memref<40x64xf32, #tpu.memory_space<hbm>>
      tpu.enqueue_dma source(%arg14 : memref<40x64xf32, #tpu.memory_space<vmem>>) target(%dma_start3A_256 : memref<40x64xf32, #tpu.memory_space<hbm>>) target_semaphore(%arg17 : memref<!tpu.dma_semaphore, #tpu.memory_space<semaphore_mem>>)
      %mul3A_257 = arith.constant 1000 : i32
      %mul3A_258 = arith.muli %arg1, %mul3A_257 : i32
      %add3A_259 = arith.constant 400 : i32
      %add3A_260 = arith.addi %mul3A_258, %add3A_259 : i32
      %dma_wait3A_261 = arith.constant 0 : i32
      %dma_wait3A_262 = tpu.memref_slice %arg6[%arg0, %add3A_260, %dma_wait3A_261] : memref<2x10000x64xf32, #tpu.memory_space<hbm>> -> memref<1x40x64xf32, #tpu.memory_space<hbm>>
      %dma_wait3A_263 = tpu.memref_squeeze %dma_wait3A_262 : memref<1x40x64xf32, #tpu.memory_space<hbm>> -> memref<40x64xf32, #tpu.memory_space<hbm>>
      %dma_wait3A_264 = arith.constant 0 : i32
      %dma_wait3A_265 = tpu.memref_slice %arg6[%arg0, %add3A_260, %dma_wait3A_264] : memref<2x10000x64xf32, #tpu.memory_space<hbm>> -> memref<1x40x64xf32, #tpu.memory_space<hbm>>
      %dma_wait3A_266 = tpu.memref_squeeze %dma_wait3A_265 : memref<1x40x64xf32, #tpu.memory_space<hbm>> -> memref<40x64xf32, #tpu.memory_space<hbm>>
      tpu.wait_dma2 semaphore(%arg16 : memref<!tpu.dma_semaphore, #tpu.memory_space<semaphore_mem>>) src(%arg13 : memref<40x64xf32, #tpu.memory_space<vmem>>) dst(%dma_wait3A_266 : memref<40x64xf32, #tpu.memory_space<hbm>>)
      %mul3A_267 = arith.constant 1000 : i32
      %mul3A_268 = arith.muli %arg1, %mul3A_267 : i32
      %add3A_269 = arith.constant 480 : i32
      %add3A_270 = arith.addi %mul3A_268, %add3A_269 : i32
      "tpu.region"() ({
        %run_scoped3A = tpu.sem_alloc : memref<!tpu.dma_semaphore, #tpu.memory_space<semaphore_mem>>
        %dma_start3A_537 = arith.constant 0 : i32
        %dma_start3A_538 = tpu.memref_slice %arg15[%add3A_270, %dma_start3A_537] : memref<10000x64xf32, #tpu.memory_space<vmem_shared>> -> memref<40x64xf32, #tpu.memory_space<vmem_shared>>
        %dma_start3A_539 = arith.constant 0 : i32
        %dma_start3A_540 = tpu.memref_slice %arg15[%add3A_270, %dma_start3A_539] : memref<10000x64xf32, #tpu.memory_space<vmem_shared>> -> memref<40x64xf32, #tpu.memory_space<vmem_shared>>
        tpu.enqueue_dma source(%dma_start3A_540 : memref<40x64xf32, #tpu.memory_space<vmem_shared>>) target(%arg13 : memref<40x64xf32, #tpu.memory_space<vmem>>) target_semaphore(%run_scoped3A : memref<!tpu.dma_semaphore, #tpu.memory_space<semaphore_mem>>)
        %dma_wait3A_541 = arith.constant 0 : i32
        %dma_wait3A_542 = tpu.memref_slice %arg15[%add3A_270, %dma_wait3A_541] : memref<10000x64xf32, #tpu.memory_space<vmem_shared>> -> memref<40x64xf32, #tpu.memory_space<vmem_shared>>
        %dma_wait3A_543 = arith.constant 0 : i32
        %dma_wait3A_544 = tpu.memref_slice %arg15[%add3A_270, %dma_wait3A_543] : memref<10000x64xf32, #tpu.memory_space<vmem_shared>> -> memref<40x64xf32, #tpu.memory_space<vmem_shared>>
        tpu.wait_dma2 semaphore(%run_scoped3A : memref<!tpu.dma_semaphore, #tpu.memory_space<semaphore_mem>>) src(%dma_wait3A_544 : memref<40x64xf32, #tpu.memory_space<vmem_shared>>) dst(%arg13 : memref<40x64xf32, #tpu.memory_space<vmem>>)
        tpu.yield
      }) : () -> ()
      %dma_start3A_271 = arith.constant 0 : i32
      %dma_start3A_272 = tpu.memref_slice %arg6[%arg0, %add3A_270, %dma_start3A_271] : memref<2x10000x64xf32, #tpu.memory_space<hbm>> -> memref<1x40x64xf32, #tpu.memory_space<hbm>>
      %dma_start3A_273 = tpu.memref_squeeze %dma_start3A_272 : memref<1x40x64xf32, #tpu.memory_space<hbm>> -> memref<40x64xf32, #tpu.memory_space<hbm>>
      %dma_start3A_274 = arith.constant 0 : i32
      %dma_start3A_275 = tpu.memref_slice %arg6[%arg0, %add3A_270, %dma_start3A_274] : memref<2x10000x64xf32, #tpu.memory_space<hbm>> -> memref<1x40x64xf32, #tpu.memory_space<hbm>>
      %dma_start3A_276 = tpu.memref_squeeze %dma_start3A_275 : memref<1x40x64xf32, #tpu.memory_space<hbm>> -> memref<40x64xf32, #tpu.memory_space<hbm>>
      tpu.enqueue_dma source(%arg13 : memref<40x64xf32, #tpu.memory_space<vmem>>) target(%dma_start3A_276 : memref<40x64xf32, #tpu.memory_space<hbm>>) target_semaphore(%arg16 : memref<!tpu.dma_semaphore, #tpu.memory_space<semaphore_mem>>)
      %mul3A_277 = arith.constant 1000 : i32
      %mul3A_278 = arith.muli %arg1, %mul3A_277 : i32
      %add3A_279 = arith.constant 440 : i32
      %add3A_280 = arith.addi %mul3A_278, %add3A_279 : i32
      %dma_wait3A_281 = arith.constant 0 : i32
      %dma_wait3A_282 = tpu.memref_slice %arg6[%arg0, %add3A_280, %dma_wait3A_281] : memref<2x10000x64xf32, #tpu.memory_space<hbm>> -> memref<1x40x64xf32, #tpu.memory_space<hbm>>
      %dma_wait3A_283 = tpu.memref_squeeze %dma_wait3A_282 : memref<1x40x64xf32, #tpu.memory_space<hbm>> -> memref<40x64xf32, #tpu.memory_space<hbm>>
      %dma_wait3A_284 = arith.constant 0 : i32
      %dma_wait3A_285 = tpu.memref_slice %arg6[%arg0, %add3A_280, %dma_wait3A_284] : memref<2x10000x64xf32, #tpu.memory_space<hbm>> -> memref<1x40x64xf32, #tpu.memory_space<hbm>>
      %dma_wait3A_286 = tpu.memref_squeeze %dma_wait3A_285 : memref<1x40x64xf32, #tpu.memory_space<hbm>> -> memref<40x64xf32, #tpu.memory_space<hbm>>
      tpu.wait_dma2 semaphore(%arg17 : memref<!tpu.dma_semaphore, #tpu.memory_space<semaphore_mem>>) src(%arg14 : memref<40x64xf32, #tpu.memory_space<vmem>>) dst(%dma_wait3A_286 : memref<40x64xf32, #tpu.memory_space<hbm>>)
      %mul3A_287 = arith.constant 1000 : i32
      %mul3A_288 = arith.muli %arg1, %mul3A_287 : i32
      %add3A_289 = arith.constant 520 : i32
      %add3A_290 = arith.addi %mul3A_288, %add3A_289 : i32
      "tpu.region"() ({
        %run_scoped3A = tpu.sem_alloc : memref<!tpu.dma_semaphore, #tpu.memory_space<semaphore_mem>>
        %dma_start3A_537 = arith.constant 0 : i32
        %dma_start3A_538 = tpu.memref_slice %arg15[%add3A_290, %dma_start3A_537] : memref<10000x64xf32, #tpu.memory_space<vmem_shared>> -> memref<40x64xf32, #tpu.memory_space<vmem_shared>>
        %dma_start3A_539 = arith.constant 0 : i32
        %dma_start3A_540 = tpu.memref_slice %arg15[%add3A_290, %dma_start3A_539] : memref<10000x64xf32, #tpu.memory_space<vmem_shared>> -> memref<40x64xf32, #tpu.memory_space<vmem_shared>>
        tpu.enqueue_dma source(%dma_start3A_540 : memref<40x64xf32, #tpu.memory_space<vmem_shared>>) target(%arg14 : memref<40x64xf32, #tpu.memory_space<vmem>>) target_semaphore(%run_scoped3A : memref<!tpu.dma_semaphore, #tpu.memory_space<semaphore_mem>>)
        %dma_wait3A_541 = arith.constant 0 : i32
        %dma_wait3A_542 = tpu.memref_slice %arg15[%add3A_290, %dma_wait3A_541] : memref<10000x64xf32, #tpu.memory_space<vmem_shared>> -> memref<40x64xf32, #tpu.memory_space<vmem_shared>>
        %dma_wait3A_543 = arith.constant 0 : i32
        %dma_wait3A_544 = tpu.memref_slice %arg15[%add3A_290, %dma_wait3A_543] : memref<10000x64xf32, #tpu.memory_space<vmem_shared>> -> memref<40x64xf32, #tpu.memory_space<vmem_shared>>
        tpu.wait_dma2 semaphore(%run_scoped3A : memref<!tpu.dma_semaphore, #tpu.memory_space<semaphore_mem>>) src(%dma_wait3A_544 : memref<40x64xf32, #tpu.memory_space<vmem_shared>>) dst(%arg14 : memref<40x64xf32, #tpu.memory_space<vmem>>)
        tpu.yield
      }) : () -> ()
      %dma_start3A_291 = arith.constant 0 : i32
      %dma_start3A_292 = tpu.memref_slice %arg6[%arg0, %add3A_290, %dma_start3A_291] : memref<2x10000x64xf32, #tpu.memory_space<hbm>> -> memref<1x40x64xf32, #tpu.memory_space<hbm>>
      %dma_start3A_293 = tpu.memref_squeeze %dma_start3A_292 : memref<1x40x64xf32, #tpu.memory_space<hbm>> -> memref<40x64xf32, #tpu.memory_space<hbm>>
      %dma_start3A_294 = arith.constant 0 : i32
      %dma_start3A_295 = tpu.memref_slice %arg6[%arg0, %add3A_290, %dma_start3A_294] : memref<2x10000x64xf32, #tpu.memory_space<hbm>> -> memref<1x40x64xf32, #tpu.memory_space<hbm>>
      %dma_start3A_296 = tpu.memref_squeeze %dma_start3A_295 : memref<1x40x64xf32, #tpu.memory_space<hbm>> -> memref<40x64xf32, #tpu.memory_space<hbm>>
      tpu.enqueue_dma source(%arg14 : memref<40x64xf32, #tpu.memory_space<vmem>>) target(%dma_start3A_296 : memref<40x64xf32, #tpu.memory_space<hbm>>) target_semaphore(%arg17 : memref<!tpu.dma_semaphore, #tpu.memory_space<semaphore_mem>>)
      %mul3A_297 = arith.constant 1000 : i32
      %mul3A_298 = arith.muli %arg1, %mul3A_297 : i32
      %add3A_299 = arith.constant 480 : i32
      %add3A_300 = arith.addi %mul3A_298, %add3A_299 : i32
      %dma_wait3A_301 = arith.constant 0 : i32
      %dma_wait3A_302 = tpu.memref_slice %arg6[%arg0, %add3A_300, %dma_wait3A_301] : memref<2x10000x64xf32, #tpu.memory_space<hbm>> -> memref<1x40x64xf32, #tpu.memory_space<hbm>>
      %dma_wait3A_303 = tpu.memref_squeeze %dma_wait3A_302 : memref<1x40x64xf32, #tpu.memory_space<hbm>> -> memref<40x64xf32, #tpu.memory_space<hbm>>
      %dma_wait3A_304 = arith.constant 0 : i32
      %dma_wait3A_305 = tpu.memref_slice %arg6[%arg0, %add3A_300, %dma_wait3A_304] : memref<2x10000x64xf32, #tpu.memory_space<hbm>> -> memref<1x40x64xf32, #tpu.memory_space<hbm>>
      %dma_wait3A_306 = tpu.memref_squeeze %dma_wait3A_305 : memref<1x40x64xf32, #tpu.memory_space<hbm>> -> memref<40x64xf32, #tpu.memory_space<hbm>>
      tpu.wait_dma2 semaphore(%arg16 : memref<!tpu.dma_semaphore, #tpu.memory_space<semaphore_mem>>) src(%arg13 : memref<40x64xf32, #tpu.memory_space<vmem>>) dst(%dma_wait3A_306 : memref<40x64xf32, #tpu.memory_space<hbm>>)
      %mul3A_307 = arith.constant 1000 : i32
      %mul3A_308 = arith.muli %arg1, %mul3A_307 : i32
      %add3A_309 = arith.constant 560 : i32
      %add3A_310 = arith.addi %mul3A_308, %add3A_309 : i32
      "tpu.region"() ({
        %run_scoped3A = tpu.sem_alloc : memref<!tpu.dma_semaphore, #tpu.memory_space<semaphore_mem>>
        %dma_start3A_537 = arith.constant 0 : i32
        %dma_start3A_538 = tpu.memref_slice %arg15[%add3A_310, %dma_start3A_537] : memref<10000x64xf32, #tpu.memory_space<vmem_shared>> -> memref<40x64xf32, #tpu.memory_space<vmem_shared>>
        %dma_start3A_539 = arith.constant 0 : i32
        %dma_start3A_540 = tpu.memref_slice %arg15[%add3A_310, %dma_start3A_539] : memref<10000x64xf32, #tpu.memory_space<vmem_shared>> -> memref<40x64xf32, #tpu.memory_space<vmem_shared>>
        tpu.enqueue_dma source(%dma_start3A_540 : memref<40x64xf32, #tpu.memory_space<vmem_shared>>) target(%arg13 : memref<40x64xf32, #tpu.memory_space<vmem>>) target_semaphore(%run_scoped3A : memref<!tpu.dma_semaphore, #tpu.memory_space<semaphore_mem>>)
        %dma_wait3A_541 = arith.constant 0 : i32
        %dma_wait3A_542 = tpu.memref_slice %arg15[%add3A_310, %dma_wait3A_541] : memref<10000x64xf32, #tpu.memory_space<vmem_shared>> -> memref<40x64xf32, #tpu.memory_space<vmem_shared>>
        %dma_wait3A_543 = arith.constant 0 : i32
        %dma_wait3A_544 = tpu.memref_slice %arg15[%add3A_310, %dma_wait3A_543] : memref<10000x64xf32, #tpu.memory_space<vmem_shared>> -> memref<40x64xf32, #tpu.memory_space<vmem_shared>>
        tpu.wait_dma2 semaphore(%run_scoped3A : memref<!tpu.dma_semaphore, #tpu.memory_space<semaphore_mem>>) src(%dma_wait3A_544 : memref<40x64xf32, #tpu.memory_space<vmem_shared>>) dst(%arg13 : memref<40x64xf32, #tpu.memory_space<vmem>>)
        tpu.yield
      }) : () -> ()
      %dma_start3A_311 = arith.constant 0 : i32
      %dma_start3A_312 = tpu.memref_slice %arg6[%arg0, %add3A_310, %dma_start3A_311] : memref<2x10000x64xf32, #tpu.memory_space<hbm>> -> memref<1x40x64xf32, #tpu.memory_space<hbm>>
      %dma_start3A_313 = tpu.memref_squeeze %dma_start3A_312 : memref<1x40x64xf32, #tpu.memory_space<hbm>> -> memref<40x64xf32, #tpu.memory_space<hbm>>
      %dma_start3A_314 = arith.constant 0 : i32
      %dma_start3A_315 = tpu.memref_slice %arg6[%arg0, %add3A_310, %dma_start3A_314] : memref<2x10000x64xf32, #tpu.memory_space<hbm>> -> memref<1x40x64xf32, #tpu.memory_space<hbm>>
      %dma_start3A_316 = tpu.memref_squeeze %dma_start3A_315 : memref<1x40x64xf32, #tpu.memory_space<hbm>> -> memref<40x64xf32, #tpu.memory_space<hbm>>
      tpu.enqueue_dma source(%arg13 : memref<40x64xf32, #tpu.memory_space<vmem>>) target(%dma_start3A_316 : memref<40x64xf32, #tpu.memory_space<hbm>>) target_semaphore(%arg16 : memref<!tpu.dma_semaphore, #tpu.memory_space<semaphore_mem>>)
      %mul3A_317 = arith.constant 1000 : i32
      %mul3A_318 = arith.muli %arg1, %mul3A_317 : i32
      %add3A_319 = arith.constant 520 : i32
      %add3A_320 = arith.addi %mul3A_318, %add3A_319 : i32
      %dma_wait3A_321 = arith.constant 0 : i32
      %dma_wait3A_322 = tpu.memref_slice %arg6[%arg0, %add3A_320, %dma_wait3A_321] : memref<2x10000x64xf32, #tpu.memory_space<hbm>> -> memref<1x40x64xf32, #tpu.memory_space<hbm>>
      %dma_wait3A_323 = tpu.memref_squeeze %dma_wait3A_322 : memref<1x40x64xf32, #tpu.memory_space<hbm>> -> memref<40x64xf32, #tpu.memory_space<hbm>>
      %dma_wait3A_324 = arith.constant 0 : i32
      %dma_wait3A_325 = tpu.memref_slice %arg6[%arg0, %add3A_320, %dma_wait3A_324] : memref<2x10000x64xf32, #tpu.memory_space<hbm>> -> memref<1x40x64xf32, #tpu.memory_space<hbm>>
      %dma_wait3A_326 = tpu.memref_squeeze %dma_wait3A_325 : memref<1x40x64xf32, #tpu.memory_space<hbm>> -> memref<40x64xf32, #tpu.memory_space<hbm>>
      tpu.wait_dma2 semaphore(%arg17 : memref<!tpu.dma_semaphore, #tpu.memory_space<semaphore_mem>>) src(%arg14 : memref<40x64xf32, #tpu.memory_space<vmem>>) dst(%dma_wait3A_326 : memref<40x64xf32, #tpu.memory_space<hbm>>)
      %mul3A_327 = arith.constant 1000 : i32
      %mul3A_328 = arith.muli %arg1, %mul3A_327 : i32
      %add3A_329 = arith.constant 600 : i32
      %add3A_330 = arith.addi %mul3A_328, %add3A_329 : i32
      "tpu.region"() ({
        %run_scoped3A = tpu.sem_alloc : memref<!tpu.dma_semaphore, #tpu.memory_space<semaphore_mem>>
        %dma_start3A_537 = arith.constant 0 : i32
        %dma_start3A_538 = tpu.memref_slice %arg15[%add3A_330, %dma_start3A_537] : memref<10000x64xf32, #tpu.memory_space<vmem_shared>> -> memref<40x64xf32, #tpu.memory_space<vmem_shared>>
        %dma_start3A_539 = arith.constant 0 : i32
        %dma_start3A_540 = tpu.memref_slice %arg15[%add3A_330, %dma_start3A_539] : memref<10000x64xf32, #tpu.memory_space<vmem_shared>> -> memref<40x64xf32, #tpu.memory_space<vmem_shared>>
        tpu.enqueue_dma source(%dma_start3A_540 : memref<40x64xf32, #tpu.memory_space<vmem_shared>>) target(%arg14 : memref<40x64xf32, #tpu.memory_space<vmem>>) target_semaphore(%run_scoped3A : memref<!tpu.dma_semaphore, #tpu.memory_space<semaphore_mem>>)
        %dma_wait3A_541 = arith.constant 0 : i32
        %dma_wait3A_542 = tpu.memref_slice %arg15[%add3A_330, %dma_wait3A_541] : memref<10000x64xf32, #tpu.memory_space<vmem_shared>> -> memref<40x64xf32, #tpu.memory_space<vmem_shared>>
        %dma_wait3A_543 = arith.constant 0 : i32
        %dma_wait3A_544 = tpu.memref_slice %arg15[%add3A_330, %dma_wait3A_543] : memref<10000x64xf32, #tpu.memory_space<vmem_shared>> -> memref<40x64xf32, #tpu.memory_space<vmem_shared>>
        tpu.wait_dma2 semaphore(%run_scoped3A : memref<!tpu.dma_semaphore, #tpu.memory_space<semaphore_mem>>) src(%dma_wait3A_544 : memref<40x64xf32, #tpu.memory_space<vmem_shared>>) dst(%arg14 : memref<40x64xf32, #tpu.memory_space<vmem>>)
        tpu.yield
      }) : () -> ()
      %dma_start3A_331 = arith.constant 0 : i32
      %dma_start3A_332 = tpu.memref_slice %arg6[%arg0, %add3A_330, %dma_start3A_331] : memref<2x10000x64xf32, #tpu.memory_space<hbm>> -> memref<1x40x64xf32, #tpu.memory_space<hbm>>
      %dma_start3A_333 = tpu.memref_squeeze %dma_start3A_332 : memref<1x40x64xf32, #tpu.memory_space<hbm>> -> memref<40x64xf32, #tpu.memory_space<hbm>>
      %dma_start3A_334 = arith.constant 0 : i32
      %dma_start3A_335 = tpu.memref_slice %arg6[%arg0, %add3A_330, %dma_start3A_334] : memref<2x10000x64xf32, #tpu.memory_space<hbm>> -> memref<1x40x64xf32, #tpu.memory_space<hbm>>
      %dma_start3A_336 = tpu.memref_squeeze %dma_start3A_335 : memref<1x40x64xf32, #tpu.memory_space<hbm>> -> memref<40x64xf32, #tpu.memory_space<hbm>>
      tpu.enqueue_dma source(%arg14 : memref<40x64xf32, #tpu.memory_space<vmem>>) target(%dma_start3A_336 : memref<40x64xf32, #tpu.memory_space<hbm>>) target_semaphore(%arg17 : memref<!tpu.dma_semaphore, #tpu.memory_space<semaphore_mem>>)
      %mul3A_337 = arith.constant 1000 : i32
      %mul3A_338 = arith.muli %arg1, %mul3A_337 : i32
      %add3A_339 = arith.constant 560 : i32
      %add3A_340 = arith.addi %mul3A_338, %add3A_339 : i32
      %dma_wait3A_341 = arith.constant 0 : i32
      %dma_wait3A_342 = tpu.memref_slice %arg6[%arg0, %add3A_340, %dma_wait3A_341] : memref<2x10000x64xf32, #tpu.memory_space<hbm>> -> memref<1x40x64xf32, #tpu.memory_space<hbm>>
      %dma_wait3A_343 = tpu.memref_squeeze %dma_wait3A_342 : memref<1x40x64xf32, #tpu.memory_space<hbm>> -> memref<40x64xf32, #tpu.memory_space<hbm>>
      %dma_wait3A_344 = arith.constant 0 : i32
      %dma_wait3A_345 = tpu.memref_slice %arg6[%arg0, %add3A_340, %dma_wait3A_344] : memref<2x10000x64xf32, #tpu.memory_space<hbm>> -> memref<1x40x64xf32, #tpu.memory_space<hbm>>
      %dma_wait3A_346 = tpu.memref_squeeze %dma_wait3A_345 : memref<1x40x64xf32, #tpu.memory_space<hbm>> -> memref<40x64xf32, #tpu.memory_space<hbm>>
      tpu.wait_dma2 semaphore(%arg16 : memref<!tpu.dma_semaphore, #tpu.memory_space<semaphore_mem>>) src(%arg13 : memref<40x64xf32, #tpu.memory_space<vmem>>) dst(%dma_wait3A_346 : memref<40x64xf32, #tpu.memory_space<hbm>>)
      %mul3A_347 = arith.constant 1000 : i32
      %mul3A_348 = arith.muli %arg1, %mul3A_347 : i32
      %add3A_349 = arith.constant 640 : i32
      %add3A_350 = arith.addi %mul3A_348, %add3A_349 : i32
      "tpu.region"() ({
        %run_scoped3A = tpu.sem_alloc : memref<!tpu.dma_semaphore, #tpu.memory_space<semaphore_mem>>
        %dma_start3A_537 = arith.constant 0 : i32
        %dma_start3A_538 = tpu.memref_slice %arg15[%add3A_350, %dma_start3A_537] : memref<10000x64xf32, #tpu.memory_space<vmem_shared>> -> memref<40x64xf32, #tpu.memory_space<vmem_shared>>
        %dma_start3A_539 = arith.constant 0 : i32
        %dma_start3A_540 = tpu.memref_slice %arg15[%add3A_350, %dma_start3A_539] : memref<10000x64xf32, #tpu.memory_space<vmem_shared>> -> memref<40x64xf32, #tpu.memory_space<vmem_shared>>
        tpu.enqueue_dma source(%dma_start3A_540 : memref<40x64xf32, #tpu.memory_space<vmem_shared>>) target(%arg13 : memref<40x64xf32, #tpu.memory_space<vmem>>) target_semaphore(%run_scoped3A : memref<!tpu.dma_semaphore, #tpu.memory_space<semaphore_mem>>)
        %dma_wait3A_541 = arith.constant 0 : i32
        %dma_wait3A_542 = tpu.memref_slice %arg15[%add3A_350, %dma_wait3A_541] : memref<10000x64xf32, #tpu.memory_space<vmem_shared>> -> memref<40x64xf32, #tpu.memory_space<vmem_shared>>
        %dma_wait3A_543 = arith.constant 0 : i32
        %dma_wait3A_544 = tpu.memref_slice %arg15[%add3A_350, %dma_wait3A_543] : memref<10000x64xf32, #tpu.memory_space<vmem_shared>> -> memref<40x64xf32, #tpu.memory_space<vmem_shared>>
        tpu.wait_dma2 semaphore(%run_scoped3A : memref<!tpu.dma_semaphore, #tpu.memory_space<semaphore_mem>>) src(%dma_wait3A_544 : memref<40x64xf32, #tpu.memory_space<vmem_shared>>) dst(%arg13 : memref<40x64xf32, #tpu.memory_space<vmem>>)
        tpu.yield
      }) : () -> ()
      %dma_start3A_351 = arith.constant 0 : i32
      %dma_start3A_352 = tpu.memref_slice %arg6[%arg0, %add3A_350, %dma_start3A_351] : memref<2x10000x64xf32, #tpu.memory_space<hbm>> -> memref<1x40x64xf32, #tpu.memory_space<hbm>>
      %dma_start3A_353 = tpu.memref_squeeze %dma_start3A_352 : memref<1x40x64xf32, #tpu.memory_space<hbm>> -> memref<40x64xf32, #tpu.memory_space<hbm>>
      %dma_start3A_354 = arith.constant 0 : i32
      %dma_start3A_355 = tpu.memref_slice %arg6[%arg0, %add3A_350, %dma_start3A_354] : memref<2x10000x64xf32, #tpu.memory_space<hbm>> -> memref<1x40x64xf32, #tpu.memory_space<hbm>>
      %dma_start3A_356 = tpu.memref_squeeze %dma_start3A_355 : memref<1x40x64xf32, #tpu.memory_space<hbm>> -> memref<40x64xf32, #tpu.memory_space<hbm>>
      tpu.enqueue_dma source(%arg13 : memref<40x64xf32, #tpu.memory_space<vmem>>) target(%dma_start3A_356 : memref<40x64xf32, #tpu.memory_space<hbm>>) target_semaphore(%arg16 : memref<!tpu.dma_semaphore, #tpu.memory_space<semaphore_mem>>)
      %mul3A_357 = arith.constant 1000 : i32
      %mul3A_358 = arith.muli %arg1, %mul3A_357 : i32
      %add3A_359 = arith.constant 600 : i32
      %add3A_360 = arith.addi %mul3A_358, %add3A_359 : i32
      %dma_wait3A_361 = arith.constant 0 : i32
      %dma_wait3A_362 = tpu.memref_slice %arg6[%arg0, %add3A_360, %dma_wait3A_361] : memref<2x10000x64xf32, #tpu.memory_space<hbm>> -> memref<1x40x64xf32, #tpu.memory_space<hbm>>
      %dma_wait3A_363 = tpu.memref_squeeze %dma_wait3A_362 : memref<1x40x64xf32, #tpu.memory_space<hbm>> -> memref<40x64xf32, #tpu.memory_space<hbm>>
      %dma_wait3A_364 = arith.constant 0 : i32
      %dma_wait3A_365 = tpu.memref_slice %arg6[%arg0, %add3A_360, %dma_wait3A_364] : memref<2x10000x64xf32, #tpu.memory_space<hbm>> -> memref<1x40x64xf32, #tpu.memory_space<hbm>>
      %dma_wait3A_366 = tpu.memref_squeeze %dma_wait3A_365 : memref<1x40x64xf32, #tpu.memory_space<hbm>> -> memref<40x64xf32, #tpu.memory_space<hbm>>
      tpu.wait_dma2 semaphore(%arg17 : memref<!tpu.dma_semaphore, #tpu.memory_space<semaphore_mem>>) src(%arg14 : memref<40x64xf32, #tpu.memory_space<vmem>>) dst(%dma_wait3A_366 : memref<40x64xf32, #tpu.memory_space<hbm>>)
      %mul3A_367 = arith.constant 1000 : i32
      %mul3A_368 = arith.muli %arg1, %mul3A_367 : i32
      %add3A_369 = arith.constant 680 : i32
      %add3A_370 = arith.addi %mul3A_368, %add3A_369 : i32
      "tpu.region"() ({
        %run_scoped3A = tpu.sem_alloc : memref<!tpu.dma_semaphore, #tpu.memory_space<semaphore_mem>>
        %dma_start3A_537 = arith.constant 0 : i32
        %dma_start3A_538 = tpu.memref_slice %arg15[%add3A_370, %dma_start3A_537] : memref<10000x64xf32, #tpu.memory_space<vmem_shared>> -> memref<40x64xf32, #tpu.memory_space<vmem_shared>>
        %dma_start3A_539 = arith.constant 0 : i32
        %dma_start3A_540 = tpu.memref_slice %arg15[%add3A_370, %dma_start3A_539] : memref<10000x64xf32, #tpu.memory_space<vmem_shared>> -> memref<40x64xf32, #tpu.memory_space<vmem_shared>>
        tpu.enqueue_dma source(%dma_start3A_540 : memref<40x64xf32, #tpu.memory_space<vmem_shared>>) target(%arg14 : memref<40x64xf32, #tpu.memory_space<vmem>>) target_semaphore(%run_scoped3A : memref<!tpu.dma_semaphore, #tpu.memory_space<semaphore_mem>>)
        %dma_wait3A_541 = arith.constant 0 : i32
        %dma_wait3A_542 = tpu.memref_slice %arg15[%add3A_370, %dma_wait3A_541] : memref<10000x64xf32, #tpu.memory_space<vmem_shared>> -> memref<40x64xf32, #tpu.memory_space<vmem_shared>>
        %dma_wait3A_543 = arith.constant 0 : i32
        %dma_wait3A_544 = tpu.memref_slice %arg15[%add3A_370, %dma_wait3A_543] : memref<10000x64xf32, #tpu.memory_space<vmem_shared>> -> memref<40x64xf32, #tpu.memory_space<vmem_shared>>
        tpu.wait_dma2 semaphore(%run_scoped3A : memref<!tpu.dma_semaphore, #tpu.memory_space<semaphore_mem>>) src(%dma_wait3A_544 : memref<40x64xf32, #tpu.memory_space<vmem_shared>>) dst(%arg14 : memref<40x64xf32, #tpu.memory_space<vmem>>)
        tpu.yield
      }) : () -> ()
      %dma_start3A_371 = arith.constant 0 : i32
      %dma_start3A_372 = tpu.memref_slice %arg6[%arg0, %add3A_370, %dma_start3A_371] : memref<2x10000x64xf32, #tpu.memory_space<hbm>> -> memref<1x40x64xf32, #tpu.memory_space<hbm>>
      %dma_start3A_373 = tpu.memref_squeeze %dma_start3A_372 : memref<1x40x64xf32, #tpu.memory_space<hbm>> -> memref<40x64xf32, #tpu.memory_space<hbm>>
      %dma_start3A_374 = arith.constant 0 : i32
      %dma_start3A_375 = tpu.memref_slice %arg6[%arg0, %add3A_370, %dma_start3A_374] : memref<2x10000x64xf32, #tpu.memory_space<hbm>> -> memref<1x40x64xf32, #tpu.memory_space<hbm>>
      %dma_start3A_376 = tpu.memref_squeeze %dma_start3A_375 : memref<1x40x64xf32, #tpu.memory_space<hbm>> -> memref<40x64xf32, #tpu.memory_space<hbm>>
      tpu.enqueue_dma source(%arg14 : memref<40x64xf32, #tpu.memory_space<vmem>>) target(%dma_start3A_376 : memref<40x64xf32, #tpu.memory_space<hbm>>) target_semaphore(%arg17 : memref<!tpu.dma_semaphore, #tpu.memory_space<semaphore_mem>>)
      %mul3A_377 = arith.constant 1000 : i32
      %mul3A_378 = arith.muli %arg1, %mul3A_377 : i32
      %add3A_379 = arith.constant 640 : i32
      %add3A_380 = arith.addi %mul3A_378, %add3A_379 : i32
      %dma_wait3A_381 = arith.constant 0 : i32
      %dma_wait3A_382 = tpu.memref_slice %arg6[%arg0, %add3A_380, %dma_wait3A_381] : memref<2x10000x64xf32, #tpu.memory_space<hbm>> -> memref<1x40x64xf32, #tpu.memory_space<hbm>>
      %dma_wait3A_383 = tpu.memref_squeeze %dma_wait3A_382 : memref<1x40x64xf32, #tpu.memory_space<hbm>> -> memref<40x64xf32, #tpu.memory_space<hbm>>
      %dma_wait3A_384 = arith.constant 0 : i32
      %dma_wait3A_385 = tpu.memref_slice %arg6[%arg0, %add3A_380, %dma_wait3A_384] : memref<2x10000x64xf32, #tpu.memory_space<hbm>> -> memref<1x40x64xf32, #tpu.memory_space<hbm>>
      %dma_wait3A_386 = tpu.memref_squeeze %dma_wait3A_385 : memref<1x40x64xf32, #tpu.memory_space<hbm>> -> memref<40x64xf32, #tpu.memory_space<hbm>>
      tpu.wait_dma2 semaphore(%arg16 : memref<!tpu.dma_semaphore, #tpu.memory_space<semaphore_mem>>) src(%arg13 : memref<40x64xf32, #tpu.memory_space<vmem>>) dst(%dma_wait3A_386 : memref<40x64xf32, #tpu.memory_space<hbm>>)
      %mul3A_387 = arith.constant 1000 : i32
      %mul3A_388 = arith.muli %arg1, %mul3A_387 : i32
      %add3A_389 = arith.constant 720 : i32
      %add3A_390 = arith.addi %mul3A_388, %add3A_389 : i32
      "tpu.region"() ({
        %run_scoped3A = tpu.sem_alloc : memref<!tpu.dma_semaphore, #tpu.memory_space<semaphore_mem>>
        %dma_start3A_537 = arith.constant 0 : i32
        %dma_start3A_538 = tpu.memref_slice %arg15[%add3A_390, %dma_start3A_537] : memref<10000x64xf32, #tpu.memory_space<vmem_shared>> -> memref<40x64xf32, #tpu.memory_space<vmem_shared>>
        %dma_start3A_539 = arith.constant 0 : i32
        %dma_start3A_540 = tpu.memref_slice %arg15[%add3A_390, %dma_start3A_539] : memref<10000x64xf32, #tpu.memory_space<vmem_shared>> -> memref<40x64xf32, #tpu.memory_space<vmem_shared>>
        tpu.enqueue_dma source(%dma_start3A_540 : memref<40x64xf32, #tpu.memory_space<vmem_shared>>) target(%arg13 : memref<40x64xf32, #tpu.memory_space<vmem>>) target_semaphore(%run_scoped3A : memref<!tpu.dma_semaphore, #tpu.memory_space<semaphore_mem>>)
        %dma_wait3A_541 = arith.constant 0 : i32
        %dma_wait3A_542 = tpu.memref_slice %arg15[%add3A_390, %dma_wait3A_541] : memref<10000x64xf32, #tpu.memory_space<vmem_shared>> -> memref<40x64xf32, #tpu.memory_space<vmem_shared>>
        %dma_wait3A_543 = arith.constant 0 : i32
        %dma_wait3A_544 = tpu.memref_slice %arg15[%add3A_390, %dma_wait3A_543] : memref<10000x64xf32, #tpu.memory_space<vmem_shared>> -> memref<40x64xf32, #tpu.memory_space<vmem_shared>>
        tpu.wait_dma2 semaphore(%run_scoped3A : memref<!tpu.dma_semaphore, #tpu.memory_space<semaphore_mem>>) src(%dma_wait3A_544 : memref<40x64xf32, #tpu.memory_space<vmem_shared>>) dst(%arg13 : memref<40x64xf32, #tpu.memory_space<vmem>>)
        tpu.yield
      }) : () -> ()
      %dma_start3A_391 = arith.constant 0 : i32
      %dma_start3A_392 = tpu.memref_slice %arg6[%arg0, %add3A_390, %dma_start3A_391] : memref<2x10000x64xf32, #tpu.memory_space<hbm>> -> memref<1x40x64xf32, #tpu.memory_space<hbm>>
      %dma_start3A_393 = tpu.memref_squeeze %dma_start3A_392 : memref<1x40x64xf32, #tpu.memory_space<hbm>> -> memref<40x64xf32, #tpu.memory_space<hbm>>
      %dma_start3A_394 = arith.constant 0 : i32
      %dma_start3A_395 = tpu.memref_slice %arg6[%arg0, %add3A_390, %dma_start3A_394] : memref<2x10000x64xf32, #tpu.memory_space<hbm>> -> memref<1x40x64xf32, #tpu.memory_space<hbm>>
      %dma_start3A_396 = tpu.memref_squeeze %dma_start3A_395 : memref<1x40x64xf32, #tpu.memory_space<hbm>> -> memref<40x64xf32, #tpu.memory_space<hbm>>
      tpu.enqueue_dma source(%arg13 : memref<40x64xf32, #tpu.memory_space<vmem>>) target(%dma_start3A_396 : memref<40x64xf32, #tpu.memory_space<hbm>>) target_semaphore(%arg16 : memref<!tpu.dma_semaphore, #tpu.memory_space<semaphore_mem>>)
      %mul3A_397 = arith.constant 1000 : i32
      %mul3A_398 = arith.muli %arg1, %mul3A_397 : i32
      %add3A_399 = arith.constant 680 : i32
      %add3A_400 = arith.addi %mul3A_398, %add3A_399 : i32
      %dma_wait3A_401 = arith.constant 0 : i32
      %dma_wait3A_402 = tpu.memref_slice %arg6[%arg0, %add3A_400, %dma_wait3A_401] : memref<2x10000x64xf32, #tpu.memory_space<hbm>> -> memref<1x40x64xf32, #tpu.memory_space<hbm>>
      %dma_wait3A_403 = tpu.memref_squeeze %dma_wait3A_402 : memref<1x40x64xf32, #tpu.memory_space<hbm>> -> memref<40x64xf32, #tpu.memory_space<hbm>>
      %dma_wait3A_404 = arith.constant 0 : i32
      %dma_wait3A_405 = tpu.memref_slice %arg6[%arg0, %add3A_400, %dma_wait3A_404] : memref<2x10000x64xf32, #tpu.memory_space<hbm>> -> memref<1x40x64xf32, #tpu.memory_space<hbm>>
      %dma_wait3A_406 = tpu.memref_squeeze %dma_wait3A_405 : memref<1x40x64xf32, #tpu.memory_space<hbm>> -> memref<40x64xf32, #tpu.memory_space<hbm>>
      tpu.wait_dma2 semaphore(%arg17 : memref<!tpu.dma_semaphore, #tpu.memory_space<semaphore_mem>>) src(%arg14 : memref<40x64xf32, #tpu.memory_space<vmem>>) dst(%dma_wait3A_406 : memref<40x64xf32, #tpu.memory_space<hbm>>)
      %mul3A_407 = arith.constant 1000 : i32
      %mul3A_408 = arith.muli %arg1, %mul3A_407 : i32
      %add3A_409 = arith.constant 760 : i32
      %add3A_410 = arith.addi %mul3A_408, %add3A_409 : i32
      "tpu.region"() ({
        %run_scoped3A = tpu.sem_alloc : memref<!tpu.dma_semaphore, #tpu.memory_space<semaphore_mem>>
        %dma_start3A_537 = arith.constant 0 : i32
        %dma_start3A_538 = tpu.memref_slice %arg15[%add3A_410, %dma_start3A_537] : memref<10000x64xf32, #tpu.memory_space<vmem_shared>> -> memref<40x64xf32, #tpu.memory_space<vmem_shared>>
        %dma_start3A_539 = arith.constant 0 : i32
        %dma_start3A_540 = tpu.memref_slice %arg15[%add3A_410, %dma_start3A_539] : memref<10000x64xf32, #tpu.memory_space<vmem_shared>> -> memref<40x64xf32, #tpu.memory_space<vmem_shared>>
        tpu.enqueue_dma source(%dma_start3A_540 : memref<40x64xf32, #tpu.memory_space<vmem_shared>>) target(%arg14 : memref<40x64xf32, #tpu.memory_space<vmem>>) target_semaphore(%run_scoped3A : memref<!tpu.dma_semaphore, #tpu.memory_space<semaphore_mem>>)
        %dma_wait3A_541 = arith.constant 0 : i32
        %dma_wait3A_542 = tpu.memref_slice %arg15[%add3A_410, %dma_wait3A_541] : memref<10000x64xf32, #tpu.memory_space<vmem_shared>> -> memref<40x64xf32, #tpu.memory_space<vmem_shared>>
        %dma_wait3A_543 = arith.constant 0 : i32
        %dma_wait3A_544 = tpu.memref_slice %arg15[%add3A_410, %dma_wait3A_543] : memref<10000x64xf32, #tpu.memory_space<vmem_shared>> -> memref<40x64xf32, #tpu.memory_space<vmem_shared>>
        tpu.wait_dma2 semaphore(%run_scoped3A : memref<!tpu.dma_semaphore, #tpu.memory_space<semaphore_mem>>) src(%dma_wait3A_544 : memref<40x64xf32, #tpu.memory_space<vmem_shared>>) dst(%arg14 : memref<40x64xf32, #tpu.memory_space<vmem>>)
        tpu.yield
      }) : () -> ()
      %dma_start3A_411 = arith.constant 0 : i32
      %dma_start3A_412 = tpu.memref_slice %arg6[%arg0, %add3A_410, %dma_start3A_411] : memref<2x10000x64xf32, #tpu.memory_space<hbm>> -> memref<1x40x64xf32, #tpu.memory_space<hbm>>
      %dma_start3A_413 = tpu.memref_squeeze %dma_start3A_412 : memref<1x40x64xf32, #tpu.memory_space<hbm>> -> memref<40x64xf32, #tpu.memory_space<hbm>>
      %dma_start3A_414 = arith.constant 0 : i32
      %dma_start3A_415 = tpu.memref_slice %arg6[%arg0, %add3A_410, %dma_start3A_414] : memref<2x10000x64xf32, #tpu.memory_space<hbm>> -> memref<1x40x64xf32, #tpu.memory_space<hbm>>
      %dma_start3A_416 = tpu.memref_squeeze %dma_start3A_415 : memref<1x40x64xf32, #tpu.memory_space<hbm>> -> memref<40x64xf32, #tpu.memory_space<hbm>>
      tpu.enqueue_dma source(%arg14 : memref<40x64xf32, #tpu.memory_space<vmem>>) target(%dma_start3A_416 : memref<40x64xf32, #tpu.memory_space<hbm>>) target_semaphore(%arg17 : memref<!tpu.dma_semaphore, #tpu.memory_space<semaphore_mem>>)
      %mul3A_417 = arith.constant 1000 : i32
      %mul3A_418 = arith.muli %arg1, %mul3A_417 : i32
      %add3A_419 = arith.constant 720 : i32
      %add3A_420 = arith.addi %mul3A_418, %add3A_419 : i32
      %dma_wait3A_421 = arith.constant 0 : i32
      %dma_wait3A_422 = tpu.memref_slice %arg6[%arg0, %add3A_420, %dma_wait3A_421] : memref<2x10000x64xf32, #tpu.memory_space<hbm>> -> memref<1x40x64xf32, #tpu.memory_space<hbm>>
      %dma_wait3A_423 = tpu.memref_squeeze %dma_wait3A_422 : memref<1x40x64xf32, #tpu.memory_space<hbm>> -> memref<40x64xf32, #tpu.memory_space<hbm>>
      %dma_wait3A_424 = arith.constant 0 : i32
      %dma_wait3A_425 = tpu.memref_slice %arg6[%arg0, %add3A_420, %dma_wait3A_424] : memref<2x10000x64xf32, #tpu.memory_space<hbm>> -> memref<1x40x64xf32, #tpu.memory_space<hbm>>
      %dma_wait3A_426 = tpu.memref_squeeze %dma_wait3A_425 : memref<1x40x64xf32, #tpu.memory_space<hbm>> -> memref<40x64xf32, #tpu.memory_space<hbm>>
      tpu.wait_dma2 semaphore(%arg16 : memref<!tpu.dma_semaphore, #tpu.memory_space<semaphore_mem>>) src(%arg13 : memref<40x64xf32, #tpu.memory_space<vmem>>) dst(%dma_wait3A_426 : memref<40x64xf32, #tpu.memory_space<hbm>>)
      %mul3A_427 = arith.constant 1000 : i32
      %mul3A_428 = arith.muli %arg1, %mul3A_427 : i32
      %add3A_429 = arith.constant 800 : i32
      %add3A_430 = arith.addi %mul3A_428, %add3A_429 : i32
      "tpu.region"() ({
        %run_scoped3A = tpu.sem_alloc : memref<!tpu.dma_semaphore, #tpu.memory_space<semaphore_mem>>
        %dma_start3A_537 = arith.constant 0 : i32
        %dma_start3A_538 = tpu.memref_slice %arg15[%add3A_430, %dma_start3A_537] : memref<10000x64xf32, #tpu.memory_space<vmem_shared>> -> memref<40x64xf32, #tpu.memory_space<vmem_shared>>
        %dma_start3A_539 = arith.constant 0 : i32
        %dma_start3A_540 = tpu.memref_slice %arg15[%add3A_430, %dma_start3A_539] : memref<10000x64xf32, #tpu.memory_space<vmem_shared>> -> memref<40x64xf32, #tpu.memory_space<vmem_shared>>
        tpu.enqueue_dma source(%dma_start3A_540 : memref<40x64xf32, #tpu.memory_space<vmem_shared>>) target(%arg13 : memref<40x64xf32, #tpu.memory_space<vmem>>) target_semaphore(%run_scoped3A : memref<!tpu.dma_semaphore, #tpu.memory_space<semaphore_mem>>)
        %dma_wait3A_541 = arith.constant 0 : i32
        %dma_wait3A_542 = tpu.memref_slice %arg15[%add3A_430, %dma_wait3A_541] : memref<10000x64xf32, #tpu.memory_space<vmem_shared>> -> memref<40x64xf32, #tpu.memory_space<vmem_shared>>
        %dma_wait3A_543 = arith.constant 0 : i32
        %dma_wait3A_544 = tpu.memref_slice %arg15[%add3A_430, %dma_wait3A_543] : memref<10000x64xf32, #tpu.memory_space<vmem_shared>> -> memref<40x64xf32, #tpu.memory_space<vmem_shared>>
        tpu.wait_dma2 semaphore(%run_scoped3A : memref<!tpu.dma_semaphore, #tpu.memory_space<semaphore_mem>>) src(%dma_wait3A_544 : memref<40x64xf32, #tpu.memory_space<vmem_shared>>) dst(%arg13 : memref<40x64xf32, #tpu.memory_space<vmem>>)
        tpu.yield
      }) : () -> ()
      %dma_start3A_431 = arith.constant 0 : i32
      %dma_start3A_432 = tpu.memref_slice %arg6[%arg0, %add3A_430, %dma_start3A_431] : memref<2x10000x64xf32, #tpu.memory_space<hbm>> -> memref<1x40x64xf32, #tpu.memory_space<hbm>>
      %dma_start3A_433 = tpu.memref_squeeze %dma_start3A_432 : memref<1x40x64xf32, #tpu.memory_space<hbm>> -> memref<40x64xf32, #tpu.memory_space<hbm>>
      %dma_start3A_434 = arith.constant 0 : i32
      %dma_start3A_435 = tpu.memref_slice %arg6[%arg0, %add3A_430, %dma_start3A_434] : memref<2x10000x64xf32, #tpu.memory_space<hbm>> -> memref<1x40x64xf32, #tpu.memory_space<hbm>>
      %dma_start3A_436 = tpu.memref_squeeze %dma_start3A_435 : memref<1x40x64xf32, #tpu.memory_space<hbm>> -> memref<40x64xf32, #tpu.memory_space<hbm>>
      tpu.enqueue_dma source(%arg13 : memref<40x64xf32, #tpu.memory_space<vmem>>) target(%dma_start3A_436 : memref<40x64xf32, #tpu.memory_space<hbm>>) target_semaphore(%arg16 : memref<!tpu.dma_semaphore, #tpu.memory_space<semaphore_mem>>)
      %mul3A_437 = arith.constant 1000 : i32
      %mul3A_438 = arith.muli %arg1, %mul3A_437 : i32
      %add3A_439 = arith.constant 760 : i32
      %add3A_440 = arith.addi %mul3A_438, %add3A_439 : i32
      %dma_wait3A_441 = arith.constant 0 : i32
      %dma_wait3A_442 = tpu.memref_slice %arg6[%arg0, %add3A_440, %dma_wait3A_441] : memref<2x10000x64xf32, #tpu.memory_space<hbm>> -> memref<1x40x64xf32, #tpu.memory_space<hbm>>
      %dma_wait3A_443 = tpu.memref_squeeze %dma_wait3A_442 : memref<1x40x64xf32, #tpu.memory_space<hbm>> -> memref<40x64xf32, #tpu.memory_space<hbm>>
      %dma_wait3A_444 = arith.constant 0 : i32
      %dma_wait3A_445 = tpu.memref_slice %arg6[%arg0, %add3A_440, %dma_wait3A_444] : memref<2x10000x64xf32, #tpu.memory_space<hbm>> -> memref<1x40x64xf32, #tpu.memory_space<hbm>>
      %dma_wait3A_446 = tpu.memref_squeeze %dma_wait3A_445 : memref<1x40x64xf32, #tpu.memory_space<hbm>> -> memref<40x64xf32, #tpu.memory_space<hbm>>
      tpu.wait_dma2 semaphore(%arg17 : memref<!tpu.dma_semaphore, #tpu.memory_space<semaphore_mem>>) src(%arg14 : memref<40x64xf32, #tpu.memory_space<vmem>>) dst(%dma_wait3A_446 : memref<40x64xf32, #tpu.memory_space<hbm>>)
      %mul3A_447 = arith.constant 1000 : i32
      %mul3A_448 = arith.muli %arg1, %mul3A_447 : i32
      %add3A_449 = arith.constant 840 : i32
      %add3A_450 = arith.addi %mul3A_448, %add3A_449 : i32
      "tpu.region"() ({
        %run_scoped3A = tpu.sem_alloc : memref<!tpu.dma_semaphore, #tpu.memory_space<semaphore_mem>>
        %dma_start3A_537 = arith.constant 0 : i32
        %dma_start3A_538 = tpu.memref_slice %arg15[%add3A_450, %dma_start3A_537] : memref<10000x64xf32, #tpu.memory_space<vmem_shared>> -> memref<40x64xf32, #tpu.memory_space<vmem_shared>>
        %dma_start3A_539 = arith.constant 0 : i32
        %dma_start3A_540 = tpu.memref_slice %arg15[%add3A_450, %dma_start3A_539] : memref<10000x64xf32, #tpu.memory_space<vmem_shared>> -> memref<40x64xf32, #tpu.memory_space<vmem_shared>>
        tpu.enqueue_dma source(%dma_start3A_540 : memref<40x64xf32, #tpu.memory_space<vmem_shared>>) target(%arg14 : memref<40x64xf32, #tpu.memory_space<vmem>>) target_semaphore(%run_scoped3A : memref<!tpu.dma_semaphore, #tpu.memory_space<semaphore_mem>>)
        %dma_wait3A_541 = arith.constant 0 : i32
        %dma_wait3A_542 = tpu.memref_slice %arg15[%add3A_450, %dma_wait3A_541] : memref<10000x64xf32, #tpu.memory_space<vmem_shared>> -> memref<40x64xf32, #tpu.memory_space<vmem_shared>>
        %dma_wait3A_543 = arith.constant 0 : i32
        %dma_wait3A_544 = tpu.memref_slice %arg15[%add3A_450, %dma_wait3A_543] : memref<10000x64xf32, #tpu.memory_space<vmem_shared>> -> memref<40x64xf32, #tpu.memory_space<vmem_shared>>
        tpu.wait_dma2 semaphore(%run_scoped3A : memref<!tpu.dma_semaphore, #tpu.memory_space<semaphore_mem>>) src(%dma_wait3A_544 : memref<40x64xf32, #tpu.memory_space<vmem_shared>>) dst(%arg14 : memref<40x64xf32, #tpu.memory_space<vmem>>)
        tpu.yield
      }) : () -> ()
      %dma_start3A_451 = arith.constant 0 : i32
      %dma_start3A_452 = tpu.memref_slice %arg6[%arg0, %add3A_450, %dma_start3A_451] : memref<2x10000x64xf32, #tpu.memory_space<hbm>> -> memref<1x40x64xf32, #tpu.memory_space<hbm>>
      %dma_start3A_453 = tpu.memref_squeeze %dma_start3A_452 : memref<1x40x64xf32, #tpu.memory_space<hbm>> -> memref<40x64xf32, #tpu.memory_space<hbm>>
      %dma_start3A_454 = arith.constant 0 : i32
      %dma_start3A_455 = tpu.memref_slice %arg6[%arg0, %add3A_450, %dma_start3A_454] : memref<2x10000x64xf32, #tpu.memory_space<hbm>> -> memref<1x40x64xf32, #tpu.memory_space<hbm>>
      %dma_start3A_456 = tpu.memref_squeeze %dma_start3A_455 : memref<1x40x64xf32, #tpu.memory_space<hbm>> -> memref<40x64xf32, #tpu.memory_space<hbm>>
      tpu.enqueue_dma source(%arg14 : memref<40x64xf32, #tpu.memory_space<vmem>>) target(%dma_start3A_456 : memref<40x64xf32, #tpu.memory_space<hbm>>) target_semaphore(%arg17 : memref<!tpu.dma_semaphore, #tpu.memory_space<semaphore_mem>>)
      %mul3A_457 = arith.constant 1000 : i32
      %mul3A_458 = arith.muli %arg1, %mul3A_457 : i32
      %add3A_459 = arith.constant 800 : i32
      %add3A_460 = arith.addi %mul3A_458, %add3A_459 : i32
      %dma_wait3A_461 = arith.constant 0 : i32
      %dma_wait3A_462 = tpu.memref_slice %arg6[%arg0, %add3A_460, %dma_wait3A_461] : memref<2x10000x64xf32, #tpu.memory_space<hbm>> -> memref<1x40x64xf32, #tpu.memory_space<hbm>>
      %dma_wait3A_463 = tpu.memref_squeeze %dma_wait3A_462 : memref<1x40x64xf32, #tpu.memory_space<hbm>> -> memref<40x64xf32, #tpu.memory_space<hbm>>
      %dma_wait3A_464 = arith.constant 0 : i32
      %dma_wait3A_465 = tpu.memref_slice %arg6[%arg0, %add3A_460, %dma_wait3A_464] : memref<2x10000x64xf32, #tpu.memory_space<hbm>> -> memref<1x40x64xf32, #tpu.memory_space<hbm>>
      %dma_wait3A_466 = tpu.memref_squeeze %dma_wait3A_465 : memref<1x40x64xf32, #tpu.memory_space<hbm>> -> memref<40x64xf32, #tpu.memory_space<hbm>>
      tpu.wait_dma2 semaphore(%arg16 : memref<!tpu.dma_semaphore, #tpu.memory_space<semaphore_mem>>) src(%arg13 : memref<40x64xf32, #tpu.memory_space<vmem>>) dst(%dma_wait3A_466 : memref<40x64xf32, #tpu.memory_space<hbm>>)
      %mul3A_467 = arith.constant 1000 : i32
      %mul3A_468 = arith.muli %arg1, %mul3A_467 : i32
      %add3A_469 = arith.constant 880 : i32
      %add3A_470 = arith.addi %mul3A_468, %add3A_469 : i32
      "tpu.region"() ({
        %run_scoped3A = tpu.sem_alloc : memref<!tpu.dma_semaphore, #tpu.memory_space<semaphore_mem>>
        %dma_start3A_537 = arith.constant 0 : i32
        %dma_start3A_538 = tpu.memref_slice %arg15[%add3A_470, %dma_start3A_537] : memref<10000x64xf32, #tpu.memory_space<vmem_shared>> -> memref<40x64xf32, #tpu.memory_space<vmem_shared>>
        %dma_start3A_539 = arith.constant 0 : i32
        %dma_start3A_540 = tpu.memref_slice %arg15[%add3A_470, %dma_start3A_539] : memref<10000x64xf32, #tpu.memory_space<vmem_shared>> -> memref<40x64xf32, #tpu.memory_space<vmem_shared>>
        tpu.enqueue_dma source(%dma_start3A_540 : memref<40x64xf32, #tpu.memory_space<vmem_shared>>) target(%arg13 : memref<40x64xf32, #tpu.memory_space<vmem>>) target_semaphore(%run_scoped3A : memref<!tpu.dma_semaphore, #tpu.memory_space<semaphore_mem>>)
        %dma_wait3A_541 = arith.constant 0 : i32
        %dma_wait3A_542 = tpu.memref_slice %arg15[%add3A_470, %dma_wait3A_541] : memref<10000x64xf32, #tpu.memory_space<vmem_shared>> -> memref<40x64xf32, #tpu.memory_space<vmem_shared>>
        %dma_wait3A_543 = arith.constant 0 : i32
        %dma_wait3A_544 = tpu.memref_slice %arg15[%add3A_470, %dma_wait3A_543] : memref<10000x64xf32, #tpu.memory_space<vmem_shared>> -> memref<40x64xf32, #tpu.memory_space<vmem_shared>>
        tpu.wait_dma2 semaphore(%run_scoped3A : memref<!tpu.dma_semaphore, #tpu.memory_space<semaphore_mem>>) src(%dma_wait3A_544 : memref<40x64xf32, #tpu.memory_space<vmem_shared>>) dst(%arg13 : memref<40x64xf32, #tpu.memory_space<vmem>>)
        tpu.yield
      }) : () -> ()
      %dma_start3A_471 = arith.constant 0 : i32
      %dma_start3A_472 = tpu.memref_slice %arg6[%arg0, %add3A_470, %dma_start3A_471] : memref<2x10000x64xf32, #tpu.memory_space<hbm>> -> memref<1x40x64xf32, #tpu.memory_space<hbm>>
      %dma_start3A_473 = tpu.memref_squeeze %dma_start3A_472 : memref<1x40x64xf32, #tpu.memory_space<hbm>> -> memref<40x64xf32, #tpu.memory_space<hbm>>
      %dma_start3A_474 = arith.constant 0 : i32
      %dma_start3A_475 = tpu.memref_slice %arg6[%arg0, %add3A_470, %dma_start3A_474] : memref<2x10000x64xf32, #tpu.memory_space<hbm>> -> memref<1x40x64xf32, #tpu.memory_space<hbm>>
      %dma_start3A_476 = tpu.memref_squeeze %dma_start3A_475 : memref<1x40x64xf32, #tpu.memory_space<hbm>> -> memref<40x64xf32, #tpu.memory_space<hbm>>
      tpu.enqueue_dma source(%arg13 : memref<40x64xf32, #tpu.memory_space<vmem>>) target(%dma_start3A_476 : memref<40x64xf32, #tpu.memory_space<hbm>>) target_semaphore(%arg16 : memref<!tpu.dma_semaphore, #tpu.memory_space<semaphore_mem>>)
      %mul3A_477 = arith.constant 1000 : i32
      %mul3A_478 = arith.muli %arg1, %mul3A_477 : i32
      %add3A_479 = arith.constant 840 : i32
      %add3A_480 = arith.addi %mul3A_478, %add3A_479 : i32
      %dma_wait3A_481 = arith.constant 0 : i32
      %dma_wait3A_482 = tpu.memref_slice %arg6[%arg0, %add3A_480, %dma_wait3A_481] : memref<2x10000x64xf32, #tpu.memory_space<hbm>> -> memref<1x40x64xf32, #tpu.memory_space<hbm>>
      %dma_wait3A_483 = tpu.memref_squeeze %dma_wait3A_482 : memref<1x40x64xf32, #tpu.memory_space<hbm>> -> memref<40x64xf32, #tpu.memory_space<hbm>>
      %dma_wait3A_484 = arith.constant 0 : i32
      %dma_wait3A_485 = tpu.memref_slice %arg6[%arg0, %add3A_480, %dma_wait3A_484] : memref<2x10000x64xf32, #tpu.memory_space<hbm>> -> memref<1x40x64xf32, #tpu.memory_space<hbm>>
      %dma_wait3A_486 = tpu.memref_squeeze %dma_wait3A_485 : memref<1x40x64xf32, #tpu.memory_space<hbm>> -> memref<40x64xf32, #tpu.memory_space<hbm>>
      tpu.wait_dma2 semaphore(%arg17 : memref<!tpu.dma_semaphore, #tpu.memory_space<semaphore_mem>>) src(%arg14 : memref<40x64xf32, #tpu.memory_space<vmem>>) dst(%dma_wait3A_486 : memref<40x64xf32, #tpu.memory_space<hbm>>)
      %mul3A_487 = arith.constant 1000 : i32
      %mul3A_488 = arith.muli %arg1, %mul3A_487 : i32
      %add3A_489 = arith.constant 920 : i32
      %add3A_490 = arith.addi %mul3A_488, %add3A_489 : i32
      "tpu.region"() ({
        %run_scoped3A = tpu.sem_alloc : memref<!tpu.dma_semaphore, #tpu.memory_space<semaphore_mem>>
        %dma_start3A_537 = arith.constant 0 : i32
        %dma_start3A_538 = tpu.memref_slice %arg15[%add3A_490, %dma_start3A_537] : memref<10000x64xf32, #tpu.memory_space<vmem_shared>> -> memref<40x64xf32, #tpu.memory_space<vmem_shared>>
        %dma_start3A_539 = arith.constant 0 : i32
        %dma_start3A_540 = tpu.memref_slice %arg15[%add3A_490, %dma_start3A_539] : memref<10000x64xf32, #tpu.memory_space<vmem_shared>> -> memref<40x64xf32, #tpu.memory_space<vmem_shared>>
        tpu.enqueue_dma source(%dma_start3A_540 : memref<40x64xf32, #tpu.memory_space<vmem_shared>>) target(%arg14 : memref<40x64xf32, #tpu.memory_space<vmem>>) target_semaphore(%run_scoped3A : memref<!tpu.dma_semaphore, #tpu.memory_space<semaphore_mem>>)
        %dma_wait3A_541 = arith.constant 0 : i32
        %dma_wait3A_542 = tpu.memref_slice %arg15[%add3A_490, %dma_wait3A_541] : memref<10000x64xf32, #tpu.memory_space<vmem_shared>> -> memref<40x64xf32, #tpu.memory_space<vmem_shared>>
        %dma_wait3A_543 = arith.constant 0 : i32
        %dma_wait3A_544 = tpu.memref_slice %arg15[%add3A_490, %dma_wait3A_543] : memref<10000x64xf32, #tpu.memory_space<vmem_shared>> -> memref<40x64xf32, #tpu.memory_space<vmem_shared>>
        tpu.wait_dma2 semaphore(%run_scoped3A : memref<!tpu.dma_semaphore, #tpu.memory_space<semaphore_mem>>) src(%dma_wait3A_544 : memref<40x64xf32, #tpu.memory_space<vmem_shared>>) dst(%arg14 : memref<40x64xf32, #tpu.memory_space<vmem>>)
        tpu.yield
      }) : () -> ()
      %dma_start3A_491 = arith.constant 0 : i32
      %dma_start3A_492 = tpu.memref_slice %arg6[%arg0, %add3A_490, %dma_start3A_491] : memref<2x10000x64xf32, #tpu.memory_space<hbm>> -> memref<1x40x64xf32, #tpu.memory_space<hbm>>
      %dma_start3A_493 = tpu.memref_squeeze %dma_start3A_492 : memref<1x40x64xf32, #tpu.memory_space<hbm>> -> memref<40x64xf32, #tpu.memory_space<hbm>>
      %dma_start3A_494 = arith.constant 0 : i32
      %dma_start3A_495 = tpu.memref_slice %arg6[%arg0, %add3A_490, %dma_start3A_494] : memref<2x10000x64xf32, #tpu.memory_space<hbm>> -> memref<1x40x64xf32, #tpu.memory_space<hbm>>
      %dma_start3A_496 = tpu.memref_squeeze %dma_start3A_495 : memref<1x40x64xf32, #tpu.memory_space<hbm>> -> memref<40x64xf32, #tpu.memory_space<hbm>>
      tpu.enqueue_dma source(%arg14 : memref<40x64xf32, #tpu.memory_space<vmem>>) target(%dma_start3A_496 : memref<40x64xf32, #tpu.memory_space<hbm>>) target_semaphore(%arg17 : memref<!tpu.dma_semaphore, #tpu.memory_space<semaphore_mem>>)
      %mul3A_497 = arith.constant 1000 : i32
      %mul3A_498 = arith.muli %arg1, %mul3A_497 : i32
      %add3A_499 = arith.constant 880 : i32
      %add3A_500 = arith.addi %mul3A_498, %add3A_499 : i32
      %dma_wait3A_501 = arith.constant 0 : i32
      %dma_wait3A_502 = tpu.memref_slice %arg6[%arg0, %add3A_500, %dma_wait3A_501] : memref<2x10000x64xf32, #tpu.memory_space<hbm>> -> memref<1x40x64xf32, #tpu.memory_space<hbm>>
      %dma_wait3A_503 = tpu.memref_squeeze %dma_wait3A_502 : memref<1x40x64xf32, #tpu.memory_space<hbm>> -> memref<40x64xf32, #tpu.memory_space<hbm>>
      %dma_wait3A_504 = arith.constant 0 : i32
      %dma_wait3A_505 = tpu.memref_slice %arg6[%arg0, %add3A_500, %dma_wait3A_504] : memref<2x10000x64xf32, #tpu.memory_space<hbm>> -> memref<1x40x64xf32, #tpu.memory_space<hbm>>
      %dma_wait3A_506 = tpu.memref_squeeze %dma_wait3A_505 : memref<1x40x64xf32, #tpu.memory_space<hbm>> -> memref<40x64xf32, #tpu.memory_space<hbm>>
      tpu.wait_dma2 semaphore(%arg16 : memref<!tpu.dma_semaphore, #tpu.memory_space<semaphore_mem>>) src(%arg13 : memref<40x64xf32, #tpu.memory_space<vmem>>) dst(%dma_wait3A_506 : memref<40x64xf32, #tpu.memory_space<hbm>>)
      %mul3A_507 = arith.constant 1000 : i32
      %mul3A_508 = arith.muli %arg1, %mul3A_507 : i32
      %add3A_509 = arith.constant 960 : i32
      %add3A_510 = arith.addi %mul3A_508, %add3A_509 : i32
      "tpu.region"() ({
        %run_scoped3A = tpu.sem_alloc : memref<!tpu.dma_semaphore, #tpu.memory_space<semaphore_mem>>
        %dma_start3A_537 = arith.constant 0 : i32
        %dma_start3A_538 = tpu.memref_slice %arg15[%add3A_510, %dma_start3A_537] : memref<10000x64xf32, #tpu.memory_space<vmem_shared>> -> memref<40x64xf32, #tpu.memory_space<vmem_shared>>
        %dma_start3A_539 = arith.constant 0 : i32
        %dma_start3A_540 = tpu.memref_slice %arg15[%add3A_510, %dma_start3A_539] : memref<10000x64xf32, #tpu.memory_space<vmem_shared>> -> memref<40x64xf32, #tpu.memory_space<vmem_shared>>
        tpu.enqueue_dma source(%dma_start3A_540 : memref<40x64xf32, #tpu.memory_space<vmem_shared>>) target(%arg13 : memref<40x64xf32, #tpu.memory_space<vmem>>) target_semaphore(%run_scoped3A : memref<!tpu.dma_semaphore, #tpu.memory_space<semaphore_mem>>)
        %dma_wait3A_541 = arith.constant 0 : i32
        %dma_wait3A_542 = tpu.memref_slice %arg15[%add3A_510, %dma_wait3A_541] : memref<10000x64xf32, #tpu.memory_space<vmem_shared>> -> memref<40x64xf32, #tpu.memory_space<vmem_shared>>
        %dma_wait3A_543 = arith.constant 0 : i32
        %dma_wait3A_544 = tpu.memref_slice %arg15[%add3A_510, %dma_wait3A_543] : memref<10000x64xf32, #tpu.memory_space<vmem_shared>> -> memref<40x64xf32, #tpu.memory_space<vmem_shared>>
        tpu.wait_dma2 semaphore(%run_scoped3A : memref<!tpu.dma_semaphore, #tpu.memory_space<semaphore_mem>>) src(%dma_wait3A_544 : memref<40x64xf32, #tpu.memory_space<vmem_shared>>) dst(%arg13 : memref<40x64xf32, #tpu.memory_space<vmem>>)
        tpu.yield
      }) : () -> ()
      %dma_start3A_511 = arith.constant 0 : i32
      %dma_start3A_512 = tpu.memref_slice %arg6[%arg0, %add3A_510, %dma_start3A_511] : memref<2x10000x64xf32, #tpu.memory_space<hbm>> -> memref<1x40x64xf32, #tpu.memory_space<hbm>>
      %dma_start3A_513 = tpu.memref_squeeze %dma_start3A_512 : memref<1x40x64xf32, #tpu.memory_space<hbm>> -> memref<40x64xf32, #tpu.memory_space<hbm>>
      %dma_start3A_514 = arith.constant 0 : i32
      %dma_start3A_515 = tpu.memref_slice %arg6[%arg0, %add3A_510, %dma_start3A_514] : memref<2x10000x64xf32, #tpu.memory_space<hbm>> -> memref<1x40x64xf32, #tpu.memory_space<hbm>>
      %dma_start3A_516 = tpu.memref_squeeze %dma_start3A_515 : memref<1x40x64xf32, #tpu.memory_space<hbm>> -> memref<40x64xf32, #tpu.memory_space<hbm>>
      tpu.enqueue_dma source(%arg13 : memref<40x64xf32, #tpu.memory_space<vmem>>) target(%dma_start3A_516 : memref<40x64xf32, #tpu.memory_space<hbm>>) target_semaphore(%arg16 : memref<!tpu.dma_semaphore, #tpu.memory_space<semaphore_mem>>)
      %mul3A_517 = arith.constant 1000 : i32
      %mul3A_518 = arith.muli %arg1, %mul3A_517 : i32
      %add3A_519 = arith.constant 920 : i32
      %add3A_520 = arith.addi %mul3A_518, %add3A_519 : i32
      %dma_wait3A_521 = arith.constant 0 : i32
      %dma_wait3A_522 = tpu.memref_slice %arg6[%arg0, %add3A_520, %dma_wait3A_521] : memref<2x10000x64xf32, #tpu.memory_space<hbm>> -> memref<1x40x64xf32, #tpu.memory_space<hbm>>
      %dma_wait3A_523 = tpu.memref_squeeze %dma_wait3A_522 : memref<1x40x64xf32, #tpu.memory_space<hbm>> -> memref<40x64xf32, #tpu.memory_space<hbm>>
      %dma_wait3A_524 = arith.constant 0 : i32
      %dma_wait3A_525 = tpu.memref_slice %arg6[%arg0, %add3A_520, %dma_wait3A_524] : memref<2x10000x64xf32, #tpu.memory_space<hbm>> -> memref<1x40x64xf32, #tpu.memory_space<hbm>>
      %dma_wait3A_526 = tpu.memref_squeeze %dma_wait3A_525 : memref<1x40x64xf32, #tpu.memory_space<hbm>> -> memref<40x64xf32, #tpu.memory_space<hbm>>
      tpu.wait_dma2 semaphore(%arg17 : memref<!tpu.dma_semaphore, #tpu.memory_space<semaphore_mem>>) src(%arg14 : memref<40x64xf32, #tpu.memory_space<vmem>>) dst(%dma_wait3A_526 : memref<40x64xf32, #tpu.memory_space<hbm>>)
      %mul3A_527 = arith.constant 1000 : i32
      %mul3A_528 = arith.muli %arg1, %mul3A_527 : i32
      %add3A_529 = arith.constant 960 : i32
      %add3A_530 = arith.addi %mul3A_528, %add3A_529 : i32
      %dma_wait3A_531 = arith.constant 0 : i32
      %dma_wait3A_532 = tpu.memref_slice %arg6[%arg0, %add3A_530, %dma_wait3A_531] : memref<2x10000x64xf32, #tpu.memory_space<hbm>> -> memref<1x40x64xf32, #tpu.memory_space<hbm>>
      %dma_wait3A_533 = tpu.memref_squeeze %dma_wait3A_532 : memref<1x40x64xf32, #tpu.memory_space<hbm>> -> memref<40x64xf32, #tpu.memory_space<hbm>>
      %dma_wait3A_534 = arith.constant 0 : i32
      %dma_wait3A_535 = tpu.memref_slice %arg6[%arg0, %add3A_530, %dma_wait3A_534] : memref<2x10000x64xf32, #tpu.memory_space<hbm>> -> memref<1x40x64xf32, #tpu.memory_space<hbm>>
      %dma_wait3A_536 = tpu.memref_squeeze %dma_wait3A_535 : memref<1x40x64xf32, #tpu.memory_space<hbm>> -> memref<40x64xf32, #tpu.memory_space<hbm>>
      tpu.wait_dma2 semaphore(%arg16 : memref<!tpu.dma_semaphore, #tpu.memory_space<semaphore_mem>>) src(%arg13 : memref<40x64xf32, #tpu.memory_space<vmem>>) dst(%dma_wait3A_536 : memref<40x64xf32, #tpu.memory_space<hbm>>)
    } else {
    }
    return
  }
}

module attributes {stable_mosaic.version = 14 : i64} {
  func.func @_tc_pre_body(%arg0: i32, %arg1: memref<2000x2xf32, #tpu.memory_space<vmem>>, %arg2: memref<2000x128xf32, #tpu.memory_space<vmem>>, %arg3: memref<128x128xf32, #tpu.memory_space<vmem>>, %arg4: memref<2000x1xf32, #tpu.memory_space<vmem>>, %arg5: memref<2000x128xf32, #tpu.memory_space<vmem>>) attributes {dimension_semantics = [#tpu.dimension_semantics<arbitrary>], iteration_bounds = array<i64: 5>, scalar_prefetch = 0 : i64, scratch_operands = 0 : i64, tpu.core_type = #tpu.core_type<tc>, window_params = [{transform_indices = @transform_0, window_bounds = array<i64: 2000, 2>}, {transform_indices = @transform_1, window_bounds = array<i64: 2000, 128>}, {pipeline_mode = #tpu.pipeline_mode<synchronous>, transform_indices = @transform_2, window_bounds = array<i64: 128, 128>}, {transform_indices = @transform_3, window_bounds = array<i64: 2000, 1>}, {transform_indices = @transform_4, window_bounds = array<i64: 2000, 128>}]} {
    %get3A = arith.constant 0 : index
    %get3A_0 = arith.constant 0 : index
    %get3A_1 = vector.load %arg1[%get3A, %get3A_0] : memref<2000x2xf32, #tpu.memory_space<vmem>>, vector<2000x1xf32>
    %get3A_2 = vector.shape_cast %get3A_1 : vector<2000x1xf32> to vector<2000xf32>
    %get3A_3 = arith.constant 0 : index
    %get3A_4 = arith.constant 1 : index
    %get3A_5 = vector.load %arg1[%get3A_3, %get3A_4] : memref<2000x2xf32, #tpu.memory_space<vmem>>, vector<2000x1xf32>
    %get3A_6 = vector.shape_cast %get3A_5 : vector<2000x1xf32> to vector<2000xf32>
    %add3A = arith.addf %get3A_2, %get3A_6 : vector<2000xf32>
    %sub3A = arith.constant 1.000000e+00 : f32
    %sub3A_7 = vector.broadcast %sub3A : f32 to vector<2000xf32>
    %sub3A_8 = arith.subf %add3A, %sub3A_7 : vector<2000xf32>
    %broadcast_in_dim3A = vector.shape_cast %sub3A_8 : vector<2000xf32> to vector<2000x1xf32>
    %rsqrt3A = math.rsqrt %broadcast_in_dim3A : vector<2000x1xf32>
    %swap3A = arith.constant 0 : index
    %swap3A_9 = arith.constant 0 : index
    %swap3A_10 = vector.load %arg4[%swap3A, %swap3A_9] : memref<2000x1xf32, #tpu.memory_space<vmem>>, vector<2000x1xf32>
    tpu.vector_store %arg4[%swap3A, %swap3A_9], %rsqrt3A {strides = array<i32>} : memref<2000x1xf32, #tpu.memory_space<vmem>>, vector<2000x1xf32>,
    %get3A_11 = arith.constant 0 : index
    %get3A_12 = arith.constant 0 : index
    %get3A_13 = vector.load %arg2[%get3A_11, %get3A_12] : memref<2000x128xf32, #tpu.memory_space<vmem>>, vector<2000x128xf32>
    %get3A_14 = arith.constant 0 : index
    %get3A_15 = arith.constant 0 : index
    %get3A_16 = vector.load %arg3[%get3A_14, %get3A_15] : memref<128x128xf32, #tpu.memory_space<vmem>>, vector<128x128xf32>
    %dot_general3A = arith.constant dense<0.000000e+00> : vector<2000x128xf32>
    %dot_general3A_17 = tpu.matmul %get3A_13, %get3A_16, %dot_general3A {dimension_numbers = #tpu.dot_dimension_numbers<[1], [0], [0], [1], [0, 0, 1, 1], [], []>, transpose_lhs_hint = false} : vector<2000x128xf32>, vector<128x128xf32>, vector<2000x128xf32> -> vector<2000x128xf32>
    %mul3A = vector.broadcast %rsqrt3A : vector<2000x1xf32> to vector<2000x128xf32>
    %mul3A_18 = arith.mulf %dot_general3A_17, %mul3A : vector<2000x128xf32>
    %swap3A_19 = arith.constant 0 : index
    %swap3A_20 = arith.constant 0 : index
    %swap3A_21 = vector.load %arg5[%swap3A_19, %swap3A_20] : memref<2000x128xf32, #tpu.memory_space<vmem>>, vector<2000x128xf32>
    tpu.vector_store %arg5[%swap3A_19, %swap3A_20], %mul3A_18 {strides = array<i32>} : memref<2000x128xf32, #tpu.memory_space<vmem>>, vector<2000x128xf32>,
    return
  }
  func.func @transform_0(%arg0: i32) -> (i32, i32) {
    %c0_i32 = arith.constant 0 : i32
    %c0_i32_0 = arith.constant 0 : i32
    return %arg0, %c0_i32 : i32, i32
  }
  func.func @transform_1(%arg0: i32) -> (i32, i32) {
    %c0_i32 = arith.constant 0 : i32
    %c0_i32_0 = arith.constant 0 : i32
    return %arg0, %c0_i32 : i32, i32
  }
  func.func @transform_2(%arg0: i32) -> (i32, i32) {
    %c0_i32 = arith.constant 0 : i32
    %c0_i32_0 = arith.constant 0 : i32
    %c0_i32_1 = arith.constant 0 : i32
    return %c0_i32, %c0_i32_0 : i32, i32
  }
  func.func @transform_3(%arg0: i32) -> (i32, i32) {
    %c0_i32 = arith.constant 0 : i32
    %c0_i32_0 = arith.constant 0 : i32
    return %arg0, %c0_i32 : i32, i32
  }
  func.func @transform_4(%arg0: i32) -> (i32, i32) {
    %c0_i32 = arith.constant 0 : i32
    %c0_i32_0 = arith.constant 0 : i32
    return %arg0, %c0_i32 : i32, i32
  }
}

module attributes {stable_mosaic.version = 14 : i64} {
  func.func @_tc_mid_body(%arg0: i32, %arg1: memref<2x2000x64xf32, #tpu.memory_space<vmem>>, %arg2: memref<2000x128xf32, #tpu.memory_space<vmem>>, %arg3: memref<2000x1xf32, #tpu.memory_space<vmem>>, %arg4: memref<1x128xf32, #tpu.memory_space<vmem>>, %arg5: memref<128x128xf32, #tpu.memory_space<vmem>>, %arg6: memref<2000x128xf32, #tpu.memory_space<vmem>>) attributes {dimension_semantics = [#tpu.dimension_semantics<arbitrary>], iteration_bounds = array<i64: 5>, scalar_prefetch = 0 : i64, scratch_operands = 0 : i64, tpu.core_type = #tpu.core_type<tc>, window_params = [{transform_indices = @transform_0, window_bounds = array<i64: 2, 2000, 64>}, {transform_indices = @transform_1, window_bounds = array<i64: 2000, 128>}, {transform_indices = @transform_2, window_bounds = array<i64: 2000, 1>}, {pipeline_mode = #tpu.pipeline_mode<synchronous>, transform_indices = @transform_3, window_bounds = array<i64: 1, 128>}, {pipeline_mode = #tpu.pipeline_mode<synchronous>, transform_indices = @transform_4, window_bounds = array<i64: 128, 128>}, {transform_indices = @transform_5, window_bounds = array<i64: 2000, 128>}]} {
    %get3A = arith.constant 0 : index
    %get3A_0 = arith.constant 0 : index
    %get3A_1 = vector.load %arg3[%get3A, %get3A_0] : memref<2000x1xf32, #tpu.memory_space<vmem>>, vector<2000x1xf32>
    %get3A_2 = arith.constant 0 : index
    %get3A_3 = arith.constant 0 : index
    %get3A_4 = arith.constant 0 : index
    %get3A_5 = vector.load %arg1[%get3A_2, %get3A_3, %get3A_4] : memref<2x2000x64xf32, #tpu.memory_space<vmem>>, vector<1x2000x64xf32>
    %get3A_6 = vector.shape_cast %get3A_5 : vector<1x2000x64xf32> to vector<2000x64xf32>
    %get3A_7 = arith.constant 1 : index
    %get3A_8 = arith.constant 0 : index
    %get3A_9 = arith.constant 0 : index
    %get3A_10 = vector.load %arg1[%get3A_7, %get3A_8, %get3A_9] : memref<2x2000x64xf32, #tpu.memory_space<vmem>>, vector<1x2000x64xf32>
    %get3A_11 = vector.shape_cast %get3A_10 : vector<1x2000x64xf32> to vector<2000x64xf32>
    %concatenate3A = tpu.concatenate %get3A_6, %get3A_11 in 1 : vector<2000x64xf32>, vector<2000x64xf32> -> vector<2000x128xf32>
    %get3A_12 = arith.constant 0 : index
    %get3A_13 = arith.constant 0 : index
    %get3A_14 = vector.load %arg2[%get3A_12, %get3A_13] : memref<2000x128xf32, #tpu.memory_space<vmem>>, vector<2000x128xf32>
    %add3A = arith.addf %concatenate3A, %get3A_14 : vector<2000x128xf32>
    %mul3A = vector.broadcast %get3A_1 : vector<2000x1xf32> to vector<2000x128xf32>
    %mul3A_15 = arith.mulf %mul3A, %add3A : vector<2000x128xf32>
    %get3A_16 = arith.constant 0 : index
    %get3A_17 = arith.constant 0 : index
    %get3A_18 = vector.load %arg4[%get3A_16, %get3A_17] : memref<1x128xf32, #tpu.memory_space<vmem>>, vector<1x128xf32>
    %add3A_19 = vector.broadcast %get3A_18 : vector<1x128xf32> to vector<2000x128xf32>
    %add3A_20 = arith.addf %mul3A_15, %add3A_19 : vector<2000x128xf32>
    %max3A = arith.constant 0.000000e+00 : f32
    %max3A_21 = vector.broadcast %max3A : f32 to vector<2000x128xf32>
    %max3A_22 = arith.maximumf %add3A_20, %max3A_21 : vector<2000x128xf32>
    %get3A_23 = arith.constant 0 : index
    %get3A_24 = arith.constant 0 : index
    %get3A_25 = vector.load %arg5[%get3A_23, %get3A_24] : memref<128x128xf32, #tpu.memory_space<vmem>>, vector<128x128xf32>
    %dot_general3A = arith.constant dense<0.000000e+00> : vector<2000x128xf32>
    %dot_general3A_26 = tpu.matmul %max3A_22, %get3A_25, %dot_general3A {dimension_numbers = #tpu.dot_dimension_numbers<[1], [0], [0], [1], [0, 0, 1, 1], [], []>, transpose_lhs_hint = false} : vector<2000x128xf32>, vector<128x128xf32>, vector<2000x128xf32> -> vector<2000x128xf32>
    %mul3A_27 = vector.broadcast %get3A_1 : vector<2000x1xf32> to vector<2000x128xf32>
    %mul3A_28 = arith.mulf %dot_general3A_26, %mul3A_27 : vector<2000x128xf32>
    %swap3A = arith.constant 0 : index
    %swap3A_29 = arith.constant 0 : index
    %swap3A_30 = vector.load %arg6[%swap3A, %swap3A_29] : memref<2000x128xf32, #tpu.memory_space<vmem>>, vector<2000x128xf32>
    tpu.vector_store %arg6[%swap3A, %swap3A_29], %mul3A_28 {strides = array<i32>} : memref<2000x128xf32, #tpu.memory_space<vmem>>, vector<2000x128xf32>,
    return
  }
  func.func @transform_0(%arg0: i32) -> (i32, i32, i32) {
    %c0_i32 = arith.constant 0 : i32
    %c0_i32_0 = arith.constant 0 : i32
    %c0_i32_1 = arith.constant 0 : i32
    return %c0_i32, %arg0, %c0_i32_0 : i32, i32, i32
  }
  func.func @transform_1(%arg0: i32) -> (i32, i32) {
    %c0_i32 = arith.constant 0 : i32
    %c0_i32_0 = arith.constant 0 : i32
    return %arg0, %c0_i32 : i32, i32
  }
  func.func @transform_2(%arg0: i32) -> (i32, i32) {
    %c0_i32 = arith.constant 0 : i32
    %c0_i32_0 = arith.constant 0 : i32
    return %arg0, %c0_i32 : i32, i32
  }
  func.func @transform_3(%arg0: i32) -> (i32, i32) {
    %c0_i32 = arith.constant 0 : i32
    %c0_i32_0 = arith.constant 0 : i32
    %c0_i32_1 = arith.constant 0 : i32
    return %c0_i32, %c0_i32_0 : i32, i32
  }
  func.func @transform_4(%arg0: i32) -> (i32, i32) {
    %c0_i32 = arith.constant 0 : i32
    %c0_i32_0 = arith.constant 0 : i32
    %c0_i32_1 = arith.constant 0 : i32
    return %c0_i32, %c0_i32_0 : i32, i32
  }
  func.func @transform_5(%arg0: i32) -> (i32, i32) {
    %c0_i32 = arith.constant 0 : i32
    %c0_i32_0 = arith.constant 0 : i32
    return %arg0, %c0_i32 : i32, i32
  }
}

module attributes {stable_mosaic.version = 14 : i64} {
  func.func @_tc_fin_body(%arg0: memref<2x10000xf32, #tpu.memory_space<vmem>>, %arg1: memref<10000x1xf32, #tpu.memory_space<vmem>>, %arg2: memref<10000x1xf32, #tpu.memory_space<vmem>>, %arg3: memref<1x1xf32, #tpu.memory_space<vmem>>, %arg4: memref<10000x1xf32, #tpu.memory_space<vmem>>) attributes {dimension_semantics = [], scalar_prefetch = 0 : i64, scratch_operands = 0 : i64, tpu.core_type = #tpu.core_type<tc>} {
    %get3A = arith.constant 0 : index
    %get3A_0 = arith.constant 0 : index
    %get3A_1 = vector.load %arg2[%get3A, %get3A_0] : memref<10000x1xf32, #tpu.memory_space<vmem>>, vector<10000x1xf32>
    %get3A_2 = arith.constant 0 : index
    %get3A_3 = arith.constant 0 : index
    %get3A_4 = vector.load %arg0[%get3A_2, %get3A_3] : memref<2x10000xf32, #tpu.memory_space<vmem>>, vector<1x10000xf32>
    %get3A_5 = vector.shape_cast %get3A_4 : vector<1x10000xf32> to vector<10000xf32>
    %get3A_6 = arith.constant 1 : index
    %get3A_7 = arith.constant 0 : index
    %get3A_8 = vector.load %arg0[%get3A_6, %get3A_7] : memref<2x10000xf32, #tpu.memory_space<vmem>>, vector<1x10000xf32>
    %get3A_9 = vector.shape_cast %get3A_8 : vector<1x10000xf32> to vector<10000xf32>
    %add3A = arith.addf %get3A_5, %get3A_9 : vector<10000xf32>
    %broadcast_in_dim3A = vector.shape_cast %add3A : vector<10000xf32> to vector<10000x1xf32>
    %get3A_10 = arith.constant 0 : index
    %get3A_11 = arith.constant 0 : index
    %get3A_12 = vector.load %arg1[%get3A_10, %get3A_11] : memref<10000x1xf32, #tpu.memory_space<vmem>>, vector<10000x1xf32>
    %sub3A = arith.subf %broadcast_in_dim3A, %get3A_12 : vector<10000x1xf32>
    %mul3A = arith.mulf %get3A_1, %sub3A : vector<10000x1xf32>
    %get3A_13 = arith.constant 0 : index
    %get3A_14 = arith.constant 0 : index
    %get3A_15 = vector.load %arg3[%get3A_13, %get3A_14] : memref<1x1xf32, #tpu.memory_space<vmem>>, vector<1x1xf32>
    %add3A_16 = vector.broadcast %get3A_15 : vector<1x1xf32> to vector<10000x1xf32>
    %add3A_17 = arith.addf %mul3A, %add3A_16 : vector<10000x1xf32>
    %swap3A = arith.constant 0 : index
    %swap3A_18 = arith.constant 0 : index
    %swap3A_19 = vector.load %arg4[%swap3A, %swap3A_18] : memref<10000x1xf32, #tpu.memory_space<vmem>>, vector<10000x1xf32>
    tpu.vector_store %arg4[%swap3A, %swap3A_18], %add3A_17 {strides = array<i32>} : memref<10000x1xf32, #tpu.memory_space<vmem>>, vector<10000x1xf32>,
    return
  }
}

</mosaic_0001>

<sc_bundles>
// kernel: body.8.cloned.1.call-start
scs
__scs_entry_jumppad:
0x0: {  	(pc) =	sbr.rel $0x88, $3  }
0x1: {  	(tag) =	ssettag $0x0;
	lr =	simm.s32 $0x1  }
0x2: {  	[smem:$0x3F99] =	sst lr;
	_ =	strace $0xD0000000  }
0x3: {  	_ = 	snop  }
0x4: {  	_ = 	snop  }
0x5: {  	_ = 	snop  }
0x6: {  	_ = 	snop  }
0x7: {  	_ = 	snop  }
__scs_overlays_trampoline_lowered:
0x8: {  	[smem:$0x3FA8] =	sst s0  }
0x9: {  	[smem:$0x3FA9] =	sst s1  }
0xa: {  	[smem:$0x3FAA] =	sst s2  }
0xb: {  	[smem:$0x3FAB] =	sst s3  }
0xc: {  	[smem:$0x3FAC] =	sst s4  }
0xd: {  	[smem:$0x3FAD] =	sst s5  }
0xe: {  	[smem:$0x3FAE] =	sst s6  }
0xf: {  	[smem:$0x3FAF] =	sst s7  }
0x10: {  	[smem:$0x3FB0] =	sst s8  }
0x11: {  	[smem:$0x3FB1] =	sst s9;
	s0 =	simm.s32 @!p0 $0x0  }
0x12: {  	s1 =	sld [smem:$0x3F97];
	s0 =	simm.s32 @p0 $0x1  }
0x13: {  	[smem:$0x3FB2] =	sst s0;
	s0 =	simm.s32 @!p1 $0x0  }
0x14: {  	s2 =	sld [smem:$0x3F96];
	s0 =	simm.s32 @p1 $0x1  }
0x15: {  	[smem:$0x3FB3] =	sst s0;
	s0 =	simm.s32 @!p2 $0x0  }
0x16: {  	s3 =	sld [smem:$0x3FDB];
	s0 =	simm.s32 @p2 $0x1  }
0x17: {  	s4 =	simm.s32 $0x1BF5;
	[smem:$0x3FB5] =	sst s0  }
0x18: {  	s0 =	sld [smem:$0x3F98];
	_ =	swait.ge [sflag:s4], $0x0  }
0x19: {  	s7 =	sld [smem:$0x3F99]  }
0x1a: {  	s8 =	sadd.s32 $0xFFFFE003, lr  }
0x1b: {  	s9 =	sadd.s32 $0xFFFFFEF7, lr;
	s5 =	simm.s32 $0xFFFFFFFF;
	p2 =	slt.u32 s8, $0xFFFFF086  }
0x1c: {  	p1 =	slt.u32 s9, $0xF7A;
	s5 =	simm.s32 @!p2 $0x0  }
0x1d: {  	s5 =	simm.s32 @p1 $0x1;
	p0 =	seq.s32 s7, s2  }
0x1e: {  	s7 =	smul.u32 @!p0 $0xF7A, s2;
	p2 =	seq.s32 @!p0 s5, $0x0  }
0x1f: {  	s9 =	smul.u32 $0xF7A, s1;
	s8 =	simm.s32 @!p0 $0x1BF5;
	p2 =	por !p2, p0  }
0x20: {  	[sflag:s8] =	ssyncset.s32 @!p0 $0xFFFFF086;
	s6 =	sadd.s32 @!p0 s3, s7;
	s7 =	simm.s32 @!p0 $0x108  }
0x21: {  	s3 =	sadd.s32 s3, s9;
	s6 =	sadd.s32 @!p0 $0x88, s6;
	s7 =	simm.s32 @p2 $0x1082  }
0x22: {  	[simem:s7], [sflag:s8] =	dma.local @!p0 [hbm:s6], $0xF7A  }
0x23: {  	s9 =	sor.u32 $0xD0000000, s2;
	s6 =	simm.s32 $0x108;
	_ =	swait.ge @!p0 [sflag:s8], $0x0  }
0x24: {  	s3 =	sadd.s32 $0x88, s3;
	s6 =	simm.s32 @!p1 $0x1082;
	[sflag:s4] =	ssyncset.s32 $0xFFFFF086  }
0x25: {  	[simem:s6], [sflag:s4] =	dma.local [hbm:s3], $0xF7A  }
0x26: {  	[smem:$0x3F99] =	sst s1;
	(tag) =	ssettag s2;
	_ =	strace s9  }
0x27: {  	s1 =	sld [smem:$0x3FA9]  }
0x28: {  	s2 =	sld [smem:$0x3FAA]  }
0x29: {  	s4 =	sld [smem:$0x3FAC]  }
0x2a: {  	p0 =	seq.s32 s5, $0x0;
	s5 =	sld [smem:$0x3FAD]  }
0x2b: {  	s6 =	sld [smem:$0x3FAE]  }
0x2c: {  	s7 =	sld [smem:$0x3FAF]  }
0x2d: {  	s3 =	simm.s32 $0x108;
	s8 =	sld [smem:$0x3FB0]  }
0x2e: {  	s3 =	simm.s32 @!p0 $0x1082;
	s9 =	sld [smem:$0x3FB1]  }
0x2f: {  	lr =	sadd.s32 s0, s3;
	s0 =	sld [smem:$0x3FA8]  }
0x30: {  	s3 =	sld [smem:$0x3FAB]  }
0x31: {  	[smem:$0x3FB4] =	sst s10  }
0x32: {  	s10 =	sld [smem:$0x3FB2];
	_ =	sdelay $0x3  }
0x33: {  	p0 =	seq.s32 s10, $0x1;
	s10 =	sld [smem:$0x3FB4];
	_ =	sdelay $0x3  }
0x34: {  	[smem:$0x3FB4] =	sst s10  }
0x35: {  	s10 =	sld [smem:$0x3FB3];
	_ =	sdelay $0x3  }
0x36: {  	p1 =	seq.s32 s10, $0x1;
	s10 =	sld [smem:$0x3FB4];
	_ =	sdelay $0x3  }
0x37: {  	[smem:$0x3FB4] =	sst s10  }
0x38: {  	s10 =	sld [smem:$0x3FB5]  }
0x39: {  	_ = 	snop;
	(pc) =	sbr.ind lr, $3  }
0x3a: {  	_ = 	snop  }
0x3b: {  	_ = 	snop  }
0x3c: {  	p2 =	seq.s32 s10, $0x1;
	s10 =	sld [smem:$0x3FB4]  }
0x3d: {  	_ =	shalt  }
0x3e: {  	_ =	shalt  }
0x3f: {  	_ =	shalt  }
0x40: {  	_ =	shalt  }
0x41: {  	_ =	shalt  }
0x42: {  	_ =	shalt  }
0x43: {  	_ =	shalt  }
0x44: {  	_ =	shalt  }
0x45: {  	_ =	shalt  }
0x46: {  	_ =	shalt  }
0x47: {  	_ =	shalt  }
0x48: {  	_ =	shalt  }
0x49: {  	_ =	shalt  }
0x4a: {  	_ =	shalt  }
0x4b: {  	_ =	shalt  }
0x4c: {  	_ =	shalt  }
0x4d: {  	_ =	shalt  }
0x4e: {  	_ =	shalt  }
0x4f: {  	_ =	shalt  }
0x50: {  	_ =	shalt  }
0x51: {  	_ =	shalt  }
0x52: {  	_ =	shalt  }
0x53: {  	_ =	shalt  }
0x54: {  	_ =	shalt  }
0x55: {  	_ =	shalt  }
0x56: {  	_ =	shalt  }
0x57: {  	_ =	shalt  }
0x58: {  	_ =	shalt  }
0x59: {  	_ =	shalt  }
0x5a: {  	_ =	shalt  }
0x5b: {  	_ =	shalt  }
0x5c: {  	_ =	shalt  }
0x5d: {  	_ =	shalt  }
0x5e: {  	_ =	shalt  }
0x5f: {  	_ =	shalt  }
0x60: {  	_ =	shalt  }
0x61: {  	_ =	shalt  }
0x62: {  	_ =	shalt  }
0x63: {  	_ =	shalt  }
0x64: {  	_ =	shalt  }
0x65: {  	_ =	shalt  }
0x66: {  	_ =	shalt  }
0x67: {  	_ =	shalt  }
0x68: {  	_ =	shalt  }
0x69: {  	_ =	shalt  }
0x6a: {  	_ =	shalt  }
0x6b: {  	_ =	shalt  }
0x6c: {  	_ =	shalt  }
0x6d: {  	_ =	shalt  }
0x6e: {  	_ =	shalt  }
0x6f: {  	_ =	shalt  }
0x70: {  	_ =	shalt  }
0x71: {  	_ =	shalt  }
0x72: {  	_ =	shalt  }
0x73: {  	_ =	shalt  }
0x74: {  	_ =	shalt  }
0x75: {  	_ =	shalt  }
0x76: {  	_ =	shalt  }
0x77: {  	_ =	shalt  }
0x78: {  	_ =	shalt  }
0x79: {  	_ =	shalt  }
0x7a: {  	_ =	shalt  }
0x7b: {  	_ =	shalt  }
0x7c: {  	_ =	shalt  }
0x7d: {  	_ =	shalt  }
0x7e: {  	_ =	shalt  }
0x7f: {  	_ =	shalt  }
0x80: {  	_ =	shalt  }
0x81: {  	_ =	shalt  }
0x82: {  	_ =	shalt  }
0x83: {  	_ =	shalt  }
0x84: {  	_ =	shalt  }
0x85: {  	_ =	shalt  }
0x86: {  	_ =	shalt  }
0x87: {  	_ =	shalt  }
.Lfunc_end0:
.L_simem_size_0:
called_computation_lowered:
.L_overlay_start_0:
0x88: {  	s2 =	sld [smem:$0x3FD9]  }
0x89: {  	s3 =	sld [smem:$0x3FFE];
	_ =	sdelay $0x1  }
0x8a: {  	s1 =	srdreg.scid  }
0x8b: {  	s0 =	sand.u32 $0x1, s1  }
0x8c: {  	s16 =	sshll.u32 s0, $0xA;
	s2 =	sadd.s32 s3, s2  }
0x8d: {  	s2 =	sadd.s32 s2, s16  }
0x8e: {  	[smem:$0x3FC0] =	sst s2  }
0x8f: {  	_ = 	snop  }
0x90: {  	(tm) =	ssettm $0x1  }
0x91: {  	s17 =	sld [smem:$0x3FFB];
	_ =	sdelay $0x3  }
0x92: {  	_ =	strace s17  }
0x93: {  	s2 =	sld [smem:$0x3FFC];
	_ =	sdelay $0x3  }
0x94: {  	_ =	strace s2  }
0x95: {  	s2 =	sld [smem:$0x3FFD];
	_ =	sdelay $0x3  }
0x96: {  	_ =	strace s2  }
0x97: {  	_ =	strace $0x8FFFFFFF  }
0x98: {  	s18 =	sld [smem:$0x3FDB];
	_ =	sdelay $0x1  }
0x99: {  	s19 =	simm.s32 $_scs_section_size  }
0x9a: {  	s4 =	simm.s32 $_size__tile_overlayer_lowered;
	s5 =	simm.s32 $_tile_overlayer_lowered  }
0x9b: {  	s22 =	simm.s32 $0x1BFF;
	s21 =	sshll.u32 s5, $0x1;
	s2 =	sadd.s32 s19, s18  }
0x9c: {  	s6 =	simm.s32 $0x0;
	s20 =	sshll.u32 s4, $0x1;
	s4 =	sadd.s32 s21, s2  }
0x9d: {  	[timem:s6], [sflag:s22] =	dma.local [hbm:s4], s20  }
0x9e: {  	_ =	swait.ge [sflag:s22], s20  }
0x9f: {  	s3 =	ssub.s32 $0x0, s20;
	[sflag:s22] =	ssyncset.done $0x0  }
0xa0: {  	[sflag:s22] =	ssyncadd.s32 s3;
	_ =	sdelay $0x1  }
0xa1: {  	s23 =	simm.s32 $0x1B8B  }
0xa2: {  	_ =	swait.ge [sflag:s23], $0x1  }
0xa3: {  	[sflag:s23] =	ssyncset.done $0x0  }
0xa4: {  	s25 =	simm.s32 $0x1B8E;
	s24 =	sld [smem:$0x3FFE];
	[sflag:s23] =	ssyncadd.s32 $0xFFFFFFFF  }
0xa5: {  	s26 =	simm.s32 $execute0_lowered;
	[smem:$0x3FD2] =	sst s25  }
0xa6: {  	s4 =	sshll.u32 s26, $0x1;
	_ =	strace $0x8000004C;
	[dreg:$0x1] =	wrdreg $0xFFFFFFFF  }
0xa7: {  	s28 =	simm.s32 $_size_execute0_lowered;
	s2 =	sadd.s32 s2, s4;
	[dreg:$0x0] =	wrdreg $0x0  }
0xa8: {  	s4 =	sshll.u32 s28, $0x1;
	[dreg:$0x2] =	wrdreg s2  }
0xa9: {  	[dreg:$0x3] =	wrdreg s4  }
0xaa: {  	[dreg:$0x4] =	wrdreg $0xC0  }
0xab: {  	_ =	task [dreg:s6], $0x5FFFF  }
0xac: {  	[dreg:$0x1] =	wrdreg $0xFFFFFFFF  }
0xad: {  	[dreg:$0x0] =	wrdreg $0x60  }
0xae: {  	[dreg:$0x2] =	wrdreg s24  }
0xaf: {  	[dreg:$0x3] =	wrdreg $0x131000  }
0xb0: {  	[dreg:$0x4] =	wrdreg $0x9  }
0xb1: {  	_ =	task.clear_ibuf [dreg:s6], $0x5FFFF;
	_ =	strace $0x9000004C  }
0xb2: {  	s29 =	simm.s32 $0x9;
	_ =	strace $0x8000004E  }
0xb3: {  	_ =	swait.ge [sflag:s29], $0x1  }
0xb4: {  	[sflag:s29] =	ssyncadd.s32 $0xFFFFFFFF  }
0xb5: {  	_ =	strace $0x9000004E  }
0xb6: {  	_ =	sfence  }
0xb7: {  	s30 =	sld [smem:$0x0];
	_ =	sdelay $0x2  }
0xb8: {  	s31 =	sshll.u32 s1, $0xD;
	s1 =	sshrl.u32 s1, $0x2  }
0xb9: {  	s3 =	sand.u32 $0x4000, s31;
	s1 =	sadd.s32 s1, s30  }
0xba: {  	s0 =	sor.u32 s3, s0;
	s1 =	sshll.u32 s1, $0x11  }
0xbb: {  	s0 =	sor.u32 s1, s0  }
0xbc: {  	s0 =	sadd.s32 $0x8F2B, s0  }
0xbd: {  	[sflag:s0] =	ssyncadd.remote.s32 $0x1  }
0xbe: {  	_ =	sfence.sel $0xFFFF  }
0xbf: {  	[dreg:$0x0] =	wrdreg $0xFFFFFFFF;
	(pc) =	sbr.abs _section_cstart, $3  }
0xc0: {  	[dreg:$0x1] =	wrdreg $0xFFFFFFFF  }
0xc1: {  	_ =	task.clear_ibuf [dreg:s6], $0x2FFFF;
	_ =	strace $0x9FFFFFFF  }
0xc2: {  	(tm) =	ssettm $0x7FFFFFFF  }
0xc3: {  	_ =	shalt  }
tec
execute0_lowered:
.L_overlay_start_1:
0x0: {  	(tag) =	ssettag $0x1  }
0x1: {  	s1 =	stileid.u32  }
0x2: {  	s0 =	srdreg.scid;
	s2 =	smul.u32 $0x5000, s1  }
0x3: {  	s3 =	sand.u32 $0x1, s0;
	s4 =	smul.u32 $0xFA00, s1  }
0x4: {  	s0 =	rddreg [dreg:$0x0];
	s5 =	smul.u32 $0x50000, s3  }
0x5: {  	s1 =	simm.s32 $0x0;
	s11 =	smul.u32 $0x9C400, s3;
	s3 =	ssub.s32 $0x2, s3  }
0x6: {  	[smem:$0x7FF] =	sst s1;
	s13 =	sadd.s32 $0x6F400, s0;
	s21 =	sshrl.u32 s3, $0x1  }
0x7: {  	s24 =	sadd.s32 $0xA00, s4;
	s25 =	sadd.s32 $0x1400, s4;
	s26 =	sadd.s32 $0x1E00, s4  }
0x8: {  	s8 =	sadd.s32 s2, s5;
	s6 =	sadd.s32 s4, s11;
	[smem:$0x7CC] =	sst s24  }
0x9: {  	s3 =	ssub.s32 s3, s21;
	[smem:$0x7CD] =	sst s25;
	s9 =	sadd.s32 s11, s24  }
0xa: {  	s10 =	sadd.s32 s11, s25;
	[smem:$0x7CE] =	sst s26;
	s12 =	sadd.s32 s11, s26  }
0xb: {  	[smem:$0x7E5] =	sst s3;
	s22 =	sshrl.u32 s6, $0x3;
	s9 =	sshrl.u32 s9, $0x3  }
0xc: {  	s10 =	sshrl.u32 s10, $0x3;
	s5 =	sshrl.u32 s12, $0x3;
	s12 =	sadd.s32 $0x3C00, s4  }
0xd: {  	s23 =	sadd.s32 s13, s22;
	s28 =	sadd.s32 s13, s9;
	s31 =	sadd.s32 s13, s10  }
0xe: {  	s6 =	sadd.s32 s13, s5;
	s9 =	sadd.s32 $0x2800, s4;
	[dreg:$0x3] =	wrdreg s23  }
0xf: {  	s10 =	sadd.s32 $0x3200, s4;
	[dreg:$0x4] =	wrdreg s28;
	s14 =	sadd.s32 s11, s9  }
0x10: {  	[dreg:$0x5] =	wrdreg s31;
	s15 =	sadd.s32 s11, s10;
	s14 =	sshrl.u32 s14, $0x3  }
0x11: {  	[dreg:$0x6] =	wrdreg s6;
	s15 =	sshrl.u32 s15, $0x3;
	s7 =	sadd.s32 s13, s14  }
0x12: {  	s16 =	sadd.s32 s11, s12;
	s14 =	sadd.s32 s13, s15;
	[dreg:$0x7] =	wrdreg s7  }
0x13: {  	s15 =	sshrl.u32 s16, $0x3;
	[dreg:$0x8] =	wrdreg s14  }
0x14: {  	s16 =	sadd.s32 s13, s15;
	s14 =	sadd.s32 $0x4600, s4;
	s15 =	sadd.s32 $0x5000, s4  }
0x15: {  	[dreg:$0x9] =	wrdreg s16;
	s17 =	sadd.s32 s11, s14;
	s18 =	sadd.s32 s11, s15  }
0x16: {  	s16 =	sadd.s32 $0x5A00, s4;
	s17 =	sshrl.u32 s17, $0x3;
	s18 =	sshrl.u32 s18, $0x3  }
0x17: {  	s19 =	sadd.s32 s11, s16;
	s17 =	sadd.s32 s13, s17;
	s20 =	sadd.s32 s13, s18  }
0x18: {  	s21 =	sshrl.u32 s19, $0x3;
	s18 =	sadd.s32 $0x6E00, s4;
	[dreg:$0xa] =	wrdreg s17  }
0x19: {  	s19 =	sadd.s32 $0x7800, s4;
	[dreg:$0xb] =	wrdreg s20;
	s22 =	sadd.s32 s13, s21  }
0x1a: {  	s17 =	sadd.s32 $0x6400, s4;
	s21 =	sadd.s32 s11, s18;
	[dreg:$0xc] =	wrdreg s22  }
0x1b: {  	s20 =	sadd.s32 s11, s17;
	s21 =	sshrl.u32 s21, $0x3;
	s22 =	sadd.s32 s11, s19  }
0x1c: {  	s20 =	sshrl.u32 s20, $0x3;
	s24 =	sadd.s32 s13, s21;
	s25 =	sshrl.u32 s22, $0x3  }
0x1d: {  	s21 =	sadd.s32 $0x8C00, s4;
	s22 =	sadd.s32 $0x9600, s4;
	s23 =	sadd.s32 s13, s20  }
0x1e: {  	[dreg:$0xe] =	wrdreg s24;
	s26 =	sadd.s32 s13, s25;
	s20 =	sadd.s32 $0x8200, s4  }
0x1f: {  	s24 =	sadd.s32 s11, s21;
	s25 =	sadd.s32 s11, s22;
	[dreg:$0xd] =	wrdreg s23  }
0x20: {  	[dreg:$0xf] =	wrdreg s26;
	s23 =	sadd.s32 s11, s20;
	s24 =	sshrl.u32 s24, $0x3  }
0x21: {  	s3 =	sshrl.u32 s25, $0x3;
	s26 =	sadd.s32 $0xB400, s4;
	s23 =	sshrl.u32 s23, $0x3  }
0x22: {  	s31 =	sadd.s32 s13, s24;
	s5 =	sadd.s32 s13, s3;
	s24 =	sadd.s32 $0xAA00, s4  }
0x23: {  	s29 =	sadd.s32 s11, s26;
	s28 =	sadd.s32 s13, s23;
	s23 =	sadd.s32 $0xA000, s4  }
0x24: {  	s3 =	sadd.s32 $0xF000, s4;
	[dreg:$0x11] =	wrdreg s31;
	s6 =	sadd.s32 s11, s23  }
0x25: {  	[dreg:$0x10] =	wrdreg s28;
	s28 =	sadd.s32 s11, s24;
	s25 =	sshrl.u32 s6, $0x3  }
0x26: {  	[dreg:$0x12] =	wrdreg s5;
	s28 =	sshrl.u32 s28, $0x3;
	s7 =	sadd.s32 s13, s25  }
0x27: {  	s25 =	sadd.s32 s13, s28;
	s28 =	sshrl.u32 s29, $0x3;
	[dreg:$0x13] =	wrdreg s7  }
0x28: {  	[dreg:$0x14] =	wrdreg s25;
	s31 =	sadd.s32 s13, s28;
	s28 =	sadd.s32 $0xBE00, s4  }
0x29: {  	s7 =	sadd.s32 $0xD200, s4;
	[dreg:$0x15] =	wrdreg s31;
	s5 =	sadd.s32 s11, s28  }
0x2a: {  	s31 =	sadd.s32 $0xC800, s4;
	s30 =	sadd.s32 s11, s7;
	s25 =	sshrl.u32 s5, $0x3  }
0x2b: {  	s29 =	sadd.s32 s11, s31;
	s5 =	sshrl.u32 s30, $0x3;
	s6 =	sadd.s32 s13, s25  }
0x2c: {  	s29 =	sshrl.u32 s29, $0x3;
	[dreg:$0x16] =	wrdreg s6;
	s6 =	sadd.s32 s13, s5  }
0x2d: {  	s25 =	sadd.s32 s13, s29;
	[dreg:$0x18] =	wrdreg s6;
	s6 =	sadd.s32 $0xDC00, s4  }
0x2e: {  	s5 =	sadd.s32 $0xE600, s4;
	[dreg:$0x17] =	wrdreg s25;
	s25 =	sadd.s32 s11, s6  }
0x2f: {  	s29 =	sadd.s32 s11, s5;
	s11 =	sadd.s32 s11, s3;
	s25 =	sshrl.u32 s25, $0x3  }
0x30: {  	s2 =	sshrl.u32 s2, $0x3;
	s11 =	sshrl.u32 s11, $0x3;
	s25 =	sadd.s32 s13, s25  }
0x31: {  	s2 =	sadd.s32 s2, s0;
	s11 =	sadd.s32 s13, s11;
	[dreg:$0x19] =	wrdreg s25  }
0x32: {  	s30 =	sadd.s32 $0x16800, s0;
	s29 =	sshrl.u32 s29, $0x3;
	[dreg:$0x1b] =	wrdreg s11  }
0x33: {  	s25 =	sadd.s32 s13, s29;
	s13 =	sshrl.u32 s8, $0x3;
	s29 =	rddreg [dreg:$0x1]  }
0x34: {  	[dreg:$0x1a] =	wrdreg s25;
	s11 =	sadd.s32 s13, s0;
	s0 =	sadd.s32 $0x5BA00, s0  }
0x35: {  	s4 =	sadd.s32 s4, s29;
	_ =	strace $0x8000004D;
	[dreg:$0x1c] =	wrdreg s0  }
0x36: {  	s9 =	sadd.s32 s9, s29;
	[dreg:$0x1d] =	wrdreg s4  }
0x37: {  	s3 =	sadd.s32 s3, s29;
	[smem:$0x7D0] =	sst s9  }
0x38: {  	[smem:$0x7E4] =	sst s3  }
0x39: {  	s8 =	stileid.u32;
	s13 =	sld [smem:$0x7CC]  }
0x3a: {  	s0 =	sadd.s32 $0x3DA00, s11;
	s9 =	sadd.s32 s14, s29;
	s11 =	sld [smem:$0x7CD]  }
0x3b: {  	s25 =	smul.u32 $0x3E800, s8;
	s14 =	sadd.s32 s19, s29;
	[smem:$0x7D3] =	sst s9  }
0x3c: {  	s19 =	sadd.s32 s24, s29;
	[smem:$0x7D8] =	sst s14  }
0x3d: {  	s24 =	sadd.s32 s6, s29;
	s25 =	sshrl.u32 s25, $0x2;
	[smem:$0x7DD] =	sst s19  }
0x3e: {  	[smem:$0x7E2] =	sst s24;
	s25 =	sadd.s32 s25, s29  }
0x3f: {  	s6 =	sadd.s32 $0x1E00, s25;
	s4 =	sadd.s32 s13, s29;
	s13 =	sld [smem:$0x7CE]  }
0x40: {  	p0 =	sgt.u32 s8, $0x9;
	s8 =	sadd.s32 $0x3200, s25;
	[smem:$0x7E8] =	sst s6  }
0x41: {  	s9 =	sadd.s32 $0x3C00, s25;
	[smem:$0x7EA] =	sst s8  }
0x42: {  	s14 =	sadd.s32 $0x6E00, s25;
	[smem:$0x7EB] =	sst s9  }
0x43: {  	s19 =	sadd.s32 $0xA000, s25;
	[smem:$0x7F0] =	sst s14  }
0x44: {  	s24 =	sadd.s32 $0xD200, s25;
	[smem:$0x7F5] =	sst s19  }
0x45: {  	[smem:$0x7FA] =	sst s24  }
0x46: {  	[dreg:$0x1e] =	wrdreg s4;
	s4 =	sadd.s32 s11, s29  }
0x47: {  	s11 =	sadd.s32 s10, s29;
	[dreg:$0x1f] =	wrdreg s4  }
0x48: {  	s10 =	sadd.s32 s15, s29;
	[smem:$0x7D1] =	sst s11  }
0x49: {  	s15 =	sadd.s32 s20, s29;
	[smem:$0x7D4] =	sst s10  }
0x4a: {  	s20 =	sadd.s32 s26, s29;
	[smem:$0x7D9] =	sst s15  }
0x4b: {  	s26 =	sadd.s32 s5, s29;
	[smem:$0x7DE] =	sst s20  }
0x4c: {  	s5 =	sadd.s32 $0x1400, s25;
	s11 =	sadd.s32 s16, s29;
	[smem:$0x7E3] =	sst s26  }
0x4d: {  	s16 =	sadd.s32 s21, s29;
	s21 =	sadd.s32 s28, s29;
	s28 =	sld [smem:$0x7E5]  }
0x4e: {  	[smem:$0x7E7] =	sst s5  }
0x4f: {  	[smem:$0x7D5] =	sst s11  }
0x50: {  	[smem:$0x7DA] =	sst s16  }
0x51: {  	s10 =	sadd.s32 $0x4600, s25;
	[smem:$0x7DF] =	sst s21  }
0x52: {  	s15 =	sadd.s32 $0x7800, s25;
	[smem:$0x7EC] =	sst s10  }
0x53: {  	s20 =	sadd.s32 $0xAA00, s25;
	[smem:$0x7F1] =	sst s15  }
0x54: {  	s26 =	sadd.s32 $0xDC00, s25;
	[smem:$0x7F6] =	sst s20  }
0x55: {  	s4 =	sadd.s32 s13, s29;
	[smem:$0x7FB] =	sst s26  }
0x56: {  	s13 =	sadd.s32 s12, s29;
	[smem:$0x7CF] =	sst s4  }
0x57: {  	s2 =	sadd.s32 $0x51A00, s2;
	s12 =	sadd.s32 s17, s29;
	[smem:$0x7D2] =	sst s13  }
0x58: {  	s6 =	simm.s32 $0x1;
	s17 =	sadd.s32 s22, s29;
	[smem:$0x7D6] =	sst s12  }
0x59: {  	s8 =	simm.s32 $0x7D;
	s22 =	sadd.s32 s31, s29;
	[smem:$0x7DB] =	sst s17  }
0x5a: {  	s9 =	simm.s32 $0xA000;
	s31 =	sadd.s32 $0xA00, s25;
	[smem:$0x7E0] =	sst s22  }
0x5b: {  	s14 =	simm.s32 $0x12700;
	s11 =	sadd.s32 $0x5000, s25;
	[smem:$0x7E6] =	sst s31  }
0x5c: {  	s24 =	simm.s32 $0x0;
	s16 =	sadd.s32 $0x8200, s25;
	[smem:$0x7ED] =	sst s11  }
0x5d: {  	s5 =	simm.s32 $0x6;
	s21 =	sadd.s32 $0xB400, s25;
	[smem:$0x7F2] =	sst s16  }
0x5e: {  	s15 =	simm.s32 $0xFDC0;
	s13 =	sadd.s32 s18, s29;
	[smem:$0x7F7] =	sst s21  }
0x5f: {  	s10 =	simm.s32 $0x3;
	s18 =	sadd.s32 s23, s29;
	[smem:$0x7D7] =	sst s13  }
0x60: {  	s23 =	sadd.s32 s7, s29;
	s7 =	sadd.s32 $0x2800, s25;
	[smem:$0x7DC] =	sst s18  }
0x61: {  	s12 =	sadd.s32 $0x5A00, s25;
	s17 =	sadd.s32 $0x8C00, s25;
	[smem:$0x7E1] =	sst s23  }
0x62: {  	s22 =	sadd.s32 $0xBE00, s25;
	s31 =	sadd.s32 $0xF000, s25;
	[smem:$0x7E9] =	sst s7  }
0x63: {  	s4 =	simm.s32 $0x11D00;
	s11 =	simm.s32 $0xBF40;
	[smem:$0x7EE] =	sst s12  }
0x64: {  	s16 =	simm.s32 $0x2;
	s21 =	simm.s32 $0x280;
	[smem:$0x7F3] =	sst s17  }
0x65: {  	s3 =	smax.u32 s28, $0x1;
	s13 =	sadd.s32 $0x6400, s25;
	[smem:$0x7F8] =	sst s22  }
.Ltmp0:
0x66: {  	s18 =	sadd.s32 $0x9600, s25;
	[smem:$0x7FD] =	sst s31;
	(pc) =	sbr.rel .LBB2_1-.Ltmp0, $4  }
0x67: {  	s23 =	sadd.s32 $0xC800, s25;
	s28 =	sadd.s32 $0xE600, s25;
	[smem:$0x7EF] =	sst s13  }
0x68: {  	s7 =	simm.s32 $0x5000;
	s17 =	simm.s32 $0x5;
	[smem:$0x7F4] =	sst s18  }
0x69: {  	s12 =	simm.s32 $0x4;
	s22 =	simm.s32 $0x5180;
	[smem:$0x7F9] =	sst s23  }
0x6a: {  	[smem:$0x7FC] =	sst s28;
	s13 =	simm.s32 $0xDE80;
	s23 =	simm.s32 $0x300  }
.LBB2_8:
0x6b: {  	s24 =	sadd.s32 $0x1, s24  }
0x6c: {  	p1 =	sne.s32 s24, s3  }
.Ltmp1:
0x6d: {  	_ = 	snop;
	(pc) =	sbr.rel @!p1 .LBB2_9-.Ltmp1, $1  }
0x6e: {  	_ =	sdelay $0x3  }
.LBB2_1:
.Ltmp2:
0x6f: {  	(pc) =	sbr.rel @p0 .LBB2_3-.Ltmp2, $1  }
0x70: {  	_ =	sdelay $0x3  }
0x71: {  	s18 =	rddreg [dreg:$0x1c]  }
0x72: {  	[tilespmem:s4], [sflag:$0x6] =	stream.linear.gather [hbm4b:s18+s1], $0xA00, $0x38;
	[tilespmem:$0x1CD40] =	vst v63  }
0x73: {  	_ =	swait.ge [sflag:s5], $0xA00  }
0x74: {  	[sflag:s5] =	ssyncset.done $0x0  }
0x75: {  	s20 =	sld [smem:$0x7E6];
	[sflag:s5] =	ssyncadd.s32 $0xFFFFF600  }
0x76: {  	[spmem:s25] =	stream.linear.scatter [tilespmem:s4], [sflag:$0x1], $0xA00, $0x38;
	[tilespmem:$0x1CD40] =	vst v63  }
0x77: {  	s26 =	sld [smem:$0x7E7]  }
0x78: {  	[spmem:s20] =	stream.linear.scatter [tilespmem:s4], [sflag:$0x1], $0xA00, $0x38;
	[tilespmem:$0x1CD40] =	vst v63  }
0x79: {  	s28 =	sld [smem:$0x7E8]  }
0x7a: {  	[spmem:s26] =	stream.linear.scatter [tilespmem:s4], [sflag:$0x1], $0xA00, $0x38;
	[tilespmem:$0x1CD40] =	vst v63  }
0x7b: {  	s31 =	sld [smem:$0x7E9]  }
0x7c: {  	[spmem:s28] =	stream.linear.scatter [tilespmem:s4], [sflag:$0x1], $0xA00, $0x38;
	[tilespmem:$0x1CD40] =	vst v63  }
0x7d: {  	s19 =	sld [smem:$0x7EA]  }
0x7e: {  	[spmem:s31] =	stream.linear.scatter [tilespmem:s4], [sflag:$0x1], $0xA00, $0x38;
	[tilespmem:$0x1CD40] =	vst v63  }
0x7f: {  	s20 =	sld [smem:$0x7EB]  }
0x80: {  	[spmem:s19] =	stream.linear.scatter [tilespmem:s4], [sflag:$0x1], $0xA00, $0x38;
	[tilespmem:$0x1CD40] =	vst v63  }
0x81: {  	s26 =	sld [smem:$0x7EC]  }
0x82: {  	[spmem:s20] =	stream.linear.scatter [tilespmem:s4], [sflag:$0x1], $0xA00, $0x38;
	[tilespmem:$0x1CD40] =	vst v63  }
0x83: {  	s28 =	sld [smem:$0x7ED]  }
0x84: {  	[spmem:s26] =	stream.linear.scatter [tilespmem:s4], [sflag:$0x1], $0xA00, $0x38;
	[tilespmem:$0x1CD40] =	vst v63  }
0x85: {  	s31 =	sld [smem:$0x7EE]  }
0x86: {  	[spmem:s28] =	stream.linear.scatter [tilespmem:s4], [sflag:$0x1], $0xA00, $0x38;
	[tilespmem:$0x1CD40] =	vst v63  }
0x87: {  	s19 =	sld [smem:$0x7EF]  }
0x88: {  	[spmem:s31] =	stream.linear.scatter [tilespmem:s4], [sflag:$0x1], $0xA00, $0x38;
	[tilespmem:$0x1CD40] =	vst v63  }
0x89: {  	s20 =	sld [smem:$0x7F0]  }
0x8a: {  	[spmem:s19] =	stream.linear.scatter [tilespmem:s4], [sflag:$0x1], $0xA00, $0x38;
	[tilespmem:$0x1CD40] =	vst v63  }
0x8b: {  	s26 =	sld [smem:$0x7F1]  }
0x8c: {  	[spmem:s20] =	stream.linear.scatter [tilespmem:s4], [sflag:$0x1], $0xA00, $0x38;
	[tilespmem:$0x1CD40] =	vst v63  }
0x8d: {  	s28 =	sld [smem:$0x7F2]  }
0x8e: {  	[spmem:s26] =	stream.linear.scatter [tilespmem:s4], [sflag:$0x1], $0xA00, $0x38;
	[tilespmem:$0x1CD40] =	vst v63  }
0x8f: {  	s31 =	sld [smem:$0x7F3]  }
0x90: {  	[spmem:s28] =	stream.linear.scatter [tilespmem:s4], [sflag:$0x1], $0xA00, $0x38;
	[tilespmem:$0x1CD40] =	vst v63  }
0x91: {  	s19 =	sld [smem:$0x7F4]  }
0x92: {  	[spmem:s31] =	stream.linear.scatter [tilespmem:s4], [sflag:$0x1], $0xA00, $0x38;
	[tilespmem:$0x1CD40] =	vst v63  }
0x93: {  	s20 =	sld [smem:$0x7F5]  }
0x94: {  	[spmem:s19] =	stream.linear.scatter [tilespmem:s4], [sflag:$0x1], $0xA00, $0x38;
	[tilespmem:$0x1CD40] =	vst v63  }
0x95: {  	s26 =	sld [smem:$0x7F6]  }
0x96: {  	[spmem:s20] =	stream.linear.scatter [tilespmem:s4], [sflag:$0x1], $0xA00, $0x38;
	[tilespmem:$0x1CD40] =	vst v63  }
0x97: {  	s28 =	sld [smem:$0x7F7]  }
0x98: {  	[spmem:s26] =	stream.linear.scatter [tilespmem:s4], [sflag:$0x1], $0xA00, $0x38;
	[tilespmem:$0x1CD40] =	vst v63  }
0x99: {  	s31 =	sld [smem:$0x7F8]  }
0x9a: {  	[spmem:s28] =	stream.linear.scatter [tilespmem:s4], [sflag:$0x1], $0xA00, $0x38;
	[tilespmem:$0x1CD40] =	vst v63  }
0x9b: {  	s19 =	sld [smem:$0x7F9]  }
0x9c: {  	[spmem:s31] =	stream.linear.scatter [tilespmem:s4], [sflag:$0x1], $0xA00, $0x38;
	[tilespmem:$0x1CD40] =	vst v63  }
0x9d: {  	s20 =	sld [smem:$0x7FA]  }
0x9e: {  	[spmem:s19] =	stream.linear.scatter [tilespmem:s4], [sflag:$0x1], $0xA00, $0x38;
	[tilespmem:$0x1CD40] =	vst v63  }
0x9f: {  	s26 =	sld [smem:$0x7FB]  }
0xa0: {  	[spmem:s20] =	stream.linear.scatter [tilespmem:s4], [sflag:$0x1], $0xA00, $0x38;
	[tilespmem:$0x1CD40] =	vst v63  }
0xa1: {  	s28 =	sld [smem:$0x7FC]  }
0xa2: {  	[spmem:s26] =	stream.linear.scatter [tilespmem:s4], [sflag:$0x1], $0xA00, $0x38;
	[tilespmem:$0x1CD40] =	vst v63  }
0xa3: {  	s31 =	sld [smem:$0x7FD]  }
0xa4: {  	[spmem:s28] =	stream.linear.scatter [tilespmem:s4], [sflag:$0x1], $0xA00, $0x38;
	[tilespmem:$0x1CD40] =	vst v63  }
0xa5: {  	_ = 	snop  }
0xa6: {  	[spmem:s31] =	stream.linear.scatter [tilespmem:s4], [sflag:$0x1], $0xA00, $0x38;
	[tilespmem:$0x1CD40] =	vst v63  }
0xa7: {  	_ =	swait.ge [sflag:s6], $0xA00  }
0xa8: {  	[sflag:s6] =	ssyncset.done $0x0  }
0xa9: {  	[sflag:s6] =	ssyncadd.s32 $0xFFFFF600  }
0xaa: {  	_ =	swait.ge [sflag:s6], $0xA00  }
0xab: {  	[sflag:s6] =	ssyncset.done $0x0  }
0xac: {  	[sflag:s6] =	ssyncadd.s32 $0xFFFFF600  }
0xad: {  	_ =	swait.ge [sflag:s6], $0xA00  }
0xae: {  	[sflag:s6] =	ssyncset.done $0x0  }
0xaf: {  	[sflag:s6] =	ssyncadd.s32 $0xFFFFF600  }
0xb0: {  	_ =	swait.ge [sflag:s6], $0xA00  }
0xb1: {  	[sflag:s6] =	ssyncset.done $0x0  }
0xb2: {  	[sflag:s6] =	ssyncadd.s32 $0xFFFFF600  }
0xb3: {  	_ =	swait.ge [sflag:s6], $0xA00  }
0xb4: {  	[sflag:s6] =	ssyncset.done $0x0  }
0xb5: {  	[sflag:s6] =	ssyncadd.s32 $0xFFFFF600  }
0xb6: {  	_ =	swait.ge [sflag:s6], $0xA00  }
0xb7: {  	[sflag:s6] =	ssyncset.done $0x0  }
0xb8: {  	[sflag:s6] =	ssyncadd.s32 $0xFFFFF600  }
0xb9: {  	_ =	swait.ge [sflag:s6], $0xA00  }
0xba: {  	[sflag:s6] =	ssyncset.done $0x0  }
0xbb: {  	[sflag:s6] =	ssyncadd.s32 $0xFFFFF600  }
0xbc: {  	_ =	swait.ge [sflag:s6], $0xA00  }
0xbd: {  	[sflag:s6] =	ssyncset.done $0x0  }
0xbe: {  	[sflag:s6] =	ssyncadd.s32 $0xFFFFF600  }
0xbf: {  	_ =	swait.ge [sflag:s6], $0xA00  }
0xc0: {  	[sflag:s6] =	ssyncset.done $0x0  }
0xc1: {  	[sflag:s6] =	ssyncadd.s32 $0xFFFFF600  }
0xc2: {  	_ =	swait.ge [sflag:s6], $0xA00  }
0xc3: {  	[sflag:s6] =	ssyncset.done $0x0  }
0xc4: {  	[sflag:s6] =	ssyncadd.s32 $0xFFFFF600  }
0xc5: {  	_ =	swait.ge [sflag:s6], $0xA00  }
0xc6: {  	[sflag:s6] =	ssyncset.done $0x0  }
0xc7: {  	[sflag:s6] =	ssyncadd.s32 $0xFFFFF600  }
0xc8: {  	_ =	swait.ge [sflag:s6], $0xA00  }
0xc9: {  	[sflag:s6] =	ssyncset.done $0x0  }
0xca: {  	[sflag:s6] =	ssyncadd.s32 $0xFFFFF600  }
0xcb: {  	_ =	swait.ge [sflag:s6], $0xA00  }
0xcc: {  	[sflag:s6] =	ssyncset.done $0x0  }
0xcd: {  	[sflag:s6] =	ssyncadd.s32 $0xFFFFF600  }
0xce: {  	_ =	swait.ge [sflag:s6], $0xA00  }
0xcf: {  	[sflag:s6] =	ssyncset.done $0x0  }
0xd0: {  	[sflag:s6] =	ssyncadd.s32 $0xFFFFF600  }
0xd1: {  	_ =	swait.ge [sflag:s6], $0xA00  }
0xd2: {  	[sflag:s6] =	ssyncset.done $0x0  }
0xd3: {  	[sflag:s6] =	ssyncadd.s32 $0xFFFFF600  }
0xd4: {  	_ =	swait.ge [sflag:s6], $0xA00  }
0xd5: {  	[sflag:s6] =	ssyncset.done $0x0  }
0xd6: {  	[sflag:s6] =	ssyncadd.s32 $0xFFFFF600  }
0xd7: {  	_ =	swait.ge [sflag:s6], $0xA00  }
0xd8: {  	[sflag:s6] =	ssyncset.done $0x0  }
0xd9: {  	[sflag:s6] =	ssyncadd.s32 $0xFFFFF600  }
0xda: {  	_ =	swait.ge [sflag:s6], $0xA00  }
0xdb: {  	[sflag:s6] =	ssyncset.done $0x0  }
0xdc: {  	[sflag:s6] =	ssyncadd.s32 $0xFFFFF600  }
0xdd: {  	_ =	swait.ge [sflag:s6], $0xA00  }
0xde: {  	[sflag:s6] =	ssyncset.done $0x0  }
0xdf: {  	[sflag:s6] =	ssyncadd.s32 $0xFFFFF600  }
0xe0: {  	_ =	swait.ge [sflag:s6], $0xA00  }
0xe1: {  	[sflag:s6] =	ssyncset.done $0x0  }
0xe2: {  	[sflag:s6] =	ssyncadd.s32 $0xFFFFF600  }
0xe3: {  	_ =	swait.ge [sflag:s6], $0xA00  }
0xe4: {  	[sflag:s6] =	ssyncset.done $0x0  }
0xe5: {  	[sflag:s6] =	ssyncadd.s32 $0xFFFFF600  }
0xe6: {  	_ =	swait.ge [sflag:s6], $0xA00  }
0xe7: {  	[sflag:s6] =	ssyncset.done $0x0  }
0xe8: {  	[sflag:s6] =	ssyncadd.s32 $0xFFFFF600  }
0xe9: {  	_ =	swait.ge [sflag:s6], $0xA00  }
0xea: {  	[sflag:s6] =	ssyncset.done $0x0  }
0xeb: {  	[sflag:s6] =	ssyncadd.s32 $0xFFFFF600  }
0xec: {  	_ =	swait.ge [sflag:s6], $0xA00  }
0xed: {  	[sflag:s6] =	ssyncset.done $0x0  }
0xee: {  	[sflag:s6] =	ssyncadd.s32 $0xFFFFF600  }
0xef: {  	_ =	swait.ge [sflag:s6], $0xA00  }
0xf0: {  	[sflag:s6] =	ssyncset.done $0x0  }
0xf1: {  	[sflag:s6] =	ssyncadd.s32 $0xFFFFF600  }
.LBB2_3:
0xf2: {  	s26 =	simm.s32 $0x0  }
0xf3: {  	[tilespmem:s26], [sflag:$0x6] =	stream.linear.gather [hbm4b:s0+s26], $0x5000, $0x38;
	[tilespmem:$0x1CD40] =	vst v63  }
0xf4: {  	_ =	swait.ge [sflag:s5], $0x5000  }
0xf5: {  	[sflag:s5] =	ssyncset.done $0x0  }
0xf6: {  	[sflag:s5] =	ssyncadd.s32 $0xFFFFB000  }
0xf7: {  	[tilespmem:s7], [sflag:$0x6] =	stream.linear.gather [hbm4b:s2+s26], $0x5000, $0x38;
	[tilespmem:$0x1CD40] =	vst v63  }
0xf8: {  	_ =	swait.ge [sflag:s5], $0x5000  }
0xf9: {  	[sflag:s5] =	ssyncset.done $0x0  }
0xfa: {  	[sflag:s5] =	ssyncadd.s32 $0xFFFFB000  }
0xfb: {  	[tilespmem:s9], [sflag:$0x1] =	stream.indirect.gather [hbm4b:s30+s8], $0x40, s26, s8, $0xb8;
	[tilespmem:$0x1CD40] =	vst v63  }
0xfc: {  	s18 =	simm.s32 $0x80  }
0xfd: {  	[tilespmem:s11], [sflag:$0x2] =	stream.indirect.gather [hbm4b:s30+s8], $0x40, s18, s8, $0xb8;
	[tilespmem:$0x1CD40] =	vst v63  }
0xfe: {  	s31 =	simm.s32 $0x100  }
0xff: {  	[tilespmem:s13], [sflag:$0x3] =	stream.indirect.gather [hbm4b:s30+s8], $0x40, s31, s8, $0xb8;
	[tilespmem:$0x1CD40] =	vst v63  }
0x100: {  	[bflag:$0x0] =	sbarrier.arrive $0xFFFF  }
0x101: {  	_ =	swait.ge [sflag:s6], $0x1F40  }
0x102: {  	[sflag:s6] =	ssyncset.done $0x0  }
0x103: {  	[sflag:s6] =	ssyncadd.s32 $0xFFFFE0C0  }
0x104: {  	[spmem:s29] =	stream.indirect.scatter.add.f32 [tilespmem:s9], [sflag:$0x5], $0x40, s7, s8, $0xb8;
	[tilespmem:$0x1CD40] =	vst v63  }
0x105: {  	s19 =	simm.s32 $0x180  }
0x106: {  	[tilespmem:s15], [sflag:$0x4] =	stream.indirect.gather [hbm4b:s30+s8], $0x40, s19, s8, $0xb8;
	[tilespmem:$0x1CD40] =	vst v63  }
0x107: {  	_ =	swait.ge [sflag:s16], $0x1F40  }
0x108: {  	[sflag:s16] =	ssyncset.done $0x0  }
0x109: {  	[sflag:s16] =	ssyncadd.s32 $0xFFFFE0C0  }
0x10a: {  	_ =	swait.ge [sflag:s17], $0x1F40  }
0x10b: {  	[sflag:s17] =	ssyncset.done $0x0  }
0x10c: {  	s20 =	simm.s32 $0x5080;
	[sflag:s17] =	ssyncadd.s32 $0xFFFFE0C0  }
0x10d: {  	[spmem:s29] =	stream.indirect.scatter.add.f32 [tilespmem:s11], [sflag:$0x5], $0x40, s20, s8, $0xb8;
	[tilespmem:$0x1CD40] =	vst v63  }
0x10e: {  	s28 =	simm.s32 $0x200  }
0x10f: {  	[tilespmem:s9], [sflag:$0x1] =	stream.indirect.gather [hbm4b:s30+s8], $0x40, s28, s8, $0xb8;
	[tilespmem:$0x1CD40] =	vst v63  }
0x110: {  	_ =	swait.ge [sflag:s10], $0x1F40  }
0x111: {  	[sflag:s10] =	ssyncset.done $0x0  }
0x112: {  	[sflag:s10] =	ssyncadd.s32 $0xFFFFE0C0  }
0x113: {  	_ =	swait.ge [sflag:s17], $0x1F40  }
0x114: {  	[sflag:s17] =	ssyncset.done $0x0  }
0x115: {  	s31 =	simm.s32 $0x5100;
	[sflag:s17] =	ssyncadd.s32 $0xFFFFE0C0  }
0x116: {  	[spmem:s29] =	stream.indirect.scatter.add.f32 [tilespmem:s13], [sflag:$0x5], $0x40, s31, s8, $0xb8;
	[tilespmem:$0x1CD40] =	vst v63  }
0x117: {  	_ = 	snop  }
0x118: {  	[tilespmem:s11], [sflag:$0x2] =	stream.indirect.gather [hbm4b:s30+s8], $0x40, s21, s8, $0xb8;
	[tilespmem:$0x1CD40] =	vst v63  }
0x119: {  	_ =	swait.ge [sflag:s12], $0x1F40  }
0x11a: {  	[sflag:s12] =	ssyncset.done $0x0  }
0x11b: {  	[sflag:s12] =	ssyncadd.s32 $0xFFFFE0C0  }
0x11c: {  	_ =	swait.ge [sflag:s17], $0x1F40  }
0x11d: {  	[sflag:s17] =	ssyncset.done $0x0  }
0x11e: {  	[sflag:s17] =	ssyncadd.s32 $0xFFFFE0C0  }
0x11f: {  	[spmem:s29] =	stream.indirect.scatter.add.f32 [tilespmem:s15], [sflag:$0x5], $0x40, s22, s8, $0xb8;
	[tilespmem:$0x1CD40] =	vst v63  }
0x120: {  	_ = 	snop  }
0x121: {  	[tilespmem:s13], [sflag:$0x3] =	stream.indirect.gather [hbm4b:s30+s8], $0x40, s23, s8, $0xb8;
	[tilespmem:$0x1CD40] =	vst v63  }
.LBB2_4:
0x122: {  	_ =	swait.ge [sflag:s6], $0x1F40  }
0x123: {  	[sflag:s6] =	ssyncset.done $0x0  }
0x124: {  	[sflag:s6] =	ssyncadd.s32 $0xFFFFE0C0  }
0x125: {  	_ =	swait.ge [sflag:s17], $0x1F40  }
0x126: {  	s28 =	sshra.s32 s26, $0x2;
	[sflag:s17] =	ssyncset.done $0x0  }
0x127: {  	s31 =	sadd.s32 $0x5200, s28;
	[sflag:s17] =	ssyncadd.s32 $0xFFFFE0C0  }
0x128: {  	[spmem:s29] =	stream.indirect.scatter.add.f32 [tilespmem:s9], [sflag:$0x5], $0x40, s31, s8, $0xb8;
	[tilespmem:$0x1CD40] =	vst v63  }
0x129: {  	s19 =	sadd.s32 $0x380, s28  }
0x12a: {  	[tilespmem:s15], [sflag:$0x4] =	stream.indirect.gather [hbm4b:s30+s8], $0x40, s19, s8, $0xb8;
	[tilespmem:$0x1CD40] =	vst v63  }
0x12b: {  	_ =	swait.ge [sflag:s16], $0x1F40  }
0x12c: {  	[sflag:s16] =	ssyncset.done $0x0  }
0x12d: {  	[sflag:s16] =	ssyncadd.s32 $0xFFFFE0C0  }
0x12e: {  	_ =	swait.ge [sflag:s17], $0x1F40  }
0x12f: {  	p1 =	seq.s32 s26, $0x13000;
	[sflag:s17] =	ssyncset.done $0x0  }
0x130: {  	s20 =	sadd.s32 $0x5280, s28;
	s31 =	simm.s32 @p1 $0x3;
	[sflag:s17] =	ssyncadd.s32 $0xFFFFE0C0  }
0x131: {  	[spmem:s29] =	stream.indirect.scatter.add.f32 [tilespmem:s11], [sflag:$0x5], $0x40, s20, s8, $0xb8;
	[tilespmem:$0x1CD40] =	vst v63  }
0x132: {  	_ =	swait.ge @p1 [sflag:s31], $0x1F40  }
0x133: {  	[sflag:s31] =	ssyncset.done @p1 $0x0  }
0x134: {  	[sflag:s31] =	ssyncadd.s32 @p1 $0xFFFFE0C0;
	s31 =	simm.s32 @p1 $0x5  }
0x135: {  	_ =	swait.ge @p1 [sflag:s31], $0x1F40  }
0x136: {  	[sflag:s31] =	ssyncset.done @p1 $0x0  }
0x137: {  	[sflag:s31] =	ssyncadd.s32 @p1 $0xFFFFE0C0;
	s31 =	sshra.s32 @p1 s26, $0x2  }
0x138: {  	s18 =	simm.s32 @p1 $0x7D;
	s19 =	simm.s32 @p1 $0xDE80;
	s31 =	sadd.s32 @p1 $0x5300, s31  }
0x139: {  	[spmem:s29] =	stream.indirect.scatter.add.f32 @p1 [tilespmem:s19], [sflag:$0x5], $0x40, s31, s18, $0xb8;
	[tilespmem:$0x1CD40] =	vst v63  }
0x13a: {  	s18 =	sshra.s32 @!p1 s26, $0x2  }
0x13b: {  	s20 =	simm.s32 @!p1 $0xA000;
	s31 =	simm.s32 @!p1 $0x7D;
	s19 =	sadd.s32 @!p1 $0x400, s18  }
0x13c: {  	[tilespmem:s20], [sflag:$0x1] =	stream.indirect.gather @!p1 [hbm4b:s30+s31], $0x40, s19, s31, $0xb8;
	[tilespmem:$0x1CD40] =	vst v63  }
0x13d: {  	s19 =	simm.s32 @!p1 $0x3  }
0x13e: {  	_ =	swait.ge @!p1 [sflag:s19], $0x1F40  }
0x13f: {  	[sflag:s19] =	ssyncset.done @!p1 $0x0  }
0x140: {  	[sflag:s19] =	ssyncadd.s32 @!p1 $0xFFFFE0C0;
	s19 =	simm.s32 @!p1 $0x5  }
0x141: {  	_ =	swait.ge @!p1 [sflag:s19], $0x1F40  }
0x142: {  	[sflag:s19] =	ssyncset.done @!p1 $0x0  }
0x143: {  	s20 =	simm.s32 @!p1 $0xDE80;
	[sflag:s19] =	ssyncadd.s32 @!p1 $0xFFFFE0C0;
	s19 =	sadd.s32 @!p1 $0x5300, s18  }
0x144: {  	[spmem:s29] =	stream.indirect.scatter.add.f32 @!p1 [tilespmem:s20], [sflag:$0x5], $0x40, s19, s31, $0xb8;
	[tilespmem:$0x1CD40] =	vst v63  }
0x145: {  	s18 =	sadd.s32 @!p1 $0x480, s18;
	s19 =	simm.s32 @!p1 $0xBF40  }
0x146: {  	[tilespmem:s19], [sflag:$0x2] =	stream.indirect.gather @!p1 [hbm4b:s30+s31], $0x40, s18, s31, $0xb8;
	[tilespmem:$0x1CD40] =	vst v63  }
0x147: {  	_ =	swait.ge [sflag:s12], $0x1F40  }
0x148: {  	[sflag:s12] =	ssyncset.done $0x0  }
.Ltmp3:
0x149: {  	[sflag:s12] =	ssyncadd.s32 $0xFFFFE0C0;
	(pc) =	sbr.rel @p1 .LBB2_6-.Ltmp3, $4  }
0x14a: {  	_ =	swait.ge [sflag:s17], $0x1F40  }
0x14b: {  	[sflag:s17] =	ssyncset.done $0x0  }
0x14c: {  	s31 =	sadd.s32 $0x5380, s28;
	[sflag:s17] =	ssyncadd.s32 $0xFFFFE0C0  }
0x14d: {  	[spmem:s29] =	stream.indirect.scatter.add.f32 [tilespmem:s15], [sflag:$0x5], $0x40, s31, s8, $0xb8;
	[tilespmem:$0x1CD40] =	vst v63  }
.Ltmp4:
0x14e: {  	(pc) =	sbr.rel .LBB2_4-.Ltmp4, $3  }
0x14f: {  	_ =	sdelay $0x1  }
0x150: {  	s18 =	sadd.s32 $0x500, s28;
	s26 =	sadd.s32 $0x800, s26  }
0x151: {  	[tilespmem:s13], [sflag:$0x3] =	stream.indirect.gather [hbm4b:s30+s8], $0x40, s18, s8, $0xb8;
	[tilespmem:$0x1CD40] =	vst v63  }
.LBB2_6:
.Ltmp5:
0x152: {  	_ =	swait.ge [sflag:s17], $0x1F40;
	(pc) =	sbr.rel @p0 .LBB2_8-.Ltmp5, $3  }
0x153: {  	[sflag:s17] =	ssyncset.done $0x0  }
0x154: {  	[sflag:s17] =	ssyncadd.s32 $0xFFFFE0C0  }
0x155: {  	[bflag:$0x0] =	sbarrier.arrive $0xFFFF;
	_ =	sdelay $0x1  }
0x156: {  	s18 =	rddreg [dreg:$0x1d]  }
0x157: {  	[tilespmem:s4], [sflag:$0x6] =	stream.linear.gather [spmem:s18], $0xA00, $0x38;
	[tilespmem:$0x1CD40] =	vst v63  }
0x158: {  	_ =	swait.ge [sflag:s5], $0xA00  }
0x159: {  	[sflag:s5] =	ssyncset.done $0x0  }
0x15a: {  	s20 =	rddreg [dreg:$0x3];
	[sflag:s5] =	ssyncadd.s32 $0xFFFFF600  }
0x15b: {  	[hbm4b:s20+s1] =	stream.linear.scatter [tilespmem:s4], [sflag:$0x1], $0xA00, $0x38;
	[tilespmem:$0x1CD40] =	vst v63  }
0x15c: {  	s26 =	rddreg [dreg:$0x1e]  }
0x15d: {  	[tilespmem:s14], [sflag:$0x6] =	stream.linear.gather [spmem:s26], $0xA00, $0x38;
	[tilespmem:$0x1CD40] =	vst v63  }
0x15e: {  	_ =	swait.ge [sflag:s5], $0xA00  }
0x15f: {  	[sflag:s5] =	ssyncset.done $0x0  }
0x160: {  	s28 =	rddreg [dreg:$0x4];
	[sflag:s5] =	ssyncadd.s32 $0xFFFFF600  }
0x161: {  	[hbm4b:s28+s1] =	stream.linear.scatter [tilespmem:s14], [sflag:$0x2], $0xA00, $0x38;
	[tilespmem:$0x1CD40] =	vst v63  }
0x162: {  	_ =	swait.ge [sflag:s6], $0xA00  }
0x163: {  	[sflag:s6] =	ssyncset.done $0x0  }
0x164: {  	s31 =	rddreg [dreg:$0x1f];
	[sflag:s6] =	ssyncadd.s32 $0xFFFFF600  }
0x165: {  	[tilespmem:s4], [sflag:$0x6] =	stream.linear.gather [spmem:s31], $0xA00, $0x38;
	[tilespmem:$0x1CD40] =	vst v63  }
0x166: {  	_ =	swait.ge [sflag:s5], $0xA00  }
0x167: {  	[sflag:s5] =	ssyncset.done $0x0  }
0x168: {  	s19 =	rddreg [dreg:$0x5];
	[sflag:s5] =	ssyncadd.s32 $0xFFFFF600  }
0x169: {  	[hbm4b:s19+s1] =	stream.linear.scatter [tilespmem:s4], [sflag:$0x1], $0xA00, $0x38;
	[tilespmem:$0x1CD40] =	vst v63  }
0x16a: {  	_ =	swait.ge [sflag:s16], $0xA00  }
0x16b: {  	s20 =	sld [smem:$0x7CF]  }
0x16c: {  	[sflag:s16] =	ssyncset.done $0x0  }
0x16d: {  	[sflag:s16] =	ssyncadd.s32 $0xFFFFF600  }
0x16e: {  	[tilespmem:s14], [sflag:$0x6] =	stream.linear.gather [spmem:s20], $0xA00, $0x38;
	[tilespmem:$0x1CD40] =	vst v63  }
0x16f: {  	_ =	swait.ge [sflag:s5], $0xA00  }
0x170: {  	[sflag:s5] =	ssyncset.done $0x0  }
0x171: {  	s26 =	rddreg [dreg:$0x6];
	[sflag:s5] =	ssyncadd.s32 $0xFFFFF600  }
0x172: {  	[hbm4b:s26+s1] =	stream.linear.scatter [tilespmem:s14], [sflag:$0x2], $0xA00, $0x38;
	[tilespmem:$0x1CD40] =	vst v63  }
0x173: {  	_ =	swait.ge [sflag:s6], $0xA00  }
0x174: {  	s28 =	sld [smem:$0x7D0]  }
0x175: {  	[sflag:s6] =	ssyncset.done $0x0  }
0x176: {  	[sflag:s6] =	ssyncadd.s32 $0xFFFFF600  }
0x177: {  	[tilespmem:s4], [sflag:$0x6] =	stream.linear.gather [spmem:s28], $0xA00, $0x38;
	[tilespmem:$0x1CD40] =	vst v63  }
0x178: {  	_ =	swait.ge [sflag:s5], $0xA00  }
0x179: {  	[sflag:s5] =	ssyncset.done $0x0  }
0x17a: {  	s31 =	rddreg [dreg:$0x7];
	[sflag:s5] =	ssyncadd.s32 $0xFFFFF600  }
0x17b: {  	[hbm4b:s31+s1] =	stream.linear.scatter [tilespmem:s4], [sflag:$0x1], $0xA00, $0x38;
	[tilespmem:$0x1CD40] =	vst v63  }
0x17c: {  	_ =	swait.ge [sflag:s16], $0xA00  }
0x17d: {  	s19 =	sld [smem:$0x7D1]  }
0x17e: {  	[sflag:s16] =	ssyncset.done $0x0  }
0x17f: {  	[sflag:s16] =	ssyncadd.s32 $0xFFFFF600  }
0x180: {  	[tilespmem:s14], [sflag:$0x6] =	stream.linear.gather [spmem:s19], $0xA00, $0x38;
	[tilespmem:$0x1CD40] =	vst v63  }
0x181: {  	_ =	swait.ge [sflag:s5], $0xA00  }
0x182: {  	[sflag:s5] =	ssyncset.done $0x0  }
0x183: {  	s20 =	rddreg [dreg:$0x8];
	[sflag:s5] =	ssyncadd.s32 $0xFFFFF600  }
0x184: {  	[hbm4b:s20+s1] =	stream.linear.scatter [tilespmem:s14], [sflag:$0x2], $0xA00, $0x38;
	[tilespmem:$0x1CD40] =	vst v63  }
0x185: {  	_ =	swait.ge [sflag:s6], $0xA00  }
0x186: {  	s26 =	sld [smem:$0x7D2]  }
0x187: {  	[sflag:s6] =	ssyncset.done $0x0  }
0x188: {  	[sflag:s6] =	ssyncadd.s32 $0xFFFFF600  }
0x189: {  	[tilespmem:s4], [sflag:$0x6] =	stream.linear.gather [spmem:s26], $0xA00, $0x38;
	[tilespmem:$0x1CD40] =	vst v63  }
0x18a: {  	_ =	swait.ge [sflag:s5], $0xA00  }
0x18b: {  	[sflag:s5] =	ssyncset.done $0x0  }
0x18c: {  	s28 =	rddreg [dreg:$0x9];
	[sflag:s5] =	ssyncadd.s32 $0xFFFFF600  }
0x18d: {  	[hbm4b:s28+s1] =	stream.linear.scatter [tilespmem:s4], [sflag:$0x1], $0xA00, $0x38;
	[tilespmem:$0x1CD40] =	vst v63  }
0x18e: {  	_ =	swait.ge [sflag:s16], $0xA00  }
0x18f: {  	s31 =	sld [smem:$0x7D3]  }
0x190: {  	[sflag:s16] =	ssyncset.done $0x0  }
0x191: {  	[sflag:s16] =	ssyncadd.s32 $0xFFFFF600  }
0x192: {  	[tilespmem:s14], [sflag:$0x6] =	stream.linear.gather [spmem:s31], $0xA00, $0x38;
	[tilespmem:$0x1CD40] =	vst v63  }
0x193: {  	_ =	swait.ge [sflag:s5], $0xA00  }
0x194: {  	[sflag:s5] =	ssyncset.done $0x0  }
0x195: {  	s19 =	rddreg [dreg:$0xa];
	[sflag:s5] =	ssyncadd.s32 $0xFFFFF600  }
0x196: {  	[hbm4b:s19+s1] =	stream.linear.scatter [tilespmem:s14], [sflag:$0x2], $0xA00, $0x38;
	[tilespmem:$0x1CD40] =	vst v63  }
0x197: {  	_ =	swait.ge [sflag:s6], $0xA00  }
0x198: {  	s20 =	sld [smem:$0x7D4]  }
0x199: {  	[sflag:s6] =	ssyncset.done $0x0  }
0x19a: {  	[sflag:s6] =	ssyncadd.s32 $0xFFFFF600  }
0x19b: {  	[tilespmem:s4], [sflag:$0x6] =	stream.linear.gather [spmem:s20], $0xA00, $0x38;
	[tilespmem:$0x1CD40] =	vst v63  }
0x19c: {  	_ =	swait.ge [sflag:s5], $0xA00  }
0x19d: {  	[sflag:s5] =	ssyncset.done $0x0  }
0x19e: {  	s26 =	rddreg [dreg:$0xb];
	[sflag:s5] =	ssyncadd.s32 $0xFFFFF600  }
0x19f: {  	[hbm4b:s26+s1] =	stream.linear.scatter [tilespmem:s4], [sflag:$0x1], $0xA00, $0x38;
	[tilespmem:$0x1CD40] =	vst v63  }
0x1a0: {  	_ =	swait.ge [sflag:s16], $0xA00  }
0x1a1: {  	s28 =	sld [smem:$0x7D5]  }
0x1a2: {  	[sflag:s16] =	ssyncset.done $0x0  }
0x1a3: {  	[sflag:s16] =	ssyncadd.s32 $0xFFFFF600  }
0x1a4: {  	[tilespmem:s14], [sflag:$0x6] =	stream.linear.gather [spmem:s28], $0xA00, $0x38;
	[tilespmem:$0x1CD40] =	vst v63  }
0x1a5: {  	_ =	swait.ge [sflag:s5], $0xA00  }
0x1a6: {  	[sflag:s5] =	ssyncset.done $0x0  }
0x1a7: {  	s31 =	rddreg [dreg:$0xc];
	[sflag:s5] =	ssyncadd.s32 $0xFFFFF600  }
0x1a8: {  	[hbm4b:s31+s1] =	stream.linear.scatter [tilespmem:s14], [sflag:$0x2], $0xA00, $0x38;
	[tilespmem:$0x1CD40] =	vst v63  }
0x1a9: {  	_ =	swait.ge [sflag:s6], $0xA00  }
0x1aa: {  	s19 =	sld [smem:$0x7D6]  }
0x1ab: {  	[sflag:s6] =	ssyncset.done $0x0  }
0x1ac: {  	[sflag:s6] =	ssyncadd.s32 $0xFFFFF600  }
0x1ad: {  	[tilespmem:s4], [sflag:$0x6] =	stream.linear.gather [spmem:s19], $0xA00, $0x38;
	[tilespmem:$0x1CD40] =	vst v63  }
0x1ae: {  	_ =	swait.ge [sflag:s5], $0xA00  }
0x1af: {  	[sflag:s5] =	ssyncset.done $0x0  }
0x1b0: {  	s20 =	rddreg [dreg:$0xd];
	[sflag:s5] =	ssyncadd.s32 $0xFFFFF600  }
0x1b1: {  	[hbm4b:s20+s1] =	stream.linear.scatter [tilespmem:s4], [sflag:$0x1], $0xA00, $0x38;
	[tilespmem:$0x1CD40] =	vst v63  }
0x1b2: {  	_ =	swait.ge [sflag:s16], $0xA00  }
0x1b3: {  	s26 =	sld [smem:$0x7D7]  }
0x1b4: {  	[sflag:s16] =	ssyncset.done $0x0  }
0x1b5: {  	[sflag:s16] =	ssyncadd.s32 $0xFFFFF600  }
0x1b6: {  	[tilespmem:s14], [sflag:$0x6] =	stream.linear.gather [spmem:s26], $0xA00, $0x38;
	[tilespmem:$0x1CD40] =	vst v63  }
0x1b7: {  	_ =	swait.ge [sflag:s5], $0xA00  }
0x1b8: {  	[sflag:s5] =	ssyncset.done $0x0  }
0x1b9: {  	s28 =	rddreg [dreg:$0xe];
	[sflag:s5] =	ssyncadd.s32 $0xFFFFF600  }
0x1ba: {  	[hbm4b:s28+s1] =	stream.linear.scatter [tilespmem:s14], [sflag:$0x2], $0xA00, $0x38;
	[tilespmem:$0x1CD40] =	vst v63  }
0x1bb: {  	_ =	swait.ge [sflag:s6], $0xA00  }
0x1bc: {  	s31 =	sld [smem:$0x7D8]  }
0x1bd: {  	[sflag:s6] =	ssyncset.done $0x0  }
0x1be: {  	[sflag:s6] =	ssyncadd.s32 $0xFFFFF600  }
0x1bf: {  	[tilespmem:s4], [sflag:$0x6] =	stream.linear.gather [spmem:s31], $0xA00, $0x38;
	[tilespmem:$0x1CD40] =	vst v63  }
0x1c0: {  	_ =	swait.ge [sflag:s5], $0xA00  }
0x1c1: {  	[sflag:s5] =	ssyncset.done $0x0  }
0x1c2: {  	s19 =	rddreg [dreg:$0xf];
	[sflag:s5] =	ssyncadd.s32 $0xFFFFF600  }
0x1c3: {  	[hbm4b:s19+s1] =	stream.linear.scatter [tilespmem:s4], [sflag:$0x1], $0xA00, $0x38;
	[tilespmem:$0x1CD40] =	vst v63  }
0x1c4: {  	_ =	swait.ge [sflag:s16], $0xA00  }
0x1c5: {  	s20 =	sld [smem:$0x7D9]  }
0x1c6: {  	[sflag:s16] =	ssyncset.done $0x0  }
0x1c7: {  	[sflag:s16] =	ssyncadd.s32 $0xFFFFF600  }
0x1c8: {  	[tilespmem:s14], [sflag:$0x6] =	stream.linear.gather [spmem:s20], $0xA00, $0x38;
	[tilespmem:$0x1CD40] =	vst v63  }
0x1c9: {  	_ =	swait.ge [sflag:s5], $0xA00  }
0x1ca: {  	[sflag:s5] =	ssyncset.done $0x0  }
0x1cb: {  	s26 =	rddreg [dreg:$0x10];
	[sflag:s5] =	ssyncadd.s32 $0xFFFFF600  }
0x1cc: {  	[hbm4b:s26+s1] =	stream.linear.scatter [tilespmem:s14], [sflag:$0x2], $0xA00, $0x38;
	[tilespmem:$0x1CD40] =	vst v63  }
0x1cd: {  	_ =	swait.ge [sflag:s6], $0xA00  }
0x1ce: {  	s28 =	sld [smem:$0x7DA]  }
0x1cf: {  	[sflag:s6] =	ssyncset.done $0x0  }
0x1d0: {  	[sflag:s6] =	ssyncadd.s32 $0xFFFFF600  }
0x1d1: {  	[tilespmem:s4], [sflag:$0x6] =	stream.linear.gather [spmem:s28], $0xA00, $0x38;
	[tilespmem:$0x1CD40] =	vst v63  }
0x1d2: {  	_ =	swait.ge [sflag:s5], $0xA00  }
0x1d3: {  	[sflag:s5] =	ssyncset.done $0x0  }
0x1d4: {  	s31 =	rddreg [dreg:$0x11];
	[sflag:s5] =	ssyncadd.s32 $0xFFFFF600  }
0x1d5: {  	[hbm4b:s31+s1] =	stream.linear.scatter [tilespmem:s4], [sflag:$0x1], $0xA00, $0x38;
	[tilespmem:$0x1CD40] =	vst v63  }
0x1d6: {  	_ =	swait.ge [sflag:s16], $0xA00  }
0x1d7: {  	s19 =	sld [smem:$0x7DB]  }
0x1d8: {  	[sflag:s16] =	ssyncset.done $0x0  }
0x1d9: {  	[sflag:s16] =	ssyncadd.s32 $0xFFFFF600  }
0x1da: {  	[tilespmem:s14], [sflag:$0x6] =	stream.linear.gather [spmem:s19], $0xA00, $0x38;
	[tilespmem:$0x1CD40] =	vst v63  }
0x1db: {  	_ =	swait.ge [sflag:s5], $0xA00  }
0x1dc: {  	[sflag:s5] =	ssyncset.done $0x0  }
0x1dd: {  	s20 =	rddreg [dreg:$0x12];
	[sflag:s5] =	ssyncadd.s32 $0xFFFFF600  }
0x1de: {  	[hbm4b:s20+s1] =	stream.linear.scatter [tilespmem:s14], [sflag:$0x2], $0xA00, $0x38;
	[tilespmem:$0x1CD40] =	vst v63  }
0x1df: {  	_ =	swait.ge [sflag:s6], $0xA00  }
0x1e0: {  	s26 =	sld [smem:$0x7DC]  }
0x1e1: {  	[sflag:s6] =	ssyncset.done $0x0  }
0x1e2: {  	[sflag:s6] =	ssyncadd.s32 $0xFFFFF600  }
0x1e3: {  	[tilespmem:s4], [sflag:$0x6] =	stream.linear.gather [spmem:s26], $0xA00, $0x38;
	[tilespmem:$0x1CD40] =	vst v63  }
0x1e4: {  	_ =	swait.ge [sflag:s5], $0xA00  }
0x1e5: {  	[sflag:s5] =	ssyncset.done $0x0  }
0x1e6: {  	s28 =	rddreg [dreg:$0x13];
	[sflag:s5] =	ssyncadd.s32 $0xFFFFF600  }
0x1e7: {  	[hbm4b:s28+s1] =	stream.linear.scatter [tilespmem:s4], [sflag:$0x1], $0xA00, $0x38;
	[tilespmem:$0x1CD40] =	vst v63  }
0x1e8: {  	_ =	swait.ge [sflag:s16], $0xA00  }
0x1e9: {  	s31 =	sld [smem:$0x7DD]  }
0x1ea: {  	[sflag:s16] =	ssyncset.done $0x0  }
0x1eb: {  	[sflag:s16] =	ssyncadd.s32 $0xFFFFF600  }
0x1ec: {  	[tilespmem:s14], [sflag:$0x6] =	stream.linear.gather [spmem:s31], $0xA00, $0x38;
	[tilespmem:$0x1CD40] =	vst v63  }
0x1ed: {  	_ =	swait.ge [sflag:s5], $0xA00  }
0x1ee: {  	[sflag:s5] =	ssyncset.done $0x0  }
0x1ef: {  	s19 =	rddreg [dreg:$0x14];
	[sflag:s5] =	ssyncadd.s32 $0xFFFFF600  }
0x1f0: {  	[hbm4b:s19+s1] =	stream.linear.scatter [tilespmem:s14], [sflag:$0x2], $0xA00, $0x38;
	[tilespmem:$0x1CD40] =	vst v63  }
0x1f1: {  	_ =	swait.ge [sflag:s6], $0xA00  }
0x1f2: {  	s20 =	sld [smem:$0x7DE]  }
0x1f3: {  	[sflag:s6] =	ssyncset.done $0x0  }
0x1f4: {  	[sflag:s6] =	ssyncadd.s32 $0xFFFFF600  }
0x1f5: {  	[tilespmem:s4], [sflag:$0x6] =	stream.linear.gather [spmem:s20], $0xA00, $0x38;
	[tilespmem:$0x1CD40] =	vst v63  }
0x1f6: {  	_ =	swait.ge [sflag:s5], $0xA00  }
0x1f7: {  	[sflag:s5] =	ssyncset.done $0x0  }
0x1f8: {  	s26 =	rddreg [dreg:$0x15];
	[sflag:s5] =	ssyncadd.s32 $0xFFFFF600  }
0x1f9: {  	[hbm4b:s26+s1] =	stream.linear.scatter [tilespmem:s4], [sflag:$0x1], $0xA00, $0x38;
	[tilespmem:$0x1CD40] =	vst v63  }
0x1fa: {  	_ =	swait.ge [sflag:s16], $0xA00  }
0x1fb: {  	s28 =	sld [smem:$0x7DF]  }
0x1fc: {  	[sflag:s16] =	ssyncset.done $0x0  }
0x1fd: {  	[sflag:s16] =	ssyncadd.s32 $0xFFFFF600  }
0x1fe: {  	[tilespmem:s14], [sflag:$0x6] =	stream.linear.gather [spmem:s28], $0xA00, $0x38;
	[tilespmem:$0x1CD40] =	vst v63  }
0x1ff: {  	_ =	swait.ge [sflag:s5], $0xA00  }
0x200: {  	[sflag:s5] =	ssyncset.done $0x0  }
0x201: {  	s31 =	rddreg [dreg:$0x16];
	[sflag:s5] =	ssyncadd.s32 $0xFFFFF600  }
0x202: {  	[hbm4b:s31+s1] =	stream.linear.scatter [tilespmem:s14], [sflag:$0x2], $0xA00, $0x38;
	[tilespmem:$0x1CD40] =	vst v63  }
0x203: {  	_ =	swait.ge [sflag:s6], $0xA00  }
0x204: {  	s19 =	sld [smem:$0x7E0]  }
0x205: {  	[sflag:s6] =	ssyncset.done $0x0  }
0x206: {  	[sflag:s6] =	ssyncadd.s32 $0xFFFFF600  }
0x207: {  	[tilespmem:s4], [sflag:$0x6] =	stream.linear.gather [spmem:s19], $0xA00, $0x38;
	[tilespmem:$0x1CD40] =	vst v63  }
0x208: {  	_ =	swait.ge [sflag:s5], $0xA00  }
0x209: {  	[sflag:s5] =	ssyncset.done $0x0  }
0x20a: {  	s20 =	rddreg [dreg:$0x17];
	[sflag:s5] =	ssyncadd.s32 $0xFFFFF600  }
0x20b: {  	[hbm4b:s20+s1] =	stream.linear.scatter [tilespmem:s4], [sflag:$0x1], $0xA00, $0x38;
	[tilespmem:$0x1CD40] =	vst v63  }
0x20c: {  	_ =	swait.ge [sflag:s16], $0xA00  }
0x20d: {  	s26 =	sld [smem:$0x7E1]  }
0x20e: {  	[sflag:s16] =	ssyncset.done $0x0  }
0x20f: {  	[sflag:s16] =	ssyncadd.s32 $0xFFFFF600  }
0x210: {  	[tilespmem:s14], [sflag:$0x6] =	stream.linear.gather [spmem:s26], $0xA00, $0x38;
	[tilespmem:$0x1CD40] =	vst v63  }
0x211: {  	_ =	swait.ge [sflag:s5], $0xA00  }
0x212: {  	[sflag:s5] =	ssyncset.done $0x0  }
0x213: {  	s28 =	rddreg [dreg:$0x18];
	[sflag:s5] =	ssyncadd.s32 $0xFFFFF600  }
0x214: {  	[hbm4b:s28+s1] =	stream.linear.scatter [tilespmem:s14], [sflag:$0x2], $0xA00, $0x38;
	[tilespmem:$0x1CD40] =	vst v63  }
0x215: {  	_ =	swait.ge [sflag:s6], $0xA00  }
0x216: {  	s31 =	sld [smem:$0x7E2]  }
0x217: {  	[sflag:s6] =	ssyncset.done $0x0  }
0x218: {  	[sflag:s6] =	ssyncadd.s32 $0xFFFFF600  }
0x219: {  	[tilespmem:s4], [sflag:$0x6] =	stream.linear.gather [spmem:s31], $0xA00, $0x38;
	[tilespmem:$0x1CD40] =	vst v63  }
0x21a: {  	_ =	swait.ge [sflag:s5], $0xA00  }
0x21b: {  	[sflag:s5] =	ssyncset.done $0x0  }
0x21c: {  	s19 =	rddreg [dreg:$0x19];
	[sflag:s5] =	ssyncadd.s32 $0xFFFFF600  }
0x21d: {  	[hbm4b:s19+s1] =	stream.linear.scatter [tilespmem:s4], [sflag:$0x1], $0xA00, $0x38;
	[tilespmem:$0x1CD40] =	vst v63  }
0x21e: {  	_ =	swait.ge [sflag:s16], $0xA00  }
0x21f: {  	s20 =	sld [smem:$0x7E3]  }
0x220: {  	[sflag:s16] =	ssyncset.done $0x0  }
0x221: {  	[sflag:s16] =	ssyncadd.s32 $0xFFFFF600  }
0x222: {  	[tilespmem:s14], [sflag:$0x6] =	stream.linear.gather [spmem:s20], $0xA00, $0x38;
	[tilespmem:$0x1CD40] =	vst v63  }
0x223: {  	_ =	swait.ge [sflag:s5], $0xA00  }
0x224: {  	[sflag:s5] =	ssyncset.done $0x0  }
0x225: {  	s26 =	rddreg [dreg:$0x1a];
	[sflag:s5] =	ssyncadd.s32 $0xFFFFF600  }
0x226: {  	[hbm4b:s26+s1] =	stream.linear.scatter [tilespmem:s14], [sflag:$0x2], $0xA00, $0x38;
	[tilespmem:$0x1CD40] =	vst v63  }
0x227: {  	_ =	swait.ge [sflag:s6], $0xA00  }
0x228: {  	s28 =	sld [smem:$0x7E4]  }
0x229: {  	[sflag:s6] =	ssyncset.done $0x0  }
0x22a: {  	[sflag:s6] =	ssyncadd.s32 $0xFFFFF600  }
0x22b: {  	[tilespmem:s4], [sflag:$0x6] =	stream.linear.gather [spmem:s28], $0xA00, $0x38;
	[tilespmem:$0x1CD40] =	vst v63  }
0x22c: {  	_ =	swait.ge [sflag:s5], $0xA00  }
0x22d: {  	[sflag:s5] =	ssyncset.done $0x0  }
0x22e: {  	s31 =	rddreg [dreg:$0x1b];
	[sflag:s5] =	ssyncadd.s32 $0xFFFFF600  }
0x22f: {  	[hbm4b:s31+s1] =	stream.linear.scatter [tilespmem:s4], [sflag:$0x1], $0xA00, $0x38;
	[tilespmem:$0x1CD40] =	vst v63  }
0x230: {  	_ =	swait.ge [sflag:s16], $0xA00  }
.Ltmp6:
0x231: {  	[sflag:s16] =	ssyncset.done $0x0;
	(pc) =	sbr.rel .LBB2_8-.Ltmp6, $4  }
0x232: {  	[sflag:s16] =	ssyncadd.s32 $0xFFFFF600  }
0x233: {  	_ =	swait.ge [sflag:s6], $0xA00  }
0x234: {  	[sflag:s6] =	ssyncset.done $0x0  }
0x235: {  	[sflag:s6] =	ssyncadd.s32 $0xFFFFF600  }
.LBB2_9:
0x236: {  	_ =	sfence.sel $0x180000  }
0x237: {  	[bflag:$0x0] =	sbarrier.arrive $0xFFFF  }
0x238: {  	_ =	strace $0x9000004D  }
0x239: {  	s0 =	stileid.u32;
	[bflag:$0x2] =	sbarrier.arrive $0xFFFF  }
0x23a: {  	p0 =	sne.s32 s0, $0x0;
	s0 =	rddreg [dreg:$0x2]  }
0x23b: {  	s0 =	sadd.s32 @!p0 $0x100000, s0  }
0x23c: {  	[sflag:s0] =	ssyncadd.tile.s32 @!p0 $0x1;
	_ =	shalt  }
.Lfunc_end2:
_tile_overlayer_lowered:
.L_overlay_start_2:
0x23d: {  	(tag) =	ssettag $0x2  }
0x23e: {  	s0 =	rddreg [dreg:$0x0];
	s2 =	stileid.u32  }
0x23f: {  	s1 =	rddreg [dreg:$0x1];
	p0 =	sne.s32 s2, $0x0  }
0x240: {  	s3 =	rddreg [dreg:$0x2];
	[bflag:$0x3] =	sbarrier.arrive $0xFFFF;
	s2 =	simm.s32 @!p0 $0x1C06  }
0x241: {  	[timem:s3], [sflag:s2] =	dma.local @!p0 [hbm:s0], s1  }
0x242: {  	s0 =	simm.s32 @!p0 $0x6  }
0x243: {  	_ =	swait.ge @!p0 [sflag:s0], s1  }
0x244: {  	s1 =	ssub.s32 @!p0 $0x0, s1;
	[sflag:s0] =	ssyncset.done @!p0 $0x0  }
0x245: {  	[sflag:s0] =	ssyncadd.s32 @!p0 s1  }
0x246: {  	[bflag:$0x3] =	sbarrier.arrive $0xFFFF  }
0x247: {  	_ =	shalt  }

// kernel: kernel.6.cloned.1.call-start
scs
__scs_entry_jumppad:
0x0: {  	(pc) =	sbr.rel $0x88, $3  }
0x1: {  	(tag) =	ssettag $0x0;
	lr =	simm.s32 $0x1  }
0x2: {  	[smem:$0x3F99] =	sst lr;
	_ =	strace $0xD0000000  }
0x3: {  	_ = 	snop  }
0x4: {  	_ = 	snop  }
0x5: {  	_ = 	snop  }
0x6: {  	_ = 	snop  }
0x7: {  	_ = 	snop  }
__scs_overlays_trampoline_lowered:
0x8: {  	[smem:$0x3FA8] =	sst s0  }
0x9: {  	[smem:$0x3FA9] =	sst s1  }
0xa: {  	[smem:$0x3FAA] =	sst s2  }
0xb: {  	[smem:$0x3FAB] =	sst s3  }
0xc: {  	[smem:$0x3FAC] =	sst s4  }
0xd: {  	[smem:$0x3FAD] =	sst s5  }
0xe: {  	[smem:$0x3FAE] =	sst s6  }
0xf: {  	[smem:$0x3FAF] =	sst s7  }
0x10: {  	[smem:$0x3FB0] =	sst s8  }
0x11: {  	[smem:$0x3FB1] =	sst s9;
	s0 =	simm.s32 @!p0 $0x0  }
0x12: {  	s1 =	sld [smem:$0x3F97];
	s0 =	simm.s32 @p0 $0x1  }
0x13: {  	[smem:$0x3FB2] =	sst s0;
	s0 =	simm.s32 @!p1 $0x0  }
0x14: {  	s2 =	sld [smem:$0x3F96];
	s0 =	simm.s32 @p1 $0x1  }
0x15: {  	[smem:$0x3FB3] =	sst s0;
	s0 =	simm.s32 @!p2 $0x0  }
0x16: {  	s3 =	sld [smem:$0x3FDB];
	s0 =	simm.s32 @p2 $0x1  }
0x17: {  	s4 =	simm.s32 $0x1BF5;
	[smem:$0x3FB5] =	sst s0  }
0x18: {  	s0 =	sld [smem:$0x3F98];
	_ =	swait.ge [sflag:s4], $0x0  }
0x19: {  	s7 =	sld [smem:$0x3F99]  }
0x1a: {  	s8 =	sadd.s32 $0xFFFFE003, lr  }
0x1b: {  	s9 =	sadd.s32 $0xFFFFFEF7, lr;
	s5 =	simm.s32 $0xFFFFFFFF;
	p2 =	slt.u32 s8, $0xFFFFF086  }
0x1c: {  	p1 =	slt.u32 s9, $0xF7A;
	s5 =	simm.s32 @!p2 $0x0  }
0x1d: {  	s5 =	simm.s32 @p1 $0x1;
	p0 =	seq.s32 s7, s2  }
0x1e: {  	s7 =	smul.u32 @!p0 $0xF7A, s2;
	p2 =	seq.s32 @!p0 s5, $0x0  }
0x1f: {  	s9 =	smul.u32 $0xF7A, s1;
	s8 =	simm.s32 @!p0 $0x1BF5;
	p2 =	por !p2, p0  }
0x20: {  	[sflag:s8] =	ssyncset.s32 @!p0 $0xFFFFF086;
	s6 =	sadd.s32 @!p0 s3, s7;
	s7 =	simm.s32 @!p0 $0x108  }
0x21: {  	s3 =	sadd.s32 s3, s9;
	s6 =	sadd.s32 @!p0 $0x88, s6;
	s7 =	simm.s32 @p2 $0x1082  }
0x22: {  	[simem:s7], [sflag:s8] =	dma.local @!p0 [hbm:s6], $0xF7A  }
0x23: {  	s9 =	sor.u32 $0xD0000000, s2;
	s6 =	simm.s32 $0x108;
	_ =	swait.ge @!p0 [sflag:s8], $0x0  }
0x24: {  	s3 =	sadd.s32 $0x88, s3;
	s6 =	simm.s32 @!p1 $0x1082;
	[sflag:s4] =	ssyncset.s32 $0xFFFFF086  }
0x25: {  	[simem:s6], [sflag:s4] =	dma.local [hbm:s3], $0xF7A  }
0x26: {  	[smem:$0x3F99] =	sst s1;
	(tag) =	ssettag s2;
	_ =	strace s9  }
0x27: {  	s1 =	sld [smem:$0x3FA9]  }
0x28: {  	s2 =	sld [smem:$0x3FAA]  }
0x29: {  	s4 =	sld [smem:$0x3FAC]  }
0x2a: {  	p0 =	seq.s32 s5, $0x0;
	s5 =	sld [smem:$0x3FAD]  }
0x2b: {  	s6 =	sld [smem:$0x3FAE]  }
0x2c: {  	s7 =	sld [smem:$0x3FAF]  }
0x2d: {  	s3 =	simm.s32 $0x108;
	s8 =	sld [smem:$0x3FB0]  }
0x2e: {  	s3 =	simm.s32 @!p0 $0x1082;
	s9 =	sld [smem:$0x3FB1]  }
0x2f: {  	lr =	sadd.s32 s0, s3;
	s0 =	sld [smem:$0x3FA8]  }
0x30: {  	s3 =	sld [smem:$0x3FAB]  }
0x31: {  	[smem:$0x3FB4] =	sst s10  }
0x32: {  	s10 =	sld [smem:$0x3FB2];
	_ =	sdelay $0x3  }
0x33: {  	p0 =	seq.s32 s10, $0x1;
	s10 =	sld [smem:$0x3FB4];
	_ =	sdelay $0x3  }
0x34: {  	[smem:$0x3FB4] =	sst s10  }
0x35: {  	s10 =	sld [smem:$0x3FB3];
	_ =	sdelay $0x3  }
0x36: {  	p1 =	seq.s32 s10, $0x1;
	s10 =	sld [smem:$0x3FB4];
	_ =	sdelay $0x3  }
0x37: {  	[smem:$0x3FB4] =	sst s10  }
0x38: {  	s10 =	sld [smem:$0x3FB5]  }
0x39: {  	_ = 	snop;
	(pc) =	sbr.ind lr, $3  }
0x3a: {  	_ = 	snop  }
0x3b: {  	_ = 	snop  }
0x3c: {  	p2 =	seq.s32 s10, $0x1;
	s10 =	sld [smem:$0x3FB4]  }
0x3d: {  	_ =	shalt  }
0x3e: {  	_ =	shalt  }
0x3f: {  	_ =	shalt  }
0x40: {  	_ =	shalt  }
0x41: {  	_ =	shalt  }
0x42: {  	_ =	shalt  }
0x43: {  	_ =	shalt  }
0x44: {  	_ =	shalt  }
0x45: {  	_ =	shalt  }
0x46: {  	_ =	shalt  }
0x47: {  	_ =	shalt  }
0x48: {  	_ =	shalt  }
0x49: {  	_ =	shalt  }
0x4a: {  	_ =	shalt  }
0x4b: {  	_ =	shalt  }
0x4c: {  	_ =	shalt  }
0x4d: {  	_ =	shalt  }
0x4e: {  	_ =	shalt  }
0x4f: {  	_ =	shalt  }
0x50: {  	_ =	shalt  }
0x51: {  	_ =	shalt  }
0x52: {  	_ =	shalt  }
0x53: {  	_ =	shalt  }
0x54: {  	_ =	shalt  }
0x55: {  	_ =	shalt  }
0x56: {  	_ =	shalt  }
0x57: {  	_ =	shalt  }
0x58: {  	_ =	shalt  }
0x59: {  	_ =	shalt  }
0x5a: {  	_ =	shalt  }
0x5b: {  	_ =	shalt  }
0x5c: {  	_ =	shalt  }
0x5d: {  	_ =	shalt  }
0x5e: {  	_ =	shalt  }
0x5f: {  	_ =	shalt  }
0x60: {  	_ =	shalt  }
0x61: {  	_ =	shalt  }
0x62: {  	_ =	shalt  }
0x63: {  	_ =	shalt  }
0x64: {  	_ =	shalt  }
0x65: {  	_ =	shalt  }
0x66: {  	_ =	shalt  }
0x67: {  	_ =	shalt  }
0x68: {  	_ =	shalt  }
0x69: {  	_ =	shalt  }
0x6a: {  	_ =	shalt  }
0x6b: {  	_ =	shalt  }
0x6c: {  	_ =	shalt  }
0x6d: {  	_ =	shalt  }
0x6e: {  	_ =	shalt  }
0x6f: {  	_ =	shalt  }
0x70: {  	_ =	shalt  }
0x71: {  	_ =	shalt  }
0x72: {  	_ =	shalt  }
0x73: {  	_ =	shalt  }
0x74: {  	_ =	shalt  }
0x75: {  	_ =	shalt  }
0x76: {  	_ =	shalt  }
0x77: {  	_ =	shalt  }
0x78: {  	_ =	shalt  }
0x79: {  	_ =	shalt  }
0x7a: {  	_ =	shalt  }
0x7b: {  	_ =	shalt  }
0x7c: {  	_ =	shalt  }
0x7d: {  	_ =	shalt  }
0x7e: {  	_ =	shalt  }
0x7f: {  	_ =	shalt  }
0x80: {  	_ =	shalt  }
0x81: {  	_ =	shalt  }
0x82: {  	_ =	shalt  }
0x83: {  	_ =	shalt  }
0x84: {  	_ =	shalt  }
0x85: {  	_ =	shalt  }
0x86: {  	_ =	shalt  }
0x87: {  	_ =	shalt  }
.Lfunc_end0:
.L_simem_size_0:
called_computation.1_lowered:
.L_overlay_start_0:
0x88: {  	s2 =	sld [smem:$0x3FD9]  }
0x89: {  	s3 =	sld [smem:$0x3FFE];
	_ =	sdelay $0x1  }
0x8a: {  	s1 =	srdreg.scid  }
0x8b: {  	s0 =	sand.u32 $0x1, s1  }
0x8c: {  	s16 =	sshll.u32 s0, $0xA;
	s2 =	sadd.s32 s3, s2  }
0x8d: {  	s2 =	sadd.s32 s2, s16  }
0x8e: {  	[smem:$0x3FC0] =	sst s2  }
0x8f: {  	_ = 	snop  }
0x90: {  	(tm) =	ssettm $0x1  }
0x91: {  	s17 =	sld [smem:$0x3FFB];
	_ =	sdelay $0x3  }
0x92: {  	_ =	strace s17  }
0x93: {  	s2 =	sld [smem:$0x3FFC];
	_ =	sdelay $0x3  }
0x94: {  	_ =	strace s2  }
0x95: {  	s2 =	sld [smem:$0x3FFD];
	_ =	sdelay $0x3  }
0x96: {  	_ =	strace s2  }
0x97: {  	_ =	strace $0x8FFFFFFF  }
0x98: {  	s18 =	sld [smem:$0x3FDB];
	_ =	sdelay $0x1  }
0x99: {  	s19 =	simm.s32 $_scs_section_size  }
0x9a: {  	s4 =	simm.s32 $_size__tile_overlayer_lowered;
	s5 =	simm.s32 $_tile_overlayer_lowered  }
0x9b: {  	s22 =	simm.s32 $0x1BFF;
	s21 =	sshll.u32 s5, $0x1;
	s2 =	sadd.s32 s19, s18  }
0x9c: {  	s6 =	simm.s32 $0x0;
	s20 =	sshll.u32 s4, $0x1;
	s4 =	sadd.s32 s21, s2  }
0x9d: {  	[timem:s6], [sflag:s22] =	dma.local [hbm:s4], s20  }
0x9e: {  	_ =	swait.ge [sflag:s22], s20  }
0x9f: {  	s3 =	ssub.s32 $0x0, s20;
	[sflag:s22] =	ssyncset.done $0x0  }
0xa0: {  	[sflag:s22] =	ssyncadd.s32 s3;
	_ =	sdelay $0x1  }
0xa1: {  	s23 =	simm.s32 $0x1B8B  }
0xa2: {  	_ =	swait.ge [sflag:s23], $0x1  }
0xa3: {  	[sflag:s23] =	ssyncset.done $0x0  }
0xa4: {  	s25 =	simm.s32 $0x1B8E;
	s24 =	sld [smem:$0x3FFE];
	[sflag:s23] =	ssyncadd.s32 $0xFFFFFFFF  }
0xa5: {  	s26 =	simm.s32 $execute0_lowered;
	[smem:$0x3FD2] =	sst s25  }
0xa6: {  	s4 =	sshll.u32 s26, $0x1;
	_ =	strace $0x80000046;
	[dreg:$0x1] =	wrdreg $0xFFFFFFFF  }
0xa7: {  	s28 =	simm.s32 $_size_execute0_lowered;
	s2 =	sadd.s32 s2, s4;
	[dreg:$0x0] =	wrdreg $0x0  }
0xa8: {  	s4 =	sshll.u32 s28, $0x1;
	[dreg:$0x2] =	wrdreg s2  }
0xa9: {  	[dreg:$0x3] =	wrdreg s4  }
0xaa: {  	[dreg:$0x4] =	wrdreg $0xC0  }
0xab: {  	_ =	task [dreg:s6], $0x5FFFF  }
0xac: {  	[dreg:$0x1] =	wrdreg $0xFFFFFFFF  }
0xad: {  	[dreg:$0x0] =	wrdreg $0x60  }
0xae: {  	[dreg:$0x2] =	wrdreg s24  }
0xaf: {  	[dreg:$0x3] =	wrdreg $0x2C800  }
0xb0: {  	[dreg:$0x4] =	wrdreg $0x9  }
0xb1: {  	_ =	task.clear_ibuf [dreg:s6], $0x5FFFF;
	_ =	strace $0x90000046  }
0xb2: {  	s29 =	simm.s32 $0x9;
	_ =	strace $0x80000048  }
0xb3: {  	_ =	swait.ge [sflag:s29], $0x1  }
0xb4: {  	[sflag:s29] =	ssyncadd.s32 $0xFFFFFFFF  }
0xb5: {  	_ =	strace $0x90000048  }
0xb6: {  	_ =	sfence  }
0xb7: {  	s30 =	sld [smem:$0x0];
	_ =	sdelay $0x2  }
0xb8: {  	s31 =	sshll.u32 s1, $0xD;
	s1 =	sshrl.u32 s1, $0x2  }
0xb9: {  	s3 =	sand.u32 $0x4000, s31;
	s1 =	sadd.s32 s1, s30  }
0xba: {  	s0 =	sor.u32 s3, s0;
	s1 =	sshll.u32 s1, $0x11  }
0xbb: {  	s0 =	sor.u32 s1, s0  }
0xbc: {  	s0 =	sadd.s32 $0x8F2B, s0  }
0xbd: {  	[sflag:s0] =	ssyncadd.remote.s32 $0x1  }
0xbe: {  	_ =	sfence.sel $0xFFFF  }
0xbf: {  	[dreg:$0x0] =	wrdreg $0xFFFFFFFF;
	(pc) =	sbr.abs _section_cstart, $3  }
0xc0: {  	[dreg:$0x1] =	wrdreg $0xFFFFFFFF  }
0xc1: {  	_ =	task.clear_ibuf [dreg:s6], $0x2FFFF;
	_ =	strace $0x9FFFFFFF  }
0xc2: {  	(tm) =	ssettm $0x7FFFFFFF  }
0xc3: {  	_ =	shalt  }
tec
execute0_lowered:
.L_overlay_start_1:
0x0: {  	(tag) =	ssettag $0x1  }
0x1: {  	s5 =	rddreg [dreg:$0x0]  }
0x2: {  	s2 =	rddreg [dreg:$0x1];
	s3 =	srdreg.scid  }
0x3: {  	s0 =	rddreg [dreg:$0x2];
	s1 =	stileid.u32  }
0x4: {  	s12 =	simm.s32 $0x7D;
	s13 =	simm.s32 $0x1;
	s14 =	simm.s32 $0x0  }
0x5: {  	s6 =	sand.u32 $0x1, s3;
	s3 =	simm.s32 $0x0;
	s7 =	smul.u32 $0x3E8, s1  }
0x6: {  	s10 =	smul.u32 $0xFA0, s1;
	p0 =	sgt.u32 s1, $0x9;
	s4 =	sshll.u32 s6, $0x4  }
0x7: {  	[smem:$0x7FF] =	sst s3;
	s8 =	smul.u32 $0x2710, s6;
	s6 =	ssub.s32 $0x2, s6  }
0x8: {  	s4 =	sor.u32 s1, s4;
	_ =	strace $0x80000047;
	s31 =	sshrl.u32 s6, $0x1  }
0x9: {  	s10 =	sshrl.u32 s10, $0x2;
	s9 =	smul.u32 $0x500, s4;
	s8 =	sadd.s32 s7, s8  }
0xa: {  	s4 =	sadd.s32 $0xB800, s5;
	s11 =	ssub.s32 s6, s31;
	s8 =	sshrl.u32 s8, $0x3  }
0xb: {  	s7 =	sadd.s32 s7, s2;
	s9 =	sadd.s32 s9, s5;
	s8 =	sadd.s32 s8, s5  }
0xc: {  	s5 =	sadd.s32 s10, s2;
	s10 =	simm.s32 $0x2800;
	s6 =	sadd.s32 $0x1800, s9  }
0xd: {  	s8 =	sadd.s32 $0xBE00, s8;
	s9 =	smax.u32 s11, $0x1;
	s11 =	simm.s32 $0x2  }
.LBB2_1:
0xe: {  	[tilespmem:s10], [sflag:$0x2] =	stream.linear.gather [hbm4b:s4+s3], $0x80, $0x38;
	[tilespmem:$0x2EF8] =	vst v63  }
0xf: {  	_ =	swait.ge [sflag:s11], $0x80  }
0x10: {  	[sflag:s11] =	ssyncset.done $0x0  }
0x11: {  	s15 =	simm.s32 @!p0 $0x0;
	s16 =	simm.s32 @!p0 $0x2880;
	[sflag:s11] =	ssyncadd.s32 $0xFFFFFF80  }
0x12: {  	[tilespmem:s16], [sflag:$0x2] =	stream.linear.gather @!p0 [hbm4b:s4+s15], $0x3E8, $0x38;
	[tilespmem:$0x2EF8] =	vst v63  }
0x13: {  	s15 =	simm.s32 @!p0 $0x2  }
0x14: {  	_ =	swait.ge @!p0 [sflag:s15], $0x3E8  }
0x15: {  	[sflag:s15] =	ssyncset.done @!p0 $0x0  }
0x16: {  	[sflag:s15] =	ssyncadd.s32 @!p0 $0xFFFFFC18  }
0x17: {  	[spmem:s5] =	stream.linear.scatter @!p0 [tilespmem:s16], [sflag:$0x2], $0x3E8, $0x38;
	[tilespmem:$0x2EF8] =	vst v63  }
0x18: {  	_ =	swait.ge @!p0 [sflag:s15], $0x3E8  }
0x19: {  	[sflag:s15] =	ssyncset.done @!p0 $0x0  }
0x1a: {  	[sflag:s15] =	ssyncadd.s32 @!p0 $0xFFFFFC18  }
0x1b: {  	[tilespmem:s3], [sflag:$0x2] =	stream.linear.gather [hbm4b:s6+s3], $0x2800, $0x38;
	[tilespmem:$0x2EF8] =	vst v63  }
0x1c: {  	_ =	swait.ge [sflag:s11], $0x2800  }
0x1d: {  	[sflag:s11] =	ssyncset.done $0x0  }
0x1e: {  	[sflag:s11] =	ssyncadd.s32 $0xFFFFD800  }
0x1f: {  	s23 =	simm.s32 $0x0;
	[bflag:$0x0] =	sbarrier.arrive $0xFFFF  }
0x20: {  	[spmem:s2] =	stream.indirect.scatter.add.f32 [tilespmem:s10], [sflag:$0x1], $0x1, s23, s12, $0xb8;
	[tilespmem:$0x2EF8] =	vst v63  }
0x21: {  	s24 =	simm.s32 $0x80  }
0x22: {  	[spmem:s2] =	stream.indirect.scatter.add.f32 [tilespmem:s10], [sflag:$0x1], $0x1, s24, s12, $0xb8;
	[tilespmem:$0x2EF8] =	vst v63  }
0x23: {  	s25 =	simm.s32 $0x100  }
0x24: {  	[spmem:s2] =	stream.indirect.scatter.add.f32 [tilespmem:s10], [sflag:$0x1], $0x1, s25, s12, $0xb8;
	[tilespmem:$0x2EF8] =	vst v63  }
0x25: {  	s26 =	simm.s32 $0x180  }
0x26: {  	[spmem:s2] =	stream.indirect.scatter.add.f32 [tilespmem:s10], [sflag:$0x1], $0x1, s26, s12, $0xb8;
	[tilespmem:$0x2EF8] =	vst v63  }
0x27: {  	s28 =	simm.s32 $0x200  }
0x28: {  	[spmem:s2] =	stream.indirect.scatter.add.f32 [tilespmem:s10], [sflag:$0x1], $0x1, s28, s12, $0xb8;
	[tilespmem:$0x2EF8] =	vst v63  }
0x29: {  	s29 =	simm.s32 $0x280  }
0x2a: {  	[spmem:s2] =	stream.indirect.scatter.add.f32 [tilespmem:s10], [sflag:$0x1], $0x1, s29, s12, $0xb8;
	[tilespmem:$0x2EF8] =	vst v63  }
0x2b: {  	s30 =	simm.s32 $0x300  }
0x2c: {  	[spmem:s2] =	stream.indirect.scatter.add.f32 [tilespmem:s10], [sflag:$0x1], $0x1, s30, s12, $0xb8;
	[tilespmem:$0x2EF8] =	vst v63  }
0x2d: {  	s31 =	simm.s32 $0x380  }
0x2e: {  	[spmem:s2] =	stream.indirect.scatter.add.f32 [tilespmem:s10], [sflag:$0x1], $0x1, s31, s12, $0xb8;
	[tilespmem:$0x2EF8] =	vst v63  }
0x2f: {  	_ =	swait.ge [sflag:s13], $0x7D  }
0x30: {  	[sflag:s13] =	ssyncset.done $0x0  }
0x31: {  	[sflag:s13] =	ssyncadd.s32 $0xFFFFFF83  }
0x32: {  	_ =	swait.ge [sflag:s13], $0x7D  }
0x33: {  	[sflag:s13] =	ssyncset.done $0x0  }
0x34: {  	[sflag:s13] =	ssyncadd.s32 $0xFFFFFF83  }
0x35: {  	_ =	swait.ge [sflag:s13], $0x7D  }
0x36: {  	[sflag:s13] =	ssyncset.done $0x0  }
0x37: {  	[sflag:s13] =	ssyncadd.s32 $0xFFFFFF83  }
0x38: {  	_ =	swait.ge [sflag:s13], $0x7D  }
0x39: {  	[sflag:s13] =	ssyncset.done $0x0  }
0x3a: {  	[sflag:s13] =	ssyncadd.s32 $0xFFFFFF83  }
0x3b: {  	_ =	swait.ge [sflag:s13], $0x7D  }
0x3c: {  	[sflag:s13] =	ssyncset.done $0x0  }
0x3d: {  	[sflag:s13] =	ssyncadd.s32 $0xFFFFFF83  }
0x3e: {  	_ =	swait.ge [sflag:s13], $0x7D  }
0x3f: {  	[sflag:s13] =	ssyncset.done $0x0  }
0x40: {  	[sflag:s13] =	ssyncadd.s32 $0xFFFFFF83  }
0x41: {  	_ =	swait.ge [sflag:s13], $0x7D  }
0x42: {  	[sflag:s13] =	ssyncset.done $0x0  }
0x43: {  	[sflag:s13] =	ssyncadd.s32 $0xFFFFFF83  }
0x44: {  	_ =	swait.ge [sflag:s13], $0x7D  }
0x45: {  	s17 =	simm.s32 $0x2000;
	s15 =	simm.s32 $0x1000;
	[sflag:s13] =	ssyncset.done $0x0  }
.LBB2_2:
0x46: {  	s18 =	sshra.s32 s15, $0x2  }
0x47: {  	[sflag:s13] =	ssyncadd.s32 $0xFFFFFF83;
	s15 =	smov.u32 s17;
	s16 =	sadd.s32 $0x1000, s17  }
0x48: {  	[spmem:s2] =	stream.indirect.scatter.add.f32 [tilespmem:s10], [sflag:$0x1], $0x1, s18, s12, $0xb8;
	[tilespmem:$0x2EF8] =	vst v63  }
0x49: {  	p1 =	sne.s32 s17, $0x9000;
	s17 =	sadd.s32 $0x80, s18  }
0x4a: {  	[spmem:s2] =	stream.indirect.scatter.add.f32 [tilespmem:s10], [sflag:$0x1], $0x1, s17, s12, $0xb8;
	[tilespmem:$0x2EF8] =	vst v63  }
0x4b: {  	s17 =	sadd.s32 $0x100, s18  }
0x4c: {  	[spmem:s2] =	stream.indirect.scatter.add.f32 [tilespmem:s10], [sflag:$0x1], $0x1, s17, s12, $0xb8;
	[tilespmem:$0x2EF8] =	vst v63  }
0x4d: {  	s17 =	sadd.s32 $0x180, s18  }
0x4e: {  	[spmem:s2] =	stream.indirect.scatter.add.f32 [tilespmem:s10], [sflag:$0x1], $0x1, s17, s12, $0xb8;
	[tilespmem:$0x2EF8] =	vst v63  }
0x4f: {  	s17 =	sadd.s32 $0x200, s18  }
0x50: {  	[spmem:s2] =	stream.indirect.scatter.add.f32 [tilespmem:s10], [sflag:$0x1], $0x1, s17, s12, $0xb8;
	[tilespmem:$0x2EF8] =	vst v63  }
0x51: {  	s17 =	sadd.s32 $0x280, s18  }
0x52: {  	[spmem:s2] =	stream.indirect.scatter.add.f32 [tilespmem:s10], [sflag:$0x1], $0x1, s17, s12, $0xb8;
	[tilespmem:$0x2EF8] =	vst v63  }
0x53: {  	s17 =	sadd.s32 $0x300, s18  }
0x54: {  	[spmem:s2] =	stream.indirect.scatter.add.f32 [tilespmem:s10], [sflag:$0x1], $0x1, s17, s12, $0xb8;
	[tilespmem:$0x2EF8] =	vst v63  }
0x55: {  	s17 =	sadd.s32 $0x380, s18  }
0x56: {  	[spmem:s2] =	stream.indirect.scatter.add.f32 [tilespmem:s10], [sflag:$0x1], $0x1, s17, s12, $0xb8;
	[tilespmem:$0x2EF8] =	vst v63  }
0x57: {  	_ =	swait.ge [sflag:s13], $0x7D  }
0x58: {  	[sflag:s13] =	ssyncset.done $0x0  }
0x59: {  	[sflag:s13] =	ssyncadd.s32 $0xFFFFFF83  }
0x5a: {  	_ =	swait.ge [sflag:s13], $0x7D  }
0x5b: {  	[sflag:s13] =	ssyncset.done $0x0  }
0x5c: {  	[sflag:s13] =	ssyncadd.s32 $0xFFFFFF83  }
0x5d: {  	_ =	swait.ge [sflag:s13], $0x7D  }
0x5e: {  	[sflag:s13] =	ssyncset.done $0x0  }
0x5f: {  	[sflag:s13] =	ssyncadd.s32 $0xFFFFFF83  }
0x60: {  	_ =	swait.ge [sflag:s13], $0x7D  }
0x61: {  	[sflag:s13] =	ssyncset.done $0x0  }
0x62: {  	[sflag:s13] =	ssyncadd.s32 $0xFFFFFF83  }
0x63: {  	_ =	swait.ge [sflag:s13], $0x7D  }
0x64: {  	[sflag:s13] =	ssyncset.done $0x0  }
0x65: {  	[sflag:s13] =	ssyncadd.s32 $0xFFFFFF83  }
0x66: {  	_ =	swait.ge [sflag:s13], $0x7D  }
0x67: {  	[sflag:s13] =	ssyncset.done $0x0  }
0x68: {  	[sflag:s13] =	ssyncadd.s32 $0xFFFFFF83  }
.Ltmp0:
0x69: {  	_ =	swait.ge [sflag:s13], $0x7D;
	(pc) =	sbr.rel @p1 .LBB2_2-.Ltmp0, $4  }
0x6a: {  	[sflag:s13] =	ssyncset.done $0x0  }
0x6b: {  	[sflag:s13] =	ssyncadd.s32 $0xFFFFFF83  }
0x6c: {  	_ =	swait.ge [sflag:s13], $0x7D  }
0x6d: {  	s17 =	smov.u32 s16;
	[sflag:s13] =	ssyncset.done $0x0  }
0x6e: {  	s15 =	sshra.s32 s15, $0x2;
	[sflag:s13] =	ssyncadd.s32 $0xFFFFFF83  }
0x6f: {  	[spmem:s2] =	stream.indirect.scatter.add.f32 [tilespmem:s10], [sflag:$0x1], $0x1, s15, s12, $0xb8;
	[tilespmem:$0x2EF8] =	vst v63  }
0x70: {  	s16 =	sadd.s32 $0x80, s15  }
0x71: {  	[spmem:s2] =	stream.indirect.scatter.add.f32 [tilespmem:s10], [sflag:$0x1], $0x1, s16, s12, $0xb8;
	[tilespmem:$0x2EF8] =	vst v63  }
0x72: {  	s26 =	sadd.s32 $0x100, s15  }
0x73: {  	[spmem:s2] =	stream.indirect.scatter.add.f32 [tilespmem:s10], [sflag:$0x1], $0x1, s26, s12, $0xb8;
	[tilespmem:$0x2EF8] =	vst v63  }
0x74: {  	s28 =	sadd.s32 $0x180, s15  }
0x75: {  	[spmem:s2] =	stream.indirect.scatter.add.f32 [tilespmem:s10], [sflag:$0x1], $0x1, s28, s12, $0xb8;
	[tilespmem:$0x2EF8] =	vst v63  }
0x76: {  	s29 =	sadd.s32 $0x200, s15  }
0x77: {  	[spmem:s2] =	stream.indirect.scatter.add.f32 [tilespmem:s10], [sflag:$0x1], $0x1, s29, s12, $0xb8;
	[tilespmem:$0x2EF8] =	vst v63  }
0x78: {  	s30 =	sadd.s32 $0x280, s15  }
0x79: {  	[spmem:s2] =	stream.indirect.scatter.add.f32 [tilespmem:s10], [sflag:$0x1], $0x1, s30, s12, $0xb8;
	[tilespmem:$0x2EF8] =	vst v63  }
0x7a: {  	s31 =	sadd.s32 $0x300, s15  }
0x7b: {  	[spmem:s2] =	stream.indirect.scatter.add.f32 [tilespmem:s10], [sflag:$0x1], $0x1, s31, s12, $0xb8;
	[tilespmem:$0x2EF8] =	vst v63  }
0x7c: {  	s15 =	sadd.s32 $0x380, s15  }
0x7d: {  	[spmem:s2] =	stream.indirect.scatter.add.f32 [tilespmem:s10], [sflag:$0x1], $0x1, s15, s12, $0xb8;
	[tilespmem:$0x2EF8] =	vst v63  }
0x7e: {  	_ =	swait.ge [sflag:s13], $0x7D  }
0x7f: {  	[sflag:s13] =	ssyncset.done $0x0  }
0x80: {  	[sflag:s13] =	ssyncadd.s32 $0xFFFFFF83  }
0x81: {  	_ =	swait.ge [sflag:s13], $0x7D  }
0x82: {  	[sflag:s13] =	ssyncset.done $0x0  }
0x83: {  	[sflag:s13] =	ssyncadd.s32 $0xFFFFFF83  }
0x84: {  	_ =	swait.ge [sflag:s13], $0x7D  }
0x85: {  	[sflag:s13] =	ssyncset.done $0x0  }
0x86: {  	[sflag:s13] =	ssyncadd.s32 $0xFFFFFF83  }
0x87: {  	_ =	swait.ge [sflag:s13], $0x7D  }
0x88: {  	[sflag:s13] =	ssyncset.done $0x0  }
0x89: {  	[sflag:s13] =	ssyncadd.s32 $0xFFFFFF83  }
0x8a: {  	_ =	swait.ge [sflag:s13], $0x7D  }
0x8b: {  	[sflag:s13] =	ssyncset.done $0x0  }
0x8c: {  	[sflag:s13] =	ssyncadd.s32 $0xFFFFFF83  }
0x8d: {  	_ =	swait.ge [sflag:s13], $0x7D  }
0x8e: {  	[sflag:s13] =	ssyncset.done $0x0  }
0x8f: {  	[sflag:s13] =	ssyncadd.s32 $0xFFFFFF83  }
0x90: {  	_ =	swait.ge [sflag:s13], $0x7D  }
0x91: {  	[sflag:s13] =	ssyncset.done $0x0  }
0x92: {  	[sflag:s13] =	ssyncadd.s32 $0xFFFFFF83  }
0x93: {  	_ =	swait.ge [sflag:s13], $0x7D  }
0x94: {  	[sflag:s13] =	ssyncset.done $0x0  }
0x95: {  	[sflag:s13] =	ssyncadd.s32 $0xFFFFFF83  }
0x96: {  	s16 =	simm.s32 @!p0 $0x2;
	s15 =	simm.s32 @!p0 $0x2880;
	[bflag:$0x0] =	sbarrier.arrive $0xFFFF  }
0x97: {  	[tilespmem:s15], [sflag:$0x2] =	stream.linear.gather @!p0 [spmem:s7], $0x3E8, $0x38;
	[tilespmem:$0x2EF8] =	vst v63  }
0x98: {  	s14 =	sadd.s32 $0x1, s14;
	_ =	swait.ge @!p0 [sflag:s16], $0x3E8  }
0x99: {  	p1 =	sne.s32 s14, s9;
	[sflag:s16] =	ssyncset.done @!p0 $0x0  }
.Ltmp1:
0x9a: {  	s17 =	simm.s32 @!p0 $0x0;
	[sflag:s16] =	ssyncadd.s32 @!p0 $0xFFFFFC18;
	(pc) =	sbr.rel @p1 .LBB2_1-.Ltmp1, $4  }
0x9b: {  	[hbm4b:s8+s17] =	stream.linear.scatter @!p0 [tilespmem:s15], [sflag:$0x2], $0x3E8, $0x38;
	[tilespmem:$0x2EF8] =	vst v63  }
0x9c: {  	_ =	swait.ge @!p0 [sflag:s16], $0x3E8  }
0x9d: {  	[sflag:s16] =	ssyncset.done @!p0 $0x0  }
0x9e: {  	[sflag:s16] =	ssyncadd.s32 @!p0 $0xFFFFFC18  }
0x9f: {  	_ =	sfence.sel $0x180000  }
0xa0: {  	[bflag:$0x0] =	sbarrier.arrive $0xFFFF  }
0xa1: {  	p0 =	sne.s32 s1, $0x0;
	_ =	strace $0x90000047  }
0xa2: {  	s0 =	sadd.s32 @!p0 $0x100000, s0;
	[bflag:$0x2] =	sbarrier.arrive $0xFFFF  }
0xa3: {  	[sflag:s0] =	ssyncadd.tile.s32 @!p0 $0x1;
	_ =	shalt  }
.Lfunc_end2:
_tile_overlayer_lowered:
.L_overlay_start_2:
0xa4: {  	(tag) =	ssettag $0x2  }
0xa5: {  	s0 =	rddreg [dreg:$0x0];
	s2 =	stileid.u32  }
0xa6: {  	s1 =	rddreg [dreg:$0x1];
	p0 =	sne.s32 s2, $0x0  }
0xa7: {  	s3 =	rddreg [dreg:$0x2];
	[bflag:$0x3] =	sbarrier.arrive $0xFFFF;
	s2 =	simm.s32 @!p0 $0x1C02  }
0xa8: {  	[timem:s3], [sflag:s2] =	dma.local @!p0 [hbm:s0], s1  }
0xa9: {  	s0 =	simm.s32 @!p0 $0x2  }
0xaa: {  	_ =	swait.ge @!p0 [sflag:s0], s1  }
0xab: {  	s1 =	ssub.s32 @!p0 $0x0, s1;
	[sflag:s0] =	ssyncset.done @!p0 $0x0  }
0xac: {  	[sflag:s0] =	ssyncadd.s32 @!p0 s1  }
0xad: {  	[bflag:$0x3] =	sbarrier.arrive $0xFFFF  }
0xae: {  	_ =	shalt  }

// kernel: kernel.9.cloned.1.call-start
scs
__scs_entry_jumppad:
0x0: {  	(pc) =	sbr.rel $0x88, $3  }
0x1: {  	(tag) =	ssettag $0x0;
	lr =	simm.s32 $0x1  }
0x2: {  	[smem:$0x3F99] =	sst lr;
	_ =	strace $0xD0000000  }
0x3: {  	_ = 	snop  }
0x4: {  	_ = 	snop  }
0x5: {  	_ = 	snop  }
0x6: {  	_ = 	snop  }
0x7: {  	_ = 	snop  }
__scs_overlays_trampoline_lowered:
0x8: {  	[smem:$0x3FA8] =	sst s0  }
0x9: {  	[smem:$0x3FA9] =	sst s1  }
0xa: {  	[smem:$0x3FAA] =	sst s2  }
0xb: {  	[smem:$0x3FAB] =	sst s3  }
0xc: {  	[smem:$0x3FAC] =	sst s4  }
0xd: {  	[smem:$0x3FAD] =	sst s5  }
0xe: {  	[smem:$0x3FAE] =	sst s6  }
0xf: {  	[smem:$0x3FAF] =	sst s7  }
0x10: {  	[smem:$0x3FB0] =	sst s8  }
0x11: {  	[smem:$0x3FB1] =	sst s9;
	s0 =	simm.s32 @!p0 $0x0  }
0x12: {  	s1 =	sld [smem:$0x3F97];
	s0 =	simm.s32 @p0 $0x1  }
0x13: {  	[smem:$0x3FB2] =	sst s0;
	s0 =	simm.s32 @!p1 $0x0  }
0x14: {  	s2 =	sld [smem:$0x3F96];
	s0 =	simm.s32 @p1 $0x1  }
0x15: {  	[smem:$0x3FB3] =	sst s0;
	s0 =	simm.s32 @!p2 $0x0  }
0x16: {  	s3 =	sld [smem:$0x3FDB];
	s0 =	simm.s32 @p2 $0x1  }
0x17: {  	s4 =	simm.s32 $0x1BF5;
	[smem:$0x3FB5] =	sst s0  }
0x18: {  	s0 =	sld [smem:$0x3F98];
	_ =	swait.ge [sflag:s4], $0x0  }
0x19: {  	s7 =	sld [smem:$0x3F99]  }
0x1a: {  	s8 =	sadd.s32 $0xFFFFE003, lr  }
0x1b: {  	s9 =	sadd.s32 $0xFFFFFEF7, lr;
	s5 =	simm.s32 $0xFFFFFFFF;
	p2 =	slt.u32 s8, $0xFFFFF086  }
0x1c: {  	p1 =	slt.u32 s9, $0xF7A;
	s5 =	simm.s32 @!p2 $0x0  }
0x1d: {  	s5 =	simm.s32 @p1 $0x1;
	p0 =	seq.s32 s7, s2  }
0x1e: {  	s7 =	smul.u32 @!p0 $0xF7A, s2;
	p2 =	seq.s32 @!p0 s5, $0x0  }
0x1f: {  	s9 =	smul.u32 $0xF7A, s1;
	s8 =	simm.s32 @!p0 $0x1BF5;
	p2 =	por !p2, p0  }
0x20: {  	[sflag:s8] =	ssyncset.s32 @!p0 $0xFFFFF086;
	s6 =	sadd.s32 @!p0 s3, s7;
	s7 =	simm.s32 @!p0 $0x108  }
0x21: {  	s3 =	sadd.s32 s3, s9;
	s6 =	sadd.s32 @!p0 $0x88, s6;
	s7 =	simm.s32 @p2 $0x1082  }
0x22: {  	[simem:s7], [sflag:s8] =	dma.local @!p0 [hbm:s6], $0xF7A  }
0x23: {  	s9 =	sor.u32 $0xD0000000, s2;
	s6 =	simm.s32 $0x108;
	_ =	swait.ge @!p0 [sflag:s8], $0x0  }
0x24: {  	s3 =	sadd.s32 $0x88, s3;
	s6 =	simm.s32 @!p1 $0x1082;
	[sflag:s4] =	ssyncset.s32 $0xFFFFF086  }
0x25: {  	[simem:s6], [sflag:s4] =	dma.local [hbm:s3], $0xF7A  }
0x26: {  	[smem:$0x3F99] =	sst s1;
	(tag) =	ssettag s2;
	_ =	strace s9  }
0x27: {  	s1 =	sld [smem:$0x3FA9]  }
0x28: {  	s2 =	sld [smem:$0x3FAA]  }
0x29: {  	s4 =	sld [smem:$0x3FAC]  }
0x2a: {  	p0 =	seq.s32 s5, $0x0;
	s5 =	sld [smem:$0x3FAD]  }
0x2b: {  	s6 =	sld [smem:$0x3FAE]  }
0x2c: {  	s7 =	sld [smem:$0x3FAF]  }
0x2d: {  	s3 =	simm.s32 $0x108;
	s8 =	sld [smem:$0x3FB0]  }
0x2e: {  	s3 =	simm.s32 @!p0 $0x1082;
	s9 =	sld [smem:$0x3FB1]  }
0x2f: {  	lr =	sadd.s32 s0, s3;
	s0 =	sld [smem:$0x3FA8]  }
0x30: {  	s3 =	sld [smem:$0x3FAB]  }
0x31: {  	[smem:$0x3FB4] =	sst s10  }
0x32: {  	s10 =	sld [smem:$0x3FB2];
	_ =	sdelay $0x3  }
0x33: {  	p0 =	seq.s32 s10, $0x1;
	s10 =	sld [smem:$0x3FB4];
	_ =	sdelay $0x3  }
0x34: {  	[smem:$0x3FB4] =	sst s10  }
0x35: {  	s10 =	sld [smem:$0x3FB3];
	_ =	sdelay $0x3  }
0x36: {  	p1 =	seq.s32 s10, $0x1;
	s10 =	sld [smem:$0x3FB4];
	_ =	sdelay $0x3  }
0x37: {  	[smem:$0x3FB4] =	sst s10  }
0x38: {  	s10 =	sld [smem:$0x3FB5]  }
0x39: {  	_ = 	snop;
	(pc) =	sbr.ind lr, $3  }
0x3a: {  	_ = 	snop  }
0x3b: {  	_ = 	snop  }
0x3c: {  	p2 =	seq.s32 s10, $0x1;
	s10 =	sld [smem:$0x3FB4]  }
0x3d: {  	_ =	shalt  }
0x3e: {  	_ =	shalt  }
0x3f: {  	_ =	shalt  }
0x40: {  	_ =	shalt  }
0x41: {  	_ =	shalt  }
0x42: {  	_ =	shalt  }
0x43: {  	_ =	shalt  }
0x44: {  	_ =	shalt  }
0x45: {  	_ =	shalt  }
0x46: {  	_ =	shalt  }
0x47: {  	_ =	shalt  }
0x48: {  	_ =	shalt  }
0x49: {  	_ =	shalt  }
0x4a: {  	_ =	shalt  }
0x4b: {  	_ =	shalt  }
0x4c: {  	_ =	shalt  }
0x4d: {  	_ =	shalt  }
0x4e: {  	_ =	shalt  }
0x4f: {  	_ =	shalt  }
0x50: {  	_ =	shalt  }
0x51: {  	_ =	shalt  }
0x52: {  	_ =	shalt  }
0x53: {  	_ =	shalt  }
0x54: {  	_ =	shalt  }
0x55: {  	_ =	shalt  }
0x56: {  	_ =	shalt  }
0x57: {  	_ =	shalt  }
0x58: {  	_ =	shalt  }
0x59: {  	_ =	shalt  }
0x5a: {  	_ =	shalt  }
0x5b: {  	_ =	shalt  }
0x5c: {  	_ =	shalt  }
0x5d: {  	_ =	shalt  }
0x5e: {  	_ =	shalt  }
0x5f: {  	_ =	shalt  }
0x60: {  	_ =	shalt  }
0x61: {  	_ =	shalt  }
0x62: {  	_ =	shalt  }
0x63: {  	_ =	shalt  }
0x64: {  	_ =	shalt  }
0x65: {  	_ =	shalt  }
0x66: {  	_ =	shalt  }
0x67: {  	_ =	shalt  }
0x68: {  	_ =	shalt  }
0x69: {  	_ =	shalt  }
0x6a: {  	_ =	shalt  }
0x6b: {  	_ =	shalt  }
0x6c: {  	_ =	shalt  }
0x6d: {  	_ =	shalt  }
0x6e: {  	_ =	shalt  }
0x6f: {  	_ =	shalt  }
0x70: {  	_ =	shalt  }
0x71: {  	_ =	shalt  }
0x72: {  	_ =	shalt  }
0x73: {  	_ =	shalt  }
0x74: {  	_ =	shalt  }
0x75: {  	_ =	shalt  }
0x76: {  	_ =	shalt  }
0x77: {  	_ =	shalt  }
0x78: {  	_ =	shalt  }
0x79: {  	_ =	shalt  }
0x7a: {  	_ =	shalt  }
0x7b: {  	_ =	shalt  }
0x7c: {  	_ =	shalt  }
0x7d: {  	_ =	shalt  }
0x7e: {  	_ =	shalt  }
0x7f: {  	_ =	shalt  }
0x80: {  	_ =	shalt  }
0x81: {  	_ =	shalt  }
0x82: {  	_ =	shalt  }
0x83: {  	_ =	shalt  }
0x84: {  	_ =	shalt  }
0x85: {  	_ =	shalt  }
0x86: {  	_ =	shalt  }
0x87: {  	_ =	shalt  }
.Lfunc_end0:
.L_simem_size_0:
called_computation.2_lowered:
.L_overlay_start_0:
0x88: {  	s2 =	sld [smem:$0x3FD9]  }
0x89: {  	s3 =	sld [smem:$0x3FFE];
	_ =	sdelay $0x1  }
0x8a: {  	s1 =	srdreg.scid  }
0x8b: {  	s0 =	sand.u32 $0x1, s1  }
0x8c: {  	s16 =	sshll.u32 s0, $0xA;
	s2 =	sadd.s32 s3, s2  }
0x8d: {  	s2 =	sadd.s32 s2, s16  }
0x8e: {  	[smem:$0x3FC0] =	sst s2  }
0x8f: {  	_ = 	snop  }
0x90: {  	(tm) =	ssettm $0x1  }
0x91: {  	s17 =	sld [smem:$0x3FFB];
	_ =	sdelay $0x3  }
0x92: {  	_ =	strace s17  }
0x93: {  	s2 =	sld [smem:$0x3FFC];
	_ =	sdelay $0x3  }
0x94: {  	_ =	strace s2  }
0x95: {  	s2 =	sld [smem:$0x3FFD];
	_ =	sdelay $0x3  }
0x96: {  	_ =	strace s2  }
0x97: {  	_ =	strace $0x8FFFFFFF  }
0x98: {  	s18 =	sld [smem:$0x3FDB];
	_ =	sdelay $0x1  }
0x99: {  	s19 =	simm.s32 $_scs_section_size  }
0x9a: {  	s4 =	simm.s32 $_size__tile_overlayer_lowered;
	s5 =	simm.s32 $_tile_overlayer_lowered  }
0x9b: {  	s22 =	simm.s32 $0x1BFF;
	s21 =	sshll.u32 s5, $0x1;
	s2 =	sadd.s32 s19, s18  }
0x9c: {  	s6 =	simm.s32 $0x0;
	s20 =	sshll.u32 s4, $0x1;
	s4 =	sadd.s32 s21, s2  }
0x9d: {  	[timem:s6], [sflag:s22] =	dma.local [hbm:s4], s20  }
0x9e: {  	_ =	swait.ge [sflag:s22], s20  }
0x9f: {  	s3 =	ssub.s32 $0x0, s20;
	[sflag:s22] =	ssyncset.done $0x0  }
0xa0: {  	[sflag:s22] =	ssyncadd.s32 s3;
	_ =	sdelay $0x1  }
0xa1: {  	s23 =	simm.s32 $0x1B8B  }
0xa2: {  	_ =	swait.ge [sflag:s23], $0x1  }
0xa3: {  	[sflag:s23] =	ssyncset.done $0x0  }
0xa4: {  	s25 =	simm.s32 $0x1B8E;
	s24 =	sld [smem:$0x3FFE];
	[sflag:s23] =	ssyncadd.s32 $0xFFFFFFFF  }
0xa5: {  	s26 =	simm.s32 $execute0_lowered;
	[smem:$0x3FD2] =	sst s25  }
0xa6: {  	s4 =	sshll.u32 s26, $0x1;
	_ =	strace $0x80000049;
	[dreg:$0x1] =	wrdreg $0xFFFFFFFF  }
0xa7: {  	s28 =	simm.s32 $_size_execute0_lowered;
	s2 =	sadd.s32 s2, s4;
	[dreg:$0x0] =	wrdreg $0x0  }
0xa8: {  	s4 =	sshll.u32 s28, $0x1;
	[dreg:$0x2] =	wrdreg s2  }
0xa9: {  	[dreg:$0x3] =	wrdreg s4  }
0xaa: {  	[dreg:$0x4] =	wrdreg $0xC0  }
0xab: {  	_ =	task [dreg:s6], $0x5FFFF  }
0xac: {  	[dreg:$0x1] =	wrdreg $0xFFFFFFFF  }
0xad: {  	[dreg:$0x0] =	wrdreg $0x60  }
0xae: {  	[dreg:$0x2] =	wrdreg s24  }
0xaf: {  	[dreg:$0x3] =	wrdreg $0x56000  }
0xb0: {  	[dreg:$0x4] =	wrdreg $0x9  }
0xb1: {  	_ =	task.clear_ibuf [dreg:s6], $0x5FFFF;
	_ =	strace $0x90000049  }
0xb2: {  	s29 =	simm.s32 $0x9;
	_ =	strace $0x8000004B  }
0xb3: {  	_ =	swait.ge [sflag:s29], $0x1  }
0xb4: {  	[sflag:s29] =	ssyncadd.s32 $0xFFFFFFFF  }
0xb5: {  	_ =	strace $0x9000004B  }
0xb6: {  	_ =	sfence  }
0xb7: {  	s30 =	sld [smem:$0x0];
	_ =	sdelay $0x2  }
0xb8: {  	s31 =	sshll.u32 s1, $0xD;
	s1 =	sshrl.u32 s1, $0x2  }
0xb9: {  	s3 =	sand.u32 $0x4000, s31;
	s1 =	sadd.s32 s1, s30  }
0xba: {  	s0 =	sor.u32 s3, s0;
	s1 =	sshll.u32 s1, $0x11  }
0xbb: {  	s0 =	sor.u32 s1, s0  }
0xbc: {  	s0 =	sadd.s32 $0x8F2B, s0  }
0xbd: {  	[sflag:s0] =	ssyncadd.remote.s32 $0x1  }
0xbe: {  	_ =	sfence.sel $0xFFFF  }
0xbf: {  	[dreg:$0x0] =	wrdreg $0xFFFFFFFF;
	(pc) =	sbr.abs _section_cstart, $3  }
0xc0: {  	[dreg:$0x1] =	wrdreg $0xFFFFFFFF  }
0xc1: {  	_ =	task.clear_ibuf [dreg:s6], $0x2FFFF;
	_ =	strace $0x9FFFFFFF  }
0xc2: {  	(tm) =	ssettm $0x7FFFFFFF  }
0xc3: {  	_ =	shalt  }
tec
execute0_lowered:
.L_overlay_start_1:
0x0: {  	(tag) =	ssettag $0x1  }
0x1: {  	s5 =	rddreg [dreg:$0x0]  }
0x2: {  	s2 =	rddreg [dreg:$0x1];
	s3 =	srdreg.scid  }
0x3: {  	s0 =	rddreg [dreg:$0x2];
	s1 =	stileid.u32  }
0x4: {  	s12 =	simm.s32 $0x2800;
	s13 =	simm.s32 $0x7D;
	s14 =	simm.s32 $0x5000  }
0x5: {  	s15 =	simm.s32 $0x80;
	s16 =	simm.s32 $0x5080;
	s17 =	simm.s32 $0x1  }
0x6: {  	s18 =	simm.s32 $0x5100;
	s19 =	simm.s32 $0x2;
	s20 =	simm.s32 $0x5180  }
0x7: {  	s21 =	simm.s32 $0x4E00;
	s22 =	simm.s32 $0x2700;
	s23 =	simm.s32 $0x4E80  }
0x8: {  	s24 =	simm.s32 $0x2780;
	s25 =	simm.s32 $0x4F00;
	s26 =	simm.s32 $0x4F80  }
0x9: {  	s28 =	simm.s32 $0x0;
	s6 =	sand.u32 $0x1, s3;
	s3 =	simm.s32 $0x0  }
0xa: {  	s7 =	smul.u32 $0x3E8, s1;
	p0 =	sgt.u32 s1, $0x9;
	s4 =	sshll.u32 s6, $0x4  }
0xb: {  	[smem:$0x7FF] =	sst s3;
	s8 =	smul.u32 $0x2710, s6;
	s6 =	ssub.s32 $0x2, s6  }
0xc: {  	s4 =	sor.u32 s1, s4;
	_ =	strace $0x8000004A;
	s10 =	sshrl.u32 s6, $0x1  }
0xd: {  	s31 =	sshrl.u32 s7, $0x3;
	s9 =	smul.u32 $0x500, s4;
	s4 =	sadd.s32 $0xB800, s5  }
0xe: {  	s8 =	sadd.s32 s7, s8;
	s10 =	ssub.s32 s6, s10;
	s6 =	sadd.s32 s7, s2  }
0xf: {  	s8 =	sshrl.u32 s8, $0x3;
	s10 =	smax.u32 s10, $0x1;
	s9 =	sadd.s32 s9, s5  }
0x10: {  	s11 =	sadd.s32 s8, s5;
	s5 =	sadd.s32 s4, s31;
	s7 =	sadd.s32 $0xC800, s9  }
0x11: {  	s8 =	sadd.s32 $0x1800, s9;
	s9 =	sadd.s32 $0xBE00, s11;
	s11 =	simm.s32 $0x3  }
.LBB2_1:
0x12: {  	s29 =	simm.s32 @!p0 $0x0;
	s30 =	simm.s32 @!p0 $0x5200  }
0x13: {  	[tilespmem:s30], [sflag:$0x3] =	stream.linear.gather @!p0 [hbm4b:s5+s29], $0x3E8, $0x38;
	[tilespmem:$0x5878] =	vst v63  }
0x14: {  	s29 =	simm.s32 @!p0 $0x3  }
0x15: {  	_ =	swait.ge @!p0 [sflag:s29], $0x3E8  }
0x16: {  	[sflag:s29] =	ssyncset.done @!p0 $0x0  }
0x17: {  	[sflag:s29] =	ssyncadd.s32 @!p0 $0xFFFFFC18  }
0x18: {  	[spmem:s6] =	stream.linear.scatter @!p0 [tilespmem:s30], [sflag:$0x3], $0x3E8, $0x38;
	[tilespmem:$0x5878] =	vst v63  }
0x19: {  	_ =	swait.ge @!p0 [sflag:s29], $0x3E8  }
0x1a: {  	[sflag:s29] =	ssyncset.done @!p0 $0x0  }
0x1b: {  	[sflag:s29] =	ssyncadd.s32 @!p0 $0xFFFFFC18  }
0x1c: {  	[tilespmem:s3], [sflag:$0x3] =	stream.linear.gather [hbm4b:s7+s3], $0x2800, $0x38;
	[tilespmem:$0x5878] =	vst v63  }
0x1d: {  	_ =	swait.ge [sflag:s11], $0x2800  }
0x1e: {  	[sflag:s11] =	ssyncset.done $0x0  }
0x1f: {  	[sflag:s11] =	ssyncadd.s32 $0xFFFFD800  }
0x20: {  	[tilespmem:s12], [sflag:$0x3] =	stream.linear.gather [hbm4b:s8+s3], $0x2800, $0x38;
	[tilespmem:$0x5878] =	vst v63  }
0x21: {  	_ =	swait.ge [sflag:s11], $0x2800  }
0x22: {  	[sflag:s11] =	ssyncset.done $0x0  }
0x23: {  	[sflag:s11] =	ssyncadd.s32 $0xFFFFD800  }
0x24: {  	[bflag:$0x0] =	sbarrier.arrive $0xFFFF  }
0x25: {  	[tilespmem:s14], [sflag:$0x1] =	stream.indirect.gather [hbm4b:s4+s13], $0x1, s3, s13, $0xb8;
	[tilespmem:$0x5878] =	vst v63  }
0x26: {  	_ = 	snop  }
0x27: {  	[tilespmem:s16], [sflag:$0x2] =	stream.indirect.gather [hbm4b:s4+s13], $0x1, s15, s13, $0xb8;
	[tilespmem:$0x5878] =	vst v63  }
0x28: {  	_ =	swait.ge [sflag:s17], $0x7D  }
0x29: {  	[sflag:s17] =	ssyncset.done $0x0  }
0x2a: {  	s29 =	simm.s32 $0x2800;
	[sflag:s17] =	ssyncadd.s32 $0xFFFFFF83  }
0x2b: {  	[spmem:s2] =	stream.indirect.scatter.add.f32 [tilespmem:s14], [sflag:$0x3], $0x1, s29, s13, $0xb8;
	[tilespmem:$0x5878] =	vst v63  }
0x2c: {  	_ =	swait.ge [sflag:s11], $0x7D  }
0x2d: {  	[sflag:s11] =	ssyncset.done $0x0  }
0x2e: {  	s29 =	simm.s32 $0x100;
	[sflag:s11] =	ssyncadd.s32 $0xFFFFFF83  }
0x2f: {  	[tilespmem:s18], [sflag:$0x1] =	stream.indirect.gather [hbm4b:s4+s13], $0x1, s29, s13, $0xb8;
	[tilespmem:$0x5878] =	vst v63  }
0x30: {  	_ =	swait.ge [sflag:s19], $0x7D  }
0x31: {  	[sflag:s19] =	ssyncset.done $0x0  }
0x32: {  	s29 =	simm.s32 $0x2880;
	[sflag:s19] =	ssyncadd.s32 $0xFFFFFF83  }
0x33: {  	[spmem:s2] =	stream.indirect.scatter.add.f32 [tilespmem:s16], [sflag:$0x3], $0x1, s29, s13, $0xb8;
	[tilespmem:$0x5878] =	vst v63  }
0x34: {  	_ =	swait.ge [sflag:s11], $0x7D  }
0x35: {  	[sflag:s11] =	ssyncset.done $0x0  }
0x36: {  	s29 =	simm.s32 $0x180;
	[sflag:s11] =	ssyncadd.s32 $0xFFFFFF83  }
0x37: {  	[tilespmem:s20], [sflag:$0x2] =	stream.indirect.gather [hbm4b:s4+s13], $0x1, s29, s13, $0xb8;
	[tilespmem:$0x5878] =	vst v63  }
0x38: {  	_ =	swait.ge [sflag:s17], $0x7D  }
0x39: {  	[sflag:s17] =	ssyncset.done $0x0  }
0x3a: {  	s29 =	simm.s32 $0x2900;
	[sflag:s17] =	ssyncadd.s32 $0xFFFFFF83  }
0x3b: {  	[spmem:s2] =	stream.indirect.scatter.add.f32 [tilespmem:s18], [sflag:$0x3], $0x1, s29, s13, $0xb8;
	[tilespmem:$0x5878] =	vst v63  }
0x3c: {  	_ =	swait.ge [sflag:s11], $0x7D  }
0x3d: {  	[sflag:s11] =	ssyncset.done $0x0  }
0x3e: {  	s29 =	simm.s32 $0x200;
	[sflag:s11] =	ssyncadd.s32 $0xFFFFFF83  }
0x3f: {  	[tilespmem:s14], [sflag:$0x1] =	stream.indirect.gather [hbm4b:s4+s13], $0x1, s29, s13, $0xb8;
	[tilespmem:$0x5878] =	vst v63  }
0x40: {  	_ =	swait.ge [sflag:s19], $0x7D  }
0x41: {  	[sflag:s19] =	ssyncset.done $0x0  }
0x42: {  	s29 =	simm.s32 $0x2980;
	[sflag:s19] =	ssyncadd.s32 $0xFFFFFF83  }
0x43: {  	[spmem:s2] =	stream.indirect.scatter.add.f32 [tilespmem:s20], [sflag:$0x3], $0x1, s29, s13, $0xb8;
	[tilespmem:$0x5878] =	vst v63  }
0x44: {  	_ =	swait.ge [sflag:s11], $0x7D  }
0x45: {  	[sflag:s11] =	ssyncset.done $0x0  }
0x46: {  	s30 =	simm.s32 $0x280;
	s29 =	simm.s32 $0x800;
	[sflag:s11] =	ssyncadd.s32 $0xFFFFFF83  }
.LBB2_2:
0x47: {  	[tilespmem:s16], [sflag:$0x2] =	stream.indirect.gather [hbm4b:s4+s13], $0x1, s30, s13, $0xb8;
	[tilespmem:$0x5878] =	vst v63  }
0x48: {  	s30 =	smov.u32 s29  }
0x49: {  	p1 =	sne.s32 s29, $0x9000;
	s29 =	sadd.s32 $0x800, s29;
	_ =	swait.ge [sflag:s17], $0x7D  }
0x4a: {  	s30 =	sshra.s32 s30, $0x2;
	[sflag:s17] =	ssyncset.done $0x0  }
0x4b: {  	s31 =	sadd.s32 $0x2800, s30;
	[sflag:s17] =	ssyncadd.s32 $0xFFFFFF83  }
0x4c: {  	[spmem:s2] =	stream.indirect.scatter.add.f32 [tilespmem:s14], [sflag:$0x3], $0x1, s31, s13, $0xb8;
	[tilespmem:$0x5878] =	vst v63  }
0x4d: {  	_ =	swait.ge [sflag:s11], $0x7D  }
0x4e: {  	[sflag:s11] =	ssyncset.done $0x0  }
0x4f: {  	s31 =	sadd.s32 $0x100, s30;
	[sflag:s11] =	ssyncadd.s32 $0xFFFFFF83  }
0x50: {  	[tilespmem:s18], [sflag:$0x1] =	stream.indirect.gather [hbm4b:s4+s13], $0x1, s31, s13, $0xb8;
	[tilespmem:$0x5878] =	vst v63  }
0x51: {  	_ =	swait.ge [sflag:s19], $0x7D  }
0x52: {  	[sflag:s19] =	ssyncset.done $0x0  }
0x53: {  	s31 =	sadd.s32 $0x2880, s30;
	[sflag:s19] =	ssyncadd.s32 $0xFFFFFF83  }
0x54: {  	[spmem:s2] =	stream.indirect.scatter.add.f32 [tilespmem:s16], [sflag:$0x3], $0x1, s31, s13, $0xb8;
	[tilespmem:$0x5878] =	vst v63  }
0x55: {  	_ =	swait.ge [sflag:s11], $0x7D  }
0x56: {  	[sflag:s11] =	ssyncset.done $0x0  }
0x57: {  	s31 =	sadd.s32 $0x180, s30;
	[sflag:s11] =	ssyncadd.s32 $0xFFFFFF83  }
0x58: {  	[tilespmem:s20], [sflag:$0x2] =	stream.indirect.gather [hbm4b:s4+s13], $0x1, s31, s13, $0xb8;
	[tilespmem:$0x5878] =	vst v63  }
0x59: {  	_ =	swait.ge [sflag:s17], $0x7D  }
0x5a: {  	[sflag:s17] =	ssyncset.done $0x0  }
0x5b: {  	s31 =	sadd.s32 $0x2900, s30;
	[sflag:s17] =	ssyncadd.s32 $0xFFFFFF83  }
0x5c: {  	[spmem:s2] =	stream.indirect.scatter.add.f32 [tilespmem:s18], [sflag:$0x3], $0x1, s31, s13, $0xb8;
	[tilespmem:$0x5878] =	vst v63  }
0x5d: {  	_ =	swait.ge [sflag:s11], $0x7D  }
0x5e: {  	[sflag:s11] =	ssyncset.done $0x0  }
0x5f: {  	s31 =	sadd.s32 $0x200, s30;
	[sflag:s11] =	ssyncadd.s32 $0xFFFFFF83  }
0x60: {  	[tilespmem:s14], [sflag:$0x1] =	stream.indirect.gather [hbm4b:s4+s13], $0x1, s31, s13, $0xb8;
	[tilespmem:$0x5878] =	vst v63  }
0x61: {  	_ =	swait.ge [sflag:s19], $0x7D  }
0x62: {  	[sflag:s19] =	ssyncset.done $0x0  }
.Ltmp0:
0x63: {  	s31 =	sadd.s32 $0x2980, s30;
	[sflag:s19] =	ssyncadd.s32 $0xFFFFFF83;
	(pc) =	sbr.rel @p1 .LBB2_2-.Ltmp0, $4  }
0x64: {  	[spmem:s2] =	stream.indirect.scatter.add.f32 [tilespmem:s20], [sflag:$0x3], $0x1, s31, s13, $0xb8;
	[tilespmem:$0x5878] =	vst v63  }
0x65: {  	_ =	swait.ge [sflag:s11], $0x7D  }
0x66: {  	[sflag:s11] =	ssyncset.done $0x0  }
0x67: {  	s30 =	sadd.s32 $0x280, s30;
	[sflag:s11] =	ssyncadd.s32 $0xFFFFFF83  }
0x68: {  	[tilespmem:s16], [sflag:$0x2] =	stream.indirect.gather [hbm4b:s4+s13], $0x1, s30, s13, $0xb8;
	[tilespmem:$0x5878] =	vst v63  }
0x69: {  	_ =	swait.ge [sflag:s17], $0x7D  }
0x6a: {  	[sflag:s17] =	ssyncset.done $0x0  }
0x6b: {  	[sflag:s17] =	ssyncadd.s32 $0xFFFFFF83  }
0x6c: {  	[spmem:s2] =	stream.indirect.scatter.add.f32 [tilespmem:s14], [sflag:$0x3], $0x1, s21, s13, $0xb8;
	[tilespmem:$0x5878] =	vst v63  }
0x6d: {  	_ =	swait.ge [sflag:s11], $0x7D  }
0x6e: {  	[sflag:s11] =	ssyncset.done $0x0  }
0x6f: {  	[sflag:s11] =	ssyncadd.s32 $0xFFFFFF83  }
0x70: {  	[tilespmem:s18], [sflag:$0x1] =	stream.indirect.gather [hbm4b:s4+s13], $0x1, s22, s13, $0xb8;
	[tilespmem:$0x5878] =	vst v63  }
0x71: {  	_ =	swait.ge [sflag:s19], $0x7D  }
0x72: {  	[sflag:s19] =	ssyncset.done $0x0  }
0x73: {  	[sflag:s19] =	ssyncadd.s32 $0xFFFFFF83  }
0x74: {  	[spmem:s2] =	stream.indirect.scatter.add.f32 [tilespmem:s16], [sflag:$0x3], $0x1, s23, s13, $0xb8;
	[tilespmem:$0x5878] =	vst v63  }
0x75: {  	_ =	swait.ge [sflag:s11], $0x7D  }
0x76: {  	[sflag:s11] =	ssyncset.done $0x0  }
0x77: {  	[sflag:s11] =	ssyncadd.s32 $0xFFFFFF83  }
0x78: {  	[tilespmem:s20], [sflag:$0x2] =	stream.indirect.gather [hbm4b:s4+s13], $0x1, s24, s13, $0xb8;
	[tilespmem:$0x5878] =	vst v63  }
0x79: {  	_ =	swait.ge [sflag:s17], $0x7D  }
0x7a: {  	[sflag:s17] =	ssyncset.done $0x0  }
0x7b: {  	[sflag:s17] =	ssyncadd.s32 $0xFFFFFF83  }
0x7c: {  	[spmem:s2] =	stream.indirect.scatter.add.f32 [tilespmem:s18], [sflag:$0x3], $0x1, s25, s13, $0xb8;
	[tilespmem:$0x5878] =	vst v63  }
0x7d: {  	_ =	swait.ge [sflag:s11], $0x7D  }
0x7e: {  	[sflag:s11] =	ssyncset.done $0x0  }
0x7f: {  	[sflag:s11] =	ssyncadd.s32 $0xFFFFFF83  }
0x80: {  	_ =	swait.ge [sflag:s19], $0x7D  }
0x81: {  	[sflag:s19] =	ssyncset.done $0x0  }
0x82: {  	[sflag:s19] =	ssyncadd.s32 $0xFFFFFF83  }
0x83: {  	[spmem:s2] =	stream.indirect.scatter.add.f32 [tilespmem:s20], [sflag:$0x3], $0x1, s26, s13, $0xb8;
	[tilespmem:$0x5878] =	vst v63  }
0x84: {  	_ =	swait.ge [sflag:s11], $0x7D  }
0x85: {  	[sflag:s11] =	ssyncset.done $0x0  }
0x86: {  	[sflag:s11] =	ssyncadd.s32 $0xFFFFFF83  }
0x87: {  	s29 =	simm.s32 @!p0 $0x5200;
	s30 =	simm.s32 @!p0 $0x3;
	[bflag:$0x0] =	sbarrier.arrive $0xFFFF  }
0x88: {  	[tilespmem:s29], [sflag:$0x3] =	stream.linear.gather @!p0 [spmem:s6], $0x3E8, $0x38;
	[tilespmem:$0x5878] =	vst v63  }
0x89: {  	s28 =	sadd.s32 $0x1, s28;
	_ =	swait.ge @!p0 [sflag:s30], $0x3E8  }
0x8a: {  	p1 =	sne.s32 s28, s10;
	[sflag:s30] =	ssyncset.done @!p0 $0x0  }
.Ltmp1:
0x8b: {  	s31 =	simm.s32 @!p0 $0x0;
	[sflag:s30] =	ssyncadd.s32 @!p0 $0xFFFFFC18;
	(pc) =	sbr.rel @p1 .LBB2_1-.Ltmp1, $4  }
0x8c: {  	[hbm4b:s9+s31] =	stream.linear.scatter @!p0 [tilespmem:s29], [sflag:$0x3], $0x3E8, $0x38;
	[tilespmem:$0x5878] =	vst v63  }
0x8d: {  	_ =	swait.ge @!p0 [sflag:s30], $0x3E8  }
0x8e: {  	[sflag:s30] =	ssyncset.done @!p0 $0x0  }
0x8f: {  	[sflag:s30] =	ssyncadd.s32 @!p0 $0xFFFFFC18  }
0x90: {  	_ =	sfence.sel $0x180000  }
0x91: {  	[bflag:$0x0] =	sbarrier.arrive $0xFFFF  }
0x92: {  	p0 =	sne.s32 s1, $0x0;
	_ =	strace $0x9000004A  }
0x93: {  	s0 =	sadd.s32 @!p0 $0x100000, s0;
	[bflag:$0x2] =	sbarrier.arrive $0xFFFF  }
0x94: {  	[sflag:s0] =	ssyncadd.tile.s32 @!p0 $0x1;
	_ =	shalt  }
.Lfunc_end2:
_tile_overlayer_lowered:
.L_overlay_start_2:
0x95: {  	(tag) =	ssettag $0x2  }
0x96: {  	s0 =	rddreg [dreg:$0x0];
	s2 =	stileid.u32  }
0x97: {  	s1 =	rddreg [dreg:$0x1];
	p0 =	sne.s32 s2, $0x0  }
0x98: {  	s3 =	rddreg [dreg:$0x2];
	[bflag:$0x3] =	sbarrier.arrive $0xFFFF;
	s2 =	simm.s32 @!p0 $0x1C03  }
0x99: {  	[timem:s3], [sflag:s2] =	dma.local @!p0 [hbm:s0], s1  }
0x9a: {  	s0 =	simm.s32 @!p0 $0x3  }
0x9b: {  	_ =	swait.ge @!p0 [sflag:s0], s1  }
0x9c: {  	s1 =	ssub.s32 @!p0 $0x0, s1;
	[sflag:s0] =	ssyncset.done @!p0 $0x0  }
0x9d: {  	[sflag:s0] =	ssyncadd.s32 @!p0 s1  }
0x9e: {  	[bflag:$0x3] =	sbarrier.arrive $0xFFFF  }
0x9f: {  	_ =	shalt  }

</sc_bundles>
